<compile_context>
chip_gen: v7x
topology: tpu7x:2x2x1
jax: 0.10.2.dev20260603
libtpu: 0.0.44.dev20260713+nightly
codegen_flags: <defaults>
</compile_context>

<pallas_src>
import functools

import jax
import jax.numpy as jnp
from jax import lax
from jax.experimental import pallas as pl
from jax.experimental.pallas import tpu as pltpu
from jax.experimental.pallas import tpu_sc as plsc

K = 64
ROWS = 128
COLS = 32768
L = 16
NVREG = COLS // L
GROUP = 32
NGROUP = NVREG // GROUP
NWORK = 32
ROWS_PER_W = ROWS // NWORK


def _to_mono_u32(v_f32):
  i = lax.bitcast_convert_type(v_f32, jnp.int32)
  s = lax.shift_right_arithmetic(i, jnp.full((L,), 31, jnp.int32))
  flip = lax.bitwise_or(s, jnp.full((L,), jnp.int32(-2147483648)))
  return lax.bitcast_convert_type(lax.bitwise_xor(i, flip), jnp.uint32)


def _from_mono_u32(u):
  i = lax.bitcast_convert_type(u, jnp.int32)
  s = lax.shift_right_arithmetic(i, jnp.full((L,), 31, jnp.int32))
  flip = lax.bitwise_or(
      lax.bitwise_not(s), jnp.full((L,), jnp.int32(-2147483648)))
  return lax.bitcast_convert_type(lax.bitwise_xor(i, flip), jnp.float32)


def _kth_largest(buf, nblk4, k):
  ones = jnp.full((L,), 1, jnp.uint32)

  def bit_body(bi, t_vec):
    b = 31 - bi
    cand = lax.bitwise_or(t_vec, lax.shift_left(ones, jnp.full((L,), b,
                                                              jnp.uint32)))

    def cnt_body(i, acc):
      for j in range(4):
        v = buf[pl.ds((i * 4 + j) * L, L)]
        acc = acc + jnp.where(v >= cand, 1, 0).astype(jnp.int32)
      return acc

    cnt = lax.fori_loop(0, nblk4, cnt_body, jnp.zeros((L,), jnp.int32))
    total = jnp.sum(cnt)
    take = jnp.broadcast_to(total >= k, (L,))
    return jnp.where(take, cand, t_vec)

  return lax.fori_loop(0, 32, bit_body, jnp.zeros((L,), jnp.uint32))


def _row_topk_mean(row_ref, gmax_ref, cand_ref):
  neg_inf = jnp.full((L,), -jnp.inf, jnp.float32)

  def ga_body(g, _):
    base = g * (GROUP * L)
    acc = neg_inf
    for j in range(GROUP):
      acc = jnp.maximum(acc, row_ref[pl.ds(base + j * L, L)])
    gmax_ref[pl.ds(g * L, L)] = _to_mono_u32(acc)
    return 0

  lax.fori_loop(0, NGROUP, ga_body, 0)

  big_t = _kth_largest(gmax_ref, NGROUP // 4, K)
  big_t_f = _from_mono_u32(big_t)

  def cb_body(i, off):
    v = row_ref[pl.ds(i * L, L)]
    m = v >= big_t_f
    any_hit = jnp.any(m)

    @pl.when(any_hit)
    def _():
      u = _to_mono_u32(v)
      cand_ref[pl.ds(off, L)] = jnp.where(m, u, jnp.zeros((L,), jnp.uint32))

    return jnp.where(any_hit, off + L, off)

  off = lax.fori_loop(0, NVREG, cb_body, jnp.int32(0))

  zero_u = jnp.zeros((L,), jnp.uint32)
  for j in range(3):
    cand_ref[pl.ds(off + j * L, L)] = zero_u
  ncand_vregs = (off // L + 3) // 4 * 4

  t_vec = _kth_largest(cand_ref, ncand_vregs // 4, K)

  def fin_body(i, carry):
    s, c = carry
    for j in range(4):
      u = cand_ref[pl.ds((i * 4 + j) * L, L)]
      m = u > t_vec
      s = s + jnp.where(m, _from_mono_u32(u), jnp.zeros((L,), jnp.float32))
      c = c + jnp.where(m, 1, 0).astype(jnp.int32)
    return s, c

  s_vec, c_vec = lax.fori_loop(
      0, ncand_vregs // 4, fin_body,
      (jnp.zeros((L,), jnp.float32), jnp.zeros((L,), jnp.int32)))
  sum_gt = jnp.sum(s_vec)
  n_gt = jnp.sum(c_vec)
  t_val = jnp.max(_from_mono_u32(t_vec))
  total = sum_gt + (jnp.float32(K) - n_gt.astype(jnp.float32)) * t_val
  return total * jnp.float32(1.0 / K)


def _sc_kernel(x_hbm, out_hbm, row_ref, gmax_ref, cand_ref, res_ref):
  wid = lax.axis_index("s") * 2 + lax.axis_index("c")
  lanes = lax.iota(jnp.int32, L)
  res = jnp.zeros((L,), jnp.float32)
  for r in range(ROWS_PER_W):
    row = wid * ROWS_PER_W + r
    pltpu.sync_copy(x_hbm.at[row], row_ref)
    mean_r = _row_topk_mean(row_ref, gmax_ref, cand_ref)
    res = jnp.where(lanes == r, jnp.broadcast_to(mean_r, (L,)), res)
  res_ref[...] = res
  pltpu.sync_copy(res_ref, out_hbm.at[wid])


@jax.jit
def kernel(x):
  mesh = plsc.VectorSubcoreMesh(
      core_axis_name="c", subcore_axis_name="s", num_cores=2, num_subcores=16)
  out2d = pl.kernel(
      _sc_kernel,
      out_type=jax.ShapeDtypeStruct((NWORK, L), jnp.float32),
      mesh=mesh,
      compiler_params=pltpu.CompilerParams(needs_layout_passes=False),
      scratch_types=[
          pltpu.VMEM((COLS,), jnp.float32),
          pltpu.VMEM((NGROUP * L,), jnp.uint32),
          pltpu.VMEM((COLS + 3 * L,), jnp.uint32),
          pltpu.VMEM((L,), jnp.float32),
      ],
  )(x)
  return out2d[:, :ROWS_PER_W].reshape(ROWS)

# --- scband reference (transcript-rebuilt; emitter-appended) ---
"""Pipeline reference for scband-max-pool-48653389529544 (READ-ONLY COPY).

The authoritative reference and input builder live on the scoring server;
editing this copy changes nothing except your own understanding.
"""

import jax, jax.numpy as jnp
import numpy as np

K = 64

def setup_inputs(seed: int = 0) -> dict:
    key = jax.random.key(seed)
    x = jax.random.normal(key, (128, 32768), dtype=jnp.float32)
    return {"x": x}

def reference(x):
    # torch.topk(x, k=64, dim=-1, largest=True) -> values, indices
    vals, idx = jax.lax.top_k(x, K)
    # torch.mean(values, dim=-1)
    return jnp.mean(vals, axis=-1)

if __name__ == "__main__":
    import jax
    _d = setup_inputs()
    print(jax.jit(kernel)(*tuple(_d.values())))

</pallas_src>

<mosaic_0001>
#map = affine_map<(d0, d1) -> (0, 0)>
module attributes {stable_mosaic.version = 14 : i64} {
  func.func @_sc_kernel(%arg0: i32, %arg1: i32, %arg2: memref<128x32768xf32, #tpu.memory_space<hbm>>, %arg3: memref<32x16xf32, #tpu.memory_space<hbm>>, %arg4: memref<32768xf32, #tpu.memory_space<vmem>>, %arg5: memref<1024xi32, #tpu.memory_space<vmem>>, %arg6: memref<32816xi32, #tpu.memory_space<vmem>>, %arg7: memref<16xf32, #tpu.memory_space<vmem>>) attributes {dimension_semantics = [#tpu.dimension_semantics<core_parallel>, #tpu.dimension_semantics<subcore_parallel>], iteration_bounds = array<i64: 2, 16>, scalar_prefetch = 0 : i64, scratch_operands = 4 : i64, tpu.core_type = #tpu.core_type<sc_vector_subcore>, window_params = [{transform_indices = #map}, {transform_indices = #map}]} {
    %mul3A = arith.constant 2 : i32
    %mul3A_0 = arith.muli %arg1, %mul3A : i32
    %add3A = arith.addi %mul3A_0, %arg0 : i32
    %iota3A = tpu.iota {dimensions = array<i32: 0>} : vector<16xi32>
    %broadcast_in_dim3A = arith.constant 0.000000e+00 : f32
    %broadcast_in_dim3A_1 = vector.broadcast %broadcast_in_dim3A : f32 to vector<16xf32>
    %mul3A_2 = arith.constant 4 : i32
    %mul3A_3 = arith.muli %add3A, %mul3A_2 : i32
    %add3A_4 = arith.constant 0 : i32
    %add3A_5 = arith.addi %mul3A_3, %add3A_4 : i32
    "tpu.region"() ({
      %run_scoped3A = tpu.sem_alloc : memref<!tpu.dma_semaphore, #tpu.memory_space<semaphore_mem>>
      %dma_start3A = arith.constant 0 : i32
      %dma_start3A_844 = tpu.memref_slice %arg2[%add3A_5, %dma_start3A] : memref<128x32768xf32, #tpu.memory_space<hbm>> -> memref<1x32768xf32, #tpu.memory_space<hbm>>
      %dma_start3A_845 = tpu.memref_squeeze %dma_start3A_844 : memref<1x32768xf32, #tpu.memory_space<hbm>> -> memref<32768xf32, #tpu.memory_space<hbm>>
      %dma_start3A_846 = arith.constant 0 : i32
      %dma_start3A_847 = tpu.memref_slice %arg2[%add3A_5, %dma_start3A_846] : memref<128x32768xf32, #tpu.memory_space<hbm>> -> memref<1x32768xf32, #tpu.memory_space<hbm>>
      %dma_start3A_848 = tpu.memref_squeeze %dma_start3A_847 : memref<1x32768xf32, #tpu.memory_space<hbm>> -> memref<32768xf32, #tpu.memory_space<hbm>>
      tpu.enqueue_dma source(%dma_start3A_848 : memref<32768xf32, #tpu.memory_space<hbm>>) target(%arg4 : memref<32768xf32, #tpu.memory_space<vmem>>) target_semaphore(%run_scoped3A : memref<!tpu.dma_semaphore, #tpu.memory_space<semaphore_mem>>)
      %dma_wait3A = arith.constant 0 : i32
      %dma_wait3A_849 = tpu.memref_slice %arg2[%add3A_5, %dma_wait3A] : memref<128x32768xf32, #tpu.memory_space<hbm>> -> memref<1x32768xf32, #tpu.memory_space<hbm>>
      %dma_wait3A_850 = tpu.memref_squeeze %dma_wait3A_849 : memref<1x32768xf32, #tpu.memory_space<hbm>> -> memref<32768xf32, #tpu.memory_space<hbm>>
      %dma_wait3A_851 = arith.constant 0 : i32
      %dma_wait3A_852 = tpu.memref_slice %arg2[%add3A_5, %dma_wait3A_851] : memref<128x32768xf32, #tpu.memory_space<hbm>> -> memref<1x32768xf32, #tpu.memory_space<hbm>>
      %dma_wait3A_853 = tpu.memref_squeeze %dma_wait3A_852 : memref<1x32768xf32, #tpu.memory_space<hbm>> -> memref<32768xf32, #tpu.memory_space<hbm>>
      tpu.wait_dma2 semaphore(%run_scoped3A : memref<!tpu.dma_semaphore, #tpu.memory_space<semaphore_mem>>) src(%dma_wait3A_853 : memref<32768xf32, #tpu.memory_space<hbm>>) dst(%arg4 : memref<32768xf32, #tpu.memory_space<vmem>>)
      tpu.yield
    }) : () -> ()
    %broadcast_in_dim3A_6 = arith.constant 0xFF800000 : f32
    %broadcast_in_dim3A_7 = vector.broadcast %broadcast_in_dim3A_6 : f32 to vector<16xf32>
    %scan3A = arith.constant 0 : i32
    %scan3A_8 = arith.constant 0 : i32
    %scan3A_9 = arith.constant 64 : i32
    %scan3A_10 = arith.addi %scan3A_8, %scan3A_9 : i32
    %scan3A_11 = arith.constant 1 : i32
    %scan3A_12 = scf.for %scan3A_844 = %scan3A_8 to %scan3A_10 step %scan3A_11 iter_args(%scan3A_845 = %scan3A) -> (i32)  : i32 {
      %mul3A_846 = arith.constant 512 : i32
      %mul3A_847 = arith.muli %scan3A_844, %mul3A_846 : i32
      %add3A_848 = arith.constant 0 : i32
      %add3A_849 = arith.addi %mul3A_847, %add3A_848 : i32
      %get3A = arith.index_cast %add3A_849 : i32 to index
      %get3A_850 = tpu.vector_load %arg4[%get3A] {strides = array<i32>} : memref<32768xf32, #tpu.memory_space<vmem>>, vector<16xf32>,
      %max3A = arith.maximumf %broadcast_in_dim3A_7, %get3A_850 : vector<16xf32>
      %add3A_851 = arith.constant 16 : i32
      %add3A_852 = arith.addi %mul3A_847, %add3A_851 : i32
      %get3A_853 = arith.index_cast %add3A_852 : i32 to index
      %get3A_854 = tpu.vector_load %arg4[%get3A_853] {strides = array<i32>} : memref<32768xf32, #tpu.memory_space<vmem>>, vector<16xf32>,
      %max3A_855 = arith.maximumf %max3A, %get3A_854 : vector<16xf32>
      %add3A_856 = arith.constant 32 : i32
      %add3A_857 = arith.addi %mul3A_847, %add3A_856 : i32
      %get3A_858 = arith.index_cast %add3A_857 : i32 to index
      %get3A_859 = tpu.vector_load %arg4[%get3A_858] {strides = array<i32>} : memref<32768xf32, #tpu.memory_space<vmem>>, vector<16xf32>,
      %max3A_860 = arith.maximumf %max3A_855, %get3A_859 : vector<16xf32>
      %add3A_861 = arith.constant 48 : i32
      %add3A_862 = arith.addi %mul3A_847, %add3A_861 : i32
      %get3A_863 = arith.index_cast %add3A_862 : i32 to index
      %get3A_864 = tpu.vector_load %arg4[%get3A_863] {strides = array<i32>} : memref<32768xf32, #tpu.memory_space<vmem>>, vector<16xf32>,
      %max3A_865 = arith.maximumf %max3A_860, %get3A_864 : vector<16xf32>
      %add3A_866 = arith.constant 64 : i32
      %add3A_867 = arith.addi %mul3A_847, %add3A_866 : i32
      %get3A_868 = arith.index_cast %add3A_867 : i32 to index
      %get3A_869 = tpu.vector_load %arg4[%get3A_868] {strides = array<i32>} : memref<32768xf32, #tpu.memory_space<vmem>>, vector<16xf32>,
      %max3A_870 = arith.maximumf %max3A_865, %get3A_869 : vector<16xf32>
      %add3A_871 = arith.constant 80 : i32
      %add3A_872 = arith.addi %mul3A_847, %add3A_871 : i32
      %get3A_873 = arith.index_cast %add3A_872 : i32 to index
      %get3A_874 = tpu.vector_load %arg4[%get3A_873] {strides = array<i32>} : memref<32768xf32, #tpu.memory_space<vmem>>, vector<16xf32>,
      %max3A_875 = arith.maximumf %max3A_870, %get3A_874 : vector<16xf32>
      %add3A_876 = arith.constant 96 : i32
      %add3A_877 = arith.addi %mul3A_847, %add3A_876 : i32
      %get3A_878 = arith.index_cast %add3A_877 : i32 to index
      %get3A_879 = tpu.vector_load %arg4[%get3A_878] {strides = array<i32>} : memref<32768xf32, #tpu.memory_space<vmem>>, vector<16xf32>,
      %max3A_880 = arith.maximumf %max3A_875, %get3A_879 : vector<16xf32>
      %add3A_881 = arith.constant 112 : i32
      %add3A_882 = arith.addi %mul3A_847, %add3A_881 : i32
      %get3A_883 = arith.index_cast %add3A_882 : i32 to index
      %get3A_884 = tpu.vector_load %arg4[%get3A_883] {strides = array<i32>} : memref<32768xf32, #tpu.memory_space<vmem>>, vector<16xf32>,
      %max3A_885 = arith.maximumf %max3A_880, %get3A_884 : vector<16xf32>
      %add3A_886 = arith.constant 128 : i32
      %add3A_887 = arith.addi %mul3A_847, %add3A_886 : i32
      %get3A_888 = arith.index_cast %add3A_887 : i32 to index
      %get3A_889 = tpu.vector_load %arg4[%get3A_888] {strides = array<i32>} : memref<32768xf32, #tpu.memory_space<vmem>>, vector<16xf32>,
      %max3A_890 = arith.maximumf %max3A_885, %get3A_889 : vector<16xf32>
      %add3A_891 = arith.constant 144 : i32
      %add3A_892 = arith.addi %mul3A_847, %add3A_891 : i32
      %get3A_893 = arith.index_cast %add3A_892 : i32 to index
      %get3A_894 = tpu.vector_load %arg4[%get3A_893] {strides = array<i32>} : memref<32768xf32, #tpu.memory_space<vmem>>, vector<16xf32>,
      %max3A_895 = arith.maximumf %max3A_890, %get3A_894 : vector<16xf32>
      %add3A_896 = arith.constant 160 : i32
      %add3A_897 = arith.addi %mul3A_847, %add3A_896 : i32
      %get3A_898 = arith.index_cast %add3A_897 : i32 to index
      %get3A_899 = tpu.vector_load %arg4[%get3A_898] {strides = array<i32>} : memref<32768xf32, #tpu.memory_space<vmem>>, vector<16xf32>,
      %max3A_900 = arith.maximumf %max3A_895, %get3A_899 : vector<16xf32>
      %add3A_901 = arith.constant 176 : i32
      %add3A_902 = arith.addi %mul3A_847, %add3A_901 : i32
      %get3A_903 = arith.index_cast %add3A_902 : i32 to index
      %get3A_904 = tpu.vector_load %arg4[%get3A_903] {strides = array<i32>} : memref<32768xf32, #tpu.memory_space<vmem>>, vector<16xf32>,
      %max3A_905 = arith.maximumf %max3A_900, %get3A_904 : vector<16xf32>
      %add3A_906 = arith.constant 192 : i32
      %add3A_907 = arith.addi %mul3A_847, %add3A_906 : i32
      %get3A_908 = arith.index_cast %add3A_907 : i32 to index
      %get3A_909 = tpu.vector_load %arg4[%get3A_908] {strides = array<i32>} : memref<32768xf32, #tpu.memory_space<vmem>>, vector<16xf32>,
      %max3A_910 = arith.maximumf %max3A_905, %get3A_909 : vector<16xf32>
      %add3A_911 = arith.constant 208 : i32
      %add3A_912 = arith.addi %mul3A_847, %add3A_911 : i32
      %get3A_913 = arith.index_cast %add3A_912 : i32 to index
      %get3A_914 = tpu.vector_load %arg4[%get3A_913] {strides = array<i32>} : memref<32768xf32, #tpu.memory_space<vmem>>, vector<16xf32>,
      %max3A_915 = arith.maximumf %max3A_910, %get3A_914 : vector<16xf32>
      %add3A_916 = arith.constant 224 : i32
      %add3A_917 = arith.addi %mul3A_847, %add3A_916 : i32
      %get3A_918 = arith.index_cast %add3A_917 : i32 to index
      %get3A_919 = tpu.vector_load %arg4[%get3A_918] {strides = array<i32>} : memref<32768xf32, #tpu.memory_space<vmem>>, vector<16xf32>,
      %max3A_920 = arith.maximumf %max3A_915, %get3A_919 : vector<16xf32>
      %add3A_921 = arith.constant 240 : i32
      %add3A_922 = arith.addi %mul3A_847, %add3A_921 : i32
      %get3A_923 = arith.index_cast %add3A_922 : i32 to index
      %get3A_924 = tpu.vector_load %arg4[%get3A_923] {strides = array<i32>} : memref<32768xf32, #tpu.memory_space<vmem>>, vector<16xf32>,
      %max3A_925 = arith.maximumf %max3A_920, %get3A_924 : vector<16xf32>
      %add3A_926 = arith.constant 256 : i32
      %add3A_927 = arith.addi %mul3A_847, %add3A_926 : i32
      %get3A_928 = arith.index_cast %add3A_927 : i32 to index
      %get3A_929 = tpu.vector_load %arg4[%get3A_928] {strides = array<i32>} : memref<32768xf32, #tpu.memory_space<vmem>>, vector<16xf32>,
      %max3A_930 = arith.maximumf %max3A_925, %get3A_929 : vector<16xf32>
      %add3A_931 = arith.constant 272 : i32
      %add3A_932 = arith.addi %mul3A_847, %add3A_931 : i32
      %get3A_933 = arith.index_cast %add3A_932 : i32 to index
      %get3A_934 = tpu.vector_load %arg4[%get3A_933] {strides = array<i32>} : memref<32768xf32, #tpu.memory_space<vmem>>, vector<16xf32>,
      %max3A_935 = arith.maximumf %max3A_930, %get3A_934 : vector<16xf32>
      %add3A_936 = arith.constant 288 : i32
      %add3A_937 = arith.addi %mul3A_847, %add3A_936 : i32
      %get3A_938 = arith.index_cast %add3A_937 : i32 to index
      %get3A_939 = tpu.vector_load %arg4[%get3A_938] {strides = array<i32>} : memref<32768xf32, #tpu.memory_space<vmem>>, vector<16xf32>,
      %max3A_940 = arith.maximumf %max3A_935, %get3A_939 : vector<16xf32>
      %add3A_941 = arith.constant 304 : i32
      %add3A_942 = arith.addi %mul3A_847, %add3A_941 : i32
      %get3A_943 = arith.index_cast %add3A_942 : i32 to index
      %get3A_944 = tpu.vector_load %arg4[%get3A_943] {strides = array<i32>} : memref<32768xf32, #tpu.memory_space<vmem>>, vector<16xf32>,
      %max3A_945 = arith.maximumf %max3A_940, %get3A_944 : vector<16xf32>
      %add3A_946 = arith.constant 320 : i32
      %add3A_947 = arith.addi %mul3A_847, %add3A_946 : i32
      %get3A_948 = arith.index_cast %add3A_947 : i32 to index
      %get3A_949 = tpu.vector_load %arg4[%get3A_948] {strides = array<i32>} : memref<32768xf32, #tpu.memory_space<vmem>>, vector<16xf32>,
      %max3A_950 = arith.maximumf %max3A_945, %get3A_949 : vector<16xf32>
      %add3A_951 = arith.constant 336 : i32
      %add3A_952 = arith.addi %mul3A_847, %add3A_951 : i32
      %get3A_953 = arith.index_cast %add3A_952 : i32 to index
      %get3A_954 = tpu.vector_load %arg4[%get3A_953] {strides = array<i32>} : memref<32768xf32, #tpu.memory_space<vmem>>, vector<16xf32>,
      %max3A_955 = arith.maximumf %max3A_950, %get3A_954 : vector<16xf32>
      %add3A_956 = arith.constant 352 : i32
      %add3A_957 = arith.addi %mul3A_847, %add3A_956 : i32
      %get3A_958 = arith.index_cast %add3A_957 : i32 to index
      %get3A_959 = tpu.vector_load %arg4[%get3A_958] {strides = array<i32>} : memref<32768xf32, #tpu.memory_space<vmem>>, vector<16xf32>,
      %max3A_960 = arith.maximumf %max3A_955, %get3A_959 : vector<16xf32>
      %add3A_961 = arith.constant 368 : i32
      %add3A_962 = arith.addi %mul3A_847, %add3A_961 : i32
      %get3A_963 = arith.index_cast %add3A_962 : i32 to index
      %get3A_964 = tpu.vector_load %arg4[%get3A_963] {strides = array<i32>} : memref<32768xf32, #tpu.memory_space<vmem>>, vector<16xf32>,
      %max3A_965 = arith.maximumf %max3A_960, %get3A_964 : vector<16xf32>
      %add3A_966 = arith.constant 384 : i32
      %add3A_967 = arith.addi %mul3A_847, %add3A_966 : i32
      %get3A_968 = arith.index_cast %add3A_967 : i32 to index
      %get3A_969 = tpu.vector_load %arg4[%get3A_968] {strides = array<i32>} : memref<32768xf32, #tpu.memory_space<vmem>>, vector<16xf32>,
      %max3A_970 = arith.maximumf %max3A_965, %get3A_969 : vector<16xf32>
      %add3A_971 = arith.constant 400 : i32
      %add3A_972 = arith.addi %mul3A_847, %add3A_971 : i32
      %get3A_973 = arith.index_cast %add3A_972 : i32 to index
      %get3A_974 = tpu.vector_load %arg4[%get3A_973] {strides = array<i32>} : memref<32768xf32, #tpu.memory_space<vmem>>, vector<16xf32>,
      %max3A_975 = arith.maximumf %max3A_970, %get3A_974 : vector<16xf32>
      %add3A_976 = arith.constant 416 : i32
      %add3A_977 = arith.addi %mul3A_847, %add3A_976 : i32
      %get3A_978 = arith.index_cast %add3A_977 : i32 to index
      %get3A_979 = tpu.vector_load %arg4[%get3A_978] {strides = array<i32>} : memref<32768xf32, #tpu.memory_space<vmem>>, vector<16xf32>,
      %max3A_980 = arith.maximumf %max3A_975, %get3A_979 : vector<16xf32>
      %add3A_981 = arith.constant 432 : i32
      %add3A_982 = arith.addi %mul3A_847, %add3A_981 : i32
      %get3A_983 = arith.index_cast %add3A_982 : i32 to index
      %get3A_984 = tpu.vector_load %arg4[%get3A_983] {strides = array<i32>} : memref<32768xf32, #tpu.memory_space<vmem>>, vector<16xf32>,
      %max3A_985 = arith.maximumf %max3A_980, %get3A_984 : vector<16xf32>
      %add3A_986 = arith.constant 448 : i32
      %add3A_987 = arith.addi %mul3A_847, %add3A_986 : i32
      %get3A_988 = arith.index_cast %add3A_987 : i32 to index
      %get3A_989 = tpu.vector_load %arg4[%get3A_988] {strides = array<i32>} : memref<32768xf32, #tpu.memory_space<vmem>>, vector<16xf32>,
      %max3A_990 = arith.maximumf %max3A_985, %get3A_989 : vector<16xf32>
      %add3A_991 = arith.constant 464 : i32
      %add3A_992 = arith.addi %mul3A_847, %add3A_991 : i32
      %get3A_993 = arith.index_cast %add3A_992 : i32 to index
      %get3A_994 = tpu.vector_load %arg4[%get3A_993] {strides = array<i32>} : memref<32768xf32, #tpu.memory_space<vmem>>, vector<16xf32>,
      %max3A_995 = arith.maximumf %max3A_990, %get3A_994 : vector<16xf32>
      %add3A_996 = arith.constant 480 : i32
      %add3A_997 = arith.addi %mul3A_847, %add3A_996 : i32
      %get3A_998 = arith.index_cast %add3A_997 : i32 to index
      %get3A_999 = tpu.vector_load %arg4[%get3A_998] {strides = array<i32>} : memref<32768xf32, #tpu.memory_space<vmem>>, vector<16xf32>,
      %max3A_1000 = arith.maximumf %max3A_995, %get3A_999 : vector<16xf32>
      %add3A_1001 = arith.constant 496 : i32
      %add3A_1002 = arith.addi %mul3A_847, %add3A_1001 : i32
      %get3A_1003 = arith.index_cast %add3A_1002 : i32 to index
      %get3A_1004 = tpu.vector_load %arg4[%get3A_1003] {strides = array<i32>} : memref<32768xf32, #tpu.memory_space<vmem>>, vector<16xf32>,
      %max3A_1005 = arith.maximumf %max3A_1000, %get3A_1004 : vector<16xf32>
      %bitcast_convert_type3A_1006 = tpu.bitcast %max3A_1005 : vector<16xf32> -> vector<16xi32>
      %broadcast_in_dim3A_1007 = arith.constant 31 : i32
      %broadcast_in_dim3A_1008 = vector.broadcast %broadcast_in_dim3A_1007 : i32 to vector<16xi32>
      %shift_right_arithmetic3A_1009 = arith.shrsi %bitcast_convert_type3A_1006, %broadcast_in_dim3A_1008 : vector<16xi32>
      %broadcast_in_dim3A_1010 = arith.constant -2147483648 : i32
      %broadcast_in_dim3A_1011 = vector.broadcast %broadcast_in_dim3A_1010 : i32 to vector<16xi32>
      %or3A_1012 = arith.ori %shift_right_arithmetic3A_1009, %broadcast_in_dim3A_1011 : vector<16xi32>
      %xor3A_1013 = arith.xori %bitcast_convert_type3A_1006, %or3A_1012 : vector<16xi32>
      %bitcast_convert_type3A_1014 = tpu.bitcast %xor3A_1013 : vector<16xi32> -> vector<16xi32>
      %mul3A_1015 = arith.constant 16 : i32
      %mul3A_1016 = arith.muli %scan3A_844, %mul3A_1015 : i32
      %swap3A_1017 = arith.index_cast %mul3A_1016 : i32 to index
      %swap3A_1018 = tpu.vector_load %arg5[%swap3A_1017] {strides = array<i32>} : memref<1024xi32, #tpu.memory_space<vmem>>, vector<16xi32>,
      tpu.vector_store %arg5[%swap3A_1017], %bitcast_convert_type3A_1014 {strides = array<i32>} : memref<1024xi32, #tpu.memory_space<vmem>>, vector<16xi32>,
      %scan3A_1019 = arith.constant 0 : i32
      scf.yield %scan3A_1019 : i32
    }
    %scan3A_13 = arith.constant 64 : i32
    %broadcast_in_dim3A_14 = arith.constant 1 : i32
    %broadcast_in_dim3A_15 = vector.broadcast %broadcast_in_dim3A_14 : i32 to vector<16xi32>
    %broadcast_in_dim3A_16 = arith.constant 0 : i32
    %broadcast_in_dim3A_17 = vector.broadcast %broadcast_in_dim3A_16 : i32 to vector<16xi32>
    %scan3A_18 = arith.constant 0 : i32
    %scan3A_19 = arith.constant 32 : i32
    %scan3A_20 = arith.addi %scan3A_18, %scan3A_19 : i32
    %scan3A_21 = arith.constant 1 : i32
    %scan3A_22 = scf.for %scan3A_844 = %scan3A_18 to %scan3A_20 step %scan3A_21 iter_args(%scan3A_845 = %broadcast_in_dim3A_17) -> (vector<16xi32>)  : i32 {
      %sub3A_846 = arith.constant 31 : i32
      %sub3A_847 = arith.subi %sub3A_846, %scan3A_844 : i32
      %broadcast_in_dim3A_848 = vector.broadcast %sub3A_847 : i32 to vector<16xi32>
      %shift_left3A = arith.shli %broadcast_in_dim3A_15, %broadcast_in_dim3A_848 : vector<16xi32>
      %or3A_849 = arith.ori %scan3A_845, %shift_left3A : vector<16xi32>
      %broadcast_in_dim3A_850 = arith.constant 0 : i32
      %broadcast_in_dim3A_851 = vector.broadcast %broadcast_in_dim3A_850 : i32 to vector<16xi32>
      %scan3A_852 = arith.constant 0 : i32
      %scan3A_853 = arith.constant 16 : i32
      %scan3A_854 = arith.addi %scan3A_852, %scan3A_853 : i32
      %scan3A_855 = arith.constant 1 : i32
      %scan3A_856 = scf.for %scan3A_865 = %scan3A_852 to %scan3A_854 step %scan3A_855 iter_args(%scan3A_866 = %broadcast_in_dim3A_851) -> (vector<16xi32>)  : i32 {
        %mul3A_867 = arith.constant 4 : i32
        %mul3A_868 = arith.muli %scan3A_865, %mul3A_867 : i32
        %add3A_869 = arith.constant 0 : i32
        %add3A_870 = arith.addi %mul3A_868, %add3A_869 : i32
        %mul3A_871 = arith.constant 16 : i32
        %mul3A_872 = arith.muli %add3A_870, %mul3A_871 : i32
        %get3A = arith.index_cast %mul3A_872 : i32 to index
        %get3A_873 = tpu.vector_load %arg5[%get3A] {strides = array<i32>} : memref<1024xi32, #tpu.memory_space<vmem>>, vector<16xi32>,
        %ge3A_874 = arith.cmpi uge, %get3A_873, %or3A_849 : vector<16xi32>
        %jit3A_875 = arith.constant 1 : i32
        %jit3A_876 = arith.constant 0 : i32
        %broadcast_in_dim3A_877 = vector.broadcast %jit3A_875 : i32 to vector<16xi32>
        %broadcast_in_dim3A_878 = vector.broadcast %jit3A_876 : i32 to vector<16xi32>
        %select_n3A_879 = arith.select %ge3A_874, %broadcast_in_dim3A_877, %broadcast_in_dim3A_878 : vector<16xi1>, vector<16xi32>
        %add3A_880 = arith.addi %scan3A_866, %select_n3A_879 : vector<16xi32>
        %mul3A_881 = arith.constant 4 : i32
        %mul3A_882 = arith.muli %scan3A_865, %mul3A_881 : i32
        %add3A_883 = arith.constant 1 : i32
        %add3A_884 = arith.addi %mul3A_882, %add3A_883 : i32
        %mul3A_885 = arith.constant 16 : i32
        %mul3A_886 = arith.muli %add3A_884, %mul3A_885 : i32
        %get3A_887 = arith.index_cast %mul3A_886 : i32 to index
        %get3A_888 = tpu.vector_load %arg5[%get3A_887] {strides = array<i32>} : memref<1024xi32, #tpu.memory_space<vmem>>, vector<16xi32>,
        %ge3A_889 = arith.cmpi uge, %get3A_888, %or3A_849 : vector<16xi32>
        %jit3A_890 = arith.constant 1 : i32
        %jit3A_891 = arith.constant 0 : i32
        %broadcast_in_dim3A_892 = vector.broadcast %jit3A_890 : i32 to vector<16xi32>
        %broadcast_in_dim3A_893 = vector.broadcast %jit3A_891 : i32 to vector<16xi32>
        %select_n3A_894 = arith.select %ge3A_889, %broadcast_in_dim3A_892, %broadcast_in_dim3A_893 : vector<16xi1>, vector<16xi32>
        %add3A_895 = arith.addi %add3A_880, %select_n3A_894 : vector<16xi32>
        %mul3A_896 = arith.constant 4 : i32
        %mul3A_897 = arith.muli %scan3A_865, %mul3A_896 : i32
        %add3A_898 = arith.constant 2 : i32
        %add3A_899 = arith.addi %mul3A_897, %add3A_898 : i32
        %mul3A_900 = arith.constant 16 : i32
        %mul3A_901 = arith.muli %add3A_899, %mul3A_900 : i32
        %get3A_902 = arith.index_cast %mul3A_901 : i32 to index
        %get3A_903 = tpu.vector_load %arg5[%get3A_902] {strides = array<i32>} : memref<1024xi32, #tpu.memory_space<vmem>>, vector<16xi32>,
        %ge3A_904 = arith.cmpi uge, %get3A_903, %or3A_849 : vector<16xi32>
        %jit3A_905 = arith.constant 1 : i32
        %jit3A_906 = arith.constant 0 : i32
        %broadcast_in_dim3A_907 = vector.broadcast %jit3A_905 : i32 to vector<16xi32>
        %broadcast_in_dim3A_908 = vector.broadcast %jit3A_906 : i32 to vector<16xi32>
        %select_n3A_909 = arith.select %ge3A_904, %broadcast_in_dim3A_907, %broadcast_in_dim3A_908 : vector<16xi1>, vector<16xi32>
        %add3A_910 = arith.addi %add3A_895, %select_n3A_909 : vector<16xi32>
        %mul3A_911 = arith.constant 4 : i32
        %mul3A_912 = arith.muli %scan3A_865, %mul3A_911 : i32
        %add3A_913 = arith.constant 3 : i32
        %add3A_914 = arith.addi %mul3A_912, %add3A_913 : i32
        %mul3A_915 = arith.constant 16 : i32
        %mul3A_916 = arith.muli %add3A_914, %mul3A_915 : i32
        %get3A_917 = arith.index_cast %mul3A_916 : i32 to index
        %get3A_918 = tpu.vector_load %arg5[%get3A_917] {strides = array<i32>} : memref<1024xi32, #tpu.memory_space<vmem>>, vector<16xi32>,
        %ge3A_919 = arith.cmpi uge, %get3A_918, %or3A_849 : vector<16xi32>
        %jit3A_920 = arith.constant 1 : i32
        %jit3A_921 = arith.constant 0 : i32
        %broadcast_in_dim3A_922 = vector.broadcast %jit3A_920 : i32 to vector<16xi32>
        %broadcast_in_dim3A_923 = vector.broadcast %jit3A_921 : i32 to vector<16xi32>
        %select_n3A_924 = arith.select %ge3A_919, %broadcast_in_dim3A_922, %broadcast_in_dim3A_923 : vector<16xi1>, vector<16xi32>
        %add3A_925 = arith.addi %add3A_910, %select_n3A_924 : vector<16xi32>
        scf.yield %add3A_925 : vector<16xi32>
      }
      %scan3A_857 = arith.constant 16 : i32
      %reduce_sum3A_858 = arith.constant true
      %reduce_sum3A_859 = vector.broadcast %reduce_sum3A_858 : i1 to vector<16xi1>
      %reduce_sum3A_860 = tpu.scan <sum>, %scan3A_856 masked %reduce_sum3A_859 : vector<16xi32>, vector<16xi1> -> vector<16xi32>
      %reduce_sum3A_861 = vector.extract %reduce_sum3A_860[15] : i32 from vector<16xi32>
      %ge3A = arith.constant 64 : i32
      %ge3A_862 = arith.cmpi sge, %reduce_sum3A_861, %ge3A : i32
      %broadcast_in_dim3A_863 = vector.broadcast %ge3A_862 : i1 to vector<16xi1>
      %select_n3A_864 = arith.select %broadcast_in_dim3A_863, %or3A_849, %scan3A_845 : vector<16xi1>, vector<16xi32>
      scf.yield %select_n3A_864 : vector<16xi32>
    }
    %scan3A_23 = arith.constant 32 : i32
    %bitcast_convert_type3A = tpu.bitcast %scan3A_22 : vector<16xi32> -> vector<16xi32>
    %broadcast_in_dim3A_24 = arith.constant 31 : i32
    %broadcast_in_dim3A_25 = vector.broadcast %broadcast_in_dim3A_24 : i32 to vector<16xi32>
    %shift_right_arithmetic3A = arith.shrsi %bitcast_convert_type3A, %broadcast_in_dim3A_25 : vector<16xi32>
    %not3A = arith.constant dense<-1> : vector<16xi32>
    %not3A_26 = arith.xori %shift_right_arithmetic3A, %not3A : vector<16xi32>
    %broadcast_in_dim3A_27 = arith.constant -2147483648 : i32
    %broadcast_in_dim3A_28 = vector.broadcast %broadcast_in_dim3A_27 : i32 to vector<16xi32>
    %or3A = arith.ori %not3A_26, %broadcast_in_dim3A_28 : vector<16xi32>
    %xor3A = arith.xori %bitcast_convert_type3A, %or3A : vector<16xi32>
    %bitcast_convert_type3A_29 = tpu.bitcast %xor3A : vector<16xi32> -> vector<16xf32>
    %scan3A_30 = arith.constant 0 : i32
    %scan3A_31 = arith.constant 0 : i32
    %scan3A_32 = arith.constant 2048 : i32
    %scan3A_33 = arith.addi %scan3A_31, %scan3A_32 : i32
    %scan3A_34 = arith.constant 1 : i32
    %scan3A_35 = scf.for %scan3A_844 = %scan3A_31 to %scan3A_33 step %scan3A_34 iter_args(%scan3A_845 = %scan3A_30) -> (i32)  : i32 {
      %mul3A_846 = arith.constant 16 : i32
      %mul3A_847 = arith.muli %scan3A_844, %mul3A_846 : i32
      %get3A = arith.index_cast %mul3A_847 : i32 to index
      %get3A_848 = tpu.vector_load %arg4[%get3A] {strides = array<i32>} : memref<32768xf32, #tpu.memory_space<vmem>>, vector<16xf32>,
      %ge3A = arith.cmpf oge, %get3A_848, %bitcast_convert_type3A_29 : vector<16xf32>
      %reduce_or3A = arith.constant 1.000000e+00 : f32
      %reduce_or3A_849 = arith.constant 0.000000e+00 : f32
      %reduce_or3A_850 = vector.broadcast %reduce_or3A : f32 to vector<16xf32>
      %reduce_or3A_851 = vector.broadcast %reduce_or3A_849 : f32 to vector<16xf32>
      %reduce_or3A_852 = arith.select %ge3A, %reduce_or3A_850, %reduce_or3A_851 : vector<16xi1>, vector<16xf32>
      %reduce_or3A_853 = arith.constant true
      %reduce_or3A_854 = vector.broadcast %reduce_or3A_853 : i1 to vector<16xi1>
      %reduce_or3A_855 = tpu.scan <max>, %reduce_or3A_852 masked %reduce_or3A_854 : vector<16xf32>, vector<16xi1> -> vector<16xf32>
      %reduce_or3A_856 = vector.extract %reduce_or3A_855[15] : f32 from vector<16xf32>
      %reduce_or3A_857 = arith.constant 0.000000e+00 : f32
      %reduce_or3A_858 = arith.cmpf ogt, %reduce_or3A_856, %reduce_or3A_857 : f32
      %convert_element_type3A_859 = arith.extui %reduce_or3A_858 : i1 to i32
      %cond3A = arith.constant 0 : i32
      %cond3A_860 = arith.cmpi ne, %convert_element_type3A_859, %cond3A : i32
      scf.if %cond3A_860 {
        %bitcast_convert_type3A_864 = tpu.bitcast %get3A_848 : vector<16xf32> -> vector<16xi32>
        %broadcast_in_dim3A_865 = arith.constant 31 : i32
        %broadcast_in_dim3A_866 = vector.broadcast %broadcast_in_dim3A_865 : i32 to vector<16xi32>
        %shift_right_arithmetic3A_867 = arith.shrsi %bitcast_convert_type3A_864, %broadcast_in_dim3A_866 : vector<16xi32>
        %broadcast_in_dim3A_868 = arith.constant -2147483648 : i32
        %broadcast_in_dim3A_869 = vector.broadcast %broadcast_in_dim3A_868 : i32 to vector<16xi32>
        %or3A_870 = arith.ori %shift_right_arithmetic3A_867, %broadcast_in_dim3A_869 : vector<16xi32>
        %xor3A_871 = arith.xori %bitcast_convert_type3A_864, %or3A_870 : vector<16xi32>
        %bitcast_convert_type3A_872 = tpu.bitcast %xor3A_871 : vector<16xi32> -> vector<16xi32>
        %broadcast_in_dim3A_873 = arith.constant 0 : i32
        %broadcast_in_dim3A_874 = vector.broadcast %broadcast_in_dim3A_873 : i32 to vector<16xi32>
        %select_n3A_875 = arith.select %ge3A, %bitcast_convert_type3A_872, %broadcast_in_dim3A_874 : vector<16xi1>, vector<16xi32>
        %swap3A_876 = arith.index_cast %scan3A_845 : i32 to index
        %swap3A_877 = tpu.vector_load %arg6[%swap3A_876] {strides = array<i32>} : memref<32816xi32, #tpu.memory_space<vmem>>, vector<16xi32>,
        tpu.vector_store %arg6[%swap3A_876], %select_n3A_875 {strides = array<i32>} : memref<32816xi32, #tpu.memory_space<vmem>>, vector<16xi32>,
      } else {
      }
      %add3A_861 = arith.constant 16 : i32
      %add3A_862 = arith.addi %scan3A_845, %add3A_861 : i32
      %select_n3A_863 = arith.select %reduce_or3A_858, %add3A_862, %scan3A_845 : i32
      scf.yield %select_n3A_863 : i32
    }
    %scan3A_36 = arith.constant 2048 : i32
    %broadcast_in_dim3A_37 = arith.constant 0 : i32
    %broadcast_in_dim3A_38 = vector.broadcast %broadcast_in_dim3A_37 : i32 to vector<16xi32>
    %add3A_39 = arith.constant 0 : i32
    %add3A_40 = arith.addi %scan3A_35, %add3A_39 : i32
    %swap3A = arith.index_cast %add3A_40 : i32 to index
    %swap3A_41 = tpu.vector_load %arg6[%swap3A] {strides = array<i32>} : memref<32816xi32, #tpu.memory_space<vmem>>, vector<16xi32>,
    tpu.vector_store %arg6[%swap3A], %broadcast_in_dim3A_38 {strides = array<i32>} : memref<32816xi32, #tpu.memory_space<vmem>>, vector<16xi32>,
    %add3A_42 = arith.constant 16 : i32
    %add3A_43 = arith.addi %scan3A_35, %add3A_42 : i32
    %swap3A_44 = arith.index_cast %add3A_43 : i32 to index
    %swap3A_45 = tpu.vector_load %arg6[%swap3A_44] {strides = array<i32>} : memref<32816xi32, #tpu.memory_space<vmem>>, vector<16xi32>,
    tpu.vector_store %arg6[%swap3A_44], %broadcast_in_dim3A_38 {strides = array<i32>} : memref<32816xi32, #tpu.memory_space<vmem>>, vector<16xi32>,
    %add3A_46 = arith.constant 32 : i32
    %add3A_47 = arith.addi %scan3A_35, %add3A_46 : i32
    %swap3A_48 = arith.index_cast %add3A_47 : i32 to index
    %swap3A_49 = tpu.vector_load %arg6[%swap3A_48] {strides = array<i32>} : memref<32816xi32, #tpu.memory_space<vmem>>, vector<16xi32>,
    tpu.vector_store %arg6[%swap3A_48], %broadcast_in_dim3A_38 {strides = array<i32>} : memref<32816xi32, #tpu.memory_space<vmem>>, vector<16xi32>,
    %jit3A = arith.constant 16 : i32
    %div3A = arith.divsi %scan3A_35, %jit3A : i32
    %sign3A = arith.constant 0 : i32
    %sign3A_50 = arith.cmpi sgt, %scan3A_35, %sign3A : i32
    %sign3A_51 = arith.extui %sign3A_50 : i1 to i32
    %sign3A_52 = arith.constant 0 : i32
    %sign3A_53 = arith.cmpi slt, %scan3A_35, %sign3A_52 : i32
    %sign3A_54 = arith.extui %sign3A_53 : i1 to i32
    %sign3A_55 = arith.subi %sign3A_51, %sign3A_54 : i32
    %sign3A_56 = arith.constant 0 : i32
    %sign3A_57 = arith.cmpi sgt, %jit3A, %sign3A_56 : i32
    %sign3A_58 = arith.extui %sign3A_57 : i1 to i32
    %sign3A_59 = arith.constant 0 : i32
    %sign3A_60 = arith.cmpi slt, %jit3A, %sign3A_59 : i32
    %sign3A_61 = arith.extui %sign3A_60 : i1 to i32
    %sign3A_62 = arith.subi %sign3A_58, %sign3A_61 : i32
    %ne3A = arith.cmpi ne, %sign3A_55, %sign3A_62 : i32
    %rem3A = arith.remsi %scan3A_35, %jit3A : i32
    %ne3A_63 = arith.constant 0 : i32
    %ne3A_64 = arith.cmpi ne, %rem3A, %ne3A_63 : i32
    %and3A = arith.andi %ne3A, %ne3A_64 : i1
    %sub3A = arith.constant 1 : i32
    %sub3A_65 = arith.subi %div3A, %sub3A : i32
    %select_n3A = arith.select %and3A, %sub3A_65, %div3A : i32
    %add3A_66 = arith.constant 3 : i32
    %add3A_67 = arith.addi %select_n3A, %add3A_66 : i32
    %jit3A_68 = arith.constant 4 : i32
    %div3A_69 = arith.divsi %add3A_67, %jit3A_68 : i32
    %sign3A_70 = arith.constant 0 : i32
    %sign3A_71 = arith.cmpi sgt, %add3A_67, %sign3A_70 : i32
    %sign3A_72 = arith.extui %sign3A_71 : i1 to i32
    %sign3A_73 = arith.constant 0 : i32
    %sign3A_74 = arith.cmpi slt, %add3A_67, %sign3A_73 : i32
    %sign3A_75 = arith.extui %sign3A_74 : i1 to i32
    %sign3A_76 = arith.subi %sign3A_72, %sign3A_75 : i32
    %sign3A_77 = arith.constant 0 : i32
    %sign3A_78 = arith.cmpi sgt, %jit3A_68, %sign3A_77 : i32
    %sign3A_79 = arith.extui %sign3A_78 : i1 to i32
    %sign3A_80 = arith.constant 0 : i32
    %sign3A_81 = arith.cmpi slt, %jit3A_68, %sign3A_80 : i32
    %sign3A_82 = arith.extui %sign3A_81 : i1 to i32
    %sign3A_83 = arith.subi %sign3A_79, %sign3A_82 : i32
    %ne3A_84 = arith.cmpi ne, %sign3A_76, %sign3A_83 : i32
    %rem3A_85 = arith.remsi %add3A_67, %jit3A_68 : i32
    %ne3A_86 = arith.constant 0 : i32
    %ne3A_87 = arith.cmpi ne, %rem3A_85, %ne3A_86 : i32
    %and3A_88 = arith.andi %ne3A_84, %ne3A_87 : i1
    %sub3A_89 = arith.constant 1 : i32
    %sub3A_90 = arith.subi %div3A_69, %sub3A_89 : i32
    %select_n3A_91 = arith.select %and3A_88, %sub3A_90, %div3A_69 : i32
    %mul3A_92 = arith.constant 4 : i32
    %mul3A_93 = arith.muli %select_n3A_91, %mul3A_92 : i32
    %jit3A_94 = arith.constant 4 : i32
    %div3A_95 = arith.divsi %mul3A_93, %jit3A_94 : i32
    %sign3A_96 = arith.constant 0 : i32
    %sign3A_97 = arith.cmpi sgt, %mul3A_93, %sign3A_96 : i32
    %sign3A_98 = arith.extui %sign3A_97 : i1 to i32
    %sign3A_99 = arith.constant 0 : i32
    %sign3A_100 = arith.cmpi slt, %mul3A_93, %sign3A_99 : i32
    %sign3A_101 = arith.extui %sign3A_100 : i1 to i32
    %sign3A_102 = arith.subi %sign3A_98, %sign3A_101 : i32
    %sign3A_103 = arith.constant 0 : i32
    %sign3A_104 = arith.cmpi sgt, %jit3A_94, %sign3A_103 : i32
    %sign3A_105 = arith.extui %sign3A_104 : i1 to i32
    %sign3A_106 = arith.constant 0 : i32
    %sign3A_107 = arith.cmpi slt, %jit3A_94, %sign3A_106 : i32
    %sign3A_108 = arith.extui %sign3A_107 : i1 to i32
    %sign3A_109 = arith.subi %sign3A_105, %sign3A_108 : i32
    %ne3A_110 = arith.cmpi ne, %sign3A_102, %sign3A_109 : i32
    %rem3A_111 = arith.remsi %mul3A_93, %jit3A_94 : i32
    %ne3A_112 = arith.constant 0 : i32
    %ne3A_113 = arith.cmpi ne, %rem3A_111, %ne3A_112 : i32
    %and3A_114 = arith.andi %ne3A_110, %ne3A_113 : i1
    %sub3A_115 = arith.constant 1 : i32
    %sub3A_116 = arith.subi %div3A_95, %sub3A_115 : i32
    %select_n3A_117 = arith.select %and3A_114, %sub3A_116, %div3A_95 : i32
    %broadcast_in_dim3A_118 = arith.constant 1 : i32
    %broadcast_in_dim3A_119 = vector.broadcast %broadcast_in_dim3A_118 : i32 to vector<16xi32>
    %broadcast_in_dim3A_120 = arith.constant 0 : i32
    %broadcast_in_dim3A_121 = vector.broadcast %broadcast_in_dim3A_120 : i32 to vector<16xi32>
    %scan3A_122 = arith.constant 0 : i32
    %scan3A_123 = arith.constant 32 : i32
    %scan3A_124 = arith.addi %scan3A_122, %scan3A_123 : i32
    %scan3A_125 = arith.constant 1 : i32
    %scan3A_126 = scf.for %scan3A_844 = %scan3A_122 to %scan3A_124 step %scan3A_125 iter_args(%scan3A_845 = %broadcast_in_dim3A_121) -> (vector<16xi32>)  : i32 {
      %sub3A_846 = arith.constant 31 : i32
      %sub3A_847 = arith.subi %sub3A_846, %scan3A_844 : i32
      %broadcast_in_dim3A_848 = vector.broadcast %sub3A_847 : i32 to vector<16xi32>
      %shift_left3A = arith.shli %broadcast_in_dim3A_119, %broadcast_in_dim3A_848 : vector<16xi32>
      %or3A_849 = arith.ori %scan3A_845, %shift_left3A : vector<16xi32>
      %broadcast_in_dim3A_850 = arith.constant 0 : i32
      %broadcast_in_dim3A_851 = vector.broadcast %broadcast_in_dim3A_850 : i32 to vector<16xi32>
      %while3A_852 = arith.constant 0 : i32
      %while3A_853 = arith.subi %select_n3A_117, %while3A_852 : i32
      %while3A_854 = arith.addi %while3A_852, %while3A_853 : i32
      %while3A_855 = arith.constant 1 : i32
      %while3A_856 = arith.divsi %while3A_853, %while3A_855 : i32
      %while3A_857 = arith.muli %while3A_856, %while3A_855 : i32
      %while3A_858 = arith.addi %while3A_852, %while3A_857 : i32
      %while3A_859 = arith.constant 1 : i32
      %while3A_860 = scf.for %while3A_870 = %while3A_852 to %while3A_858 step %while3A_859 iter_args(%while3A_871 = %broadcast_in_dim3A_851) -> (vector<16xi32>)  : i32 {
        %mul3A_872 = arith.constant 4 : i32
        %mul3A_873 = arith.muli %while3A_870, %mul3A_872 : i32
        %add3A_874 = arith.constant 0 : i32
        %add3A_875 = arith.addi %mul3A_873, %add3A_874 : i32
        %mul3A_876 = arith.constant 16 : i32
        %mul3A_877 = arith.muli %add3A_875, %mul3A_876 : i32
        %get3A = arith.index_cast %mul3A_877 : i32 to index
        %get3A_878 = tpu.vector_load %arg6[%get3A] {strides = array<i32>} : memref<32816xi32, #tpu.memory_space<vmem>>, vector<16xi32>,
        %ge3A_879 = arith.cmpi uge, %get3A_878, %or3A_849 : vector<16xi32>
        %jit3A_880 = arith.constant 1 : i32
        %jit3A_881 = arith.constant 0 : i32
        %broadcast_in_dim3A_882 = vector.broadcast %jit3A_880 : i32 to vector<16xi32>
        %broadcast_in_dim3A_883 = vector.broadcast %jit3A_881 : i32 to vector<16xi32>
        %select_n3A_884 = arith.select %ge3A_879, %broadcast_in_dim3A_882, %broadcast_in_dim3A_883 : vector<16xi1>, vector<16xi32>
        %add3A_885 = arith.addi %while3A_871, %select_n3A_884 : vector<16xi32>
        %mul3A_886 = arith.constant 4 : i32
        %mul3A_887 = arith.muli %while3A_870, %mul3A_886 : i32
        %add3A_888 = arith.constant 1 : i32
        %add3A_889 = arith.addi %mul3A_887, %add3A_888 : i32
        %mul3A_890 = arith.constant 16 : i32
        %mul3A_891 = arith.muli %add3A_889, %mul3A_890 : i32
        %get3A_892 = arith.index_cast %mul3A_891 : i32 to index
        %get3A_893 = tpu.vector_load %arg6[%get3A_892] {strides = array<i32>} : memref<32816xi32, #tpu.memory_space<vmem>>, vector<16xi32>,
        %ge3A_894 = arith.cmpi uge, %get3A_893, %or3A_849 : vector<16xi32>
        %jit3A_895 = arith.constant 1 : i32
        %jit3A_896 = arith.constant 0 : i32
        %broadcast_in_dim3A_897 = vector.broadcast %jit3A_895 : i32 to vector<16xi32>
        %broadcast_in_dim3A_898 = vector.broadcast %jit3A_896 : i32 to vector<16xi32>
        %select_n3A_899 = arith.select %ge3A_894, %broadcast_in_dim3A_897, %broadcast_in_dim3A_898 : vector<16xi1>, vector<16xi32>
        %add3A_900 = arith.addi %add3A_885, %select_n3A_899 : vector<16xi32>
        %mul3A_901 = arith.constant 4 : i32
        %mul3A_902 = arith.muli %while3A_870, %mul3A_901 : i32
        %add3A_903 = arith.constant 2 : i32
        %add3A_904 = arith.addi %mul3A_902, %add3A_903 : i32
        %mul3A_905 = arith.constant 16 : i32
        %mul3A_906 = arith.muli %add3A_904, %mul3A_905 : i32
        %get3A_907 = arith.index_cast %mul3A_906 : i32 to index
        %get3A_908 = tpu.vector_load %arg6[%get3A_907] {strides = array<i32>} : memref<32816xi32, #tpu.memory_space<vmem>>, vector<16xi32>,
        %ge3A_909 = arith.cmpi uge, %get3A_908, %or3A_849 : vector<16xi32>
        %jit3A_910 = arith.constant 1 : i32
        %jit3A_911 = arith.constant 0 : i32
        %broadcast_in_dim3A_912 = vector.broadcast %jit3A_910 : i32 to vector<16xi32>
        %broadcast_in_dim3A_913 = vector.broadcast %jit3A_911 : i32 to vector<16xi32>
        %select_n3A_914 = arith.select %ge3A_909, %broadcast_in_dim3A_912, %broadcast_in_dim3A_913 : vector<16xi1>, vector<16xi32>
        %add3A_915 = arith.addi %add3A_900, %select_n3A_914 : vector<16xi32>
        %mul3A_916 = arith.constant 4 : i32
        %mul3A_917 = arith.muli %while3A_870, %mul3A_916 : i32
        %add3A_918 = arith.constant 3 : i32
        %add3A_919 = arith.addi %mul3A_917, %add3A_918 : i32
        %mul3A_920 = arith.constant 16 : i32
        %mul3A_921 = arith.muli %add3A_919, %mul3A_920 : i32
        %get3A_922 = arith.index_cast %mul3A_921 : i32 to index
        %get3A_923 = tpu.vector_load %arg6[%get3A_922] {strides = array<i32>} : memref<32816xi32, #tpu.memory_space<vmem>>, vector<16xi32>,
        %ge3A_924 = arith.cmpi uge, %get3A_923, %or3A_849 : vector<16xi32>
        %jit3A_925 = arith.constant 1 : i32
        %jit3A_926 = arith.constant 0 : i32
        %broadcast_in_dim3A_927 = vector.broadcast %jit3A_925 : i32 to vector<16xi32>
        %broadcast_in_dim3A_928 = vector.broadcast %jit3A_926 : i32 to vector<16xi32>
        %select_n3A_929 = arith.select %ge3A_924, %broadcast_in_dim3A_927, %broadcast_in_dim3A_928 : vector<16xi1>, vector<16xi32>
        %add3A_930 = arith.addi %add3A_915, %select_n3A_929 : vector<16xi32>
        scf.yield %add3A_930 : vector<16xi32>
      }
      %while3A_861 = arith.constant 1 : i32
      %while3A_862 = scf.for %while3A_870 = %while3A_858 to %while3A_854 step %while3A_861 iter_args(%while3A_871 = %while3A_860) -> (vector<16xi32>)  : i32 {
        %mul3A_872 = arith.constant 4 : i32
        %mul3A_873 = arith.muli %while3A_870, %mul3A_872 : i32
        %add3A_874 = arith.constant 0 : i32
        %add3A_875 = arith.addi %mul3A_873, %add3A_874 : i32
        %mul3A_876 = arith.constant 16 : i32
        %mul3A_877 = arith.muli %add3A_875, %mul3A_876 : i32
        %get3A = arith.index_cast %mul3A_877 : i32 to index
        %get3A_878 = tpu.vector_load %arg6[%get3A] {strides = array<i32>} : memref<32816xi32, #tpu.memory_space<vmem>>, vector<16xi32>,
        %ge3A_879 = arith.cmpi uge, %get3A_878, %or3A_849 : vector<16xi32>
        %jit3A_880 = arith.constant 1 : i32
        %jit3A_881 = arith.constant 0 : i32
        %broadcast_in_dim3A_882 = vector.broadcast %jit3A_880 : i32 to vector<16xi32>
        %broadcast_in_dim3A_883 = vector.broadcast %jit3A_881 : i32 to vector<16xi32>
        %select_n3A_884 = arith.select %ge3A_879, %broadcast_in_dim3A_882, %broadcast_in_dim3A_883 : vector<16xi1>, vector<16xi32>
        %add3A_885 = arith.addi %while3A_871, %select_n3A_884 : vector<16xi32>
        %mul3A_886 = arith.constant 4 : i32
        %mul3A_887 = arith.muli %while3A_870, %mul3A_886 : i32
        %add3A_888 = arith.constant 1 : i32
        %add3A_889 = arith.addi %mul3A_887, %add3A_888 : i32
        %mul3A_890 = arith.constant 16 : i32
        %mul3A_891 = arith.muli %add3A_889, %mul3A_890 : i32
        %get3A_892 = arith.index_cast %mul3A_891 : i32 to index
        %get3A_893 = tpu.vector_load %arg6[%get3A_892] {strides = array<i32>} : memref<32816xi32, #tpu.memory_space<vmem>>, vector<16xi32>,
        %ge3A_894 = arith.cmpi uge, %get3A_893, %or3A_849 : vector<16xi32>
        %jit3A_895 = arith.constant 1 : i32
        %jit3A_896 = arith.constant 0 : i32
        %broadcast_in_dim3A_897 = vector.broadcast %jit3A_895 : i32 to vector<16xi32>
        %broadcast_in_dim3A_898 = vector.broadcast %jit3A_896 : i32 to vector<16xi32>
        %select_n3A_899 = arith.select %ge3A_894, %broadcast_in_dim3A_897, %broadcast_in_dim3A_898 : vector<16xi1>, vector<16xi32>
        %add3A_900 = arith.addi %add3A_885, %select_n3A_899 : vector<16xi32>
        %mul3A_901 = arith.constant 4 : i32
        %mul3A_902 = arith.muli %while3A_870, %mul3A_901 : i32
        %add3A_903 = arith.constant 2 : i32
        %add3A_904 = arith.addi %mul3A_902, %add3A_903 : i32
        %mul3A_905 = arith.constant 16 : i32
        %mul3A_906 = arith.muli %add3A_904, %mul3A_905 : i32
        %get3A_907 = arith.index_cast %mul3A_906 : i32 to index
        %get3A_908 = tpu.vector_load %arg6[%get3A_907] {strides = array<i32>} : memref<32816xi32, #tpu.memory_space<vmem>>, vector<16xi32>,
        %ge3A_909 = arith.cmpi uge, %get3A_908, %or3A_849 : vector<16xi32>
        %jit3A_910 = arith.constant 1 : i32
        %jit3A_911 = arith.constant 0 : i32
        %broadcast_in_dim3A_912 = vector.broadcast %jit3A_910 : i32 to vector<16xi32>
        %broadcast_in_dim3A_913 = vector.broadcast %jit3A_911 : i32 to vector<16xi32>
        %select_n3A_914 = arith.select %ge3A_909, %broadcast_in_dim3A_912, %broadcast_in_dim3A_913 : vector<16xi1>, vector<16xi32>
        %add3A_915 = arith.addi %add3A_900, %select_n3A_914 : vector<16xi32>
        %mul3A_916 = arith.constant 4 : i32
        %mul3A_917 = arith.muli %while3A_870, %mul3A_916 : i32
        %add3A_918 = arith.constant 3 : i32
        %add3A_919 = arith.addi %mul3A_917, %add3A_918 : i32
        %mul3A_920 = arith.constant 16 : i32
        %mul3A_921 = arith.muli %add3A_919, %mul3A_920 : i32
        %get3A_922 = arith.index_cast %mul3A_921 : i32 to index
        %get3A_923 = tpu.vector_load %arg6[%get3A_922] {strides = array<i32>} : memref<32816xi32, #tpu.memory_space<vmem>>, vector<16xi32>,
        %ge3A_924 = arith.cmpi uge, %get3A_923, %or3A_849 : vector<16xi32>
        %jit3A_925 = arith.constant 1 : i32
        %jit3A_926 = arith.constant 0 : i32
        %broadcast_in_dim3A_927 = vector.broadcast %jit3A_925 : i32 to vector<16xi32>
        %broadcast_in_dim3A_928 = vector.broadcast %jit3A_926 : i32 to vector<16xi32>
        %select_n3A_929 = arith.select %ge3A_924, %broadcast_in_dim3A_927, %broadcast_in_dim3A_928 : vector<16xi1>, vector<16xi32>
        %add3A_930 = arith.addi %add3A_915, %select_n3A_929 : vector<16xi32>
        scf.yield %add3A_930 : vector<16xi32>
      }
      %reduce_sum3A_863 = arith.constant true
      %reduce_sum3A_864 = vector.broadcast %reduce_sum3A_863 : i1 to vector<16xi1>
      %reduce_sum3A_865 = tpu.scan <sum>, %while3A_862 masked %reduce_sum3A_864 : vector<16xi32>, vector<16xi1> -> vector<16xi32>
      %reduce_sum3A_866 = vector.extract %reduce_sum3A_865[15] : i32 from vector<16xi32>
      %ge3A = arith.constant 64 : i32
      %ge3A_867 = arith.cmpi sge, %reduce_sum3A_866, %ge3A : i32
      %broadcast_in_dim3A_868 = vector.broadcast %ge3A_867 : i1 to vector<16xi1>
      %select_n3A_869 = arith.select %broadcast_in_dim3A_868, %or3A_849, %scan3A_845 : vector<16xi1>, vector<16xi32>
      scf.yield %select_n3A_869 : vector<16xi32>
    }
    %scan3A_127 = arith.constant 32 : i32
    %jit3A_128 = arith.constant 4 : i32
    %div3A_129 = arith.divsi %mul3A_93, %jit3A_128 : i32
    %sign3A_130 = arith.constant 0 : i32
    %sign3A_131 = arith.cmpi sgt, %mul3A_93, %sign3A_130 : i32
    %sign3A_132 = arith.extui %sign3A_131 : i1 to i32
    %sign3A_133 = arith.constant 0 : i32
    %sign3A_134 = arith.cmpi slt, %mul3A_93, %sign3A_133 : i32
    %sign3A_135 = arith.extui %sign3A_134 : i1 to i32
    %sign3A_136 = arith.subi %sign3A_132, %sign3A_135 : i32
    %sign3A_137 = arith.constant 0 : i32
    %sign3A_138 = arith.cmpi sgt, %jit3A_128, %sign3A_137 : i32
    %sign3A_139 = arith.extui %sign3A_138 : i1 to i32
    %sign3A_140 = arith.constant 0 : i32
    %sign3A_141 = arith.cmpi slt, %jit3A_128, %sign3A_140 : i32
    %sign3A_142 = arith.extui %sign3A_141 : i1 to i32
    %sign3A_143 = arith.subi %sign3A_139, %sign3A_142 : i32
    %ne3A_144 = arith.cmpi ne, %sign3A_136, %sign3A_143 : i32
    %rem3A_145 = arith.remsi %mul3A_93, %jit3A_128 : i32
    %ne3A_146 = arith.constant 0 : i32
    %ne3A_147 = arith.cmpi ne, %rem3A_145, %ne3A_146 : i32
    %and3A_148 = arith.andi %ne3A_144, %ne3A_147 : i1
    %sub3A_149 = arith.constant 1 : i32
    %sub3A_150 = arith.subi %div3A_129, %sub3A_149 : i32
    %select_n3A_151 = arith.select %and3A_148, %sub3A_150, %div3A_129 : i32
    %broadcast_in_dim3A_152 = arith.constant 0.000000e+00 : f32
    %broadcast_in_dim3A_153 = vector.broadcast %broadcast_in_dim3A_152 : f32 to vector<16xf32>
    %broadcast_in_dim3A_154 = arith.constant 0 : i32
    %broadcast_in_dim3A_155 = vector.broadcast %broadcast_in_dim3A_154 : i32 to vector<16xi32>
    %while3A = arith.constant 0 : i32
    %while3A_156 = arith.subi %select_n3A_151, %while3A : i32
    %while3A_157 = arith.addi %while3A, %while3A_156 : i32
    %while3A_158 = arith.constant 1 : i32
    %while3A_159 = arith.divsi %while3A_156, %while3A_158 : i32
    %while3A_160 = arith.muli %while3A_159, %while3A_158 : i32
    %while3A_161 = arith.addi %while3A, %while3A_160 : i32
    %while3A_162 = arith.constant 1 : i32
    %while3A_163:2 = scf.for %while3A_844 = %while3A to %while3A_161 step %while3A_162 iter_args(%while3A_845 = %broadcast_in_dim3A_153, %while3A_846 = %broadcast_in_dim3A_155) -> (vector<16xf32>, vector<16xi32>)  : i32 {
      %mul3A_847 = arith.constant 4 : i32
      %mul3A_848 = arith.muli %while3A_844, %mul3A_847 : i32
      %add3A_849 = arith.constant 0 : i32
      %add3A_850 = arith.addi %mul3A_848, %add3A_849 : i32
      %mul3A_851 = arith.constant 16 : i32
      %mul3A_852 = arith.muli %add3A_850, %mul3A_851 : i32
      %get3A = arith.index_cast %mul3A_852 : i32 to index
      %get3A_853 = tpu.vector_load %arg6[%get3A] {strides = array<i32>} : memref<32816xi32, #tpu.memory_space<vmem>>, vector<16xi32>,
      %gt3A = arith.cmpi ugt, %get3A_853, %scan3A_126 : vector<16xi32>
      %bitcast_convert_type3A_854 = tpu.bitcast %get3A_853 : vector<16xi32> -> vector<16xi32>
      %broadcast_in_dim3A_855 = arith.constant 31 : i32
      %broadcast_in_dim3A_856 = vector.broadcast %broadcast_in_dim3A_855 : i32 to vector<16xi32>
      %shift_right_arithmetic3A_857 = arith.shrsi %bitcast_convert_type3A_854, %broadcast_in_dim3A_856 : vector<16xi32>
      %not3A_858 = arith.constant dense<-1> : vector<16xi32>
      %not3A_859 = arith.xori %shift_right_arithmetic3A_857, %not3A_858 : vector<16xi32>
      %broadcast_in_dim3A_860 = arith.constant -2147483648 : i32
      %broadcast_in_dim3A_861 = vector.broadcast %broadcast_in_dim3A_860 : i32 to vector<16xi32>
      %or3A_862 = arith.ori %not3A_859, %broadcast_in_dim3A_861 : vector<16xi32>
      %xor3A_863 = arith.xori %bitcast_convert_type3A_854, %or3A_862 : vector<16xi32>
      %bitcast_convert_type3A_864 = tpu.bitcast %xor3A_863 : vector<16xi32> -> vector<16xf32>
      %broadcast_in_dim3A_865 = arith.constant 0.000000e+00 : f32
      %broadcast_in_dim3A_866 = vector.broadcast %broadcast_in_dim3A_865 : f32 to vector<16xf32>
      %select_n3A_867 = arith.select %gt3A, %bitcast_convert_type3A_864, %broadcast_in_dim3A_866 : vector<16xi1>, vector<16xf32>
      %add3A_868 = arith.addf %while3A_845, %select_n3A_867 : vector<16xf32>
      %jit3A_869 = arith.constant 1 : i32
      %jit3A_870 = arith.constant 0 : i32
      %broadcast_in_dim3A_871 = vector.broadcast %jit3A_869 : i32 to vector<16xi32>
      %broadcast_in_dim3A_872 = vector.broadcast %jit3A_870 : i32 to vector<16xi32>
      %select_n3A_873 = arith.select %gt3A, %broadcast_in_dim3A_871, %broadcast_in_dim3A_872 : vector<16xi1>, vector<16xi32>
      %add3A_874 = arith.addi %while3A_846, %select_n3A_873 : vector<16xi32>
      %mul3A_875 = arith.constant 4 : i32
      %mul3A_876 = arith.muli %while3A_844, %mul3A_875 : i32
      %add3A_877 = arith.constant 1 : i32
      %add3A_878 = arith.addi %mul3A_876, %add3A_877 : i32
      %mul3A_879 = arith.constant 16 : i32
      %mul3A_880 = arith.muli %add3A_878, %mul3A_879 : i32
      %get3A_881 = arith.index_cast %mul3A_880 : i32 to index
      %get3A_882 = tpu.vector_load %arg6[%get3A_881] {strides = array<i32>} : memref<32816xi32, #tpu.memory_space<vmem>>, vector<16xi32>,
      %gt3A_883 = arith.cmpi ugt, %get3A_882, %scan3A_126 : vector<16xi32>
      %bitcast_convert_type3A_884 = tpu.bitcast %get3A_882 : vector<16xi32> -> vector<16xi32>
      %broadcast_in_dim3A_885 = arith.constant 31 : i32
      %broadcast_in_dim3A_886 = vector.broadcast %broadcast_in_dim3A_885 : i32 to vector<16xi32>
      %shift_right_arithmetic3A_887 = arith.shrsi %bitcast_convert_type3A_884, %broadcast_in_dim3A_886 : vector<16xi32>
      %not3A_888 = arith.constant dense<-1> : vector<16xi32>
      %not3A_889 = arith.xori %shift_right_arithmetic3A_887, %not3A_888 : vector<16xi32>
      %broadcast_in_dim3A_890 = arith.constant -2147483648 : i32
      %broadcast_in_dim3A_891 = vector.broadcast %broadcast_in_dim3A_890 : i32 to vector<16xi32>
      %or3A_892 = arith.ori %not3A_889, %broadcast_in_dim3A_891 : vector<16xi32>
      %xor3A_893 = arith.xori %bitcast_convert_type3A_884, %or3A_892 : vector<16xi32>
      %bitcast_convert_type3A_894 = tpu.bitcast %xor3A_893 : vector<16xi32> -> vector<16xf32>
      %broadcast_in_dim3A_895 = arith.constant 0.000000e+00 : f32
      %broadcast_in_dim3A_896 = vector.broadcast %broadcast_in_dim3A_895 : f32 to vector<16xf32>
      %select_n3A_897 = arith.select %gt3A_883, %bitcast_convert_type3A_894, %broadcast_in_dim3A_896 : vector<16xi1>, vector<16xf32>
      %add3A_898 = arith.addf %add3A_868, %select_n3A_897 : vector<16xf32>
      %jit3A_899 = arith.constant 1 : i32
      %jit3A_900 = arith.constant 0 : i32
      %broadcast_in_dim3A_901 = vector.broadcast %jit3A_899 : i32 to vector<16xi32>
      %broadcast_in_dim3A_902 = vector.broadcast %jit3A_900 : i32 to vector<16xi32>
      %select_n3A_903 = arith.select %gt3A_883, %broadcast_in_dim3A_901, %broadcast_in_dim3A_902 : vector<16xi1>, vector<16xi32>
      %add3A_904 = arith.addi %add3A_874, %select_n3A_903 : vector<16xi32>
      %mul3A_905 = arith.constant 4 : i32
      %mul3A_906 = arith.muli %while3A_844, %mul3A_905 : i32
      %add3A_907 = arith.constant 2 : i32
      %add3A_908 = arith.addi %mul3A_906, %add3A_907 : i32
      %mul3A_909 = arith.constant 16 : i32
      %mul3A_910 = arith.muli %add3A_908, %mul3A_909 : i32
      %get3A_911 = arith.index_cast %mul3A_910 : i32 to index
      %get3A_912 = tpu.vector_load %arg6[%get3A_911] {strides = array<i32>} : memref<32816xi32, #tpu.memory_space<vmem>>, vector<16xi32>,
      %gt3A_913 = arith.cmpi ugt, %get3A_912, %scan3A_126 : vector<16xi32>
      %bitcast_convert_type3A_914 = tpu.bitcast %get3A_912 : vector<16xi32> -> vector<16xi32>
      %broadcast_in_dim3A_915 = arith.constant 31 : i32
      %broadcast_in_dim3A_916 = vector.broadcast %broadcast_in_dim3A_915 : i32 to vector<16xi32>
      %shift_right_arithmetic3A_917 = arith.shrsi %bitcast_convert_type3A_914, %broadcast_in_dim3A_916 : vector<16xi32>
      %not3A_918 = arith.constant dense<-1> : vector<16xi32>
      %not3A_919 = arith.xori %shift_right_arithmetic3A_917, %not3A_918 : vector<16xi32>
      %broadcast_in_dim3A_920 = arith.constant -2147483648 : i32
      %broadcast_in_dim3A_921 = vector.broadcast %broadcast_in_dim3A_920 : i32 to vector<16xi32>
      %or3A_922 = arith.ori %not3A_919, %broadcast_in_dim3A_921 : vector<16xi32>
      %xor3A_923 = arith.xori %bitcast_convert_type3A_914, %or3A_922 : vector<16xi32>
      %bitcast_convert_type3A_924 = tpu.bitcast %xor3A_923 : vector<16xi32> -> vector<16xf32>
      %broadcast_in_dim3A_925 = arith.constant 0.000000e+00 : f32
      %broadcast_in_dim3A_926 = vector.broadcast %broadcast_in_dim3A_925 : f32 to vector<16xf32>
      %select_n3A_927 = arith.select %gt3A_913, %bitcast_convert_type3A_924, %broadcast_in_dim3A_926 : vector<16xi1>, vector<16xf32>
      %add3A_928 = arith.addf %add3A_898, %select_n3A_927 : vector<16xf32>
      %jit3A_929 = arith.constant 1 : i32
      %jit3A_930 = arith.constant 0 : i32
      %broadcast_in_dim3A_931 = vector.broadcast %jit3A_929 : i32 to vector<16xi32>
      %broadcast_in_dim3A_932 = vector.broadcast %jit3A_930 : i32 to vector<16xi32>
      %select_n3A_933 = arith.select %gt3A_913, %broadcast_in_dim3A_931, %broadcast_in_dim3A_932 : vector<16xi1>, vector<16xi32>
      %add3A_934 = arith.addi %add3A_904, %select_n3A_933 : vector<16xi32>
      %mul3A_935 = arith.constant 4 : i32
      %mul3A_936 = arith.muli %while3A_844, %mul3A_935 : i32
      %add3A_937 = arith.constant 3 : i32
      %add3A_938 = arith.addi %mul3A_936, %add3A_937 : i32
      %mul3A_939 = arith.constant 16 : i32
      %mul3A_940 = arith.muli %add3A_938, %mul3A_939 : i32
      %get3A_941 = arith.index_cast %mul3A_940 : i32 to index
      %get3A_942 = tpu.vector_load %arg6[%get3A_941] {strides = array<i32>} : memref<32816xi32, #tpu.memory_space<vmem>>, vector<16xi32>,
      %gt3A_943 = arith.cmpi ugt, %get3A_942, %scan3A_126 : vector<16xi32>
      %bitcast_convert_type3A_944 = tpu.bitcast %get3A_942 : vector<16xi32> -> vector<16xi32>
      %broadcast_in_dim3A_945 = arith.constant 31 : i32
      %broadcast_in_dim3A_946 = vector.broadcast %broadcast_in_dim3A_945 : i32 to vector<16xi32>
      %shift_right_arithmetic3A_947 = arith.shrsi %bitcast_convert_type3A_944, %broadcast_in_dim3A_946 : vector<16xi32>
      %not3A_948 = arith.constant dense<-1> : vector<16xi32>
      %not3A_949 = arith.xori %shift_right_arithmetic3A_947, %not3A_948 : vector<16xi32>
      %broadcast_in_dim3A_950 = arith.constant -2147483648 : i32
      %broadcast_in_dim3A_951 = vector.broadcast %broadcast_in_dim3A_950 : i32 to vector<16xi32>
      %or3A_952 = arith.ori %not3A_949, %broadcast_in_dim3A_951 : vector<16xi32>
      %xor3A_953 = arith.xori %bitcast_convert_type3A_944, %or3A_952 : vector<16xi32>
      %bitcast_convert_type3A_954 = tpu.bitcast %xor3A_953 : vector<16xi32> -> vector<16xf32>
      %broadcast_in_dim3A_955 = arith.constant 0.000000e+00 : f32
      %broadcast_in_dim3A_956 = vector.broadcast %broadcast_in_dim3A_955 : f32 to vector<16xf32>
      %select_n3A_957 = arith.select %gt3A_943, %bitcast_convert_type3A_954, %broadcast_in_dim3A_956 : vector<16xi1>, vector<16xf32>
      %add3A_958 = arith.addf %add3A_928, %select_n3A_957 : vector<16xf32>
      %jit3A_959 = arith.constant 1 : i32
      %jit3A_960 = arith.constant 0 : i32
      %broadcast_in_dim3A_961 = vector.broadcast %jit3A_959 : i32 to vector<16xi32>
      %broadcast_in_dim3A_962 = vector.broadcast %jit3A_960 : i32 to vector<16xi32>
      %select_n3A_963 = arith.select %gt3A_943, %broadcast_in_dim3A_961, %broadcast_in_dim3A_962 : vector<16xi1>, vector<16xi32>
      %add3A_964 = arith.addi %add3A_934, %select_n3A_963 : vector<16xi32>
      scf.yield %add3A_958, %add3A_964 : vector<16xf32>, vector<16xi32>
    }
    %while3A_164 = arith.constant 1 : i32
    %while3A_165:2 = scf.for %while3A_844 = %while3A_161 to %while3A_157 step %while3A_164 iter_args(%while3A_845 = %while3A_163#0, %while3A_846 = %while3A_163#1) -> (vector<16xf32>, vector<16xi32>)  : i32 {
      %mul3A_847 = arith.constant 4 : i32
      %mul3A_848 = arith.muli %while3A_844, %mul3A_847 : i32
      %add3A_849 = arith.constant 0 : i32
      %add3A_850 = arith.addi %mul3A_848, %add3A_849 : i32
      %mul3A_851 = arith.constant 16 : i32
      %mul3A_852 = arith.muli %add3A_850, %mul3A_851 : i32
      %get3A = arith.index_cast %mul3A_852 : i32 to index
      %get3A_853 = tpu.vector_load %arg6[%get3A] {strides = array<i32>} : memref<32816xi32, #tpu.memory_space<vmem>>, vector<16xi32>,
      %gt3A = arith.cmpi ugt, %get3A_853, %scan3A_126 : vector<16xi32>
      %bitcast_convert_type3A_854 = tpu.bitcast %get3A_853 : vector<16xi32> -> vector<16xi32>
      %broadcast_in_dim3A_855 = arith.constant 31 : i32
      %broadcast_in_dim3A_856 = vector.broadcast %broadcast_in_dim3A_855 : i32 to vector<16xi32>
      %shift_right_arithmetic3A_857 = arith.shrsi %bitcast_convert_type3A_854, %broadcast_in_dim3A_856 : vector<16xi32>
      %not3A_858 = arith.constant dense<-1> : vector<16xi32>
      %not3A_859 = arith.xori %shift_right_arithmetic3A_857, %not3A_858 : vector<16xi32>
      %broadcast_in_dim3A_860 = arith.constant -2147483648 : i32
      %broadcast_in_dim3A_861 = vector.broadcast %broadcast_in_dim3A_860 : i32 to vector<16xi32>
      %or3A_862 = arith.ori %not3A_859, %broadcast_in_dim3A_861 : vector<16xi32>
      %xor3A_863 = arith.xori %bitcast_convert_type3A_854, %or3A_862 : vector<16xi32>
      %bitcast_convert_type3A_864 = tpu.bitcast %xor3A_863 : vector<16xi32> -> vector<16xf32>
      %broadcast_in_dim3A_865 = arith.constant 0.000000e+00 : f32
      %broadcast_in_dim3A_866 = vector.broadcast %broadcast_in_dim3A_865 : f32 to vector<16xf32>
      %select_n3A_867 = arith.select %gt3A, %bitcast_convert_type3A_864, %broadcast_in_dim3A_866 : vector<16xi1>, vector<16xf32>
      %add3A_868 = arith.addf %while3A_845, %select_n3A_867 : vector<16xf32>
      %jit3A_869 = arith.constant 1 : i32
      %jit3A_870 = arith.constant 0 : i32
      %broadcast_in_dim3A_871 = vector.broadcast %jit3A_869 : i32 to vector<16xi32>
      %broadcast_in_dim3A_872 = vector.broadcast %jit3A_870 : i32 to vector<16xi32>
      %select_n3A_873 = arith.select %gt3A, %broadcast_in_dim3A_871, %broadcast_in_dim3A_872 : vector<16xi1>, vector<16xi32>
      %add3A_874 = arith.addi %while3A_846, %select_n3A_873 : vector<16xi32>
      %mul3A_875 = arith.constant 4 : i32
      %mul3A_876 = arith.muli %while3A_844, %mul3A_875 : i32
      %add3A_877 = arith.constant 1 : i32
      %add3A_878 = arith.addi %mul3A_876, %add3A_877 : i32
      %mul3A_879 = arith.constant 16 : i32
      %mul3A_880 = arith.muli %add3A_878, %mul3A_879 : i32
      %get3A_881 = arith.index_cast %mul3A_880 : i32 to index
      %get3A_882 = tpu.vector_load %arg6[%get3A_881] {strides = array<i32>} : memref<32816xi32, #tpu.memory_space<vmem>>, vector<16xi32>,
      %gt3A_883 = arith.cmpi ugt, %get3A_882, %scan3A_126 : vector<16xi32>
      %bitcast_convert_type3A_884 = tpu.bitcast %get3A_882 : vector<16xi32> -> vector<16xi32>
      %broadcast_in_dim3A_885 = arith.constant 31 : i32
      %broadcast_in_dim3A_886 = vector.broadcast %broadcast_in_dim3A_885 : i32 to vector<16xi32>
      %shift_right_arithmetic3A_887 = arith.shrsi %bitcast_convert_type3A_884, %broadcast_in_dim3A_886 : vector<16xi32>
      %not3A_888 = arith.constant dense<-1> : vector<16xi32>
      %not3A_889 = arith.xori %shift_right_arithmetic3A_887, %not3A_888 : vector<16xi32>
      %broadcast_in_dim3A_890 = arith.constant -2147483648 : i32
      %broadcast_in_dim3A_891 = vector.broadcast %broadcast_in_dim3A_890 : i32 to vector<16xi32>
      %or3A_892 = arith.ori %not3A_889, %broadcast_in_dim3A_891 : vector<16xi32>
      %xor3A_893 = arith.xori %bitcast_convert_type3A_884, %or3A_892 : vector<16xi32>
      %bitcast_convert_type3A_894 = tpu.bitcast %xor3A_893 : vector<16xi32> -> vector<16xf32>
      %broadcast_in_dim3A_895 = arith.constant 0.000000e+00 : f32
      %broadcast_in_dim3A_896 = vector.broadcast %broadcast_in_dim3A_895 : f32 to vector<16xf32>
      %select_n3A_897 = arith.select %gt3A_883, %bitcast_convert_type3A_894, %broadcast_in_dim3A_896 : vector<16xi1>, vector<16xf32>
      %add3A_898 = arith.addf %add3A_868, %select_n3A_897 : vector<16xf32>
      %jit3A_899 = arith.constant 1 : i32
      %jit3A_900 = arith.constant 0 : i32
      %broadcast_in_dim3A_901 = vector.broadcast %jit3A_899 : i32 to vector<16xi32>
      %broadcast_in_dim3A_902 = vector.broadcast %jit3A_900 : i32 to vector<16xi32>
      %select_n3A_903 = arith.select %gt3A_883, %broadcast_in_dim3A_901, %broadcast_in_dim3A_902 : vector<16xi1>, vector<16xi32>
      %add3A_904 = arith.addi %add3A_874, %select_n3A_903 : vector<16xi32>
      %mul3A_905 = arith.constant 4 : i32
      %mul3A_906 = arith.muli %while3A_844, %mul3A_905 : i32
      %add3A_907 = arith.constant 2 : i32
      %add3A_908 = arith.addi %mul3A_906, %add3A_907 : i32
      %mul3A_909 = arith.constant 16 : i32
      %mul3A_910 = arith.muli %add3A_908, %mul3A_909 : i32
      %get3A_911 = arith.index_cast %mul3A_910 : i32 to index
      %get3A_912 = tpu.vector_load %arg6[%get3A_911] {strides = array<i32>} : memref<32816xi32, #tpu.memory_space<vmem>>, vector<16xi32>,
      %gt3A_913 = arith.cmpi ugt, %get3A_912, %scan3A_126 : vector<16xi32>
      %bitcast_convert_type3A_914 = tpu.bitcast %get3A_912 : vector<16xi32> -> vector<16xi32>
      %broadcast_in_dim3A_915 = arith.constant 31 : i32
      %broadcast_in_dim3A_916 = vector.broadcast %broadcast_in_dim3A_915 : i32 to vector<16xi32>
      %shift_right_arithmetic3A_917 = arith.shrsi %bitcast_convert_type3A_914, %broadcast_in_dim3A_916 : vector<16xi32>
      %not3A_918 = arith.constant dense<-1> : vector<16xi32>
      %not3A_919 = arith.xori %shift_right_arithmetic3A_917, %not3A_918 : vector<16xi32>
      %broadcast_in_dim3A_920 = arith.constant -2147483648 : i32
      %broadcast_in_dim3A_921 = vector.broadcast %broadcast_in_dim3A_920 : i32 to vector<16xi32>
      %or3A_922 = arith.ori %not3A_919, %broadcast_in_dim3A_921 : vector<16xi32>
      %xor3A_923 = arith.xori %bitcast_convert_type3A_914, %or3A_922 : vector<16xi32>
      %bitcast_convert_type3A_924 = tpu.bitcast %xor3A_923 : vector<16xi32> -> vector<16xf32>
      %broadcast_in_dim3A_925 = arith.constant 0.000000e+00 : f32
      %broadcast_in_dim3A_926 = vector.broadcast %broadcast_in_dim3A_925 : f32 to vector<16xf32>
      %select_n3A_927 = arith.select %gt3A_913, %bitcast_convert_type3A_924, %broadcast_in_dim3A_926 : vector<16xi1>, vector<16xf32>
      %add3A_928 = arith.addf %add3A_898, %select_n3A_927 : vector<16xf32>
      %jit3A_929 = arith.constant 1 : i32
      %jit3A_930 = arith.constant 0 : i32
      %broadcast_in_dim3A_931 = vector.broadcast %jit3A_929 : i32 to vector<16xi32>
      %broadcast_in_dim3A_932 = vector.broadcast %jit3A_930 : i32 to vector<16xi32>
      %select_n3A_933 = arith.select %gt3A_913, %broadcast_in_dim3A_931, %broadcast_in_dim3A_932 : vector<16xi1>, vector<16xi32>
      %add3A_934 = arith.addi %add3A_904, %select_n3A_933 : vector<16xi32>
      %mul3A_935 = arith.constant 4 : i32
      %mul3A_936 = arith.muli %while3A_844, %mul3A_935 : i32
      %add3A_937 = arith.constant 3 : i32
      %add3A_938 = arith.addi %mul3A_936, %add3A_937 : i32
      %mul3A_939 = arith.constant 16 : i32
      %mul3A_940 = arith.muli %add3A_938, %mul3A_939 : i32
      %get3A_941 = arith.index_cast %mul3A_940 : i32 to index
      %get3A_942 = tpu.vector_load %arg6[%get3A_941] {strides = array<i32>} : memref<32816xi32, #tpu.memory_space<vmem>>, vector<16xi32>,
      %gt3A_943 = arith.cmpi ugt, %get3A_942, %scan3A_126 : vector<16xi32>
      %bitcast_convert_type3A_944 = tpu.bitcast %get3A_942 : vector<16xi32> -> vector<16xi32>
      %broadcast_in_dim3A_945 = arith.constant 31 : i32
      %broadcast_in_dim3A_946 = vector.broadcast %broadcast_in_dim3A_945 : i32 to vector<16xi32>
      %shift_right_arithmetic3A_947 = arith.shrsi %bitcast_convert_type3A_944, %broadcast_in_dim3A_946 : vector<16xi32>
      %not3A_948 = arith.constant dense<-1> : vector<16xi32>
      %not3A_949 = arith.xori %shift_right_arithmetic3A_947, %not3A_948 : vector<16xi32>
      %broadcast_in_dim3A_950 = arith.constant -2147483648 : i32
      %broadcast_in_dim3A_951 = vector.broadcast %broadcast_in_dim3A_950 : i32 to vector<16xi32>
      %or3A_952 = arith.ori %not3A_949, %broadcast_in_dim3A_951 : vector<16xi32>
      %xor3A_953 = arith.xori %bitcast_convert_type3A_944, %or3A_952 : vector<16xi32>
      %bitcast_convert_type3A_954 = tpu.bitcast %xor3A_953 : vector<16xi32> -> vector<16xf32>
      %broadcast_in_dim3A_955 = arith.constant 0.000000e+00 : f32
      %broadcast_in_dim3A_956 = vector.broadcast %broadcast_in_dim3A_955 : f32 to vector<16xf32>
      %select_n3A_957 = arith.select %gt3A_943, %bitcast_convert_type3A_954, %broadcast_in_dim3A_956 : vector<16xi1>, vector<16xf32>
      %add3A_958 = arith.addf %add3A_928, %select_n3A_957 : vector<16xf32>
      %jit3A_959 = arith.constant 1 : i32
      %jit3A_960 = arith.constant 0 : i32
      %broadcast_in_dim3A_961 = vector.broadcast %jit3A_959 : i32 to vector<16xi32>
      %broadcast_in_dim3A_962 = vector.broadcast %jit3A_960 : i32 to vector<16xi32>
      %select_n3A_963 = arith.select %gt3A_943, %broadcast_in_dim3A_961, %broadcast_in_dim3A_962 : vector<16xi1>, vector<16xi32>
      %add3A_964 = arith.addi %add3A_934, %select_n3A_963 : vector<16xi32>
      scf.yield %add3A_958, %add3A_964 : vector<16xf32>, vector<16xi32>
    }
    %reduce_sum3A = arith.constant true
    %reduce_sum3A_166 = vector.broadcast %reduce_sum3A : i1 to vector<16xi1>
    %reduce_sum3A_167 = tpu.scan <sum>, %while3A_165#0 masked %reduce_sum3A_166 : vector<16xf32>, vector<16xi1> -> vector<16xf32>
    %reduce_sum3A_168 = vector.extract %reduce_sum3A_167[15] : f32 from vector<16xf32>
    %reduce_sum3A_169 = arith.constant true
    %reduce_sum3A_170 = vector.broadcast %reduce_sum3A_169 : i1 to vector<16xi1>
    %reduce_sum3A_171 = tpu.scan <sum>, %while3A_165#1 masked %reduce_sum3A_170 : vector<16xi32>, vector<16xi1> -> vector<16xi32>
    %reduce_sum3A_172 = vector.extract %reduce_sum3A_171[15] : i32 from vector<16xi32>
    %bitcast_convert_type3A_173 = tpu.bitcast %scan3A_126 : vector<16xi32> -> vector<16xi32>
    %broadcast_in_dim3A_174 = arith.constant 31 : i32
    %broadcast_in_dim3A_175 = vector.broadcast %broadcast_in_dim3A_174 : i32 to vector<16xi32>
    %shift_right_arithmetic3A_176 = arith.shrsi %bitcast_convert_type3A_173, %broadcast_in_dim3A_175 : vector<16xi32>
    %not3A_177 = arith.constant dense<-1> : vector<16xi32>
    %not3A_178 = arith.xori %shift_right_arithmetic3A_176, %not3A_177 : vector<16xi32>
    %broadcast_in_dim3A_179 = arith.constant -2147483648 : i32
    %broadcast_in_dim3A_180 = vector.broadcast %broadcast_in_dim3A_179 : i32 to vector<16xi32>
    %or3A_181 = arith.ori %not3A_178, %broadcast_in_dim3A_180 : vector<16xi32>
    %xor3A_182 = arith.xori %bitcast_convert_type3A_173, %or3A_181 : vector<16xi32>
    %bitcast_convert_type3A_183 = tpu.bitcast %xor3A_182 : vector<16xi32> -> vector<16xf32>
    %reduce_max3A = arith.constant true
    %reduce_max3A_184 = vector.broadcast %reduce_max3A : i1 to vector<16xi1>
    %reduce_max3A_185 = tpu.scan <max>, %bitcast_convert_type3A_183 masked %reduce_max3A_184 : vector<16xf32>, vector<16xi1> -> vector<16xf32>
    %reduce_max3A_186 = vector.extract %reduce_max3A_185[15] : f32 from vector<16xf32>
    %convert_element_type3A = arith.sitofp %reduce_sum3A_172 : i32 to f32
    %sub3A_187 = arith.constant 6.400000e+01 : f32
    %sub3A_188 = arith.subf %sub3A_187, %convert_element_type3A : f32
    %mul3A_189 = arith.mulf %sub3A_188, %reduce_max3A_186 : f32
    %add3A_190 = arith.addf %reduce_sum3A_168, %mul3A_189 : f32
    %mul3A_191 = arith.constant 1.562500e-02 : f32
    %mul3A_192 = arith.mulf %add3A_190, %mul3A_191 : f32
    %eq3A = arith.constant 0 : i32
    %eq3A_193 = vector.broadcast %eq3A : i32 to vector<16xi32>
    %eq3A_194 = arith.cmpi eq, %iota3A, %eq3A_193 : vector<16xi32>
    %broadcast_in_dim3A_195 = vector.broadcast %mul3A_192 : f32 to vector<16xf32>
    %select_n3A_196 = arith.select %eq3A_194, %broadcast_in_dim3A_195, %broadcast_in_dim3A_1 : vector<16xi1>, vector<16xf32>
    %mul3A_197 = arith.constant 4 : i32
    %mul3A_198 = arith.muli %add3A, %mul3A_197 : i32
    %add3A_199 = arith.constant 1 : i32
    %add3A_200 = arith.addi %mul3A_198, %add3A_199 : i32
    "tpu.region"() ({
      %run_scoped3A = tpu.sem_alloc : memref<!tpu.dma_semaphore, #tpu.memory_space<semaphore_mem>>
      %dma_start3A = arith.constant 0 : i32
      %dma_start3A_844 = tpu.memref_slice %arg2[%add3A_200, %dma_start3A] : memref<128x32768xf32, #tpu.memory_space<hbm>> -> memref<1x32768xf32, #tpu.memory_space<hbm>>
      %dma_start3A_845 = tpu.memref_squeeze %dma_start3A_844 : memref<1x32768xf32, #tpu.memory_space<hbm>> -> memref<32768xf32, #tpu.memory_space<hbm>>
      %dma_start3A_846 = arith.constant 0 : i32
      %dma_start3A_847 = tpu.memref_slice %arg2[%add3A_200, %dma_start3A_846] : memref<128x32768xf32, #tpu.memory_space<hbm>> -> memref<1x32768xf32, #tpu.memory_space<hbm>>
      %dma_start3A_848 = tpu.memref_squeeze %dma_start3A_847 : memref<1x32768xf32, #tpu.memory_space<hbm>> -> memref<32768xf32, #tpu.memory_space<hbm>>
      tpu.enqueue_dma source(%dma_start3A_848 : memref<32768xf32, #tpu.memory_space<hbm>>) target(%arg4 : memref<32768xf32, #tpu.memory_space<vmem>>) target_semaphore(%run_scoped3A : memref<!tpu.dma_semaphore, #tpu.memory_space<semaphore_mem>>)
      %dma_wait3A = arith.constant 0 : i32
      %dma_wait3A_849 = tpu.memref_slice %arg2[%add3A_200, %dma_wait3A] : memref<128x32768xf32, #tpu.memory_space<hbm>> -> memref<1x32768xf32, #tpu.memory_space<hbm>>
      %dma_wait3A_850 = tpu.memref_squeeze %dma_wait3A_849 : memref<1x32768xf32, #tpu.memory_space<hbm>> -> memref<32768xf32, #tpu.memory_space<hbm>>
      %dma_wait3A_851 = arith.constant 0 : i32
      %dma_wait3A_852 = tpu.memref_slice %arg2[%add3A_200, %dma_wait3A_851] : memref<128x32768xf32, #tpu.memory_space<hbm>> -> memref<1x32768xf32, #tpu.memory_space<hbm>>
      %dma_wait3A_853 = tpu.memref_squeeze %dma_wait3A_852 : memref<1x32768xf32, #tpu.memory_space<hbm>> -> memref<32768xf32, #tpu.memory_space<hbm>>
      tpu.wait_dma2 semaphore(%run_scoped3A : memref<!tpu.dma_semaphore, #tpu.memory_space<semaphore_mem>>) src(%dma_wait3A_853 : memref<32768xf32, #tpu.memory_space<hbm>>) dst(%arg4 : memref<32768xf32, #tpu.memory_space<vmem>>)
      tpu.yield
    }) : () -> ()
    %broadcast_in_dim3A_201 = arith.constant 0xFF800000 : f32
    %broadcast_in_dim3A_202 = vector.broadcast %broadcast_in_dim3A_201 : f32 to vector<16xf32>
    %scan3A_203 = arith.constant 0 : i32
    %scan3A_204 = arith.constant 0 : i32
    %scan3A_205 = arith.constant 64 : i32
    %scan3A_206 = arith.addi %scan3A_204, %scan3A_205 : i32
    %scan3A_207 = arith.constant 1 : i32
    %scan3A_208 = scf.for %scan3A_844 = %scan3A_204 to %scan3A_206 step %scan3A_207 iter_args(%scan3A_845 = %scan3A_203) -> (i32)  : i32 {
      %mul3A_846 = arith.constant 512 : i32
      %mul3A_847 = arith.muli %scan3A_844, %mul3A_846 : i32
      %add3A_848 = arith.constant 0 : i32
      %add3A_849 = arith.addi %mul3A_847, %add3A_848 : i32
      %get3A = arith.index_cast %add3A_849 : i32 to index
      %get3A_850 = tpu.vector_load %arg4[%get3A] {strides = array<i32>} : memref<32768xf32, #tpu.memory_space<vmem>>, vector<16xf32>,
      %max3A = arith.maximumf %broadcast_in_dim3A_202, %get3A_850 : vector<16xf32>
      %add3A_851 = arith.constant 16 : i32
      %add3A_852 = arith.addi %mul3A_847, %add3A_851 : i32
      %get3A_853 = arith.index_cast %add3A_852 : i32 to index
      %get3A_854 = tpu.vector_load %arg4[%get3A_853] {strides = array<i32>} : memref<32768xf32, #tpu.memory_space<vmem>>, vector<16xf32>,
      %max3A_855 = arith.maximumf %max3A, %get3A_854 : vector<16xf32>
      %add3A_856 = arith.constant 32 : i32
      %add3A_857 = arith.addi %mul3A_847, %add3A_856 : i32
      %get3A_858 = arith.index_cast %add3A_857 : i32 to index
      %get3A_859 = tpu.vector_load %arg4[%get3A_858] {strides = array<i32>} : memref<32768xf32, #tpu.memory_space<vmem>>, vector<16xf32>,
      %max3A_860 = arith.maximumf %max3A_855, %get3A_859 : vector<16xf32>
      %add3A_861 = arith.constant 48 : i32
      %add3A_862 = arith.addi %mul3A_847, %add3A_861 : i32
      %get3A_863 = arith.index_cast %add3A_862 : i32 to index
      %get3A_864 = tpu.vector_load %arg4[%get3A_863] {strides = array<i32>} : memref<32768xf32, #tpu.memory_space<vmem>>, vector<16xf32>,
      %max3A_865 = arith.maximumf %max3A_860, %get3A_864 : vector<16xf32>
      %add3A_866 = arith.constant 64 : i32
      %add3A_867 = arith.addi %mul3A_847, %add3A_866 : i32
      %get3A_868 = arith.index_cast %add3A_867 : i32 to index
      %get3A_869 = tpu.vector_load %arg4[%get3A_868] {strides = array<i32>} : memref<32768xf32, #tpu.memory_space<vmem>>, vector<16xf32>,
      %max3A_870 = arith.maximumf %max3A_865, %get3A_869 : vector<16xf32>
      %add3A_871 = arith.constant 80 : i32
      %add3A_872 = arith.addi %mul3A_847, %add3A_871 : i32
      %get3A_873 = arith.index_cast %add3A_872 : i32 to index
      %get3A_874 = tpu.vector_load %arg4[%get3A_873] {strides = array<i32>} : memref<32768xf32, #tpu.memory_space<vmem>>, vector<16xf32>,
      %max3A_875 = arith.maximumf %max3A_870, %get3A_874 : vector<16xf32>
      %add3A_876 = arith.constant 96 : i32
      %add3A_877 = arith.addi %mul3A_847, %add3A_876 : i32
      %get3A_878 = arith.index_cast %add3A_877 : i32 to index
      %get3A_879 = tpu.vector_load %arg4[%get3A_878] {strides = array<i32>} : memref<32768xf32, #tpu.memory_space<vmem>>, vector<16xf32>,
      %max3A_880 = arith.maximumf %max3A_875, %get3A_879 : vector<16xf32>
      %add3A_881 = arith.constant 112 : i32
      %add3A_882 = arith.addi %mul3A_847, %add3A_881 : i32
      %get3A_883 = arith.index_cast %add3A_882 : i32 to index
      %get3A_884 = tpu.vector_load %arg4[%get3A_883] {strides = array<i32>} : memref<32768xf32, #tpu.memory_space<vmem>>, vector<16xf32>,
      %max3A_885 = arith.maximumf %max3A_880, %get3A_884 : vector<16xf32>
      %add3A_886 = arith.constant 128 : i32
      %add3A_887 = arith.addi %mul3A_847, %add3A_886 : i32
      %get3A_888 = arith.index_cast %add3A_887 : i32 to index
      %get3A_889 = tpu.vector_load %arg4[%get3A_888] {strides = array<i32>} : memref<32768xf32, #tpu.memory_space<vmem>>, vector<16xf32>,
      %max3A_890 = arith.maximumf %max3A_885, %get3A_889 : vector<16xf32>
      %add3A_891 = arith.constant 144 : i32
      %add3A_892 = arith.addi %mul3A_847, %add3A_891 : i32
      %get3A_893 = arith.index_cast %add3A_892 : i32 to index
      %get3A_894 = tpu.vector_load %arg4[%get3A_893] {strides = array<i32>} : memref<32768xf32, #tpu.memory_space<vmem>>, vector<16xf32>,
      %max3A_895 = arith.maximumf %max3A_890, %get3A_894 : vector<16xf32>
      %add3A_896 = arith.constant 160 : i32
      %add3A_897 = arith.addi %mul3A_847, %add3A_896 : i32
      %get3A_898 = arith.index_cast %add3A_897 : i32 to index
      %get3A_899 = tpu.vector_load %arg4[%get3A_898] {strides = array<i32>} : memref<32768xf32, #tpu.memory_space<vmem>>, vector<16xf32>,
      %max3A_900 = arith.maximumf %max3A_895, %get3A_899 : vector<16xf32>
      %add3A_901 = arith.constant 176 : i32
      %add3A_902 = arith.addi %mul3A_847, %add3A_901 : i32
      %get3A_903 = arith.index_cast %add3A_902 : i32 to index
      %get3A_904 = tpu.vector_load %arg4[%get3A_903] {strides = array<i32>} : memref<32768xf32, #tpu.memory_space<vmem>>, vector<16xf32>,
      %max3A_905 = arith.maximumf %max3A_900, %get3A_904 : vector<16xf32>
      %add3A_906 = arith.constant 192 : i32
      %add3A_907 = arith.addi %mul3A_847, %add3A_906 : i32
      %get3A_908 = arith.index_cast %add3A_907 : i32 to index
      %get3A_909 = tpu.vector_load %arg4[%get3A_908] {strides = array<i32>} : memref<32768xf32, #tpu.memory_space<vmem>>, vector<16xf32>,
      %max3A_910 = arith.maximumf %max3A_905, %get3A_909 : vector<16xf32>
      %add3A_911 = arith.constant 208 : i32
      %add3A_912 = arith.addi %mul3A_847, %add3A_911 : i32
      %get3A_913 = arith.index_cast %add3A_912 : i32 to index
      %get3A_914 = tpu.vector_load %arg4[%get3A_913] {strides = array<i32>} : memref<32768xf32, #tpu.memory_space<vmem>>, vector<16xf32>,
      %max3A_915 = arith.maximumf %max3A_910, %get3A_914 : vector<16xf32>
      %add3A_916 = arith.constant 224 : i32
      %add3A_917 = arith.addi %mul3A_847, %add3A_916 : i32
      %get3A_918 = arith.index_cast %add3A_917 : i32 to index
      %get3A_919 = tpu.vector_load %arg4[%get3A_918] {strides = array<i32>} : memref<32768xf32, #tpu.memory_space<vmem>>, vector<16xf32>,
      %max3A_920 = arith.maximumf %max3A_915, %get3A_919 : vector<16xf32>
      %add3A_921 = arith.constant 240 : i32
      %add3A_922 = arith.addi %mul3A_847, %add3A_921 : i32
      %get3A_923 = arith.index_cast %add3A_922 : i32 to index
      %get3A_924 = tpu.vector_load %arg4[%get3A_923] {strides = array<i32>} : memref<32768xf32, #tpu.memory_space<vmem>>, vector<16xf32>,
      %max3A_925 = arith.maximumf %max3A_920, %get3A_924 : vector<16xf32>
      %add3A_926 = arith.constant 256 : i32
      %add3A_927 = arith.addi %mul3A_847, %add3A_926 : i32
      %get3A_928 = arith.index_cast %add3A_927 : i32 to index
      %get3A_929 = tpu.vector_load %arg4[%get3A_928] {strides = array<i32>} : memref<32768xf32, #tpu.memory_space<vmem>>, vector<16xf32>,
      %max3A_930 = arith.maximumf %max3A_925, %get3A_929 : vector<16xf32>
      %add3A_931 = arith.constant 272 : i32
      %add3A_932 = arith.addi %mul3A_847, %add3A_931 : i32
      %get3A_933 = arith.index_cast %add3A_932 : i32 to index
      %get3A_934 = tpu.vector_load %arg4[%get3A_933] {strides = array<i32>} : memref<32768xf32, #tpu.memory_space<vmem>>, vector<16xf32>,
      %max3A_935 = arith.maximumf %max3A_930, %get3A_934 : vector<16xf32>
      %add3A_936 = arith.constant 288 : i32
      %add3A_937 = arith.addi %mul3A_847, %add3A_936 : i32
      %get3A_938 = arith.index_cast %add3A_937 : i32 to index
      %get3A_939 = tpu.vector_load %arg4[%get3A_938] {strides = array<i32>} : memref<32768xf32, #tpu.memory_space<vmem>>, vector<16xf32>,
      %max3A_940 = arith.maximumf %max3A_935, %get3A_939 : vector<16xf32>
      %add3A_941 = arith.constant 304 : i32
      %add3A_942 = arith.addi %mul3A_847, %add3A_941 : i32
      %get3A_943 = arith.index_cast %add3A_942 : i32 to index
      %get3A_944 = tpu.vector_load %arg4[%get3A_943] {strides = array<i32>} : memref<32768xf32, #tpu.memory_space<vmem>>, vector<16xf32>,
      %max3A_945 = arith.maximumf %max3A_940, %get3A_944 : vector<16xf32>
      %add3A_946 = arith.constant 320 : i32
      %add3A_947 = arith.addi %mul3A_847, %add3A_946 : i32
      %get3A_948 = arith.index_cast %add3A_947 : i32 to index
      %get3A_949 = tpu.vector_load %arg4[%get3A_948] {strides = array<i32>} : memref<32768xf32, #tpu.memory_space<vmem>>, vector<16xf32>,
      %max3A_950 = arith.maximumf %max3A_945, %get3A_949 : vector<16xf32>
      %add3A_951 = arith.constant 336 : i32
      %add3A_952 = arith.addi %mul3A_847, %add3A_951 : i32
      %get3A_953 = arith.index_cast %add3A_952 : i32 to index
      %get3A_954 = tpu.vector_load %arg4[%get3A_953] {strides = array<i32>} : memref<32768xf32, #tpu.memory_space<vmem>>, vector<16xf32>,
      %max3A_955 = arith.maximumf %max3A_950, %get3A_954 : vector<16xf32>
      %add3A_956 = arith.constant 352 : i32
      %add3A_957 = arith.addi %mul3A_847, %add3A_956 : i32
      %get3A_958 = arith.index_cast %add3A_957 : i32 to index
      %get3A_959 = tpu.vector_load %arg4[%get3A_958] {strides = array<i32>} : memref<32768xf32, #tpu.memory_space<vmem>>, vector<16xf32>,
      %max3A_960 = arith.maximumf %max3A_955, %get3A_959 : vector<16xf32>
      %add3A_961 = arith.constant 368 : i32
      %add3A_962 = arith.addi %mul3A_847, %add3A_961 : i32
      %get3A_963 = arith.index_cast %add3A_962 : i32 to index
      %get3A_964 = tpu.vector_load %arg4[%get3A_963] {strides = array<i32>} : memref<32768xf32, #tpu.memory_space<vmem>>, vector<16xf32>,
      %max3A_965 = arith.maximumf %max3A_960, %get3A_964 : vector<16xf32>
      %add3A_966 = arith.constant 384 : i32
      %add3A_967 = arith.addi %mul3A_847, %add3A_966 : i32
      %get3A_968 = arith.index_cast %add3A_967 : i32 to index
      %get3A_969 = tpu.vector_load %arg4[%get3A_968] {strides = array<i32>} : memref<32768xf32, #tpu.memory_space<vmem>>, vector<16xf32>,
      %max3A_970 = arith.maximumf %max3A_965, %get3A_969 : vector<16xf32>
      %add3A_971 = arith.constant 400 : i32
      %add3A_972 = arith.addi %mul3A_847, %add3A_971 : i32
      %get3A_973 = arith.index_cast %add3A_972 : i32 to index
      %get3A_974 = tpu.vector_load %arg4[%get3A_973] {strides = array<i32>} : memref<32768xf32, #tpu.memory_space<vmem>>, vector<16xf32>,
      %max3A_975 = arith.maximumf %max3A_970, %get3A_974 : vector<16xf32>
      %add3A_976 = arith.constant 416 : i32
      %add3A_977 = arith.addi %mul3A_847, %add3A_976 : i32
      %get3A_978 = arith.index_cast %add3A_977 : i32 to index
      %get3A_979 = tpu.vector_load %arg4[%get3A_978] {strides = array<i32>} : memref<32768xf32, #tpu.memory_space<vmem>>, vector<16xf32>,
      %max3A_980 = arith.maximumf %max3A_975, %get3A_979 : vector<16xf32>
      %add3A_981 = arith.constant 432 : i32
      %add3A_982 = arith.addi %mul3A_847, %add3A_981 : i32
      %get3A_983 = arith.index_cast %add3A_982 : i32 to index
      %get3A_984 = tpu.vector_load %arg4[%get3A_983] {strides = array<i32>} : memref<32768xf32, #tpu.memory_space<vmem>>, vector<16xf32>,
      %max3A_985 = arith.maximumf %max3A_980, %get3A_984 : vector<16xf32>
      %add3A_986 = arith.constant 448 : i32
      %add3A_987 = arith.addi %mul3A_847, %add3A_986 : i32
      %get3A_988 = arith.index_cast %add3A_987 : i32 to index
      %get3A_989 = tpu.vector_load %arg4[%get3A_988] {strides = array<i32>} : memref<32768xf32, #tpu.memory_space<vmem>>, vector<16xf32>,
      %max3A_990 = arith.maximumf %max3A_985, %get3A_989 : vector<16xf32>
      %add3A_991 = arith.constant 464 : i32
      %add3A_992 = arith.addi %mul3A_847, %add3A_991 : i32
      %get3A_993 = arith.index_cast %add3A_992 : i32 to index
      %get3A_994 = tpu.vector_load %arg4[%get3A_993] {strides = array<i32>} : memref<32768xf32, #tpu.memory_space<vmem>>, vector<16xf32>,
      %max3A_995 = arith.maximumf %max3A_990, %get3A_994 : vector<16xf32>
      %add3A_996 = arith.constant 480 : i32
      %add3A_997 = arith.addi %mul3A_847, %add3A_996 : i32
      %get3A_998 = arith.index_cast %add3A_997 : i32 to index
      %get3A_999 = tpu.vector_load %arg4[%get3A_998] {strides = array<i32>} : memref<32768xf32, #tpu.memory_space<vmem>>, vector<16xf32>,
      %max3A_1000 = arith.maximumf %max3A_995, %get3A_999 : vector<16xf32>
      %add3A_1001 = arith.constant 496 : i32
      %add3A_1002 = arith.addi %mul3A_847, %add3A_1001 : i32
      %get3A_1003 = arith.index_cast %add3A_1002 : i32 to index
      %get3A_1004 = tpu.vector_load %arg4[%get3A_1003] {strides = array<i32>} : memref<32768xf32, #tpu.memory_space<vmem>>, vector<16xf32>,
      %max3A_1005 = arith.maximumf %max3A_1000, %get3A_1004 : vector<16xf32>
      %bitcast_convert_type3A_1006 = tpu.bitcast %max3A_1005 : vector<16xf32> -> vector<16xi32>
      %broadcast_in_dim3A_1007 = arith.constant 31 : i32
      %broadcast_in_dim3A_1008 = vector.broadcast %broadcast_in_dim3A_1007 : i32 to vector<16xi32>
      %shift_right_arithmetic3A_1009 = arith.shrsi %bitcast_convert_type3A_1006, %broadcast_in_dim3A_1008 : vector<16xi32>
      %broadcast_in_dim3A_1010 = arith.constant -2147483648 : i32
      %broadcast_in_dim3A_1011 = vector.broadcast %broadcast_in_dim3A_1010 : i32 to vector<16xi32>
      %or3A_1012 = arith.ori %shift_right_arithmetic3A_1009, %broadcast_in_dim3A_1011 : vector<16xi32>
      %xor3A_1013 = arith.xori %bitcast_convert_type3A_1006, %or3A_1012 : vector<16xi32>
      %bitcast_convert_type3A_1014 = tpu.bitcast %xor3A_1013 : vector<16xi32> -> vector<16xi32>
      %mul3A_1015 = arith.constant 16 : i32
      %mul3A_1016 = arith.muli %scan3A_844, %mul3A_1015 : i32
      %swap3A_1017 = arith.index_cast %mul3A_1016 : i32 to index
      %swap3A_1018 = tpu.vector_load %arg5[%swap3A_1017] {strides = array<i32>} : memref<1024xi32, #tpu.memory_space<vmem>>, vector<16xi32>,
      tpu.vector_store %arg5[%swap3A_1017], %bitcast_convert_type3A_1014 {strides = array<i32>} : memref<1024xi32, #tpu.memory_space<vmem>>, vector<16xi32>,
      %scan3A_1019 = arith.constant 0 : i32
      scf.yield %scan3A_1019 : i32
    }
    %scan3A_209 = arith.constant 64 : i32
    %broadcast_in_dim3A_210 = arith.constant 1 : i32
    %broadcast_in_dim3A_211 = vector.broadcast %broadcast_in_dim3A_210 : i32 to vector<16xi32>
    %broadcast_in_dim3A_212 = arith.constant 0 : i32
    %broadcast_in_dim3A_213 = vector.broadcast %broadcast_in_dim3A_212 : i32 to vector<16xi32>
    %scan3A_214 = arith.constant 0 : i32
    %scan3A_215 = arith.constant 32 : i32
    %scan3A_216 = arith.addi %scan3A_214, %scan3A_215 : i32
    %scan3A_217 = arith.constant 1 : i32
    %scan3A_218 = scf.for %scan3A_844 = %scan3A_214 to %scan3A_216 step %scan3A_217 iter_args(%scan3A_845 = %broadcast_in_dim3A_213) -> (vector<16xi32>)  : i32 {
      %sub3A_846 = arith.constant 31 : i32
      %sub3A_847 = arith.subi %sub3A_846, %scan3A_844 : i32
      %broadcast_in_dim3A_848 = vector.broadcast %sub3A_847 : i32 to vector<16xi32>
      %shift_left3A = arith.shli %broadcast_in_dim3A_211, %broadcast_in_dim3A_848 : vector<16xi32>
      %or3A_849 = arith.ori %scan3A_845, %shift_left3A : vector<16xi32>
      %broadcast_in_dim3A_850 = arith.constant 0 : i32
      %broadcast_in_dim3A_851 = vector.broadcast %broadcast_in_dim3A_850 : i32 to vector<16xi32>
      %scan3A_852 = arith.constant 0 : i32
      %scan3A_853 = arith.constant 16 : i32
      %scan3A_854 = arith.addi %scan3A_852, %scan3A_853 : i32
      %scan3A_855 = arith.constant 1 : i32
      %scan3A_856 = scf.for %scan3A_865 = %scan3A_852 to %scan3A_854 step %scan3A_855 iter_args(%scan3A_866 = %broadcast_in_dim3A_851) -> (vector<16xi32>)  : i32 {
        %mul3A_867 = arith.constant 4 : i32
        %mul3A_868 = arith.muli %scan3A_865, %mul3A_867 : i32
        %add3A_869 = arith.constant 0 : i32
        %add3A_870 = arith.addi %mul3A_868, %add3A_869 : i32
        %mul3A_871 = arith.constant 16 : i32
        %mul3A_872 = arith.muli %add3A_870, %mul3A_871 : i32
        %get3A = arith.index_cast %mul3A_872 : i32 to index
        %get3A_873 = tpu.vector_load %arg5[%get3A] {strides = array<i32>} : memref<1024xi32, #tpu.memory_space<vmem>>, vector<16xi32>,
        %ge3A_874 = arith.cmpi uge, %get3A_873, %or3A_849 : vector<16xi32>
        %jit3A_875 = arith.constant 1 : i32
        %jit3A_876 = arith.constant 0 : i32
        %broadcast_in_dim3A_877 = vector.broadcast %jit3A_875 : i32 to vector<16xi32>
        %broadcast_in_dim3A_878 = vector.broadcast %jit3A_876 : i32 to vector<16xi32>
        %select_n3A_879 = arith.select %ge3A_874, %broadcast_in_dim3A_877, %broadcast_in_dim3A_878 : vector<16xi1>, vector<16xi32>
        %add3A_880 = arith.addi %scan3A_866, %select_n3A_879 : vector<16xi32>
        %mul3A_881 = arith.constant 4 : i32
        %mul3A_882 = arith.muli %scan3A_865, %mul3A_881 : i32
        %add3A_883 = arith.constant 1 : i32
        %add3A_884 = arith.addi %mul3A_882, %add3A_883 : i32
        %mul3A_885 = arith.constant 16 : i32
        %mul3A_886 = arith.muli %add3A_884, %mul3A_885 : i32
        %get3A_887 = arith.index_cast %mul3A_886 : i32 to index
        %get3A_888 = tpu.vector_load %arg5[%get3A_887] {strides = array<i32>} : memref<1024xi32, #tpu.memory_space<vmem>>, vector<16xi32>,
        %ge3A_889 = arith.cmpi uge, %get3A_888, %or3A_849 : vector<16xi32>
        %jit3A_890 = arith.constant 1 : i32
        %jit3A_891 = arith.constant 0 : i32
        %broadcast_in_dim3A_892 = vector.broadcast %jit3A_890 : i32 to vector<16xi32>
        %broadcast_in_dim3A_893 = vector.broadcast %jit3A_891 : i32 to vector<16xi32>
        %select_n3A_894 = arith.select %ge3A_889, %broadcast_in_dim3A_892, %broadcast_in_dim3A_893 : vector<16xi1>, vector<16xi32>
        %add3A_895 = arith.addi %add3A_880, %select_n3A_894 : vector<16xi32>
        %mul3A_896 = arith.constant 4 : i32
        %mul3A_897 = arith.muli %scan3A_865, %mul3A_896 : i32
        %add3A_898 = arith.constant 2 : i32
        %add3A_899 = arith.addi %mul3A_897, %add3A_898 : i32
        %mul3A_900 = arith.constant 16 : i32
        %mul3A_901 = arith.muli %add3A_899, %mul3A_900 : i32
        %get3A_902 = arith.index_cast %mul3A_901 : i32 to index
        %get3A_903 = tpu.vector_load %arg5[%get3A_902] {strides = array<i32>} : memref<1024xi32, #tpu.memory_space<vmem>>, vector<16xi32>,
        %ge3A_904 = arith.cmpi uge, %get3A_903, %or3A_849 : vector<16xi32>
        %jit3A_905 = arith.constant 1 : i32
        %jit3A_906 = arith.constant 0 : i32
        %broadcast_in_dim3A_907 = vector.broadcast %jit3A_905 : i32 to vector<16xi32>
        %broadcast_in_dim3A_908 = vector.broadcast %jit3A_906 : i32 to vector<16xi32>
        %select_n3A_909 = arith.select %ge3A_904, %broadcast_in_dim3A_907, %broadcast_in_dim3A_908 : vector<16xi1>, vector<16xi32>
        %add3A_910 = arith.addi %add3A_895, %select_n3A_909 : vector<16xi32>
        %mul3A_911 = arith.constant 4 : i32
        %mul3A_912 = arith.muli %scan3A_865, %mul3A_911 : i32
        %add3A_913 = arith.constant 3 : i32
        %add3A_914 = arith.addi %mul3A_912, %add3A_913 : i32
        %mul3A_915 = arith.constant 16 : i32
        %mul3A_916 = arith.muli %add3A_914, %mul3A_915 : i32
        %get3A_917 = arith.index_cast %mul3A_916 : i32 to index
        %get3A_918 = tpu.vector_load %arg5[%get3A_917] {strides = array<i32>} : memref<1024xi32, #tpu.memory_space<vmem>>, vector<16xi32>,
        %ge3A_919 = arith.cmpi uge, %get3A_918, %or3A_849 : vector<16xi32>
        %jit3A_920 = arith.constant 1 : i32
        %jit3A_921 = arith.constant 0 : i32
        %broadcast_in_dim3A_922 = vector.broadcast %jit3A_920 : i32 to vector<16xi32>
        %broadcast_in_dim3A_923 = vector.broadcast %jit3A_921 : i32 to vector<16xi32>
        %select_n3A_924 = arith.select %ge3A_919, %broadcast_in_dim3A_922, %broadcast_in_dim3A_923 : vector<16xi1>, vector<16xi32>
        %add3A_925 = arith.addi %add3A_910, %select_n3A_924 : vector<16xi32>
        scf.yield %add3A_925 : vector<16xi32>
      }
      %scan3A_857 = arith.constant 16 : i32
      %reduce_sum3A_858 = arith.constant true
      %reduce_sum3A_859 = vector.broadcast %reduce_sum3A_858 : i1 to vector<16xi1>
      %reduce_sum3A_860 = tpu.scan <sum>, %scan3A_856 masked %reduce_sum3A_859 : vector<16xi32>, vector<16xi1> -> vector<16xi32>
      %reduce_sum3A_861 = vector.extract %reduce_sum3A_860[15] : i32 from vector<16xi32>
      %ge3A = arith.constant 64 : i32
      %ge3A_862 = arith.cmpi sge, %reduce_sum3A_861, %ge3A : i32
      %broadcast_in_dim3A_863 = vector.broadcast %ge3A_862 : i1 to vector<16xi1>
      %select_n3A_864 = arith.select %broadcast_in_dim3A_863, %or3A_849, %scan3A_845 : vector<16xi1>, vector<16xi32>
      scf.yield %select_n3A_864 : vector<16xi32>
    }
    %scan3A_219 = arith.constant 32 : i32
    %bitcast_convert_type3A_220 = tpu.bitcast %scan3A_218 : vector<16xi32> -> vector<16xi32>
    %broadcast_in_dim3A_221 = arith.constant 31 : i32
    %broadcast_in_dim3A_222 = vector.broadcast %broadcast_in_dim3A_221 : i32 to vector<16xi32>
    %shift_right_arithmetic3A_223 = arith.shrsi %bitcast_convert_type3A_220, %broadcast_in_dim3A_222 : vector<16xi32>
    %not3A_224 = arith.constant dense<-1> : vector<16xi32>
    %not3A_225 = arith.xori %shift_right_arithmetic3A_223, %not3A_224 : vector<16xi32>
    %broadcast_in_dim3A_226 = arith.constant -2147483648 : i32
    %broadcast_in_dim3A_227 = vector.broadcast %broadcast_in_dim3A_226 : i32 to vector<16xi32>
    %or3A_228 = arith.ori %not3A_225, %broadcast_in_dim3A_227 : vector<16xi32>
    %xor3A_229 = arith.xori %bitcast_convert_type3A_220, %or3A_228 : vector<16xi32>
    %bitcast_convert_type3A_230 = tpu.bitcast %xor3A_229 : vector<16xi32> -> vector<16xf32>
    %scan3A_231 = arith.constant 0 : i32
    %scan3A_232 = arith.constant 0 : i32
    %scan3A_233 = arith.constant 2048 : i32
    %scan3A_234 = arith.addi %scan3A_232, %scan3A_233 : i32
    %scan3A_235 = arith.constant 1 : i32
    %scan3A_236 = scf.for %scan3A_844 = %scan3A_232 to %scan3A_234 step %scan3A_235 iter_args(%scan3A_845 = %scan3A_231) -> (i32)  : i32 {
      %mul3A_846 = arith.constant 16 : i32
      %mul3A_847 = arith.muli %scan3A_844, %mul3A_846 : i32
      %get3A = arith.index_cast %mul3A_847 : i32 to index
      %get3A_848 = tpu.vector_load %arg4[%get3A] {strides = array<i32>} : memref<32768xf32, #tpu.memory_space<vmem>>, vector<16xf32>,
      %ge3A = arith.cmpf oge, %get3A_848, %bitcast_convert_type3A_230 : vector<16xf32>
      %reduce_or3A = arith.constant 1.000000e+00 : f32
      %reduce_or3A_849 = arith.constant 0.000000e+00 : f32
      %reduce_or3A_850 = vector.broadcast %reduce_or3A : f32 to vector<16xf32>
      %reduce_or3A_851 = vector.broadcast %reduce_or3A_849 : f32 to vector<16xf32>
      %reduce_or3A_852 = arith.select %ge3A, %reduce_or3A_850, %reduce_or3A_851 : vector<16xi1>, vector<16xf32>
      %reduce_or3A_853 = arith.constant true
      %reduce_or3A_854 = vector.broadcast %reduce_or3A_853 : i1 to vector<16xi1>
      %reduce_or3A_855 = tpu.scan <max>, %reduce_or3A_852 masked %reduce_or3A_854 : vector<16xf32>, vector<16xi1> -> vector<16xf32>
      %reduce_or3A_856 = vector.extract %reduce_or3A_855[15] : f32 from vector<16xf32>
      %reduce_or3A_857 = arith.constant 0.000000e+00 : f32
      %reduce_or3A_858 = arith.cmpf ogt, %reduce_or3A_856, %reduce_or3A_857 : f32
      %convert_element_type3A_859 = arith.extui %reduce_or3A_858 : i1 to i32
      %cond3A = arith.constant 0 : i32
      %cond3A_860 = arith.cmpi ne, %convert_element_type3A_859, %cond3A : i32
      scf.if %cond3A_860 {
        %bitcast_convert_type3A_864 = tpu.bitcast %get3A_848 : vector<16xf32> -> vector<16xi32>
        %broadcast_in_dim3A_865 = arith.constant 31 : i32
        %broadcast_in_dim3A_866 = vector.broadcast %broadcast_in_dim3A_865 : i32 to vector<16xi32>
        %shift_right_arithmetic3A_867 = arith.shrsi %bitcast_convert_type3A_864, %broadcast_in_dim3A_866 : vector<16xi32>
        %broadcast_in_dim3A_868 = arith.constant -2147483648 : i32
        %broadcast_in_dim3A_869 = vector.broadcast %broadcast_in_dim3A_868 : i32 to vector<16xi32>
        %or3A_870 = arith.ori %shift_right_arithmetic3A_867, %broadcast_in_dim3A_869 : vector<16xi32>
        %xor3A_871 = arith.xori %bitcast_convert_type3A_864, %or3A_870 : vector<16xi32>
        %bitcast_convert_type3A_872 = tpu.bitcast %xor3A_871 : vector<16xi32> -> vector<16xi32>
        %broadcast_in_dim3A_873 = arith.constant 0 : i32
        %broadcast_in_dim3A_874 = vector.broadcast %broadcast_in_dim3A_873 : i32 to vector<16xi32>
        %select_n3A_875 = arith.select %ge3A, %bitcast_convert_type3A_872, %broadcast_in_dim3A_874 : vector<16xi1>, vector<16xi32>
        %swap3A_876 = arith.index_cast %scan3A_845 : i32 to index
        %swap3A_877 = tpu.vector_load %arg6[%swap3A_876] {strides = array<i32>} : memref<32816xi32, #tpu.memory_space<vmem>>, vector<16xi32>,
        tpu.vector_store %arg6[%swap3A_876], %select_n3A_875 {strides = array<i32>} : memref<32816xi32, #tpu.memory_space<vmem>>, vector<16xi32>,
      } else {
      }
      %add3A_861 = arith.constant 16 : i32
      %add3A_862 = arith.addi %scan3A_845, %add3A_861 : i32
      %select_n3A_863 = arith.select %reduce_or3A_858, %add3A_862, %scan3A_845 : i32
      scf.yield %select_n3A_863 : i32
    }
    %scan3A_237 = arith.constant 2048 : i32
    %broadcast_in_dim3A_238 = arith.constant 0 : i32
    %broadcast_in_dim3A_239 = vector.broadcast %broadcast_in_dim3A_238 : i32 to vector<16xi32>
    %add3A_240 = arith.constant 0 : i32
    %add3A_241 = arith.addi %scan3A_236, %add3A_240 : i32
    %swap3A_242 = arith.index_cast %add3A_241 : i32 to index
    %swap3A_243 = tpu.vector_load %arg6[%swap3A_242] {strides = array<i32>} : memref<32816xi32, #tpu.memory_space<vmem>>, vector<16xi32>,
    tpu.vector_store %arg6[%swap3A_242], %broadcast_in_dim3A_239 {strides = array<i32>} : memref<32816xi32, #tpu.memory_space<vmem>>, vector<16xi32>,
    %add3A_244 = arith.constant 16 : i32
    %add3A_245 = arith.addi %scan3A_236, %add3A_244 : i32
    %swap3A_246 = arith.index_cast %add3A_245 : i32 to index
    %swap3A_247 = tpu.vector_load %arg6[%swap3A_246] {strides = array<i32>} : memref<32816xi32, #tpu.memory_space<vmem>>, vector<16xi32>,
    tpu.vector_store %arg6[%swap3A_246], %broadcast_in_dim3A_239 {strides = array<i32>} : memref<32816xi32, #tpu.memory_space<vmem>>, vector<16xi32>,
    %add3A_248 = arith.constant 32 : i32
    %add3A_249 = arith.addi %scan3A_236, %add3A_248 : i32
    %swap3A_250 = arith.index_cast %add3A_249 : i32 to index
    %swap3A_251 = tpu.vector_load %arg6[%swap3A_250] {strides = array<i32>} : memref<32816xi32, #tpu.memory_space<vmem>>, vector<16xi32>,
    tpu.vector_store %arg6[%swap3A_250], %broadcast_in_dim3A_239 {strides = array<i32>} : memref<32816xi32, #tpu.memory_space<vmem>>, vector<16xi32>,
    %jit3A_252 = arith.constant 16 : i32
    %div3A_253 = arith.divsi %scan3A_236, %jit3A_252 : i32
    %sign3A_254 = arith.constant 0 : i32
    %sign3A_255 = arith.cmpi sgt, %scan3A_236, %sign3A_254 : i32
    %sign3A_256 = arith.extui %sign3A_255 : i1 to i32
    %sign3A_257 = arith.constant 0 : i32
    %sign3A_258 = arith.cmpi slt, %scan3A_236, %sign3A_257 : i32
    %sign3A_259 = arith.extui %sign3A_258 : i1 to i32
    %sign3A_260 = arith.subi %sign3A_256, %sign3A_259 : i32
    %sign3A_261 = arith.constant 0 : i32
    %sign3A_262 = arith.cmpi sgt, %jit3A_252, %sign3A_261 : i32
    %sign3A_263 = arith.extui %sign3A_262 : i1 to i32
    %sign3A_264 = arith.constant 0 : i32
    %sign3A_265 = arith.cmpi slt, %jit3A_252, %sign3A_264 : i32
    %sign3A_266 = arith.extui %sign3A_265 : i1 to i32
    %sign3A_267 = arith.subi %sign3A_263, %sign3A_266 : i32
    %ne3A_268 = arith.cmpi ne, %sign3A_260, %sign3A_267 : i32
    %rem3A_269 = arith.remsi %scan3A_236, %jit3A_252 : i32
    %ne3A_270 = arith.constant 0 : i32
    %ne3A_271 = arith.cmpi ne, %rem3A_269, %ne3A_270 : i32
    %and3A_272 = arith.andi %ne3A_268, %ne3A_271 : i1
    %sub3A_273 = arith.constant 1 : i32
    %sub3A_274 = arith.subi %div3A_253, %sub3A_273 : i32
    %select_n3A_275 = arith.select %and3A_272, %sub3A_274, %div3A_253 : i32
    %add3A_276 = arith.constant 3 : i32
    %add3A_277 = arith.addi %select_n3A_275, %add3A_276 : i32
    %jit3A_278 = arith.constant 4 : i32
    %div3A_279 = arith.divsi %add3A_277, %jit3A_278 : i32
    %sign3A_280 = arith.constant 0 : i32
    %sign3A_281 = arith.cmpi sgt, %add3A_277, %sign3A_280 : i32
    %sign3A_282 = arith.extui %sign3A_281 : i1 to i32
    %sign3A_283 = arith.constant 0 : i32
    %sign3A_284 = arith.cmpi slt, %add3A_277, %sign3A_283 : i32
    %sign3A_285 = arith.extui %sign3A_284 : i1 to i32
    %sign3A_286 = arith.subi %sign3A_282, %sign3A_285 : i32
    %sign3A_287 = arith.constant 0 : i32
    %sign3A_288 = arith.cmpi sgt, %jit3A_278, %sign3A_287 : i32
    %sign3A_289 = arith.extui %sign3A_288 : i1 to i32
    %sign3A_290 = arith.constant 0 : i32
    %sign3A_291 = arith.cmpi slt, %jit3A_278, %sign3A_290 : i32
    %sign3A_292 = arith.extui %sign3A_291 : i1 to i32
    %sign3A_293 = arith.subi %sign3A_289, %sign3A_292 : i32
    %ne3A_294 = arith.cmpi ne, %sign3A_286, %sign3A_293 : i32
    %rem3A_295 = arith.remsi %add3A_277, %jit3A_278 : i32
    %ne3A_296 = arith.constant 0 : i32
    %ne3A_297 = arith.cmpi ne, %rem3A_295, %ne3A_296 : i32
    %and3A_298 = arith.andi %ne3A_294, %ne3A_297 : i1
    %sub3A_299 = arith.constant 1 : i32
    %sub3A_300 = arith.subi %div3A_279, %sub3A_299 : i32
    %select_n3A_301 = arith.select %and3A_298, %sub3A_300, %div3A_279 : i32
    %mul3A_302 = arith.constant 4 : i32
    %mul3A_303 = arith.muli %select_n3A_301, %mul3A_302 : i32
    %jit3A_304 = arith.constant 4 : i32
    %div3A_305 = arith.divsi %mul3A_303, %jit3A_304 : i32
    %sign3A_306 = arith.constant 0 : i32
    %sign3A_307 = arith.cmpi sgt, %mul3A_303, %sign3A_306 : i32
    %sign3A_308 = arith.extui %sign3A_307 : i1 to i32
    %sign3A_309 = arith.constant 0 : i32
    %sign3A_310 = arith.cmpi slt, %mul3A_303, %sign3A_309 : i32
    %sign3A_311 = arith.extui %sign3A_310 : i1 to i32
    %sign3A_312 = arith.subi %sign3A_308, %sign3A_311 : i32
    %sign3A_313 = arith.constant 0 : i32
    %sign3A_314 = arith.cmpi sgt, %jit3A_304, %sign3A_313 : i32
    %sign3A_315 = arith.extui %sign3A_314 : i1 to i32
    %sign3A_316 = arith.constant 0 : i32
    %sign3A_317 = arith.cmpi slt, %jit3A_304, %sign3A_316 : i32
    %sign3A_318 = arith.extui %sign3A_317 : i1 to i32
    %sign3A_319 = arith.subi %sign3A_315, %sign3A_318 : i32
    %ne3A_320 = arith.cmpi ne, %sign3A_312, %sign3A_319 : i32
    %rem3A_321 = arith.remsi %mul3A_303, %jit3A_304 : i32
    %ne3A_322 = arith.constant 0 : i32
    %ne3A_323 = arith.cmpi ne, %rem3A_321, %ne3A_322 : i32
    %and3A_324 = arith.andi %ne3A_320, %ne3A_323 : i1
    %sub3A_325 = arith.constant 1 : i32
    %sub3A_326 = arith.subi %div3A_305, %sub3A_325 : i32
    %select_n3A_327 = arith.select %and3A_324, %sub3A_326, %div3A_305 : i32
    %broadcast_in_dim3A_328 = arith.constant 1 : i32
    %broadcast_in_dim3A_329 = vector.broadcast %broadcast_in_dim3A_328 : i32 to vector<16xi32>
    %broadcast_in_dim3A_330 = arith.constant 0 : i32
    %broadcast_in_dim3A_331 = vector.broadcast %broadcast_in_dim3A_330 : i32 to vector<16xi32>
    %scan3A_332 = arith.constant 0 : i32
    %scan3A_333 = arith.constant 32 : i32
    %scan3A_334 = arith.addi %scan3A_332, %scan3A_333 : i32
    %scan3A_335 = arith.constant 1 : i32
    %scan3A_336 = scf.for %scan3A_844 = %scan3A_332 to %scan3A_334 step %scan3A_335 iter_args(%scan3A_845 = %broadcast_in_dim3A_331) -> (vector<16xi32>)  : i32 {
      %sub3A_846 = arith.constant 31 : i32
      %sub3A_847 = arith.subi %sub3A_846, %scan3A_844 : i32
      %broadcast_in_dim3A_848 = vector.broadcast %sub3A_847 : i32 to vector<16xi32>
      %shift_left3A = arith.shli %broadcast_in_dim3A_329, %broadcast_in_dim3A_848 : vector<16xi32>
      %or3A_849 = arith.ori %scan3A_845, %shift_left3A : vector<16xi32>
      %broadcast_in_dim3A_850 = arith.constant 0 : i32
      %broadcast_in_dim3A_851 = vector.broadcast %broadcast_in_dim3A_850 : i32 to vector<16xi32>
      %while3A_852 = arith.constant 0 : i32
      %while3A_853 = arith.subi %select_n3A_327, %while3A_852 : i32
      %while3A_854 = arith.addi %while3A_852, %while3A_853 : i32
      %while3A_855 = arith.constant 1 : i32
      %while3A_856 = arith.divsi %while3A_853, %while3A_855 : i32
      %while3A_857 = arith.muli %while3A_856, %while3A_855 : i32
      %while3A_858 = arith.addi %while3A_852, %while3A_857 : i32
      %while3A_859 = arith.constant 1 : i32
      %while3A_860 = scf.for %while3A_870 = %while3A_852 to %while3A_858 step %while3A_859 iter_args(%while3A_871 = %broadcast_in_dim3A_851) -> (vector<16xi32>)  : i32 {
        %mul3A_872 = arith.constant 4 : i32
        %mul3A_873 = arith.muli %while3A_870, %mul3A_872 : i32
        %add3A_874 = arith.constant 0 : i32
        %add3A_875 = arith.addi %mul3A_873, %add3A_874 : i32
        %mul3A_876 = arith.constant 16 : i32
        %mul3A_877 = arith.muli %add3A_875, %mul3A_876 : i32
        %get3A = arith.index_cast %mul3A_877 : i32 to index
        %get3A_878 = tpu.vector_load %arg6[%get3A] {strides = array<i32>} : memref<32816xi32, #tpu.memory_space<vmem>>, vector<16xi32>,
        %ge3A_879 = arith.cmpi uge, %get3A_878, %or3A_849 : vector<16xi32>
        %jit3A_880 = arith.constant 1 : i32
        %jit3A_881 = arith.constant 0 : i32
        %broadcast_in_dim3A_882 = vector.broadcast %jit3A_880 : i32 to vector<16xi32>
        %broadcast_in_dim3A_883 = vector.broadcast %jit3A_881 : i32 to vector<16xi32>
        %select_n3A_884 = arith.select %ge3A_879, %broadcast_in_dim3A_882, %broadcast_in_dim3A_883 : vector<16xi1>, vector<16xi32>
        %add3A_885 = arith.addi %while3A_871, %select_n3A_884 : vector<16xi32>
        %mul3A_886 = arith.constant 4 : i32
        %mul3A_887 = arith.muli %while3A_870, %mul3A_886 : i32
        %add3A_888 = arith.constant 1 : i32
        %add3A_889 = arith.addi %mul3A_887, %add3A_888 : i32
        %mul3A_890 = arith.constant 16 : i32
        %mul3A_891 = arith.muli %add3A_889, %mul3A_890 : i32
        %get3A_892 = arith.index_cast %mul3A_891 : i32 to index
        %get3A_893 = tpu.vector_load %arg6[%get3A_892] {strides = array<i32>} : memref<32816xi32, #tpu.memory_space<vmem>>, vector<16xi32>,
        %ge3A_894 = arith.cmpi uge, %get3A_893, %or3A_849 : vector<16xi32>
        %jit3A_895 = arith.constant 1 : i32
        %jit3A_896 = arith.constant 0 : i32
        %broadcast_in_dim3A_897 = vector.broadcast %jit3A_895 : i32 to vector<16xi32>
        %broadcast_in_dim3A_898 = vector.broadcast %jit3A_896 : i32 to vector<16xi32>
        %select_n3A_899 = arith.select %ge3A_894, %broadcast_in_dim3A_897, %broadcast_in_dim3A_898 : vector<16xi1>, vector<16xi32>
        %add3A_900 = arith.addi %add3A_885, %select_n3A_899 : vector<16xi32>
        %mul3A_901 = arith.constant 4 : i32
        %mul3A_902 = arith.muli %while3A_870, %mul3A_901 : i32
        %add3A_903 = arith.constant 2 : i32
        %add3A_904 = arith.addi %mul3A_902, %add3A_903 : i32
        %mul3A_905 = arith.constant 16 : i32
        %mul3A_906 = arith.muli %add3A_904, %mul3A_905 : i32
        %get3A_907 = arith.index_cast %mul3A_906 : i32 to index
        %get3A_908 = tpu.vector_load %arg6[%get3A_907] {strides = array<i32>} : memref<32816xi32, #tpu.memory_space<vmem>>, vector<16xi32>,
        %ge3A_909 = arith.cmpi uge, %get3A_908, %or3A_849 : vector<16xi32>
        %jit3A_910 = arith.constant 1 : i32
        %jit3A_911 = arith.constant 0 : i32
        %broadcast_in_dim3A_912 = vector.broadcast %jit3A_910 : i32 to vector<16xi32>
        %broadcast_in_dim3A_913 = vector.broadcast %jit3A_911 : i32 to vector<16xi32>
        %select_n3A_914 = arith.select %ge3A_909, %broadcast_in_dim3A_912, %broadcast_in_dim3A_913 : vector<16xi1>, vector<16xi32>
        %add3A_915 = arith.addi %add3A_900, %select_n3A_914 : vector<16xi32>
        %mul3A_916 = arith.constant 4 : i32
        %mul3A_917 = arith.muli %while3A_870, %mul3A_916 : i32
        %add3A_918 = arith.constant 3 : i32
        %add3A_919 = arith.addi %mul3A_917, %add3A_918 : i32
        %mul3A_920 = arith.constant 16 : i32
        %mul3A_921 = arith.muli %add3A_919, %mul3A_920 : i32
        %get3A_922 = arith.index_cast %mul3A_921 : i32 to index
        %get3A_923 = tpu.vector_load %arg6[%get3A_922] {strides = array<i32>} : memref<32816xi32, #tpu.memory_space<vmem>>, vector<16xi32>,
        %ge3A_924 = arith.cmpi uge, %get3A_923, %or3A_849 : vector<16xi32>
        %jit3A_925 = arith.constant 1 : i32
        %jit3A_926 = arith.constant 0 : i32
        %broadcast_in_dim3A_927 = vector.broadcast %jit3A_925 : i32 to vector<16xi32>
        %broadcast_in_dim3A_928 = vector.broadcast %jit3A_926 : i32 to vector<16xi32>
        %select_n3A_929 = arith.select %ge3A_924, %broadcast_in_dim3A_927, %broadcast_in_dim3A_928 : vector<16xi1>, vector<16xi32>
        %add3A_930 = arith.addi %add3A_915, %select_n3A_929 : vector<16xi32>
        scf.yield %add3A_930 : vector<16xi32>
      }
      %while3A_861 = arith.constant 1 : i32
      %while3A_862 = scf.for %while3A_870 = %while3A_858 to %while3A_854 step %while3A_861 iter_args(%while3A_871 = %while3A_860) -> (vector<16xi32>)  : i32 {
        %mul3A_872 = arith.constant 4 : i32
        %mul3A_873 = arith.muli %while3A_870, %mul3A_872 : i32
        %add3A_874 = arith.constant 0 : i32
        %add3A_875 = arith.addi %mul3A_873, %add3A_874 : i32
        %mul3A_876 = arith.constant 16 : i32
        %mul3A_877 = arith.muli %add3A_875, %mul3A_876 : i32
        %get3A = arith.index_cast %mul3A_877 : i32 to index
        %get3A_878 = tpu.vector_load %arg6[%get3A] {strides = array<i32>} : memref<32816xi32, #tpu.memory_space<vmem>>, vector<16xi32>,
        %ge3A_879 = arith.cmpi uge, %get3A_878, %or3A_849 : vector<16xi32>
        %jit3A_880 = arith.constant 1 : i32
        %jit3A_881 = arith.constant 0 : i32
        %broadcast_in_dim3A_882 = vector.broadcast %jit3A_880 : i32 to vector<16xi32>
        %broadcast_in_dim3A_883 = vector.broadcast %jit3A_881 : i32 to vector<16xi32>
        %select_n3A_884 = arith.select %ge3A_879, %broadcast_in_dim3A_882, %broadcast_in_dim3A_883 : vector<16xi1>, vector<16xi32>
        %add3A_885 = arith.addi %while3A_871, %select_n3A_884 : vector<16xi32>
        %mul3A_886 = arith.constant 4 : i32
        %mul3A_887 = arith.muli %while3A_870, %mul3A_886 : i32
        %add3A_888 = arith.constant 1 : i32
        %add3A_889 = arith.addi %mul3A_887, %add3A_888 : i32
        %mul3A_890 = arith.constant 16 : i32
        %mul3A_891 = arith.muli %add3A_889, %mul3A_890 : i32
        %get3A_892 = arith.index_cast %mul3A_891 : i32 to index
        %get3A_893 = tpu.vector_load %arg6[%get3A_892] {strides = array<i32>} : memref<32816xi32, #tpu.memory_space<vmem>>, vector<16xi32>,
        %ge3A_894 = arith.cmpi uge, %get3A_893, %or3A_849 : vector<16xi32>
        %jit3A_895 = arith.constant 1 : i32
        %jit3A_896 = arith.constant 0 : i32
        %broadcast_in_dim3A_897 = vector.broadcast %jit3A_895 : i32 to vector<16xi32>
        %broadcast_in_dim3A_898 = vector.broadcast %jit3A_896 : i32 to vector<16xi32>
        %select_n3A_899 = arith.select %ge3A_894, %broadcast_in_dim3A_897, %broadcast_in_dim3A_898 : vector<16xi1>, vector<16xi32>
        %add3A_900 = arith.addi %add3A_885, %select_n3A_899 : vector<16xi32>
        %mul3A_901 = arith.constant 4 : i32
        %mul3A_902 = arith.muli %while3A_870, %mul3A_901 : i32
        %add3A_903 = arith.constant 2 : i32
        %add3A_904 = arith.addi %mul3A_902, %add3A_903 : i32
        %mul3A_905 = arith.constant 16 : i32
        %mul3A_906 = arith.muli %add3A_904, %mul3A_905 : i32
        %get3A_907 = arith.index_cast %mul3A_906 : i32 to index
        %get3A_908 = tpu.vector_load %arg6[%get3A_907] {strides = array<i32>} : memref<32816xi32, #tpu.memory_space<vmem>>, vector<16xi32>,
        %ge3A_909 = arith.cmpi uge, %get3A_908, %or3A_849 : vector<16xi32>
        %jit3A_910 = arith.constant 1 : i32
        %jit3A_911 = arith.constant 0 : i32
        %broadcast_in_dim3A_912 = vector.broadcast %jit3A_910 : i32 to vector<16xi32>
        %broadcast_in_dim3A_913 = vector.broadcast %jit3A_911 : i32 to vector<16xi32>
        %select_n3A_914 = arith.select %ge3A_909, %broadcast_in_dim3A_912, %broadcast_in_dim3A_913 : vector<16xi1>, vector<16xi32>
        %add3A_915 = arith.addi %add3A_900, %select_n3A_914 : vector<16xi32>
        %mul3A_916 = arith.constant 4 : i32
        %mul3A_917 = arith.muli %while3A_870, %mul3A_916 : i32
        %add3A_918 = arith.constant 3 : i32
        %add3A_919 = arith.addi %mul3A_917, %add3A_918 : i32
        %mul3A_920 = arith.constant 16 : i32
        %mul3A_921 = arith.muli %add3A_919, %mul3A_920 : i32
        %get3A_922 = arith.index_cast %mul3A_921 : i32 to index
        %get3A_923 = tpu.vector_load %arg6[%get3A_922] {strides = array<i32>} : memref<32816xi32, #tpu.memory_space<vmem>>, vector<16xi32>,
        %ge3A_924 = arith.cmpi uge, %get3A_923, %or3A_849 : vector<16xi32>
        %jit3A_925 = arith.constant 1 : i32
        %jit3A_926 = arith.constant 0 : i32
        %broadcast_in_dim3A_927 = vector.broadcast %jit3A_925 : i32 to vector<16xi32>
        %broadcast_in_dim3A_928 = vector.broadcast %jit3A_926 : i32 to vector<16xi32>
        %select_n3A_929 = arith.select %ge3A_924, %broadcast_in_dim3A_927, %broadcast_in_dim3A_928 : vector<16xi1>, vector<16xi32>
        %add3A_930 = arith.addi %add3A_915, %select_n3A_929 : vector<16xi32>
        scf.yield %add3A_930 : vector<16xi32>
      }
      %reduce_sum3A_863 = arith.constant true
      %reduce_sum3A_864 = vector.broadcast %reduce_sum3A_863 : i1 to vector<16xi1>
      %reduce_sum3A_865 = tpu.scan <sum>, %while3A_862 masked %reduce_sum3A_864 : vector<16xi32>, vector<16xi1> -> vector<16xi32>
      %reduce_sum3A_866 = vector.extract %reduce_sum3A_865[15] : i32 from vector<16xi32>
      %ge3A = arith.constant 64 : i32
      %ge3A_867 = arith.cmpi sge, %reduce_sum3A_866, %ge3A : i32
      %broadcast_in_dim3A_868 = vector.broadcast %ge3A_867 : i1 to vector<16xi1>
      %select_n3A_869 = arith.select %broadcast_in_dim3A_868, %or3A_849, %scan3A_845 : vector<16xi1>, vector<16xi32>
      scf.yield %select_n3A_869 : vector<16xi32>
    }
    %scan3A_337 = arith.constant 32 : i32
    %jit3A_338 = arith.constant 4 : i32
    %div3A_339 = arith.divsi %mul3A_303, %jit3A_338 : i32
    %sign3A_340 = arith.constant 0 : i32
    %sign3A_341 = arith.cmpi sgt, %mul3A_303, %sign3A_340 : i32
    %sign3A_342 = arith.extui %sign3A_341 : i1 to i32
    %sign3A_343 = arith.constant 0 : i32
    %sign3A_344 = arith.cmpi slt, %mul3A_303, %sign3A_343 : i32
    %sign3A_345 = arith.extui %sign3A_344 : i1 to i32
    %sign3A_346 = arith.subi %sign3A_342, %sign3A_345 : i32
    %sign3A_347 = arith.constant 0 : i32
    %sign3A_348 = arith.cmpi sgt, %jit3A_338, %sign3A_347 : i32
    %sign3A_349 = arith.extui %sign3A_348 : i1 to i32
    %sign3A_350 = arith.constant 0 : i32
    %sign3A_351 = arith.cmpi slt, %jit3A_338, %sign3A_350 : i32
    %sign3A_352 = arith.extui %sign3A_351 : i1 to i32
    %sign3A_353 = arith.subi %sign3A_349, %sign3A_352 : i32
    %ne3A_354 = arith.cmpi ne, %sign3A_346, %sign3A_353 : i32
    %rem3A_355 = arith.remsi %mul3A_303, %jit3A_338 : i32
    %ne3A_356 = arith.constant 0 : i32
    %ne3A_357 = arith.cmpi ne, %rem3A_355, %ne3A_356 : i32
    %and3A_358 = arith.andi %ne3A_354, %ne3A_357 : i1
    %sub3A_359 = arith.constant 1 : i32
    %sub3A_360 = arith.subi %div3A_339, %sub3A_359 : i32
    %select_n3A_361 = arith.select %and3A_358, %sub3A_360, %div3A_339 : i32
    %broadcast_in_dim3A_362 = arith.constant 0.000000e+00 : f32
    %broadcast_in_dim3A_363 = vector.broadcast %broadcast_in_dim3A_362 : f32 to vector<16xf32>
    %broadcast_in_dim3A_364 = arith.constant 0 : i32
    %broadcast_in_dim3A_365 = vector.broadcast %broadcast_in_dim3A_364 : i32 to vector<16xi32>
    %while3A_366 = arith.constant 0 : i32
    %while3A_367 = arith.subi %select_n3A_361, %while3A_366 : i32
    %while3A_368 = arith.addi %while3A_366, %while3A_367 : i32
    %while3A_369 = arith.constant 1 : i32
    %while3A_370 = arith.divsi %while3A_367, %while3A_369 : i32
    %while3A_371 = arith.muli %while3A_370, %while3A_369 : i32
    %while3A_372 = arith.addi %while3A_366, %while3A_371 : i32
    %while3A_373 = arith.constant 1 : i32
    %while3A_374:2 = scf.for %while3A_844 = %while3A_366 to %while3A_372 step %while3A_373 iter_args(%while3A_845 = %broadcast_in_dim3A_363, %while3A_846 = %broadcast_in_dim3A_365) -> (vector<16xf32>, vector<16xi32>)  : i32 {
      %mul3A_847 = arith.constant 4 : i32
      %mul3A_848 = arith.muli %while3A_844, %mul3A_847 : i32
      %add3A_849 = arith.constant 0 : i32
      %add3A_850 = arith.addi %mul3A_848, %add3A_849 : i32
      %mul3A_851 = arith.constant 16 : i32
      %mul3A_852 = arith.muli %add3A_850, %mul3A_851 : i32
      %get3A = arith.index_cast %mul3A_852 : i32 to index
      %get3A_853 = tpu.vector_load %arg6[%get3A] {strides = array<i32>} : memref<32816xi32, #tpu.memory_space<vmem>>, vector<16xi32>,
      %gt3A = arith.cmpi ugt, %get3A_853, %scan3A_336 : vector<16xi32>
      %bitcast_convert_type3A_854 = tpu.bitcast %get3A_853 : vector<16xi32> -> vector<16xi32>
      %broadcast_in_dim3A_855 = arith.constant 31 : i32
      %broadcast_in_dim3A_856 = vector.broadcast %broadcast_in_dim3A_855 : i32 to vector<16xi32>
      %shift_right_arithmetic3A_857 = arith.shrsi %bitcast_convert_type3A_854, %broadcast_in_dim3A_856 : vector<16xi32>
      %not3A_858 = arith.constant dense<-1> : vector<16xi32>
      %not3A_859 = arith.xori %shift_right_arithmetic3A_857, %not3A_858 : vector<16xi32>
      %broadcast_in_dim3A_860 = arith.constant -2147483648 : i32
      %broadcast_in_dim3A_861 = vector.broadcast %broadcast_in_dim3A_860 : i32 to vector<16xi32>
      %or3A_862 = arith.ori %not3A_859, %broadcast_in_dim3A_861 : vector<16xi32>
      %xor3A_863 = arith.xori %bitcast_convert_type3A_854, %or3A_862 : vector<16xi32>
      %bitcast_convert_type3A_864 = tpu.bitcast %xor3A_863 : vector<16xi32> -> vector<16xf32>
      %broadcast_in_dim3A_865 = arith.constant 0.000000e+00 : f32
      %broadcast_in_dim3A_866 = vector.broadcast %broadcast_in_dim3A_865 : f32 to vector<16xf32>
      %select_n3A_867 = arith.select %gt3A, %bitcast_convert_type3A_864, %broadcast_in_dim3A_866 : vector<16xi1>, vector<16xf32>
      %add3A_868 = arith.addf %while3A_845, %select_n3A_867 : vector<16xf32>
      %jit3A_869 = arith.constant 1 : i32
      %jit3A_870 = arith.constant 0 : i32
      %broadcast_in_dim3A_871 = vector.broadcast %jit3A_869 : i32 to vector<16xi32>
      %broadcast_in_dim3A_872 = vector.broadcast %jit3A_870 : i32 to vector<16xi32>
      %select_n3A_873 = arith.select %gt3A, %broadcast_in_dim3A_871, %broadcast_in_dim3A_872 : vector<16xi1>, vector<16xi32>
      %add3A_874 = arith.addi %while3A_846, %select_n3A_873 : vector<16xi32>
      %mul3A_875 = arith.constant 4 : i32
      %mul3A_876 = arith.muli %while3A_844, %mul3A_875 : i32
      %add3A_877 = arith.constant 1 : i32
      %add3A_878 = arith.addi %mul3A_876, %add3A_877 : i32
      %mul3A_879 = arith.constant 16 : i32
      %mul3A_880 = arith.muli %add3A_878, %mul3A_879 : i32
      %get3A_881 = arith.index_cast %mul3A_880 : i32 to index
      %get3A_882 = tpu.vector_load %arg6[%get3A_881] {strides = array<i32>} : memref<32816xi32, #tpu.memory_space<vmem>>, vector<16xi32>,
      %gt3A_883 = arith.cmpi ugt, %get3A_882, %scan3A_336 : vector<16xi32>
      %bitcast_convert_type3A_884 = tpu.bitcast %get3A_882 : vector<16xi32> -> vector<16xi32>
      %broadcast_in_dim3A_885 = arith.constant 31 : i32
      %broadcast_in_dim3A_886 = vector.broadcast %broadcast_in_dim3A_885 : i32 to vector<16xi32>
      %shift_right_arithmetic3A_887 = arith.shrsi %bitcast_convert_type3A_884, %broadcast_in_dim3A_886 : vector<16xi32>
      %not3A_888 = arith.constant dense<-1> : vector<16xi32>
      %not3A_889 = arith.xori %shift_right_arithmetic3A_887, %not3A_888 : vector<16xi32>
      %broadcast_in_dim3A_890 = arith.constant -2147483648 : i32
      %broadcast_in_dim3A_891 = vector.broadcast %broadcast_in_dim3A_890 : i32 to vector<16xi32>
      %or3A_892 = arith.ori %not3A_889, %broadcast_in_dim3A_891 : vector<16xi32>
      %xor3A_893 = arith.xori %bitcast_convert_type3A_884, %or3A_892 : vector<16xi32>
      %bitcast_convert_type3A_894 = tpu.bitcast %xor3A_893 : vector<16xi32> -> vector<16xf32>
      %broadcast_in_dim3A_895 = arith.constant 0.000000e+00 : f32
      %broadcast_in_dim3A_896 = vector.broadcast %broadcast_in_dim3A_895 : f32 to vector<16xf32>
      %select_n3A_897 = arith.select %gt3A_883, %bitcast_convert_type3A_894, %broadcast_in_dim3A_896 : vector<16xi1>, vector<16xf32>
      %add3A_898 = arith.addf %add3A_868, %select_n3A_897 : vector<16xf32>
      %jit3A_899 = arith.constant 1 : i32
      %jit3A_900 = arith.constant 0 : i32
      %broadcast_in_dim3A_901 = vector.broadcast %jit3A_899 : i32 to vector<16xi32>
      %broadcast_in_dim3A_902 = vector.broadcast %jit3A_900 : i32 to vector<16xi32>
      %select_n3A_903 = arith.select %gt3A_883, %broadcast_in_dim3A_901, %broadcast_in_dim3A_902 : vector<16xi1>, vector<16xi32>
      %add3A_904 = arith.addi %add3A_874, %select_n3A_903 : vector<16xi32>
      %mul3A_905 = arith.constant 4 : i32
      %mul3A_906 = arith.muli %while3A_844, %mul3A_905 : i32
      %add3A_907 = arith.constant 2 : i32
      %add3A_908 = arith.addi %mul3A_906, %add3A_907 : i32
      %mul3A_909 = arith.constant 16 : i32
      %mul3A_910 = arith.muli %add3A_908, %mul3A_909 : i32
      %get3A_911 = arith.index_cast %mul3A_910 : i32 to index
      %get3A_912 = tpu.vector_load %arg6[%get3A_911] {strides = array<i32>} : memref<32816xi32, #tpu.memory_space<vmem>>, vector<16xi32>,
      %gt3A_913 = arith.cmpi ugt, %get3A_912, %scan3A_336 : vector<16xi32>
      %bitcast_convert_type3A_914 = tpu.bitcast %get3A_912 : vector<16xi32> -> vector<16xi32>
      %broadcast_in_dim3A_915 = arith.constant 31 : i32
      %broadcast_in_dim3A_916 = vector.broadcast %broadcast_in_dim3A_915 : i32 to vector<16xi32>
      %shift_right_arithmetic3A_917 = arith.shrsi %bitcast_convert_type3A_914, %broadcast_in_dim3A_916 : vector<16xi32>
      %not3A_918 = arith.constant dense<-1> : vector<16xi32>
      %not3A_919 = arith.xori %shift_right_arithmetic3A_917, %not3A_918 : vector<16xi32>
      %broadcast_in_dim3A_920 = arith.constant -2147483648 : i32
      %broadcast_in_dim3A_921 = vector.broadcast %broadcast_in_dim3A_920 : i32 to vector<16xi32>
      %or3A_922 = arith.ori %not3A_919, %broadcast_in_dim3A_921 : vector<16xi32>
      %xor3A_923 = arith.xori %bitcast_convert_type3A_914, %or3A_922 : vector<16xi32>
      %bitcast_convert_type3A_924 = tpu.bitcast %xor3A_923 : vector<16xi32> -> vector<16xf32>
      %broadcast_in_dim3A_925 = arith.constant 0.000000e+00 : f32
      %broadcast_in_dim3A_926 = vector.broadcast %broadcast_in_dim3A_925 : f32 to vector<16xf32>
      %select_n3A_927 = arith.select %gt3A_913, %bitcast_convert_type3A_924, %broadcast_in_dim3A_926 : vector<16xi1>, vector<16xf32>
      %add3A_928 = arith.addf %add3A_898, %select_n3A_927 : vector<16xf32>
      %jit3A_929 = arith.constant 1 : i32
      %jit3A_930 = arith.constant 0 : i32
      %broadcast_in_dim3A_931 = vector.broadcast %jit3A_929 : i32 to vector<16xi32>
      %broadcast_in_dim3A_932 = vector.broadcast %jit3A_930 : i32 to vector<16xi32>
      %select_n3A_933 = arith.select %gt3A_913, %broadcast_in_dim3A_931, %broadcast_in_dim3A_932 : vector<16xi1>, vector<16xi32>
      %add3A_934 = arith.addi %add3A_904, %select_n3A_933 : vector<16xi32>
      %mul3A_935 = arith.constant 4 : i32
      %mul3A_936 = arith.muli %while3A_844, %mul3A_935 : i32
      %add3A_937 = arith.constant 3 : i32
      %add3A_938 = arith.addi %mul3A_936, %add3A_937 : i32
      %mul3A_939 = arith.constant 16 : i32
      %mul3A_940 = arith.muli %add3A_938, %mul3A_939 : i32
      %get3A_941 = arith.index_cast %mul3A_940 : i32 to index
      %get3A_942 = tpu.vector_load %arg6[%get3A_941] {strides = array<i32>} : memref<32816xi32, #tpu.memory_space<vmem>>, vector<16xi32>,
      %gt3A_943 = arith.cmpi ugt, %get3A_942, %scan3A_336 : vector<16xi32>
      %bitcast_convert_type3A_944 = tpu.bitcast %get3A_942 : vector<16xi32> -> vector<16xi32>
      %broadcast_in_dim3A_945 = arith.constant 31 : i32
      %broadcast_in_dim3A_946 = vector.broadcast %broadcast_in_dim3A_945 : i32 to vector<16xi32>
      %shift_right_arithmetic3A_947 = arith.shrsi %bitcast_convert_type3A_944, %broadcast_in_dim3A_946 : vector<16xi32>
      %not3A_948 = arith.constant dense<-1> : vector<16xi32>
      %not3A_949 = arith.xori %shift_right_arithmetic3A_947, %not3A_948 : vector<16xi32>
      %broadcast_in_dim3A_950 = arith.constant -2147483648 : i32
      %broadcast_in_dim3A_951 = vector.broadcast %broadcast_in_dim3A_950 : i32 to vector<16xi32>
      %or3A_952 = arith.ori %not3A_949, %broadcast_in_dim3A_951 : vector<16xi32>
      %xor3A_953 = arith.xori %bitcast_convert_type3A_944, %or3A_952 : vector<16xi32>
      %bitcast_convert_type3A_954 = tpu.bitcast %xor3A_953 : vector<16xi32> -> vector<16xf32>
      %broadcast_in_dim3A_955 = arith.constant 0.000000e+00 : f32
      %broadcast_in_dim3A_956 = vector.broadcast %broadcast_in_dim3A_955 : f32 to vector<16xf32>
      %select_n3A_957 = arith.select %gt3A_943, %bitcast_convert_type3A_954, %broadcast_in_dim3A_956 : vector<16xi1>, vector<16xf32>
      %add3A_958 = arith.addf %add3A_928, %select_n3A_957 : vector<16xf32>
      %jit3A_959 = arith.constant 1 : i32
      %jit3A_960 = arith.constant 0 : i32
      %broadcast_in_dim3A_961 = vector.broadcast %jit3A_959 : i32 to vector<16xi32>
      %broadcast_in_dim3A_962 = vector.broadcast %jit3A_960 : i32 to vector<16xi32>
      %select_n3A_963 = arith.select %gt3A_943, %broadcast_in_dim3A_961, %broadcast_in_dim3A_962 : vector<16xi1>, vector<16xi32>
      %add3A_964 = arith.addi %add3A_934, %select_n3A_963 : vector<16xi32>
      scf.yield %add3A_958, %add3A_964 : vector<16xf32>, vector<16xi32>
    }
    %while3A_375 = arith.constant 1 : i32
    %while3A_376:2 = scf.for %while3A_844 = %while3A_372 to %while3A_368 step %while3A_375 iter_args(%while3A_845 = %while3A_374#0, %while3A_846 = %while3A_374#1) -> (vector<16xf32>, vector<16xi32>)  : i32 {
      %mul3A_847 = arith.constant 4 : i32
      %mul3A_848 = arith.muli %while3A_844, %mul3A_847 : i32
      %add3A_849 = arith.constant 0 : i32
      %add3A_850 = arith.addi %mul3A_848, %add3A_849 : i32
      %mul3A_851 = arith.constant 16 : i32
      %mul3A_852 = arith.muli %add3A_850, %mul3A_851 : i32
      %get3A = arith.index_cast %mul3A_852 : i32 to index
      %get3A_853 = tpu.vector_load %arg6[%get3A] {strides = array<i32>} : memref<32816xi32, #tpu.memory_space<vmem>>, vector<16xi32>,
      %gt3A = arith.cmpi ugt, %get3A_853, %scan3A_336 : vector<16xi32>
      %bitcast_convert_type3A_854 = tpu.bitcast %get3A_853 : vector<16xi32> -> vector<16xi32>
      %broadcast_in_dim3A_855 = arith.constant 31 : i32
      %broadcast_in_dim3A_856 = vector.broadcast %broadcast_in_dim3A_855 : i32 to vector<16xi32>
      %shift_right_arithmetic3A_857 = arith.shrsi %bitcast_convert_type3A_854, %broadcast_in_dim3A_856 : vector<16xi32>
      %not3A_858 = arith.constant dense<-1> : vector<16xi32>
      %not3A_859 = arith.xori %shift_right_arithmetic3A_857, %not3A_858 : vector<16xi32>
      %broadcast_in_dim3A_860 = arith.constant -2147483648 : i32
      %broadcast_in_dim3A_861 = vector.broadcast %broadcast_in_dim3A_860 : i32 to vector<16xi32>
      %or3A_862 = arith.ori %not3A_859, %broadcast_in_dim3A_861 : vector<16xi32>
      %xor3A_863 = arith.xori %bitcast_convert_type3A_854, %or3A_862 : vector<16xi32>
      %bitcast_convert_type3A_864 = tpu.bitcast %xor3A_863 : vector<16xi32> -> vector<16xf32>
      %broadcast_in_dim3A_865 = arith.constant 0.000000e+00 : f32
      %broadcast_in_dim3A_866 = vector.broadcast %broadcast_in_dim3A_865 : f32 to vector<16xf32>
      %select_n3A_867 = arith.select %gt3A, %bitcast_convert_type3A_864, %broadcast_in_dim3A_866 : vector<16xi1>, vector<16xf32>
      %add3A_868 = arith.addf %while3A_845, %select_n3A_867 : vector<16xf32>
      %jit3A_869 = arith.constant 1 : i32
      %jit3A_870 = arith.constant 0 : i32
      %broadcast_in_dim3A_871 = vector.broadcast %jit3A_869 : i32 to vector<16xi32>
      %broadcast_in_dim3A_872 = vector.broadcast %jit3A_870 : i32 to vector<16xi32>
      %select_n3A_873 = arith.select %gt3A, %broadcast_in_dim3A_871, %broadcast_in_dim3A_872 : vector<16xi1>, vector<16xi32>
      %add3A_874 = arith.addi %while3A_846, %select_n3A_873 : vector<16xi32>
      %mul3A_875 = arith.constant 4 : i32
      %mul3A_876 = arith.muli %while3A_844, %mul3A_875 : i32
      %add3A_877 = arith.constant 1 : i32
      %add3A_878 = arith.addi %mul3A_876, %add3A_877 : i32
      %mul3A_879 = arith.constant 16 : i32
      %mul3A_880 = arith.muli %add3A_878, %mul3A_879 : i32
      %get3A_881 = arith.index_cast %mul3A_880 : i32 to index
      %get3A_882 = tpu.vector_load %arg6[%get3A_881] {strides = array<i32>} : memref<32816xi32, #tpu.memory_space<vmem>>, vector<16xi32>,
      %gt3A_883 = arith.cmpi ugt, %get3A_882, %scan3A_336 : vector<16xi32>
      %bitcast_convert_type3A_884 = tpu.bitcast %get3A_882 : vector<16xi32> -> vector<16xi32>
      %broadcast_in_dim3A_885 = arith.constant 31 : i32
      %broadcast_in_dim3A_886 = vector.broadcast %broadcast_in_dim3A_885 : i32 to vector<16xi32>
      %shift_right_arithmetic3A_887 = arith.shrsi %bitcast_convert_type3A_884, %broadcast_in_dim3A_886 : vector<16xi32>
      %not3A_888 = arith.constant dense<-1> : vector<16xi32>
      %not3A_889 = arith.xori %shift_right_arithmetic3A_887, %not3A_888 : vector<16xi32>
      %broadcast_in_dim3A_890 = arith.constant -2147483648 : i32
      %broadcast_in_dim3A_891 = vector.broadcast %broadcast_in_dim3A_890 : i32 to vector<16xi32>
      %or3A_892 = arith.ori %not3A_889, %broadcast_in_dim3A_891 : vector<16xi32>
      %xor3A_893 = arith.xori %bitcast_convert_type3A_884, %or3A_892 : vector<16xi32>
      %bitcast_convert_type3A_894 = tpu.bitcast %xor3A_893 : vector<16xi32> -> vector<16xf32>
      %broadcast_in_dim3A_895 = arith.constant 0.000000e+00 : f32
      %broadcast_in_dim3A_896 = vector.broadcast %broadcast_in_dim3A_895 : f32 to vector<16xf32>
      %select_n3A_897 = arith.select %gt3A_883, %bitcast_convert_type3A_894, %broadcast_in_dim3A_896 : vector<16xi1>, vector<16xf32>
      %add3A_898 = arith.addf %add3A_868, %select_n3A_897 : vector<16xf32>
      %jit3A_899 = arith.constant 1 : i32
      %jit3A_900 = arith.constant 0 : i32
      %broadcast_in_dim3A_901 = vector.broadcast %jit3A_899 : i32 to vector<16xi32>
      %broadcast_in_dim3A_902 = vector.broadcast %jit3A_900 : i32 to vector<16xi32>
      %select_n3A_903 = arith.select %gt3A_883, %broadcast_in_dim3A_901, %broadcast_in_dim3A_902 : vector<16xi1>, vector<16xi32>
      %add3A_904 = arith.addi %add3A_874, %select_n3A_903 : vector<16xi32>
      %mul3A_905 = arith.constant 4 : i32
      %mul3A_906 = arith.muli %while3A_844, %mul3A_905 : i32
      %add3A_907 = arith.constant 2 : i32
      %add3A_908 = arith.addi %mul3A_906, %add3A_907 : i32
      %mul3A_909 = arith.constant 16 : i32
      %mul3A_910 = arith.muli %add3A_908, %mul3A_909 : i32
      %get3A_911 = arith.index_cast %mul3A_910 : i32 to index
      %get3A_912 = tpu.vector_load %arg6[%get3A_911] {strides = array<i32>} : memref<32816xi32, #tpu.memory_space<vmem>>, vector<16xi32>,
      %gt3A_913 = arith.cmpi ugt, %get3A_912, %scan3A_336 : vector<16xi32>
      %bitcast_convert_type3A_914 = tpu.bitcast %get3A_912 : vector<16xi32> -> vector<16xi32>
      %broadcast_in_dim3A_915 = arith.constant 31 : i32
      %broadcast_in_dim3A_916 = vector.broadcast %broadcast_in_dim3A_915 : i32 to vector<16xi32>
      %shift_right_arithmetic3A_917 = arith.shrsi %bitcast_convert_type3A_914, %broadcast_in_dim3A_916 : vector<16xi32>
      %not3A_918 = arith.constant dense<-1> : vector<16xi32>
      %not3A_919 = arith.xori %shift_right_arithmetic3A_917, %not3A_918 : vector<16xi32>
      %broadcast_in_dim3A_920 = arith.constant -2147483648 : i32
      %broadcast_in_dim3A_921 = vector.broadcast %broadcast_in_dim3A_920 : i32 to vector<16xi32>
      %or3A_922 = arith.ori %not3A_919, %broadcast_in_dim3A_921 : vector<16xi32>
      %xor3A_923 = arith.xori %bitcast_convert_type3A_914, %or3A_922 : vector<16xi32>
      %bitcast_convert_type3A_924 = tpu.bitcast %xor3A_923 : vector<16xi32> -> vector<16xf32>
      %broadcast_in_dim3A_925 = arith.constant 0.000000e+00 : f32
      %broadcast_in_dim3A_926 = vector.broadcast %broadcast_in_dim3A_925 : f32 to vector<16xf32>
      %select_n3A_927 = arith.select %gt3A_913, %bitcast_convert_type3A_924, %broadcast_in_dim3A_926 : vector<16xi1>, vector<16xf32>
      %add3A_928 = arith.addf %add3A_898, %select_n3A_927 : vector<16xf32>
      %jit3A_929 = arith.constant 1 : i32
      %jit3A_930 = arith.constant 0 : i32
      %broadcast_in_dim3A_931 = vector.broadcast %jit3A_929 : i32 to vector<16xi32>
      %broadcast_in_dim3A_932 = vector.broadcast %jit3A_930 : i32 to vector<16xi32>
      %select_n3A_933 = arith.select %gt3A_913, %broadcast_in_dim3A_931, %broadcast_in_dim3A_932 : vector<16xi1>, vector<16xi32>
      %add3A_934 = arith.addi %add3A_904, %select_n3A_933 : vector<16xi32>
      %mul3A_935 = arith.constant 4 : i32
      %mul3A_936 = arith.muli %while3A_844, %mul3A_935 : i32
      %add3A_937 = arith.constant 3 : i32
      %add3A_938 = arith.addi %mul3A_936, %add3A_937 : i32
      %mul3A_939 = arith.constant 16 : i32
      %mul3A_940 = arith.muli %add3A_938, %mul3A_939 : i32
      %get3A_941 = arith.index_cast %mul3A_940 : i32 to index
      %get3A_942 = tpu.vector_load %arg6[%get3A_941] {strides = array<i32>} : memref<32816xi32, #tpu.memory_space<vmem>>, vector<16xi32>,
      %gt3A_943 = arith.cmpi ugt, %get3A_942, %scan3A_336 : vector<16xi32>
      %bitcast_convert_type3A_944 = tpu.bitcast %get3A_942 : vector<16xi32> -> vector<16xi32>
      %broadcast_in_dim3A_945 = arith.constant 31 : i32
      %broadcast_in_dim3A_946 = vector.broadcast %broadcast_in_dim3A_945 : i32 to vector<16xi32>
      %shift_right_arithmetic3A_947 = arith.shrsi %bitcast_convert_type3A_944, %broadcast_in_dim3A_946 : vector<16xi32>
      %not3A_948 = arith.constant dense<-1> : vector<16xi32>
      %not3A_949 = arith.xori %shift_right_arithmetic3A_947, %not3A_948 : vector<16xi32>
      %broadcast_in_dim3A_950 = arith.constant -2147483648 : i32
      %broadcast_in_dim3A_951 = vector.broadcast %broadcast_in_dim3A_950 : i32 to vector<16xi32>
      %or3A_952 = arith.ori %not3A_949, %broadcast_in_dim3A_951 : vector<16xi32>
      %xor3A_953 = arith.xori %bitcast_convert_type3A_944, %or3A_952 : vector<16xi32>
      %bitcast_convert_type3A_954 = tpu.bitcast %xor3A_953 : vector<16xi32> -> vector<16xf32>
      %broadcast_in_dim3A_955 = arith.constant 0.000000e+00 : f32
      %broadcast_in_dim3A_956 = vector.broadcast %broadcast_in_dim3A_955 : f32 to vector<16xf32>
      %select_n3A_957 = arith.select %gt3A_943, %bitcast_convert_type3A_954, %broadcast_in_dim3A_956 : vector<16xi1>, vector<16xf32>
      %add3A_958 = arith.addf %add3A_928, %select_n3A_957 : vector<16xf32>
      %jit3A_959 = arith.constant 1 : i32
      %jit3A_960 = arith.constant 0 : i32
      %broadcast_in_dim3A_961 = vector.broadcast %jit3A_959 : i32 to vector<16xi32>
      %broadcast_in_dim3A_962 = vector.broadcast %jit3A_960 : i32 to vector<16xi32>
      %select_n3A_963 = arith.select %gt3A_943, %broadcast_in_dim3A_961, %broadcast_in_dim3A_962 : vector<16xi1>, vector<16xi32>
      %add3A_964 = arith.addi %add3A_934, %select_n3A_963 : vector<16xi32>
      scf.yield %add3A_958, %add3A_964 : vector<16xf32>, vector<16xi32>
    }
    %reduce_sum3A_377 = arith.constant true
    %reduce_sum3A_378 = vector.broadcast %reduce_sum3A_377 : i1 to vector<16xi1>
    %reduce_sum3A_379 = tpu.scan <sum>, %while3A_376#0 masked %reduce_sum3A_378 : vector<16xf32>, vector<16xi1> -> vector<16xf32>
    %reduce_sum3A_380 = vector.extract %reduce_sum3A_379[15] : f32 from vector<16xf32>
    %reduce_sum3A_381 = arith.constant true
    %reduce_sum3A_382 = vector.broadcast %reduce_sum3A_381 : i1 to vector<16xi1>
    %reduce_sum3A_383 = tpu.scan <sum>, %while3A_376#1 masked %reduce_sum3A_382 : vector<16xi32>, vector<16xi1> -> vector<16xi32>
    %reduce_sum3A_384 = vector.extract %reduce_sum3A_383[15] : i32 from vector<16xi32>
    %bitcast_convert_type3A_385 = tpu.bitcast %scan3A_336 : vector<16xi32> -> vector<16xi32>
    %broadcast_in_dim3A_386 = arith.constant 31 : i32
    %broadcast_in_dim3A_387 = vector.broadcast %broadcast_in_dim3A_386 : i32 to vector<16xi32>
    %shift_right_arithmetic3A_388 = arith.shrsi %bitcast_convert_type3A_385, %broadcast_in_dim3A_387 : vector<16xi32>
    %not3A_389 = arith.constant dense<-1> : vector<16xi32>
    %not3A_390 = arith.xori %shift_right_arithmetic3A_388, %not3A_389 : vector<16xi32>
    %broadcast_in_dim3A_391 = arith.constant -2147483648 : i32
    %broadcast_in_dim3A_392 = vector.broadcast %broadcast_in_dim3A_391 : i32 to vector<16xi32>
    %or3A_393 = arith.ori %not3A_390, %broadcast_in_dim3A_392 : vector<16xi32>
    %xor3A_394 = arith.xori %bitcast_convert_type3A_385, %or3A_393 : vector<16xi32>
    %bitcast_convert_type3A_395 = tpu.bitcast %xor3A_394 : vector<16xi32> -> vector<16xf32>
    %reduce_max3A_396 = arith.constant true
    %reduce_max3A_397 = vector.broadcast %reduce_max3A_396 : i1 to vector<16xi1>
    %reduce_max3A_398 = tpu.scan <max>, %bitcast_convert_type3A_395 masked %reduce_max3A_397 : vector<16xf32>, vector<16xi1> -> vector<16xf32>
    %reduce_max3A_399 = vector.extract %reduce_max3A_398[15] : f32 from vector<16xf32>
    %convert_element_type3A_400 = arith.sitofp %reduce_sum3A_384 : i32 to f32
    %sub3A_401 = arith.constant 6.400000e+01 : f32
    %sub3A_402 = arith.subf %sub3A_401, %convert_element_type3A_400 : f32
    %mul3A_403 = arith.mulf %sub3A_402, %reduce_max3A_399 : f32
    %add3A_404 = arith.addf %reduce_sum3A_380, %mul3A_403 : f32
    %mul3A_405 = arith.constant 1.562500e-02 : f32
    %mul3A_406 = arith.mulf %add3A_404, %mul3A_405 : f32
    %eq3A_407 = arith.constant 1 : i32
    %eq3A_408 = vector.broadcast %eq3A_407 : i32 to vector<16xi32>
    %eq3A_409 = arith.cmpi eq, %iota3A, %eq3A_408 : vector<16xi32>
    %broadcast_in_dim3A_410 = vector.broadcast %mul3A_406 : f32 to vector<16xf32>
    %select_n3A_411 = arith.select %eq3A_409, %broadcast_in_dim3A_410, %select_n3A_196 : vector<16xi1>, vector<16xf32>
    %mul3A_412 = arith.constant 4 : i32
    %mul3A_413 = arith.muli %add3A, %mul3A_412 : i32
    %add3A_414 = arith.constant 2 : i32
    %add3A_415 = arith.addi %mul3A_413, %add3A_414 : i32
    "tpu.region"() ({
      %run_scoped3A = tpu.sem_alloc : memref<!tpu.dma_semaphore, #tpu.memory_space<semaphore_mem>>
      %dma_start3A = arith.constant 0 : i32
      %dma_start3A_844 = tpu.memref_slice %arg2[%add3A_415, %dma_start3A] : memref<128x32768xf32, #tpu.memory_space<hbm>> -> memref<1x32768xf32, #tpu.memory_space<hbm>>
      %dma_start3A_845 = tpu.memref_squeeze %dma_start3A_844 : memref<1x32768xf32, #tpu.memory_space<hbm>> -> memref<32768xf32, #tpu.memory_space<hbm>>
      %dma_start3A_846 = arith.constant 0 : i32
      %dma_start3A_847 = tpu.memref_slice %arg2[%add3A_415, %dma_start3A_846] : memref<128x32768xf32, #tpu.memory_space<hbm>> -> memref<1x32768xf32, #tpu.memory_space<hbm>>
      %dma_start3A_848 = tpu.memref_squeeze %dma_start3A_847 : memref<1x32768xf32, #tpu.memory_space<hbm>> -> memref<32768xf32, #tpu.memory_space<hbm>>
      tpu.enqueue_dma source(%dma_start3A_848 : memref<32768xf32, #tpu.memory_space<hbm>>) target(%arg4 : memref<32768xf32, #tpu.memory_space<vmem>>) target_semaphore(%run_scoped3A : memref<!tpu.dma_semaphore, #tpu.memory_space<semaphore_mem>>)
      %dma_wait3A = arith.constant 0 : i32
      %dma_wait3A_849 = tpu.memref_slice %arg2[%add3A_415, %dma_wait3A] : memref<128x32768xf32, #tpu.memory_space<hbm>> -> memref<1x32768xf32, #tpu.memory_space<hbm>>
      %dma_wait3A_850 = tpu.memref_squeeze %dma_wait3A_849 : memref<1x32768xf32, #tpu.memory_space<hbm>> -> memref<32768xf32, #tpu.memory_space<hbm>>
      %dma_wait3A_851 = arith.constant 0 : i32
      %dma_wait3A_852 = tpu.memref_slice %arg2[%add3A_415, %dma_wait3A_851] : memref<128x32768xf32, #tpu.memory_space<hbm>> -> memref<1x32768xf32, #tpu.memory_space<hbm>>
      %dma_wait3A_853 = tpu.memref_squeeze %dma_wait3A_852 : memref<1x32768xf32, #tpu.memory_space<hbm>> -> memref<32768xf32, #tpu.memory_space<hbm>>
      tpu.wait_dma2 semaphore(%run_scoped3A : memref<!tpu.dma_semaphore, #tpu.memory_space<semaphore_mem>>) src(%dma_wait3A_853 : memref<32768xf32, #tpu.memory_space<hbm>>) dst(%arg4 : memref<32768xf32, #tpu.memory_space<vmem>>)
      tpu.yield
    }) : () -> ()
    %broadcast_in_dim3A_416 = arith.constant 0xFF800000 : f32
    %broadcast_in_dim3A_417 = vector.broadcast %broadcast_in_dim3A_416 : f32 to vector<16xf32>
    %scan3A_418 = arith.constant 0 : i32
    %scan3A_419 = arith.constant 0 : i32
    %scan3A_420 = arith.constant 64 : i32
    %scan3A_421 = arith.addi %scan3A_419, %scan3A_420 : i32
    %scan3A_422 = arith.constant 1 : i32
    %scan3A_423 = scf.for %scan3A_844 = %scan3A_419 to %scan3A_421 step %scan3A_422 iter_args(%scan3A_845 = %scan3A_418) -> (i32)  : i32 {
      %mul3A_846 = arith.constant 512 : i32
      %mul3A_847 = arith.muli %scan3A_844, %mul3A_846 : i32
      %add3A_848 = arith.constant 0 : i32
      %add3A_849 = arith.addi %mul3A_847, %add3A_848 : i32
      %get3A = arith.index_cast %add3A_849 : i32 to index
      %get3A_850 = tpu.vector_load %arg4[%get3A] {strides = array<i32>} : memref<32768xf32, #tpu.memory_space<vmem>>, vector<16xf32>,
      %max3A = arith.maximumf %broadcast_in_dim3A_417, %get3A_850 : vector<16xf32>
      %add3A_851 = arith.constant 16 : i32
      %add3A_852 = arith.addi %mul3A_847, %add3A_851 : i32
      %get3A_853 = arith.index_cast %add3A_852 : i32 to index
      %get3A_854 = tpu.vector_load %arg4[%get3A_853] {strides = array<i32>} : memref<32768xf32, #tpu.memory_space<vmem>>, vector<16xf32>,
      %max3A_855 = arith.maximumf %max3A, %get3A_854 : vector<16xf32>
      %add3A_856 = arith.constant 32 : i32
      %add3A_857 = arith.addi %mul3A_847, %add3A_856 : i32
      %get3A_858 = arith.index_cast %add3A_857 : i32 to index
      %get3A_859 = tpu.vector_load %arg4[%get3A_858] {strides = array<i32>} : memref<32768xf32, #tpu.memory_space<vmem>>, vector<16xf32>,
      %max3A_860 = arith.maximumf %max3A_855, %get3A_859 : vector<16xf32>
      %add3A_861 = arith.constant 48 : i32
      %add3A_862 = arith.addi %mul3A_847, %add3A_861 : i32
      %get3A_863 = arith.index_cast %add3A_862 : i32 to index
      %get3A_864 = tpu.vector_load %arg4[%get3A_863] {strides = array<i32>} : memref<32768xf32, #tpu.memory_space<vmem>>, vector<16xf32>,
      %max3A_865 = arith.maximumf %max3A_860, %get3A_864 : vector<16xf32>
      %add3A_866 = arith.constant 64 : i32
      %add3A_867 = arith.addi %mul3A_847, %add3A_866 : i32
      %get3A_868 = arith.index_cast %add3A_867 : i32 to index
      %get3A_869 = tpu.vector_load %arg4[%get3A_868] {strides = array<i32>} : memref<32768xf32, #tpu.memory_space<vmem>>, vector<16xf32>,
      %max3A_870 = arith.maximumf %max3A_865, %get3A_869 : vector<16xf32>
      %add3A_871 = arith.constant 80 : i32
      %add3A_872 = arith.addi %mul3A_847, %add3A_871 : i32
      %get3A_873 = arith.index_cast %add3A_872 : i32 to index
      %get3A_874 = tpu.vector_load %arg4[%get3A_873] {strides = array<i32>} : memref<32768xf32, #tpu.memory_space<vmem>>, vector<16xf32>,
      %max3A_875 = arith.maximumf %max3A_870, %get3A_874 : vector<16xf32>
      %add3A_876 = arith.constant 96 : i32
      %add3A_877 = arith.addi %mul3A_847, %add3A_876 : i32
      %get3A_878 = arith.index_cast %add3A_877 : i32 to index
      %get3A_879 = tpu.vector_load %arg4[%get3A_878] {strides = array<i32>} : memref<32768xf32, #tpu.memory_space<vmem>>, vector<16xf32>,
      %max3A_880 = arith.maximumf %max3A_875, %get3A_879 : vector<16xf32>
      %add3A_881 = arith.constant 112 : i32
      %add3A_882 = arith.addi %mul3A_847, %add3A_881 : i32
      %get3A_883 = arith.index_cast %add3A_882 : i32 to index
      %get3A_884 = tpu.vector_load %arg4[%get3A_883] {strides = array<i32>} : memref<32768xf32, #tpu.memory_space<vmem>>, vector<16xf32>,
      %max3A_885 = arith.maximumf %max3A_880, %get3A_884 : vector<16xf32>
      %add3A_886 = arith.constant 128 : i32
      %add3A_887 = arith.addi %mul3A_847, %add3A_886 : i32
      %get3A_888 = arith.index_cast %add3A_887 : i32 to index
      %get3A_889 = tpu.vector_load %arg4[%get3A_888] {strides = array<i32>} : memref<32768xf32, #tpu.memory_space<vmem>>, vector<16xf32>,
      %max3A_890 = arith.maximumf %max3A_885, %get3A_889 : vector<16xf32>
      %add3A_891 = arith.constant 144 : i32
      %add3A_892 = arith.addi %mul3A_847, %add3A_891 : i32
      %get3A_893 = arith.index_cast %add3A_892 : i32 to index
      %get3A_894 = tpu.vector_load %arg4[%get3A_893] {strides = array<i32>} : memref<32768xf32, #tpu.memory_space<vmem>>, vector<16xf32>,
      %max3A_895 = arith.maximumf %max3A_890, %get3A_894 : vector<16xf32>
      %add3A_896 = arith.constant 160 : i32
      %add3A_897 = arith.addi %mul3A_847, %add3A_896 : i32
      %get3A_898 = arith.index_cast %add3A_897 : i32 to index
      %get3A_899 = tpu.vector_load %arg4[%get3A_898] {strides = array<i32>} : memref<32768xf32, #tpu.memory_space<vmem>>, vector<16xf32>,
      %max3A_900 = arith.maximumf %max3A_895, %get3A_899 : vector<16xf32>
      %add3A_901 = arith.constant 176 : i32
      %add3A_902 = arith.addi %mul3A_847, %add3A_901 : i32
      %get3A_903 = arith.index_cast %add3A_902 : i32 to index
      %get3A_904 = tpu.vector_load %arg4[%get3A_903] {strides = array<i32>} : memref<32768xf32, #tpu.memory_space<vmem>>, vector<16xf32>,
      %max3A_905 = arith.maximumf %max3A_900, %get3A_904 : vector<16xf32>
      %add3A_906 = arith.constant 192 : i32
      %add3A_907 = arith.addi %mul3A_847, %add3A_906 : i32
      %get3A_908 = arith.index_cast %add3A_907 : i32 to index
      %get3A_909 = tpu.vector_load %arg4[%get3A_908] {strides = array<i32>} : memref<32768xf32, #tpu.memory_space<vmem>>, vector<16xf32>,
      %max3A_910 = arith.maximumf %max3A_905, %get3A_909 : vector<16xf32>
      %add3A_911 = arith.constant 208 : i32
      %add3A_912 = arith.addi %mul3A_847, %add3A_911 : i32
      %get3A_913 = arith.index_cast %add3A_912 : i32 to index
      %get3A_914 = tpu.vector_load %arg4[%get3A_913] {strides = array<i32>} : memref<32768xf32, #tpu.memory_space<vmem>>, vector<16xf32>,
      %max3A_915 = arith.maximumf %max3A_910, %get3A_914 : vector<16xf32>
      %add3A_916 = arith.constant 224 : i32
      %add3A_917 = arith.addi %mul3A_847, %add3A_916 : i32
      %get3A_918 = arith.index_cast %add3A_917 : i32 to index
      %get3A_919 = tpu.vector_load %arg4[%get3A_918] {strides = array<i32>} : memref<32768xf32, #tpu.memory_space<vmem>>, vector<16xf32>,
      %max3A_920 = arith.maximumf %max3A_915, %get3A_919 : vector<16xf32>
      %add3A_921 = arith.constant 240 : i32
      %add3A_922 = arith.addi %mul3A_847, %add3A_921 : i32
      %get3A_923 = arith.index_cast %add3A_922 : i32 to index
      %get3A_924 = tpu.vector_load %arg4[%get3A_923] {strides = array<i32>} : memref<32768xf32, #tpu.memory_space<vmem>>, vector<16xf32>,
      %max3A_925 = arith.maximumf %max3A_920, %get3A_924 : vector<16xf32>
      %add3A_926 = arith.constant 256 : i32
      %add3A_927 = arith.addi %mul3A_847, %add3A_926 : i32
      %get3A_928 = arith.index_cast %add3A_927 : i32 to index
      %get3A_929 = tpu.vector_load %arg4[%get3A_928] {strides = array<i32>} : memref<32768xf32, #tpu.memory_space<vmem>>, vector<16xf32>,
      %max3A_930 = arith.maximumf %max3A_925, %get3A_929 : vector<16xf32>
      %add3A_931 = arith.constant 272 : i32
      %add3A_932 = arith.addi %mul3A_847, %add3A_931 : i32
      %get3A_933 = arith.index_cast %add3A_932 : i32 to index
      %get3A_934 = tpu.vector_load %arg4[%get3A_933] {strides = array<i32>} : memref<32768xf32, #tpu.memory_space<vmem>>, vector<16xf32>,
      %max3A_935 = arith.maximumf %max3A_930, %get3A_934 : vector<16xf32>
      %add3A_936 = arith.constant 288 : i32
      %add3A_937 = arith.addi %mul3A_847, %add3A_936 : i32
      %get3A_938 = arith.index_cast %add3A_937 : i32 to index
      %get3A_939 = tpu.vector_load %arg4[%get3A_938] {strides = array<i32>} : memref<32768xf32, #tpu.memory_space<vmem>>, vector<16xf32>,
      %max3A_940 = arith.maximumf %max3A_935, %get3A_939 : vector<16xf32>
      %add3A_941 = arith.constant 304 : i32
      %add3A_942 = arith.addi %mul3A_847, %add3A_941 : i32
      %get3A_943 = arith.index_cast %add3A_942 : i32 to index
      %get3A_944 = tpu.vector_load %arg4[%get3A_943] {strides = array<i32>} : memref<32768xf32, #tpu.memory_space<vmem>>, vector<16xf32>,
      %max3A_945 = arith.maximumf %max3A_940, %get3A_944 : vector<16xf32>
      %add3A_946 = arith.constant 320 : i32
      %add3A_947 = arith.addi %mul3A_847, %add3A_946 : i32
      %get3A_948 = arith.index_cast %add3A_947 : i32 to index
      %get3A_949 = tpu.vector_load %arg4[%get3A_948] {strides = array<i32>} : memref<32768xf32, #tpu.memory_space<vmem>>, vector<16xf32>,
      %max3A_950 = arith.maximumf %max3A_945, %get3A_949 : vector<16xf32>
      %add3A_951 = arith.constant 336 : i32
      %add3A_952 = arith.addi %mul3A_847, %add3A_951 : i32
      %get3A_953 = arith.index_cast %add3A_952 : i32 to index
      %get3A_954 = tpu.vector_load %arg4[%get3A_953] {strides = array<i32>} : memref<32768xf32, #tpu.memory_space<vmem>>, vector<16xf32>,
      %max3A_955 = arith.maximumf %max3A_950, %get3A_954 : vector<16xf32>
      %add3A_956 = arith.constant 352 : i32
      %add3A_957 = arith.addi %mul3A_847, %add3A_956 : i32
      %get3A_958 = arith.index_cast %add3A_957 : i32 to index
      %get3A_959 = tpu.vector_load %arg4[%get3A_958] {strides = array<i32>} : memref<32768xf32, #tpu.memory_space<vmem>>, vector<16xf32>,
      %max3A_960 = arith.maximumf %max3A_955, %get3A_959 : vector<16xf32>
      %add3A_961 = arith.constant 368 : i32
      %add3A_962 = arith.addi %mul3A_847, %add3A_961 : i32
      %get3A_963 = arith.index_cast %add3A_962 : i32 to index
      %get3A_964 = tpu.vector_load %arg4[%get3A_963] {strides = array<i32>} : memref<32768xf32, #tpu.memory_space<vmem>>, vector<16xf32>,
      %max3A_965 = arith.maximumf %max3A_960, %get3A_964 : vector<16xf32>
      %add3A_966 = arith.constant 384 : i32
      %add3A_967 = arith.addi %mul3A_847, %add3A_966 : i32
      %get3A_968 = arith.index_cast %add3A_967 : i32 to index
      %get3A_969 = tpu.vector_load %arg4[%get3A_968] {strides = array<i32>} : memref<32768xf32, #tpu.memory_space<vmem>>, vector<16xf32>,
      %max3A_970 = arith.maximumf %max3A_965, %get3A_969 : vector<16xf32>
      %add3A_971 = arith.constant 400 : i32
      %add3A_972 = arith.addi %mul3A_847, %add3A_971 : i32
      %get3A_973 = arith.index_cast %add3A_972 : i32 to index
      %get3A_974 = tpu.vector_load %arg4[%get3A_973] {strides = array<i32>} : memref<32768xf32, #tpu.memory_space<vmem>>, vector<16xf32>,
      %max3A_975 = arith.maximumf %max3A_970, %get3A_974 : vector<16xf32>
      %add3A_976 = arith.constant 416 : i32
      %add3A_977 = arith.addi %mul3A_847, %add3A_976 : i32
      %get3A_978 = arith.index_cast %add3A_977 : i32 to index
      %get3A_979 = tpu.vector_load %arg4[%get3A_978] {strides = array<i32>} : memref<32768xf32, #tpu.memory_space<vmem>>, vector<16xf32>,
      %max3A_980 = arith.maximumf %max3A_975, %get3A_979 : vector<16xf32>
      %add3A_981 = arith.constant 432 : i32
      %add3A_982 = arith.addi %mul3A_847, %add3A_981 : i32
      %get3A_983 = arith.index_cast %add3A_982 : i32 to index
      %get3A_984 = tpu.vector_load %arg4[%get3A_983] {strides = array<i32>} : memref<32768xf32, #tpu.memory_space<vmem>>, vector<16xf32>,
      %max3A_985 = arith.maximumf %max3A_980, %get3A_984 : vector<16xf32>
      %add3A_986 = arith.constant 448 : i32
      %add3A_987 = arith.addi %mul3A_847, %add3A_986 : i32
      %get3A_988 = arith.index_cast %add3A_987 : i32 to index
      %get3A_989 = tpu.vector_load %arg4[%get3A_988] {strides = array<i32>} : memref<32768xf32, #tpu.memory_space<vmem>>, vector<16xf32>,
      %max3A_990 = arith.maximumf %max3A_985, %get3A_989 : vector<16xf32>
      %add3A_991 = arith.constant 464 : i32
      %add3A_992 = arith.addi %mul3A_847, %add3A_991 : i32
      %get3A_993 = arith.index_cast %add3A_992 : i32 to index
      %get3A_994 = tpu.vector_load %arg4[%get3A_993] {strides = array<i32>} : memref<32768xf32, #tpu.memory_space<vmem>>, vector<16xf32>,
      %max3A_995 = arith.maximumf %max3A_990, %get3A_994 : vector<16xf32>
      %add3A_996 = arith.constant 480 : i32
      %add3A_997 = arith.addi %mul3A_847, %add3A_996 : i32
      %get3A_998 = arith.index_cast %add3A_997 : i32 to index
      %get3A_999 = tpu.vector_load %arg4[%get3A_998] {strides = array<i32>} : memref<32768xf32, #tpu.memory_space<vmem>>, vector<16xf32>,
      %max3A_1000 = arith.maximumf %max3A_995, %get3A_999 : vector<16xf32>
      %add3A_1001 = arith.constant 496 : i32
      %add3A_1002 = arith.addi %mul3A_847, %add3A_1001 : i32
      %get3A_1003 = arith.index_cast %add3A_1002 : i32 to index
      %get3A_1004 = tpu.vector_load %arg4[%get3A_1003] {strides = array<i32>} : memref<32768xf32, #tpu.memory_space<vmem>>, vector<16xf32>,
      %max3A_1005 = arith.maximumf %max3A_1000, %get3A_1004 : vector<16xf32>
      %bitcast_convert_type3A_1006 = tpu.bitcast %max3A_1005 : vector<16xf32> -> vector<16xi32>
      %broadcast_in_dim3A_1007 = arith.constant 31 : i32
      %broadcast_in_dim3A_1008 = vector.broadcast %broadcast_in_dim3A_1007 : i32 to vector<16xi32>
      %shift_right_arithmetic3A_1009 = arith.shrsi %bitcast_convert_type3A_1006, %broadcast_in_dim3A_1008 : vector<16xi32>
      %broadcast_in_dim3A_1010 = arith.constant -2147483648 : i32
      %broadcast_in_dim3A_1011 = vector.broadcast %broadcast_in_dim3A_1010 : i32 to vector<16xi32>
      %or3A_1012 = arith.ori %shift_right_arithmetic3A_1009, %broadcast_in_dim3A_1011 : vector<16xi32>
      %xor3A_1013 = arith.xori %bitcast_convert_type3A_1006, %or3A_1012 : vector<16xi32>
      %bitcast_convert_type3A_1014 = tpu.bitcast %xor3A_1013 : vector<16xi32> -> vector<16xi32>
      %mul3A_1015 = arith.constant 16 : i32
      %mul3A_1016 = arith.muli %scan3A_844, %mul3A_1015 : i32
      %swap3A_1017 = arith.index_cast %mul3A_1016 : i32 to index
      %swap3A_1018 = tpu.vector_load %arg5[%swap3A_1017] {strides = array<i32>} : memref<1024xi32, #tpu.memory_space<vmem>>, vector<16xi32>,
      tpu.vector_store %arg5[%swap3A_1017], %bitcast_convert_type3A_1014 {strides = array<i32>} : memref<1024xi32, #tpu.memory_space<vmem>>, vector<16xi32>,
      %scan3A_1019 = arith.constant 0 : i32
      scf.yield %scan3A_1019 : i32
    }
    %scan3A_424 = arith.constant 64 : i32
    %broadcast_in_dim3A_425 = arith.constant 1 : i32
    %broadcast_in_dim3A_426 = vector.broadcast %broadcast_in_dim3A_425 : i32 to vector<16xi32>
    %broadcast_in_dim3A_427 = arith.constant 0 : i32
    %broadcast_in_dim3A_428 = vector.broadcast %broadcast_in_dim3A_427 : i32 to vector<16xi32>
    %scan3A_429 = arith.constant 0 : i32
    %scan3A_430 = arith.constant 32 : i32
    %scan3A_431 = arith.addi %scan3A_429, %scan3A_430 : i32
    %scan3A_432 = arith.constant 1 : i32
    %scan3A_433 = scf.for %scan3A_844 = %scan3A_429 to %scan3A_431 step %scan3A_432 iter_args(%scan3A_845 = %broadcast_in_dim3A_428) -> (vector<16xi32>)  : i32 {
      %sub3A_846 = arith.constant 31 : i32
      %sub3A_847 = arith.subi %sub3A_846, %scan3A_844 : i32
      %broadcast_in_dim3A_848 = vector.broadcast %sub3A_847 : i32 to vector<16xi32>
      %shift_left3A = arith.shli %broadcast_in_dim3A_426, %broadcast_in_dim3A_848 : vector<16xi32>
      %or3A_849 = arith.ori %scan3A_845, %shift_left3A : vector<16xi32>
      %broadcast_in_dim3A_850 = arith.constant 0 : i32
      %broadcast_in_dim3A_851 = vector.broadcast %broadcast_in_dim3A_850 : i32 to vector<16xi32>
      %scan3A_852 = arith.constant 0 : i32
      %scan3A_853 = arith.constant 16 : i32
      %scan3A_854 = arith.addi %scan3A_852, %scan3A_853 : i32
      %scan3A_855 = arith.constant 1 : i32
      %scan3A_856 = scf.for %scan3A_865 = %scan3A_852 to %scan3A_854 step %scan3A_855 iter_args(%scan3A_866 = %broadcast_in_dim3A_851) -> (vector<16xi32>)  : i32 {
        %mul3A_867 = arith.constant 4 : i32
        %mul3A_868 = arith.muli %scan3A_865, %mul3A_867 : i32
        %add3A_869 = arith.constant 0 : i32
        %add3A_870 = arith.addi %mul3A_868, %add3A_869 : i32
        %mul3A_871 = arith.constant 16 : i32
        %mul3A_872 = arith.muli %add3A_870, %mul3A_871 : i32
        %get3A = arith.index_cast %mul3A_872 : i32 to index
        %get3A_873 = tpu.vector_load %arg5[%get3A] {strides = array<i32>} : memref<1024xi32, #tpu.memory_space<vmem>>, vector<16xi32>,
        %ge3A_874 = arith.cmpi uge, %get3A_873, %or3A_849 : vector<16xi32>
        %jit3A_875 = arith.constant 1 : i32
        %jit3A_876 = arith.constant 0 : i32
        %broadcast_in_dim3A_877 = vector.broadcast %jit3A_875 : i32 to vector<16xi32>
        %broadcast_in_dim3A_878 = vector.broadcast %jit3A_876 : i32 to vector<16xi32>
        %select_n3A_879 = arith.select %ge3A_874, %broadcast_in_dim3A_877, %broadcast_in_dim3A_878 : vector<16xi1>, vector<16xi32>
        %add3A_880 = arith.addi %scan3A_866, %select_n3A_879 : vector<16xi32>
        %mul3A_881 = arith.constant 4 : i32
        %mul3A_882 = arith.muli %scan3A_865, %mul3A_881 : i32
        %add3A_883 = arith.constant 1 : i32
        %add3A_884 = arith.addi %mul3A_882, %add3A_883 : i32
        %mul3A_885 = arith.constant 16 : i32
        %mul3A_886 = arith.muli %add3A_884, %mul3A_885 : i32
        %get3A_887 = arith.index_cast %mul3A_886 : i32 to index
        %get3A_888 = tpu.vector_load %arg5[%get3A_887] {strides = array<i32>} : memref<1024xi32, #tpu.memory_space<vmem>>, vector<16xi32>,
        %ge3A_889 = arith.cmpi uge, %get3A_888, %or3A_849 : vector<16xi32>
        %jit3A_890 = arith.constant 1 : i32
        %jit3A_891 = arith.constant 0 : i32
        %broadcast_in_dim3A_892 = vector.broadcast %jit3A_890 : i32 to vector<16xi32>
        %broadcast_in_dim3A_893 = vector.broadcast %jit3A_891 : i32 to vector<16xi32>
        %select_n3A_894 = arith.select %ge3A_889, %broadcast_in_dim3A_892, %broadcast_in_dim3A_893 : vector<16xi1>, vector<16xi32>
        %add3A_895 = arith.addi %add3A_880, %select_n3A_894 : vector<16xi32>
        %mul3A_896 = arith.constant 4 : i32
        %mul3A_897 = arith.muli %scan3A_865, %mul3A_896 : i32
        %add3A_898 = arith.constant 2 : i32
        %add3A_899 = arith.addi %mul3A_897, %add3A_898 : i32
        %mul3A_900 = arith.constant 16 : i32
        %mul3A_901 = arith.muli %add3A_899, %mul3A_900 : i32
        %get3A_902 = arith.index_cast %mul3A_901 : i32 to index
        %get3A_903 = tpu.vector_load %arg5[%get3A_902] {strides = array<i32>} : memref<1024xi32, #tpu.memory_space<vmem>>, vector<16xi32>,
        %ge3A_904 = arith.cmpi uge, %get3A_903, %or3A_849 : vector<16xi32>
        %jit3A_905 = arith.constant 1 : i32
        %jit3A_906 = arith.constant 0 : i32
        %broadcast_in_dim3A_907 = vector.broadcast %jit3A_905 : i32 to vector<16xi32>
        %broadcast_in_dim3A_908 = vector.broadcast %jit3A_906 : i32 to vector<16xi32>
        %select_n3A_909 = arith.select %ge3A_904, %broadcast_in_dim3A_907, %broadcast_in_dim3A_908 : vector<16xi1>, vector<16xi32>
        %add3A_910 = arith.addi %add3A_895, %select_n3A_909 : vector<16xi32>
        %mul3A_911 = arith.constant 4 : i32
        %mul3A_912 = arith.muli %scan3A_865, %mul3A_911 : i32
        %add3A_913 = arith.constant 3 : i32
        %add3A_914 = arith.addi %mul3A_912, %add3A_913 : i32
        %mul3A_915 = arith.constant 16 : i32
        %mul3A_916 = arith.muli %add3A_914, %mul3A_915 : i32
        %get3A_917 = arith.index_cast %mul3A_916 : i32 to index
        %get3A_918 = tpu.vector_load %arg5[%get3A_917] {strides = array<i32>} : memref<1024xi32, #tpu.memory_space<vmem>>, vector<16xi32>,
        %ge3A_919 = arith.cmpi uge, %get3A_918, %or3A_849 : vector<16xi32>
        %jit3A_920 = arith.constant 1 : i32
        %jit3A_921 = arith.constant 0 : i32
        %broadcast_in_dim3A_922 = vector.broadcast %jit3A_920 : i32 to vector<16xi32>
        %broadcast_in_dim3A_923 = vector.broadcast %jit3A_921 : i32 to vector<16xi32>
        %select_n3A_924 = arith.select %ge3A_919, %broadcast_in_dim3A_922, %broadcast_in_dim3A_923 : vector<16xi1>, vector<16xi32>
        %add3A_925 = arith.addi %add3A_910, %select_n3A_924 : vector<16xi32>
        scf.yield %add3A_925 : vector<16xi32>
      }
      %scan3A_857 = arith.constant 16 : i32
      %reduce_sum3A_858 = arith.constant true
      %reduce_sum3A_859 = vector.broadcast %reduce_sum3A_858 : i1 to vector<16xi1>
      %reduce_sum3A_860 = tpu.scan <sum>, %scan3A_856 masked %reduce_sum3A_859 : vector<16xi32>, vector<16xi1> -> vector<16xi32>
      %reduce_sum3A_861 = vector.extract %reduce_sum3A_860[15] : i32 from vector<16xi32>
      %ge3A = arith.constant 64 : i32
      %ge3A_862 = arith.cmpi sge, %reduce_sum3A_861, %ge3A : i32
      %broadcast_in_dim3A_863 = vector.broadcast %ge3A_862 : i1 to vector<16xi1>
      %select_n3A_864 = arith.select %broadcast_in_dim3A_863, %or3A_849, %scan3A_845 : vector<16xi1>, vector<16xi32>
      scf.yield %select_n3A_864 : vector<16xi32>
    }
    %scan3A_434 = arith.constant 32 : i32
    %bitcast_convert_type3A_435 = tpu.bitcast %scan3A_433 : vector<16xi32> -> vector<16xi32>
    %broadcast_in_dim3A_436 = arith.constant 31 : i32
    %broadcast_in_dim3A_437 = vector.broadcast %broadcast_in_dim3A_436 : i32 to vector<16xi32>
    %shift_right_arithmetic3A_438 = arith.shrsi %bitcast_convert_type3A_435, %broadcast_in_dim3A_437 : vector<16xi32>
    %not3A_439 = arith.constant dense<-1> : vector<16xi32>
    %not3A_440 = arith.xori %shift_right_arithmetic3A_438, %not3A_439 : vector<16xi32>
    %broadcast_in_dim3A_441 = arith.constant -2147483648 : i32
    %broadcast_in_dim3A_442 = vector.broadcast %broadcast_in_dim3A_441 : i32 to vector<16xi32>
    %or3A_443 = arith.ori %not3A_440, %broadcast_in_dim3A_442 : vector<16xi32>
    %xor3A_444 = arith.xori %bitcast_convert_type3A_435, %or3A_443 : vector<16xi32>
    %bitcast_convert_type3A_445 = tpu.bitcast %xor3A_444 : vector<16xi32> -> vector<16xf32>
    %scan3A_446 = arith.constant 0 : i32
    %scan3A_447 = arith.constant 0 : i32
    %scan3A_448 = arith.constant 2048 : i32
    %scan3A_449 = arith.addi %scan3A_447, %scan3A_448 : i32
    %scan3A_450 = arith.constant 1 : i32
    %scan3A_451 = scf.for %scan3A_844 = %scan3A_447 to %scan3A_449 step %scan3A_450 iter_args(%scan3A_845 = %scan3A_446) -> (i32)  : i32 {
      %mul3A_846 = arith.constant 16 : i32
      %mul3A_847 = arith.muli %scan3A_844, %mul3A_846 : i32
      %get3A = arith.index_cast %mul3A_847 : i32 to index
      %get3A_848 = tpu.vector_load %arg4[%get3A] {strides = array<i32>} : memref<32768xf32, #tpu.memory_space<vmem>>, vector<16xf32>,
      %ge3A = arith.cmpf oge, %get3A_848, %bitcast_convert_type3A_445 : vector<16xf32>
      %reduce_or3A = arith.constant 1.000000e+00 : f32
      %reduce_or3A_849 = arith.constant 0.000000e+00 : f32
      %reduce_or3A_850 = vector.broadcast %reduce_or3A : f32 to vector<16xf32>
      %reduce_or3A_851 = vector.broadcast %reduce_or3A_849 : f32 to vector<16xf32>
      %reduce_or3A_852 = arith.select %ge3A, %reduce_or3A_850, %reduce_or3A_851 : vector<16xi1>, vector<16xf32>
      %reduce_or3A_853 = arith.constant true
      %reduce_or3A_854 = vector.broadcast %reduce_or3A_853 : i1 to vector<16xi1>
      %reduce_or3A_855 = tpu.scan <max>, %reduce_or3A_852 masked %reduce_or3A_854 : vector<16xf32>, vector<16xi1> -> vector<16xf32>
      %reduce_or3A_856 = vector.extract %reduce_or3A_855[15] : f32 from vector<16xf32>
      %reduce_or3A_857 = arith.constant 0.000000e+00 : f32
      %reduce_or3A_858 = arith.cmpf ogt, %reduce_or3A_856, %reduce_or3A_857 : f32
      %convert_element_type3A_859 = arith.extui %reduce_or3A_858 : i1 to i32
      %cond3A = arith.constant 0 : i32
      %cond3A_860 = arith.cmpi ne, %convert_element_type3A_859, %cond3A : i32
      scf.if %cond3A_860 {
        %bitcast_convert_type3A_864 = tpu.bitcast %get3A_848 : vector<16xf32> -> vector<16xi32>
        %broadcast_in_dim3A_865 = arith.constant 31 : i32
        %broadcast_in_dim3A_866 = vector.broadcast %broadcast_in_dim3A_865 : i32 to vector<16xi32>
        %shift_right_arithmetic3A_867 = arith.shrsi %bitcast_convert_type3A_864, %broadcast_in_dim3A_866 : vector<16xi32>
        %broadcast_in_dim3A_868 = arith.constant -2147483648 : i32
        %broadcast_in_dim3A_869 = vector.broadcast %broadcast_in_dim3A_868 : i32 to vector<16xi32>
        %or3A_870 = arith.ori %shift_right_arithmetic3A_867, %broadcast_in_dim3A_869 : vector<16xi32>
        %xor3A_871 = arith.xori %bitcast_convert_type3A_864, %or3A_870 : vector<16xi32>
        %bitcast_convert_type3A_872 = tpu.bitcast %xor3A_871 : vector<16xi32> -> vector<16xi32>
        %broadcast_in_dim3A_873 = arith.constant 0 : i32
        %broadcast_in_dim3A_874 = vector.broadcast %broadcast_in_dim3A_873 : i32 to vector<16xi32>
        %select_n3A_875 = arith.select %ge3A, %bitcast_convert_type3A_872, %broadcast_in_dim3A_874 : vector<16xi1>, vector<16xi32>
        %swap3A_876 = arith.index_cast %scan3A_845 : i32 to index
        %swap3A_877 = tpu.vector_load %arg6[%swap3A_876] {strides = array<i32>} : memref<32816xi32, #tpu.memory_space<vmem>>, vector<16xi32>,
        tpu.vector_store %arg6[%swap3A_876], %select_n3A_875 {strides = array<i32>} : memref<32816xi32, #tpu.memory_space<vmem>>, vector<16xi32>,
      } else {
      }
      %add3A_861 = arith.constant 16 : i32
      %add3A_862 = arith.addi %scan3A_845, %add3A_861 : i32
      %select_n3A_863 = arith.select %reduce_or3A_858, %add3A_862, %scan3A_845 : i32
      scf.yield %select_n3A_863 : i32
    }
    %scan3A_452 = arith.constant 2048 : i32
    %broadcast_in_dim3A_453 = arith.constant 0 : i32
    %broadcast_in_dim3A_454 = vector.broadcast %broadcast_in_dim3A_453 : i32 to vector<16xi32>
    %add3A_455 = arith.constant 0 : i32
    %add3A_456 = arith.addi %scan3A_451, %add3A_455 : i32
    %swap3A_457 = arith.index_cast %add3A_456 : i32 to index
    %swap3A_458 = tpu.vector_load %arg6[%swap3A_457] {strides = array<i32>} : memref<32816xi32, #tpu.memory_space<vmem>>, vector<16xi32>,
    tpu.vector_store %arg6[%swap3A_457], %broadcast_in_dim3A_454 {strides = array<i32>} : memref<32816xi32, #tpu.memory_space<vmem>>, vector<16xi32>,
    %add3A_459 = arith.constant 16 : i32
    %add3A_460 = arith.addi %scan3A_451, %add3A_459 : i32
    %swap3A_461 = arith.index_cast %add3A_460 : i32 to index
    %swap3A_462 = tpu.vector_load %arg6[%swap3A_461] {strides = array<i32>} : memref<32816xi32, #tpu.memory_space<vmem>>, vector<16xi32>,
    tpu.vector_store %arg6[%swap3A_461], %broadcast_in_dim3A_454 {strides = array<i32>} : memref<32816xi32, #tpu.memory_space<vmem>>, vector<16xi32>,
    %add3A_463 = arith.constant 32 : i32
    %add3A_464 = arith.addi %scan3A_451, %add3A_463 : i32
    %swap3A_465 = arith.index_cast %add3A_464 : i32 to index
    %swap3A_466 = tpu.vector_load %arg6[%swap3A_465] {strides = array<i32>} : memref<32816xi32, #tpu.memory_space<vmem>>, vector<16xi32>,
    tpu.vector_store %arg6[%swap3A_465], %broadcast_in_dim3A_454 {strides = array<i32>} : memref<32816xi32, #tpu.memory_space<vmem>>, vector<16xi32>,
    %jit3A_467 = arith.constant 16 : i32
    %div3A_468 = arith.divsi %scan3A_451, %jit3A_467 : i32
    %sign3A_469 = arith.constant 0 : i32
    %sign3A_470 = arith.cmpi sgt, %scan3A_451, %sign3A_469 : i32
    %sign3A_471 = arith.extui %sign3A_470 : i1 to i32
    %sign3A_472 = arith.constant 0 : i32
    %sign3A_473 = arith.cmpi slt, %scan3A_451, %sign3A_472 : i32
    %sign3A_474 = arith.extui %sign3A_473 : i1 to i32
    %sign3A_475 = arith.subi %sign3A_471, %sign3A_474 : i32
    %sign3A_476 = arith.constant 0 : i32
    %sign3A_477 = arith.cmpi sgt, %jit3A_467, %sign3A_476 : i32
    %sign3A_478 = arith.extui %sign3A_477 : i1 to i32
    %sign3A_479 = arith.constant 0 : i32
    %sign3A_480 = arith.cmpi slt, %jit3A_467, %sign3A_479 : i32
    %sign3A_481 = arith.extui %sign3A_480 : i1 to i32
    %sign3A_482 = arith.subi %sign3A_478, %sign3A_481 : i32
    %ne3A_483 = arith.cmpi ne, %sign3A_475, %sign3A_482 : i32
    %rem3A_484 = arith.remsi %scan3A_451, %jit3A_467 : i32
    %ne3A_485 = arith.constant 0 : i32
    %ne3A_486 = arith.cmpi ne, %rem3A_484, %ne3A_485 : i32
    %and3A_487 = arith.andi %ne3A_483, %ne3A_486 : i1
    %sub3A_488 = arith.constant 1 : i32
    %sub3A_489 = arith.subi %div3A_468, %sub3A_488 : i32
    %select_n3A_490 = arith.select %and3A_487, %sub3A_489, %div3A_468 : i32
    %add3A_491 = arith.constant 3 : i32
    %add3A_492 = arith.addi %select_n3A_490, %add3A_491 : i32
    %jit3A_493 = arith.constant 4 : i32
    %div3A_494 = arith.divsi %add3A_492, %jit3A_493 : i32
    %sign3A_495 = arith.constant 0 : i32
    %sign3A_496 = arith.cmpi sgt, %add3A_492, %sign3A_495 : i32
    %sign3A_497 = arith.extui %sign3A_496 : i1 to i32
    %sign3A_498 = arith.constant 0 : i32
    %sign3A_499 = arith.cmpi slt, %add3A_492, %sign3A_498 : i32
    %sign3A_500 = arith.extui %sign3A_499 : i1 to i32
    %sign3A_501 = arith.subi %sign3A_497, %sign3A_500 : i32
    %sign3A_502 = arith.constant 0 : i32
    %sign3A_503 = arith.cmpi sgt, %jit3A_493, %sign3A_502 : i32
    %sign3A_504 = arith.extui %sign3A_503 : i1 to i32
    %sign3A_505 = arith.constant 0 : i32
    %sign3A_506 = arith.cmpi slt, %jit3A_493, %sign3A_505 : i32
    %sign3A_507 = arith.extui %sign3A_506 : i1 to i32
    %sign3A_508 = arith.subi %sign3A_504, %sign3A_507 : i32
    %ne3A_509 = arith.cmpi ne, %sign3A_501, %sign3A_508 : i32
    %rem3A_510 = arith.remsi %add3A_492, %jit3A_493 : i32
    %ne3A_511 = arith.constant 0 : i32
    %ne3A_512 = arith.cmpi ne, %rem3A_510, %ne3A_511 : i32
    %and3A_513 = arith.andi %ne3A_509, %ne3A_512 : i1
    %sub3A_514 = arith.constant 1 : i32
    %sub3A_515 = arith.subi %div3A_494, %sub3A_514 : i32
    %select_n3A_516 = arith.select %and3A_513, %sub3A_515, %div3A_494 : i32
    %mul3A_517 = arith.constant 4 : i32
    %mul3A_518 = arith.muli %select_n3A_516, %mul3A_517 : i32
    %jit3A_519 = arith.constant 4 : i32
    %div3A_520 = arith.divsi %mul3A_518, %jit3A_519 : i32
    %sign3A_521 = arith.constant 0 : i32
    %sign3A_522 = arith.cmpi sgt, %mul3A_518, %sign3A_521 : i32
    %sign3A_523 = arith.extui %sign3A_522 : i1 to i32
    %sign3A_524 = arith.constant 0 : i32
    %sign3A_525 = arith.cmpi slt, %mul3A_518, %sign3A_524 : i32
    %sign3A_526 = arith.extui %sign3A_525 : i1 to i32
    %sign3A_527 = arith.subi %sign3A_523, %sign3A_526 : i32
    %sign3A_528 = arith.constant 0 : i32
    %sign3A_529 = arith.cmpi sgt, %jit3A_519, %sign3A_528 : i32
    %sign3A_530 = arith.extui %sign3A_529 : i1 to i32
    %sign3A_531 = arith.constant 0 : i32
    %sign3A_532 = arith.cmpi slt, %jit3A_519, %sign3A_531 : i32
    %sign3A_533 = arith.extui %sign3A_532 : i1 to i32
    %sign3A_534 = arith.subi %sign3A_530, %sign3A_533 : i32
    %ne3A_535 = arith.cmpi ne, %sign3A_527, %sign3A_534 : i32
    %rem3A_536 = arith.remsi %mul3A_518, %jit3A_519 : i32
    %ne3A_537 = arith.constant 0 : i32
    %ne3A_538 = arith.cmpi ne, %rem3A_536, %ne3A_537 : i32
    %and3A_539 = arith.andi %ne3A_535, %ne3A_538 : i1
    %sub3A_540 = arith.constant 1 : i32
    %sub3A_541 = arith.subi %div3A_520, %sub3A_540 : i32
    %select_n3A_542 = arith.select %and3A_539, %sub3A_541, %div3A_520 : i32
    %broadcast_in_dim3A_543 = arith.constant 1 : i32
    %broadcast_in_dim3A_544 = vector.broadcast %broadcast_in_dim3A_543 : i32 to vector<16xi32>
    %broadcast_in_dim3A_545 = arith.constant 0 : i32
    %broadcast_in_dim3A_546 = vector.broadcast %broadcast_in_dim3A_545 : i32 to vector<16xi32>
    %scan3A_547 = arith.constant 0 : i32
    %scan3A_548 = arith.constant 32 : i32
    %scan3A_549 = arith.addi %scan3A_547, %scan3A_548 : i32
    %scan3A_550 = arith.constant 1 : i32
    %scan3A_551 = scf.for %scan3A_844 = %scan3A_547 to %scan3A_549 step %scan3A_550 iter_args(%scan3A_845 = %broadcast_in_dim3A_546) -> (vector<16xi32>)  : i32 {
      %sub3A_846 = arith.constant 31 : i32
      %sub3A_847 = arith.subi %sub3A_846, %scan3A_844 : i32
      %broadcast_in_dim3A_848 = vector.broadcast %sub3A_847 : i32 to vector<16xi32>
      %shift_left3A = arith.shli %broadcast_in_dim3A_544, %broadcast_in_dim3A_848 : vector<16xi32>
      %or3A_849 = arith.ori %scan3A_845, %shift_left3A : vector<16xi32>
      %broadcast_in_dim3A_850 = arith.constant 0 : i32
      %broadcast_in_dim3A_851 = vector.broadcast %broadcast_in_dim3A_850 : i32 to vector<16xi32>
      %while3A_852 = arith.constant 0 : i32
      %while3A_853 = arith.subi %select_n3A_542, %while3A_852 : i32
      %while3A_854 = arith.addi %while3A_852, %while3A_853 : i32
      %while3A_855 = arith.constant 1 : i32
      %while3A_856 = arith.divsi %while3A_853, %while3A_855 : i32
      %while3A_857 = arith.muli %while3A_856, %while3A_855 : i32
      %while3A_858 = arith.addi %while3A_852, %while3A_857 : i32
      %while3A_859 = arith.constant 1 : i32
      %while3A_860 = scf.for %while3A_870 = %while3A_852 to %while3A_858 step %while3A_859 iter_args(%while3A_871 = %broadcast_in_dim3A_851) -> (vector<16xi32>)  : i32 {
        %mul3A_872 = arith.constant 4 : i32
        %mul3A_873 = arith.muli %while3A_870, %mul3A_872 : i32
        %add3A_874 = arith.constant 0 : i32
        %add3A_875 = arith.addi %mul3A_873, %add3A_874 : i32
        %mul3A_876 = arith.constant 16 : i32
        %mul3A_877 = arith.muli %add3A_875, %mul3A_876 : i32
        %get3A = arith.index_cast %mul3A_877 : i32 to index
        %get3A_878 = tpu.vector_load %arg6[%get3A] {strides = array<i32>} : memref<32816xi32, #tpu.memory_space<vmem>>, vector<16xi32>,
        %ge3A_879 = arith.cmpi uge, %get3A_878, %or3A_849 : vector<16xi32>
        %jit3A_880 = arith.constant 1 : i32
        %jit3A_881 = arith.constant 0 : i32
        %broadcast_in_dim3A_882 = vector.broadcast %jit3A_880 : i32 to vector<16xi32>
        %broadcast_in_dim3A_883 = vector.broadcast %jit3A_881 : i32 to vector<16xi32>
        %select_n3A_884 = arith.select %ge3A_879, %broadcast_in_dim3A_882, %broadcast_in_dim3A_883 : vector<16xi1>, vector<16xi32>
        %add3A_885 = arith.addi %while3A_871, %select_n3A_884 : vector<16xi32>
        %mul3A_886 = arith.constant 4 : i32
        %mul3A_887 = arith.muli %while3A_870, %mul3A_886 : i32
        %add3A_888 = arith.constant 1 : i32
        %add3A_889 = arith.addi %mul3A_887, %add3A_888 : i32
        %mul3A_890 = arith.constant 16 : i32
        %mul3A_891 = arith.muli %add3A_889, %mul3A_890 : i32
        %get3A_892 = arith.index_cast %mul3A_891 : i32 to index
        %get3A_893 = tpu.vector_load %arg6[%get3A_892] {strides = array<i32>} : memref<32816xi32, #tpu.memory_space<vmem>>, vector<16xi32>,
        %ge3A_894 = arith.cmpi uge, %get3A_893, %or3A_849 : vector<16xi32>
        %jit3A_895 = arith.constant 1 : i32
        %jit3A_896 = arith.constant 0 : i32
        %broadcast_in_dim3A_897 = vector.broadcast %jit3A_895 : i32 to vector<16xi32>
        %broadcast_in_dim3A_898 = vector.broadcast %jit3A_896 : i32 to vector<16xi32>
        %select_n3A_899 = arith.select %ge3A_894, %broadcast_in_dim3A_897, %broadcast_in_dim3A_898 : vector<16xi1>, vector<16xi32>
        %add3A_900 = arith.addi %add3A_885, %select_n3A_899 : vector<16xi32>
        %mul3A_901 = arith.constant 4 : i32
        %mul3A_902 = arith.muli %while3A_870, %mul3A_901 : i32
        %add3A_903 = arith.constant 2 : i32
        %add3A_904 = arith.addi %mul3A_902, %add3A_903 : i32
        %mul3A_905 = arith.constant 16 : i32
        %mul3A_906 = arith.muli %add3A_904, %mul3A_905 : i32
        %get3A_907 = arith.index_cast %mul3A_906 : i32 to index
        %get3A_908 = tpu.vector_load %arg6[%get3A_907] {strides = array<i32>} : memref<32816xi32, #tpu.memory_space<vmem>>, vector<16xi32>,
        %ge3A_909 = arith.cmpi uge, %get3A_908, %or3A_849 : vector<16xi32>
        %jit3A_910 = arith.constant 1 : i32
        %jit3A_911 = arith.constant 0 : i32
        %broadcast_in_dim3A_912 = vector.broadcast %jit3A_910 : i32 to vector<16xi32>
        %broadcast_in_dim3A_913 = vector.broadcast %jit3A_911 : i32 to vector<16xi32>
        %select_n3A_914 = arith.select %ge3A_909, %broadcast_in_dim3A_912, %broadcast_in_dim3A_913 : vector<16xi1>, vector<16xi32>
        %add3A_915 = arith.addi %add3A_900, %select_n3A_914 : vector<16xi32>
        %mul3A_916 = arith.constant 4 : i32
        %mul3A_917 = arith.muli %while3A_870, %mul3A_916 : i32
        %add3A_918 = arith.constant 3 : i32
        %add3A_919 = arith.addi %mul3A_917, %add3A_918 : i32
        %mul3A_920 = arith.constant 16 : i32
        %mul3A_921 = arith.muli %add3A_919, %mul3A_920 : i32
        %get3A_922 = arith.index_cast %mul3A_921 : i32 to index
        %get3A_923 = tpu.vector_load %arg6[%get3A_922] {strides = array<i32>} : memref<32816xi32, #tpu.memory_space<vmem>>, vector<16xi32>,
        %ge3A_924 = arith.cmpi uge, %get3A_923, %or3A_849 : vector<16xi32>
        %jit3A_925 = arith.constant 1 : i32
        %jit3A_926 = arith.constant 0 : i32
        %broadcast_in_dim3A_927 = vector.broadcast %jit3A_925 : i32 to vector<16xi32>
        %broadcast_in_dim3A_928 = vector.broadcast %jit3A_926 : i32 to vector<16xi32>
        %select_n3A_929 = arith.select %ge3A_924, %broadcast_in_dim3A_927, %broadcast_in_dim3A_928 : vector<16xi1>, vector<16xi32>
        %add3A_930 = arith.addi %add3A_915, %select_n3A_929 : vector<16xi32>
        scf.yield %add3A_930 : vector<16xi32>
      }
      %while3A_861 = arith.constant 1 : i32
      %while3A_862 = scf.for %while3A_870 = %while3A_858 to %while3A_854 step %while3A_861 iter_args(%while3A_871 = %while3A_860) -> (vector<16xi32>)  : i32 {
        %mul3A_872 = arith.constant 4 : i32
        %mul3A_873 = arith.muli %while3A_870, %mul3A_872 : i32
        %add3A_874 = arith.constant 0 : i32
        %add3A_875 = arith.addi %mul3A_873, %add3A_874 : i32
        %mul3A_876 = arith.constant 16 : i32
        %mul3A_877 = arith.muli %add3A_875, %mul3A_876 : i32
        %get3A = arith.index_cast %mul3A_877 : i32 to index
        %get3A_878 = tpu.vector_load %arg6[%get3A] {strides = array<i32>} : memref<32816xi32, #tpu.memory_space<vmem>>, vector<16xi32>,
        %ge3A_879 = arith.cmpi uge, %get3A_878, %or3A_849 : vector<16xi32>
        %jit3A_880 = arith.constant 1 : i32
        %jit3A_881 = arith.constant 0 : i32
        %broadcast_in_dim3A_882 = vector.broadcast %jit3A_880 : i32 to vector<16xi32>
        %broadcast_in_dim3A_883 = vector.broadcast %jit3A_881 : i32 to vector<16xi32>
        %select_n3A_884 = arith.select %ge3A_879, %broadcast_in_dim3A_882, %broadcast_in_dim3A_883 : vector<16xi1>, vector<16xi32>
        %add3A_885 = arith.addi %while3A_871, %select_n3A_884 : vector<16xi32>
        %mul3A_886 = arith.constant 4 : i32
        %mul3A_887 = arith.muli %while3A_870, %mul3A_886 : i32
        %add3A_888 = arith.constant 1 : i32
        %add3A_889 = arith.addi %mul3A_887, %add3A_888 : i32
        %mul3A_890 = arith.constant 16 : i32
        %mul3A_891 = arith.muli %add3A_889, %mul3A_890 : i32
        %get3A_892 = arith.index_cast %mul3A_891 : i32 to index
        %get3A_893 = tpu.vector_load %arg6[%get3A_892] {strides = array<i32>} : memref<32816xi32, #tpu.memory_space<vmem>>, vector<16xi32>,
        %ge3A_894 = arith.cmpi uge, %get3A_893, %or3A_849 : vector<16xi32>
        %jit3A_895 = arith.constant 1 : i32
        %jit3A_896 = arith.constant 0 : i32
        %broadcast_in_dim3A_897 = vector.broadcast %jit3A_895 : i32 to vector<16xi32>
        %broadcast_in_dim3A_898 = vector.broadcast %jit3A_896 : i32 to vector<16xi32>
        %select_n3A_899 = arith.select %ge3A_894, %broadcast_in_dim3A_897, %broadcast_in_dim3A_898 : vector<16xi1>, vector<16xi32>
        %add3A_900 = arith.addi %add3A_885, %select_n3A_899 : vector<16xi32>
        %mul3A_901 = arith.constant 4 : i32
        %mul3A_902 = arith.muli %while3A_870, %mul3A_901 : i32
        %add3A_903 = arith.constant 2 : i32
        %add3A_904 = arith.addi %mul3A_902, %add3A_903 : i32
        %mul3A_905 = arith.constant 16 : i32
        %mul3A_906 = arith.muli %add3A_904, %mul3A_905 : i32
        %get3A_907 = arith.index_cast %mul3A_906 : i32 to index
        %get3A_908 = tpu.vector_load %arg6[%get3A_907] {strides = array<i32>} : memref<32816xi32, #tpu.memory_space<vmem>>, vector<16xi32>,
        %ge3A_909 = arith.cmpi uge, %get3A_908, %or3A_849 : vector<16xi32>
        %jit3A_910 = arith.constant 1 : i32
        %jit3A_911 = arith.constant 0 : i32
        %broadcast_in_dim3A_912 = vector.broadcast %jit3A_910 : i32 to vector<16xi32>
        %broadcast_in_dim3A_913 = vector.broadcast %jit3A_911 : i32 to vector<16xi32>
        %select_n3A_914 = arith.select %ge3A_909, %broadcast_in_dim3A_912, %broadcast_in_dim3A_913 : vector<16xi1>, vector<16xi32>
        %add3A_915 = arith.addi %add3A_900, %select_n3A_914 : vector<16xi32>
        %mul3A_916 = arith.constant 4 : i32
        %mul3A_917 = arith.muli %while3A_870, %mul3A_916 : i32
        %add3A_918 = arith.constant 3 : i32
        %add3A_919 = arith.addi %mul3A_917, %add3A_918 : i32
        %mul3A_920 = arith.constant 16 : i32
        %mul3A_921 = arith.muli %add3A_919, %mul3A_920 : i32
        %get3A_922 = arith.index_cast %mul3A_921 : i32 to index
        %get3A_923 = tpu.vector_load %arg6[%get3A_922] {strides = array<i32>} : memref<32816xi32, #tpu.memory_space<vmem>>, vector<16xi32>,
        %ge3A_924 = arith.cmpi uge, %get3A_923, %or3A_849 : vector<16xi32>
        %jit3A_925 = arith.constant 1 : i32
        %jit3A_926 = arith.constant 0 : i32
        %broadcast_in_dim3A_927 = vector.broadcast %jit3A_925 : i32 to vector<16xi32>
        %broadcast_in_dim3A_928 = vector.broadcast %jit3A_926 : i32 to vector<16xi32>
        %select_n3A_929 = arith.select %ge3A_924, %broadcast_in_dim3A_927, %broadcast_in_dim3A_928 : vector<16xi1>, vector<16xi32>
        %add3A_930 = arith.addi %add3A_915, %select_n3A_929 : vector<16xi32>
        scf.yield %add3A_930 : vector<16xi32>
      }
      %reduce_sum3A_863 = arith.constant true
      %reduce_sum3A_864 = vector.broadcast %reduce_sum3A_863 : i1 to vector<16xi1>
      %reduce_sum3A_865 = tpu.scan <sum>, %while3A_862 masked %reduce_sum3A_864 : vector<16xi32>, vector<16xi1> -> vector<16xi32>
      %reduce_sum3A_866 = vector.extract %reduce_sum3A_865[15] : i32 from vector<16xi32>
      %ge3A = arith.constant 64 : i32
      %ge3A_867 = arith.cmpi sge, %reduce_sum3A_866, %ge3A : i32
      %broadcast_in_dim3A_868 = vector.broadcast %ge3A_867 : i1 to vector<16xi1>
      %select_n3A_869 = arith.select %broadcast_in_dim3A_868, %or3A_849, %scan3A_845 : vector<16xi1>, vector<16xi32>
      scf.yield %select_n3A_869 : vector<16xi32>
    }
    %scan3A_552 = arith.constant 32 : i32
    %jit3A_553 = arith.constant 4 : i32
    %div3A_554 = arith.divsi %mul3A_518, %jit3A_553 : i32
    %sign3A_555 = arith.constant 0 : i32
    %sign3A_556 = arith.cmpi sgt, %mul3A_518, %sign3A_555 : i32
    %sign3A_557 = arith.extui %sign3A_556 : i1 to i32
    %sign3A_558 = arith.constant 0 : i32
    %sign3A_559 = arith.cmpi slt, %mul3A_518, %sign3A_558 : i32
    %sign3A_560 = arith.extui %sign3A_559 : i1 to i32
    %sign3A_561 = arith.subi %sign3A_557, %sign3A_560 : i32
    %sign3A_562 = arith.constant 0 : i32
    %sign3A_563 = arith.cmpi sgt, %jit3A_553, %sign3A_562 : i32
    %sign3A_564 = arith.extui %sign3A_563 : i1 to i32
    %sign3A_565 = arith.constant 0 : i32
    %sign3A_566 = arith.cmpi slt, %jit3A_553, %sign3A_565 : i32
    %sign3A_567 = arith.extui %sign3A_566 : i1 to i32
    %sign3A_568 = arith.subi %sign3A_564, %sign3A_567 : i32
    %ne3A_569 = arith.cmpi ne, %sign3A_561, %sign3A_568 : i32
    %rem3A_570 = arith.remsi %mul3A_518, %jit3A_553 : i32
    %ne3A_571 = arith.constant 0 : i32
    %ne3A_572 = arith.cmpi ne, %rem3A_570, %ne3A_571 : i32
    %and3A_573 = arith.andi %ne3A_569, %ne3A_572 : i1
    %sub3A_574 = arith.constant 1 : i32
    %sub3A_575 = arith.subi %div3A_554, %sub3A_574 : i32
    %select_n3A_576 = arith.select %and3A_573, %sub3A_575, %div3A_554 : i32
    %broadcast_in_dim3A_577 = arith.constant 0.000000e+00 : f32
    %broadcast_in_dim3A_578 = vector.broadcast %broadcast_in_dim3A_577 : f32 to vector<16xf32>
    %broadcast_in_dim3A_579 = arith.constant 0 : i32
    %broadcast_in_dim3A_580 = vector.broadcast %broadcast_in_dim3A_579 : i32 to vector<16xi32>
    %while3A_581 = arith.constant 0 : i32
    %while3A_582 = arith.subi %select_n3A_576, %while3A_581 : i32
    %while3A_583 = arith.addi %while3A_581, %while3A_582 : i32
    %while3A_584 = arith.constant 1 : i32
    %while3A_585 = arith.divsi %while3A_582, %while3A_584 : i32
    %while3A_586 = arith.muli %while3A_585, %while3A_584 : i32
    %while3A_587 = arith.addi %while3A_581, %while3A_586 : i32
    %while3A_588 = arith.constant 1 : i32
    %while3A_589:2 = scf.for %while3A_844 = %while3A_581 to %while3A_587 step %while3A_588 iter_args(%while3A_845 = %broadcast_in_dim3A_578, %while3A_846 = %broadcast_in_dim3A_580) -> (vector<16xf32>, vector<16xi32>)  : i32 {
      %mul3A_847 = arith.constant 4 : i32
      %mul3A_848 = arith.muli %while3A_844, %mul3A_847 : i32
      %add3A_849 = arith.constant 0 : i32
      %add3A_850 = arith.addi %mul3A_848, %add3A_849 : i32
      %mul3A_851 = arith.constant 16 : i32
      %mul3A_852 = arith.muli %add3A_850, %mul3A_851 : i32
      %get3A = arith.index_cast %mul3A_852 : i32 to index
      %get3A_853 = tpu.vector_load %arg6[%get3A] {strides = array<i32>} : memref<32816xi32, #tpu.memory_space<vmem>>, vector<16xi32>,
      %gt3A = arith.cmpi ugt, %get3A_853, %scan3A_551 : vector<16xi32>
      %bitcast_convert_type3A_854 = tpu.bitcast %get3A_853 : vector<16xi32> -> vector<16xi32>
      %broadcast_in_dim3A_855 = arith.constant 31 : i32
      %broadcast_in_dim3A_856 = vector.broadcast %broadcast_in_dim3A_855 : i32 to vector<16xi32>
      %shift_right_arithmetic3A_857 = arith.shrsi %bitcast_convert_type3A_854, %broadcast_in_dim3A_856 : vector<16xi32>
      %not3A_858 = arith.constant dense<-1> : vector<16xi32>
      %not3A_859 = arith.xori %shift_right_arithmetic3A_857, %not3A_858 : vector<16xi32>
      %broadcast_in_dim3A_860 = arith.constant -2147483648 : i32
      %broadcast_in_dim3A_861 = vector.broadcast %broadcast_in_dim3A_860 : i32 to vector<16xi32>
      %or3A_862 = arith.ori %not3A_859, %broadcast_in_dim3A_861 : vector<16xi32>
      %xor3A_863 = arith.xori %bitcast_convert_type3A_854, %or3A_862 : vector<16xi32>
      %bitcast_convert_type3A_864 = tpu.bitcast %xor3A_863 : vector<16xi32> -> vector<16xf32>
      %broadcast_in_dim3A_865 = arith.constant 0.000000e+00 : f32
      %broadcast_in_dim3A_866 = vector.broadcast %broadcast_in_dim3A_865 : f32 to vector<16xf32>
      %select_n3A_867 = arith.select %gt3A, %bitcast_convert_type3A_864, %broadcast_in_dim3A_866 : vector<16xi1>, vector<16xf32>
      %add3A_868 = arith.addf %while3A_845, %select_n3A_867 : vector<16xf32>
      %jit3A_869 = arith.constant 1 : i32
      %jit3A_870 = arith.constant 0 : i32
      %broadcast_in_dim3A_871 = vector.broadcast %jit3A_869 : i32 to vector<16xi32>
      %broadcast_in_dim3A_872 = vector.broadcast %jit3A_870 : i32 to vector<16xi32>
      %select_n3A_873 = arith.select %gt3A, %broadcast_in_dim3A_871, %broadcast_in_dim3A_872 : vector<16xi1>, vector<16xi32>
      %add3A_874 = arith.addi %while3A_846, %select_n3A_873 : vector<16xi32>
      %mul3A_875 = arith.constant 4 : i32
      %mul3A_876 = arith.muli %while3A_844, %mul3A_875 : i32
      %add3A_877 = arith.constant 1 : i32
      %add3A_878 = arith.addi %mul3A_876, %add3A_877 : i32
      %mul3A_879 = arith.constant 16 : i32
      %mul3A_880 = arith.muli %add3A_878, %mul3A_879 : i32
      %get3A_881 = arith.index_cast %mul3A_880 : i32 to index
      %get3A_882 = tpu.vector_load %arg6[%get3A_881] {strides = array<i32>} : memref<32816xi32, #tpu.memory_space<vmem>>, vector<16xi32>,
      %gt3A_883 = arith.cmpi ugt, %get3A_882, %scan3A_551 : vector<16xi32>
      %bitcast_convert_type3A_884 = tpu.bitcast %get3A_882 : vector<16xi32> -> vector<16xi32>
      %broadcast_in_dim3A_885 = arith.constant 31 : i32
      %broadcast_in_dim3A_886 = vector.broadcast %broadcast_in_dim3A_885 : i32 to vector<16xi32>
      %shift_right_arithmetic3A_887 = arith.shrsi %bitcast_convert_type3A_884, %broadcast_in_dim3A_886 : vector<16xi32>
      %not3A_888 = arith.constant dense<-1> : vector<16xi32>
      %not3A_889 = arith.xori %shift_right_arithmetic3A_887, %not3A_888 : vector<16xi32>
      %broadcast_in_dim3A_890 = arith.constant -2147483648 : i32
      %broadcast_in_dim3A_891 = vector.broadcast %broadcast_in_dim3A_890 : i32 to vector<16xi32>
      %or3A_892 = arith.ori %not3A_889, %broadcast_in_dim3A_891 : vector<16xi32>
      %xor3A_893 = arith.xori %bitcast_convert_type3A_884, %or3A_892 : vector<16xi32>
      %bitcast_convert_type3A_894 = tpu.bitcast %xor3A_893 : vector<16xi32> -> vector<16xf32>
      %broadcast_in_dim3A_895 = arith.constant 0.000000e+00 : f32
      %broadcast_in_dim3A_896 = vector.broadcast %broadcast_in_dim3A_895 : f32 to vector<16xf32>
      %select_n3A_897 = arith.select %gt3A_883, %bitcast_convert_type3A_894, %broadcast_in_dim3A_896 : vector<16xi1>, vector<16xf32>
      %add3A_898 = arith.addf %add3A_868, %select_n3A_897 : vector<16xf32>
      %jit3A_899 = arith.constant 1 : i32
      %jit3A_900 = arith.constant 0 : i32
      %broadcast_in_dim3A_901 = vector.broadcast %jit3A_899 : i32 to vector<16xi32>
      %broadcast_in_dim3A_902 = vector.broadcast %jit3A_900 : i32 to vector<16xi32>
      %select_n3A_903 = arith.select %gt3A_883, %broadcast_in_dim3A_901, %broadcast_in_dim3A_902 : vector<16xi1>, vector<16xi32>
      %add3A_904 = arith.addi %add3A_874, %select_n3A_903 : vector<16xi32>
      %mul3A_905 = arith.constant 4 : i32
      %mul3A_906 = arith.muli %while3A_844, %mul3A_905 : i32
      %add3A_907 = arith.constant 2 : i32
      %add3A_908 = arith.addi %mul3A_906, %add3A_907 : i32
      %mul3A_909 = arith.constant 16 : i32
      %mul3A_910 = arith.muli %add3A_908, %mul3A_909 : i32
      %get3A_911 = arith.index_cast %mul3A_910 : i32 to index
      %get3A_912 = tpu.vector_load %arg6[%get3A_911] {strides = array<i32>} : memref<32816xi32, #tpu.memory_space<vmem>>, vector<16xi32>,
      %gt3A_913 = arith.cmpi ugt, %get3A_912, %scan3A_551 : vector<16xi32>
      %bitcast_convert_type3A_914 = tpu.bitcast %get3A_912 : vector<16xi32> -> vector<16xi32>
      %broadcast_in_dim3A_915 = arith.constant 31 : i32
      %broadcast_in_dim3A_916 = vector.broadcast %broadcast_in_dim3A_915 : i32 to vector<16xi32>
      %shift_right_arithmetic3A_917 = arith.shrsi %bitcast_convert_type3A_914, %broadcast_in_dim3A_916 : vector<16xi32>
      %not3A_918 = arith.constant dense<-1> : vector<16xi32>
      %not3A_919 = arith.xori %shift_right_arithmetic3A_917, %not3A_918 : vector<16xi32>
      %broadcast_in_dim3A_920 = arith.constant -2147483648 : i32
      %broadcast_in_dim3A_921 = vector.broadcast %broadcast_in_dim3A_920 : i32 to vector<16xi32>
      %or3A_922 = arith.ori %not3A_919, %broadcast_in_dim3A_921 : vector<16xi32>
      %xor3A_923 = arith.xori %bitcast_convert_type3A_914, %or3A_922 : vector<16xi32>
      %bitcast_convert_type3A_924 = tpu.bitcast %xor3A_923 : vector<16xi32> -> vector<16xf32>
      %broadcast_in_dim3A_925 = arith.constant 0.000000e+00 : f32
      %broadcast_in_dim3A_926 = vector.broadcast %broadcast_in_dim3A_925 : f32 to vector<16xf32>
      %select_n3A_927 = arith.select %gt3A_913, %bitcast_convert_type3A_924, %broadcast_in_dim3A_926 : vector<16xi1>, vector<16xf32>
      %add3A_928 = arith.addf %add3A_898, %select_n3A_927 : vector<16xf32>
      %jit3A_929 = arith.constant 1 : i32
      %jit3A_930 = arith.constant 0 : i32
      %broadcast_in_dim3A_931 = vector.broadcast %jit3A_929 : i32 to vector<16xi32>
      %broadcast_in_dim3A_932 = vector.broadcast %jit3A_930 : i32 to vector<16xi32>
      %select_n3A_933 = arith.select %gt3A_913, %broadcast_in_dim3A_931, %broadcast_in_dim3A_932 : vector<16xi1>, vector<16xi32>
      %add3A_934 = arith.addi %add3A_904, %select_n3A_933 : vector<16xi32>
      %mul3A_935 = arith.constant 4 : i32
      %mul3A_936 = arith.muli %while3A_844, %mul3A_935 : i32
      %add3A_937 = arith.constant 3 : i32
      %add3A_938 = arith.addi %mul3A_936, %add3A_937 : i32
      %mul3A_939 = arith.constant 16 : i32
      %mul3A_940 = arith.muli %add3A_938, %mul3A_939 : i32
      %get3A_941 = arith.index_cast %mul3A_940 : i32 to index
      %get3A_942 = tpu.vector_load %arg6[%get3A_941] {strides = array<i32>} : memref<32816xi32, #tpu.memory_space<vmem>>, vector<16xi32>,
      %gt3A_943 = arith.cmpi ugt, %get3A_942, %scan3A_551 : vector<16xi32>
      %bitcast_convert_type3A_944 = tpu.bitcast %get3A_942 : vector<16xi32> -> vector<16xi32>
      %broadcast_in_dim3A_945 = arith.constant 31 : i32
      %broadcast_in_dim3A_946 = vector.broadcast %broadcast_in_dim3A_945 : i32 to vector<16xi32>
      %shift_right_arithmetic3A_947 = arith.shrsi %bitcast_convert_type3A_944, %broadcast_in_dim3A_946 : vector<16xi32>
      %not3A_948 = arith.constant dense<-1> : vector<16xi32>
      %not3A_949 = arith.xori %shift_right_arithmetic3A_947, %not3A_948 : vector<16xi32>
      %broadcast_in_dim3A_950 = arith.constant -2147483648 : i32
      %broadcast_in_dim3A_951 = vector.broadcast %broadcast_in_dim3A_950 : i32 to vector<16xi32>
      %or3A_952 = arith.ori %not3A_949, %broadcast_in_dim3A_951 : vector<16xi32>
      %xor3A_953 = arith.xori %bitcast_convert_type3A_944, %or3A_952 : vector<16xi32>
      %bitcast_convert_type3A_954 = tpu.bitcast %xor3A_953 : vector<16xi32> -> vector<16xf32>
      %broadcast_in_dim3A_955 = arith.constant 0.000000e+00 : f32
      %broadcast_in_dim3A_956 = vector.broadcast %broadcast_in_dim3A_955 : f32 to vector<16xf32>
      %select_n3A_957 = arith.select %gt3A_943, %bitcast_convert_type3A_954, %broadcast_in_dim3A_956 : vector<16xi1>, vector<16xf32>
      %add3A_958 = arith.addf %add3A_928, %select_n3A_957 : vector<16xf32>
      %jit3A_959 = arith.constant 1 : i32
      %jit3A_960 = arith.constant 0 : i32
      %broadcast_in_dim3A_961 = vector.broadcast %jit3A_959 : i32 to vector<16xi32>
      %broadcast_in_dim3A_962 = vector.broadcast %jit3A_960 : i32 to vector<16xi32>
      %select_n3A_963 = arith.select %gt3A_943, %broadcast_in_dim3A_961, %broadcast_in_dim3A_962 : vector<16xi1>, vector<16xi32>
      %add3A_964 = arith.addi %add3A_934, %select_n3A_963 : vector<16xi32>
      scf.yield %add3A_958, %add3A_964 : vector<16xf32>, vector<16xi32>
    }
    %while3A_590 = arith.constant 1 : i32
    %while3A_591:2 = scf.for %while3A_844 = %while3A_587 to %while3A_583 step %while3A_590 iter_args(%while3A_845 = %while3A_589#0, %while3A_846 = %while3A_589#1) -> (vector<16xf32>, vector<16xi32>)  : i32 {
      %mul3A_847 = arith.constant 4 : i32
      %mul3A_848 = arith.muli %while3A_844, %mul3A_847 : i32
      %add3A_849 = arith.constant 0 : i32
      %add3A_850 = arith.addi %mul3A_848, %add3A_849 : i32
      %mul3A_851 = arith.constant 16 : i32
      %mul3A_852 = arith.muli %add3A_850, %mul3A_851 : i32
      %get3A = arith.index_cast %mul3A_852 : i32 to index
      %get3A_853 = tpu.vector_load %arg6[%get3A] {strides = array<i32>} : memref<32816xi32, #tpu.memory_space<vmem>>, vector<16xi32>,
      %gt3A = arith.cmpi ugt, %get3A_853, %scan3A_551 : vector<16xi32>
      %bitcast_convert_type3A_854 = tpu.bitcast %get3A_853 : vector<16xi32> -> vector<16xi32>
      %broadcast_in_dim3A_855 = arith.constant 31 : i32
      %broadcast_in_dim3A_856 = vector.broadcast %broadcast_in_dim3A_855 : i32 to vector<16xi32>
      %shift_right_arithmetic3A_857 = arith.shrsi %bitcast_convert_type3A_854, %broadcast_in_dim3A_856 : vector<16xi32>
      %not3A_858 = arith.constant dense<-1> : vector<16xi32>
      %not3A_859 = arith.xori %shift_right_arithmetic3A_857, %not3A_858 : vector<16xi32>
      %broadcast_in_dim3A_860 = arith.constant -2147483648 : i32
      %broadcast_in_dim3A_861 = vector.broadcast %broadcast_in_dim3A_860 : i32 to vector<16xi32>
      %or3A_862 = arith.ori %not3A_859, %broadcast_in_dim3A_861 : vector<16xi32>
      %xor3A_863 = arith.xori %bitcast_convert_type3A_854, %or3A_862 : vector<16xi32>
      %bitcast_convert_type3A_864 = tpu.bitcast %xor3A_863 : vector<16xi32> -> vector<16xf32>
      %broadcast_in_dim3A_865 = arith.constant 0.000000e+00 : f32
      %broadcast_in_dim3A_866 = vector.broadcast %broadcast_in_dim3A_865 : f32 to vector<16xf32>
      %select_n3A_867 = arith.select %gt3A, %bitcast_convert_type3A_864, %broadcast_in_dim3A_866 : vector<16xi1>, vector<16xf32>
      %add3A_868 = arith.addf %while3A_845, %select_n3A_867 : vector<16xf32>
      %jit3A_869 = arith.constant 1 : i32
      %jit3A_870 = arith.constant 0 : i32
      %broadcast_in_dim3A_871 = vector.broadcast %jit3A_869 : i32 to vector<16xi32>
      %broadcast_in_dim3A_872 = vector.broadcast %jit3A_870 : i32 to vector<16xi32>
      %select_n3A_873 = arith.select %gt3A, %broadcast_in_dim3A_871, %broadcast_in_dim3A_872 : vector<16xi1>, vector<16xi32>
      %add3A_874 = arith.addi %while3A_846, %select_n3A_873 : vector<16xi32>
      %mul3A_875 = arith.constant 4 : i32
      %mul3A_876 = arith.muli %while3A_844, %mul3A_875 : i32
      %add3A_877 = arith.constant 1 : i32
      %add3A_878 = arith.addi %mul3A_876, %add3A_877 : i32
      %mul3A_879 = arith.constant 16 : i32
      %mul3A_880 = arith.muli %add3A_878, %mul3A_879 : i32
      %get3A_881 = arith.index_cast %mul3A_880 : i32 to index
      %get3A_882 = tpu.vector_load %arg6[%get3A_881] {strides = array<i32>} : memref<32816xi32, #tpu.memory_space<vmem>>, vector<16xi32>,
      %gt3A_883 = arith.cmpi ugt, %get3A_882, %scan3A_551 : vector<16xi32>
      %bitcast_convert_type3A_884 = tpu.bitcast %get3A_882 : vector<16xi32> -> vector<16xi32>
      %broadcast_in_dim3A_885 = arith.constant 31 : i32
      %broadcast_in_dim3A_886 = vector.broadcast %broadcast_in_dim3A_885 : i32 to vector<16xi32>
      %shift_right_arithmetic3A_887 = arith.shrsi %bitcast_convert_type3A_884, %broadcast_in_dim3A_886 : vector<16xi32>
      %not3A_888 = arith.constant dense<-1> : vector<16xi32>
      %not3A_889 = arith.xori %shift_right_arithmetic3A_887, %not3A_888 : vector<16xi32>
      %broadcast_in_dim3A_890 = arith.constant -2147483648 : i32
      %broadcast_in_dim3A_891 = vector.broadcast %broadcast_in_dim3A_890 : i32 to vector<16xi32>
      %or3A_892 = arith.ori %not3A_889, %broadcast_in_dim3A_891 : vector<16xi32>
      %xor3A_893 = arith.xori %bitcast_convert_type3A_884, %or3A_892 : vector<16xi32>
      %bitcast_convert_type3A_894 = tpu.bitcast %xor3A_893 : vector<16xi32> -> vector<16xf32>
      %broadcast_in_dim3A_895 = arith.constant 0.000000e+00 : f32
      %broadcast_in_dim3A_896 = vector.broadcast %broadcast_in_dim3A_895 : f32 to vector<16xf32>
      %select_n3A_897 = arith.select %gt3A_883, %bitcast_convert_type3A_894, %broadcast_in_dim3A_896 : vector<16xi1>, vector<16xf32>
      %add3A_898 = arith.addf %add3A_868, %select_n3A_897 : vector<16xf32>
      %jit3A_899 = arith.constant 1 : i32
      %jit3A_900 = arith.constant 0 : i32
      %broadcast_in_dim3A_901 = vector.broadcast %jit3A_899 : i32 to vector<16xi32>
      %broadcast_in_dim3A_902 = vector.broadcast %jit3A_900 : i32 to vector<16xi32>
      %select_n3A_903 = arith.select %gt3A_883, %broadcast_in_dim3A_901, %broadcast_in_dim3A_902 : vector<16xi1>, vector<16xi32>
      %add3A_904 = arith.addi %add3A_874, %select_n3A_903 : vector<16xi32>
      %mul3A_905 = arith.constant 4 : i32
      %mul3A_906 = arith.muli %while3A_844, %mul3A_905 : i32
      %add3A_907 = arith.constant 2 : i32
      %add3A_908 = arith.addi %mul3A_906, %add3A_907 : i32
      %mul3A_909 = arith.constant 16 : i32
      %mul3A_910 = arith.muli %add3A_908, %mul3A_909 : i32
      %get3A_911 = arith.index_cast %mul3A_910 : i32 to index
      %get3A_912 = tpu.vector_load %arg6[%get3A_911] {strides = array<i32>} : memref<32816xi32, #tpu.memory_space<vmem>>, vector<16xi32>,
      %gt3A_913 = arith.cmpi ugt, %get3A_912, %scan3A_551 : vector<16xi32>
      %bitcast_convert_type3A_914 = tpu.bitcast %get3A_912 : vector<16xi32> -> vector<16xi32>
      %broadcast_in_dim3A_915 = arith.constant 31 : i32
      %broadcast_in_dim3A_916 = vector.broadcast %broadcast_in_dim3A_915 : i32 to vector<16xi32>
      %shift_right_arithmetic3A_917 = arith.shrsi %bitcast_convert_type3A_914, %broadcast_in_dim3A_916 : vector<16xi32>
      %not3A_918 = arith.constant dense<-1> : vector<16xi32>
      %not3A_919 = arith.xori %shift_right_arithmetic3A_917, %not3A_918 : vector<16xi32>
      %broadcast_in_dim3A_920 = arith.constant -2147483648 : i32
      %broadcast_in_dim3A_921 = vector.broadcast %broadcast_in_dim3A_920 : i32 to vector<16xi32>
      %or3A_922 = arith.ori %not3A_919, %broadcast_in_dim3A_921 : vector<16xi32>
      %xor3A_923 = arith.xori %bitcast_convert_type3A_914, %or3A_922 : vector<16xi32>
      %bitcast_convert_type3A_924 = tpu.bitcast %xor3A_923 : vector<16xi32> -> vector<16xf32>
      %broadcast_in_dim3A_925 = arith.constant 0.000000e+00 : f32
      %broadcast_in_dim3A_926 = vector.broadcast %broadcast_in_dim3A_925 : f32 to vector<16xf32>
      %select_n3A_927 = arith.select %gt3A_913, %bitcast_convert_type3A_924, %broadcast_in_dim3A_926 : vector<16xi1>, vector<16xf32>
      %add3A_928 = arith.addf %add3A_898, %select_n3A_927 : vector<16xf32>
      %jit3A_929 = arith.constant 1 : i32
      %jit3A_930 = arith.constant 0 : i32
      %broadcast_in_dim3A_931 = vector.broadcast %jit3A_929 : i32 to vector<16xi32>
      %broadcast_in_dim3A_932 = vector.broadcast %jit3A_930 : i32 to vector<16xi32>
      %select_n3A_933 = arith.select %gt3A_913, %broadcast_in_dim3A_931, %broadcast_in_dim3A_932 : vector<16xi1>, vector<16xi32>
      %add3A_934 = arith.addi %add3A_904, %select_n3A_933 : vector<16xi32>
      %mul3A_935 = arith.constant 4 : i32
      %mul3A_936 = arith.muli %while3A_844, %mul3A_935 : i32
      %add3A_937 = arith.constant 3 : i32
      %add3A_938 = arith.addi %mul3A_936, %add3A_937 : i32
      %mul3A_939 = arith.constant 16 : i32
      %mul3A_940 = arith.muli %add3A_938, %mul3A_939 : i32
      %get3A_941 = arith.index_cast %mul3A_940 : i32 to index
      %get3A_942 = tpu.vector_load %arg6[%get3A_941] {strides = array<i32>} : memref<32816xi32, #tpu.memory_space<vmem>>, vector<16xi32>,
      %gt3A_943 = arith.cmpi ugt, %get3A_942, %scan3A_551 : vector<16xi32>
      %bitcast_convert_type3A_944 = tpu.bitcast %get3A_942 : vector<16xi32> -> vector<16xi32>
      %broadcast_in_dim3A_945 = arith.constant 31 : i32
      %broadcast_in_dim3A_946 = vector.broadcast %broadcast_in_dim3A_945 : i32 to vector<16xi32>
      %shift_right_arithmetic3A_947 = arith.shrsi %bitcast_convert_type3A_944, %broadcast_in_dim3A_946 : vector<16xi32>
      %not3A_948 = arith.constant dense<-1> : vector<16xi32>
      %not3A_949 = arith.xori %shift_right_arithmetic3A_947, %not3A_948 : vector<16xi32>
      %broadcast_in_dim3A_950 = arith.constant -2147483648 : i32
      %broadcast_in_dim3A_951 = vector.broadcast %broadcast_in_dim3A_950 : i32 to vector<16xi32>
      %or3A_952 = arith.ori %not3A_949, %broadcast_in_dim3A_951 : vector<16xi32>
      %xor3A_953 = arith.xori %bitcast_convert_type3A_944, %or3A_952 : vector<16xi32>
      %bitcast_convert_type3A_954 = tpu.bitcast %xor3A_953 : vector<16xi32> -> vector<16xf32>
      %broadcast_in_dim3A_955 = arith.constant 0.000000e+00 : f32
      %broadcast_in_dim3A_956 = vector.broadcast %broadcast_in_dim3A_955 : f32 to vector<16xf32>
      %select_n3A_957 = arith.select %gt3A_943, %bitcast_convert_type3A_954, %broadcast_in_dim3A_956 : vector<16xi1>, vector<16xf32>
      %add3A_958 = arith.addf %add3A_928, %select_n3A_957 : vector<16xf32>
      %jit3A_959 = arith.constant 1 : i32
      %jit3A_960 = arith.constant 0 : i32
      %broadcast_in_dim3A_961 = vector.broadcast %jit3A_959 : i32 to vector<16xi32>
      %broadcast_in_dim3A_962 = vector.broadcast %jit3A_960 : i32 to vector<16xi32>
      %select_n3A_963 = arith.select %gt3A_943, %broadcast_in_dim3A_961, %broadcast_in_dim3A_962 : vector<16xi1>, vector<16xi32>
      %add3A_964 = arith.addi %add3A_934, %select_n3A_963 : vector<16xi32>
      scf.yield %add3A_958, %add3A_964 : vector<16xf32>, vector<16xi32>
    }
    %reduce_sum3A_592 = arith.constant true
    %reduce_sum3A_593 = vector.broadcast %reduce_sum3A_592 : i1 to vector<16xi1>
    %reduce_sum3A_594 = tpu.scan <sum>, %while3A_591#0 masked %reduce_sum3A_593 : vector<16xf32>, vector<16xi1> -> vector<16xf32>
    %reduce_sum3A_595 = vector.extract %reduce_sum3A_594[15] : f32 from vector<16xf32>
    %reduce_sum3A_596 = arith.constant true
    %reduce_sum3A_597 = vector.broadcast %reduce_sum3A_596 : i1 to vector<16xi1>
    %reduce_sum3A_598 = tpu.scan <sum>, %while3A_591#1 masked %reduce_sum3A_597 : vector<16xi32>, vector<16xi1> -> vector<16xi32>
    %reduce_sum3A_599 = vector.extract %reduce_sum3A_598[15] : i32 from vector<16xi32>
    %bitcast_convert_type3A_600 = tpu.bitcast %scan3A_551 : vector<16xi32> -> vector<16xi32>
    %broadcast_in_dim3A_601 = arith.constant 31 : i32
    %broadcast_in_dim3A_602 = vector.broadcast %broadcast_in_dim3A_601 : i32 to vector<16xi32>
    %shift_right_arithmetic3A_603 = arith.shrsi %bitcast_convert_type3A_600, %broadcast_in_dim3A_602 : vector<16xi32>
    %not3A_604 = arith.constant dense<-1> : vector<16xi32>
    %not3A_605 = arith.xori %shift_right_arithmetic3A_603, %not3A_604 : vector<16xi32>
    %broadcast_in_dim3A_606 = arith.constant -2147483648 : i32
    %broadcast_in_dim3A_607 = vector.broadcast %broadcast_in_dim3A_606 : i32 to vector<16xi32>
    %or3A_608 = arith.ori %not3A_605, %broadcast_in_dim3A_607 : vector<16xi32>
    %xor3A_609 = arith.xori %bitcast_convert_type3A_600, %or3A_608 : vector<16xi32>
    %bitcast_convert_type3A_610 = tpu.bitcast %xor3A_609 : vector<16xi32> -> vector<16xf32>
    %reduce_max3A_611 = arith.constant true
    %reduce_max3A_612 = vector.broadcast %reduce_max3A_611 : i1 to vector<16xi1>
    %reduce_max3A_613 = tpu.scan <max>, %bitcast_convert_type3A_610 masked %reduce_max3A_612 : vector<16xf32>, vector<16xi1> -> vector<16xf32>
    %reduce_max3A_614 = vector.extract %reduce_max3A_613[15] : f32 from vector<16xf32>
    %convert_element_type3A_615 = arith.sitofp %reduce_sum3A_599 : i32 to f32
    %sub3A_616 = arith.constant 6.400000e+01 : f32
    %sub3A_617 = arith.subf %sub3A_616, %convert_element_type3A_615 : f32
    %mul3A_618 = arith.mulf %sub3A_617, %reduce_max3A_614 : f32
    %add3A_619 = arith.addf %reduce_sum3A_595, %mul3A_618 : f32
    %mul3A_620 = arith.constant 1.562500e-02 : f32
    %mul3A_621 = arith.mulf %add3A_619, %mul3A_620 : f32
    %eq3A_622 = arith.constant 2 : i32
    %eq3A_623 = vector.broadcast %eq3A_622 : i32 to vector<16xi32>
    %eq3A_624 = arith.cmpi eq, %iota3A, %eq3A_623 : vector<16xi32>
    %broadcast_in_dim3A_625 = vector.broadcast %mul3A_621 : f32 to vector<16xf32>
    %select_n3A_626 = arith.select %eq3A_624, %broadcast_in_dim3A_625, %select_n3A_411 : vector<16xi1>, vector<16xf32>
    %mul3A_627 = arith.constant 4 : i32
    %mul3A_628 = arith.muli %add3A, %mul3A_627 : i32
    %add3A_629 = arith.constant 3 : i32
    %add3A_630 = arith.addi %mul3A_628, %add3A_629 : i32
    "tpu.region"() ({
      %run_scoped3A = tpu.sem_alloc : memref<!tpu.dma_semaphore, #tpu.memory_space<semaphore_mem>>
      %dma_start3A = arith.constant 0 : i32
      %dma_start3A_844 = tpu.memref_slice %arg2[%add3A_630, %dma_start3A] : memref<128x32768xf32, #tpu.memory_space<hbm>> -> memref<1x32768xf32, #tpu.memory_space<hbm>>
      %dma_start3A_845 = tpu.memref_squeeze %dma_start3A_844 : memref<1x32768xf32, #tpu.memory_space<hbm>> -> memref<32768xf32, #tpu.memory_space<hbm>>
      %dma_start3A_846 = arith.constant 0 : i32
      %dma_start3A_847 = tpu.memref_slice %arg2[%add3A_630, %dma_start3A_846] : memref<128x32768xf32, #tpu.memory_space<hbm>> -> memref<1x32768xf32, #tpu.memory_space<hbm>>
      %dma_start3A_848 = tpu.memref_squeeze %dma_start3A_847 : memref<1x32768xf32, #tpu.memory_space<hbm>> -> memref<32768xf32, #tpu.memory_space<hbm>>
      tpu.enqueue_dma source(%dma_start3A_848 : memref<32768xf32, #tpu.memory_space<hbm>>) target(%arg4 : memref<32768xf32, #tpu.memory_space<vmem>>) target_semaphore(%run_scoped3A : memref<!tpu.dma_semaphore, #tpu.memory_space<semaphore_mem>>)
      %dma_wait3A = arith.constant 0 : i32
      %dma_wait3A_849 = tpu.memref_slice %arg2[%add3A_630, %dma_wait3A] : memref<128x32768xf32, #tpu.memory_space<hbm>> -> memref<1x32768xf32, #tpu.memory_space<hbm>>
      %dma_wait3A_850 = tpu.memref_squeeze %dma_wait3A_849 : memref<1x32768xf32, #tpu.memory_space<hbm>> -> memref<32768xf32, #tpu.memory_space<hbm>>
      %dma_wait3A_851 = arith.constant 0 : i32
      %dma_wait3A_852 = tpu.memref_slice %arg2[%add3A_630, %dma_wait3A_851] : memref<128x32768xf32, #tpu.memory_space<hbm>> -> memref<1x32768xf32, #tpu.memory_space<hbm>>
      %dma_wait3A_853 = tpu.memref_squeeze %dma_wait3A_852 : memref<1x32768xf32, #tpu.memory_space<hbm>> -> memref<32768xf32, #tpu.memory_space<hbm>>
      tpu.wait_dma2 semaphore(%run_scoped3A : memref<!tpu.dma_semaphore, #tpu.memory_space<semaphore_mem>>) src(%dma_wait3A_853 : memref<32768xf32, #tpu.memory_space<hbm>>) dst(%arg4 : memref<32768xf32, #tpu.memory_space<vmem>>)
      tpu.yield
    }) : () -> ()
    %broadcast_in_dim3A_631 = arith.constant 0xFF800000 : f32
    %broadcast_in_dim3A_632 = vector.broadcast %broadcast_in_dim3A_631 : f32 to vector<16xf32>
    %scan3A_633 = arith.constant 0 : i32
    %scan3A_634 = arith.constant 0 : i32
    %scan3A_635 = arith.constant 64 : i32
    %scan3A_636 = arith.addi %scan3A_634, %scan3A_635 : i32
    %scan3A_637 = arith.constant 1 : i32
    %scan3A_638 = scf.for %scan3A_844 = %scan3A_634 to %scan3A_636 step %scan3A_637 iter_args(%scan3A_845 = %scan3A_633) -> (i32)  : i32 {
      %mul3A_846 = arith.constant 512 : i32
      %mul3A_847 = arith.muli %scan3A_844, %mul3A_846 : i32
      %add3A_848 = arith.constant 0 : i32
      %add3A_849 = arith.addi %mul3A_847, %add3A_848 : i32
      %get3A = arith.index_cast %add3A_849 : i32 to index
      %get3A_850 = tpu.vector_load %arg4[%get3A] {strides = array<i32>} : memref<32768xf32, #tpu.memory_space<vmem>>, vector<16xf32>,
      %max3A = arith.maximumf %broadcast_in_dim3A_632, %get3A_850 : vector<16xf32>
      %add3A_851 = arith.constant 16 : i32
      %add3A_852 = arith.addi %mul3A_847, %add3A_851 : i32
      %get3A_853 = arith.index_cast %add3A_852 : i32 to index
      %get3A_854 = tpu.vector_load %arg4[%get3A_853] {strides = array<i32>} : memref<32768xf32, #tpu.memory_space<vmem>>, vector<16xf32>,
      %max3A_855 = arith.maximumf %max3A, %get3A_854 : vector<16xf32>
      %add3A_856 = arith.constant 32 : i32
      %add3A_857 = arith.addi %mul3A_847, %add3A_856 : i32
      %get3A_858 = arith.index_cast %add3A_857 : i32 to index
      %get3A_859 = tpu.vector_load %arg4[%get3A_858] {strides = array<i32>} : memref<32768xf32, #tpu.memory_space<vmem>>, vector<16xf32>,
      %max3A_860 = arith.maximumf %max3A_855, %get3A_859 : vector<16xf32>
      %add3A_861 = arith.constant 48 : i32
      %add3A_862 = arith.addi %mul3A_847, %add3A_861 : i32
      %get3A_863 = arith.index_cast %add3A_862 : i32 to index
      %get3A_864 = tpu.vector_load %arg4[%get3A_863] {strides = array<i32>} : memref<32768xf32, #tpu.memory_space<vmem>>, vector<16xf32>,
      %max3A_865 = arith.maximumf %max3A_860, %get3A_864 : vector<16xf32>
      %add3A_866 = arith.constant 64 : i32
      %add3A_867 = arith.addi %mul3A_847, %add3A_866 : i32
      %get3A_868 = arith.index_cast %add3A_867 : i32 to index
      %get3A_869 = tpu.vector_load %arg4[%get3A_868] {strides = array<i32>} : memref<32768xf32, #tpu.memory_space<vmem>>, vector<16xf32>,
      %max3A_870 = arith.maximumf %max3A_865, %get3A_869 : vector<16xf32>
      %add3A_871 = arith.constant 80 : i32
      %add3A_872 = arith.addi %mul3A_847, %add3A_871 : i32
      %get3A_873 = arith.index_cast %add3A_872 : i32 to index
      %get3A_874 = tpu.vector_load %arg4[%get3A_873] {strides = array<i32>} : memref<32768xf32, #tpu.memory_space<vmem>>, vector<16xf32>,
      %max3A_875 = arith.maximumf %max3A_870, %get3A_874 : vector<16xf32>
      %add3A_876 = arith.constant 96 : i32
      %add3A_877 = arith.addi %mul3A_847, %add3A_876 : i32
      %get3A_878 = arith.index_cast %add3A_877 : i32 to index
      %get3A_879 = tpu.vector_load %arg4[%get3A_878] {strides = array<i32>} : memref<32768xf32, #tpu.memory_space<vmem>>, vector<16xf32>,
      %max3A_880 = arith.maximumf %max3A_875, %get3A_879 : vector<16xf32>
      %add3A_881 = arith.constant 112 : i32
      %add3A_882 = arith.addi %mul3A_847, %add3A_881 : i32
      %get3A_883 = arith.index_cast %add3A_882 : i32 to index
      %get3A_884 = tpu.vector_load %arg4[%get3A_883] {strides = array<i32>} : memref<32768xf32, #tpu.memory_space<vmem>>, vector<16xf32>,
      %max3A_885 = arith.maximumf %max3A_880, %get3A_884 : vector<16xf32>
      %add3A_886 = arith.constant 128 : i32
      %add3A_887 = arith.addi %mul3A_847, %add3A_886 : i32
      %get3A_888 = arith.index_cast %add3A_887 : i32 to index
      %get3A_889 = tpu.vector_load %arg4[%get3A_888] {strides = array<i32>} : memref<32768xf32, #tpu.memory_space<vmem>>, vector<16xf32>,
      %max3A_890 = arith.maximumf %max3A_885, %get3A_889 : vector<16xf32>
      %add3A_891 = arith.constant 144 : i32
      %add3A_892 = arith.addi %mul3A_847, %add3A_891 : i32
      %get3A_893 = arith.index_cast %add3A_892 : i32 to index
      %get3A_894 = tpu.vector_load %arg4[%get3A_893] {strides = array<i32>} : memref<32768xf32, #tpu.memory_space<vmem>>, vector<16xf32>,
      %max3A_895 = arith.maximumf %max3A_890, %get3A_894 : vector<16xf32>
      %add3A_896 = arith.constant 160 : i32
      %add3A_897 = arith.addi %mul3A_847, %add3A_896 : i32
      %get3A_898 = arith.index_cast %add3A_897 : i32 to index
      %get3A_899 = tpu.vector_load %arg4[%get3A_898] {strides = array<i32>} : memref<32768xf32, #tpu.memory_space<vmem>>, vector<16xf32>,
      %max3A_900 = arith.maximumf %max3A_895, %get3A_899 : vector<16xf32>
      %add3A_901 = arith.constant 176 : i32
      %add3A_902 = arith.addi %mul3A_847, %add3A_901 : i32
      %get3A_903 = arith.index_cast %add3A_902 : i32 to index
      %get3A_904 = tpu.vector_load %arg4[%get3A_903] {strides = array<i32>} : memref<32768xf32, #tpu.memory_space<vmem>>, vector<16xf32>,
      %max3A_905 = arith.maximumf %max3A_900, %get3A_904 : vector<16xf32>
      %add3A_906 = arith.constant 192 : i32
      %add3A_907 = arith.addi %mul3A_847, %add3A_906 : i32
      %get3A_908 = arith.index_cast %add3A_907 : i32 to index
      %get3A_909 = tpu.vector_load %arg4[%get3A_908] {strides = array<i32>} : memref<32768xf32, #tpu.memory_space<vmem>>, vector<16xf32>,
      %max3A_910 = arith.maximumf %max3A_905, %get3A_909 : vector<16xf32>
      %add3A_911 = arith.constant 208 : i32
      %add3A_912 = arith.addi %mul3A_847, %add3A_911 : i32
      %get3A_913 = arith.index_cast %add3A_912 : i32 to index
      %get3A_914 = tpu.vector_load %arg4[%get3A_913] {strides = array<i32>} : memref<32768xf32, #tpu.memory_space<vmem>>, vector<16xf32>,
      %max3A_915 = arith.maximumf %max3A_910, %get3A_914 : vector<16xf32>
      %add3A_916 = arith.constant 224 : i32
      %add3A_917 = arith.addi %mul3A_847, %add3A_916 : i32
      %get3A_918 = arith.index_cast %add3A_917 : i32 to index
      %get3A_919 = tpu.vector_load %arg4[%get3A_918] {strides = array<i32>} : memref<32768xf32, #tpu.memory_space<vmem>>, vector<16xf32>,
      %max3A_920 = arith.maximumf %max3A_915, %get3A_919 : vector<16xf32>
      %add3A_921 = arith.constant 240 : i32
      %add3A_922 = arith.addi %mul3A_847, %add3A_921 : i32
      %get3A_923 = arith.index_cast %add3A_922 : i32 to index
      %get3A_924 = tpu.vector_load %arg4[%get3A_923] {strides = array<i32>} : memref<32768xf32, #tpu.memory_space<vmem>>, vector<16xf32>,
      %max3A_925 = arith.maximumf %max3A_920, %get3A_924 : vector<16xf32>
      %add3A_926 = arith.constant 256 : i32
      %add3A_927 = arith.addi %mul3A_847, %add3A_926 : i32
      %get3A_928 = arith.index_cast %add3A_927 : i32 to index
      %get3A_929 = tpu.vector_load %arg4[%get3A_928] {strides = array<i32>} : memref<32768xf32, #tpu.memory_space<vmem>>, vector<16xf32>,
      %max3A_930 = arith.maximumf %max3A_925, %get3A_929 : vector<16xf32>
      %add3A_931 = arith.constant 272 : i32
      %add3A_932 = arith.addi %mul3A_847, %add3A_931 : i32
      %get3A_933 = arith.index_cast %add3A_932 : i32 to index
      %get3A_934 = tpu.vector_load %arg4[%get3A_933] {strides = array<i32>} : memref<32768xf32, #tpu.memory_space<vmem>>, vector<16xf32>,
      %max3A_935 = arith.maximumf %max3A_930, %get3A_934 : vector<16xf32>
      %add3A_936 = arith.constant 288 : i32
      %add3A_937 = arith.addi %mul3A_847, %add3A_936 : i32
      %get3A_938 = arith.index_cast %add3A_937 : i32 to index
      %get3A_939 = tpu.vector_load %arg4[%get3A_938] {strides = array<i32>} : memref<32768xf32, #tpu.memory_space<vmem>>, vector<16xf32>,
      %max3A_940 = arith.maximumf %max3A_935, %get3A_939 : vector<16xf32>
      %add3A_941 = arith.constant 304 : i32
      %add3A_942 = arith.addi %mul3A_847, %add3A_941 : i32
      %get3A_943 = arith.index_cast %add3A_942 : i32 to index
      %get3A_944 = tpu.vector_load %arg4[%get3A_943] {strides = array<i32>} : memref<32768xf32, #tpu.memory_space<vmem>>, vector<16xf32>,
      %max3A_945 = arith.maximumf %max3A_940, %get3A_944 : vector<16xf32>
      %add3A_946 = arith.constant 320 : i32
      %add3A_947 = arith.addi %mul3A_847, %add3A_946 : i32
      %get3A_948 = arith.index_cast %add3A_947 : i32 to index
      %get3A_949 = tpu.vector_load %arg4[%get3A_948] {strides = array<i32>} : memref<32768xf32, #tpu.memory_space<vmem>>, vector<16xf32>,
      %max3A_950 = arith.maximumf %max3A_945, %get3A_949 : vector<16xf32>
      %add3A_951 = arith.constant 336 : i32
      %add3A_952 = arith.addi %mul3A_847, %add3A_951 : i32
      %get3A_953 = arith.index_cast %add3A_952 : i32 to index
      %get3A_954 = tpu.vector_load %arg4[%get3A_953] {strides = array<i32>} : memref<32768xf32, #tpu.memory_space<vmem>>, vector<16xf32>,
      %max3A_955 = arith.maximumf %max3A_950, %get3A_954 : vector<16xf32>
      %add3A_956 = arith.constant 352 : i32
      %add3A_957 = arith.addi %mul3A_847, %add3A_956 : i32
      %get3A_958 = arith.index_cast %add3A_957 : i32 to index
      %get3A_959 = tpu.vector_load %arg4[%get3A_958] {strides = array<i32>} : memref<32768xf32, #tpu.memory_space<vmem>>, vector<16xf32>,
      %max3A_960 = arith.maximumf %max3A_955, %get3A_959 : vector<16xf32>
      %add3A_961 = arith.constant 368 : i32
      %add3A_962 = arith.addi %mul3A_847, %add3A_961 : i32
      %get3A_963 = arith.index_cast %add3A_962 : i32 to index
      %get3A_964 = tpu.vector_load %arg4[%get3A_963] {strides = array<i32>} : memref<32768xf32, #tpu.memory_space<vmem>>, vector<16xf32>,
      %max3A_965 = arith.maximumf %max3A_960, %get3A_964 : vector<16xf32>
      %add3A_966 = arith.constant 384 : i32
      %add3A_967 = arith.addi %mul3A_847, %add3A_966 : i32
      %get3A_968 = arith.index_cast %add3A_967 : i32 to index
      %get3A_969 = tpu.vector_load %arg4[%get3A_968] {strides = array<i32>} : memref<32768xf32, #tpu.memory_space<vmem>>, vector<16xf32>,
      %max3A_970 = arith.maximumf %max3A_965, %get3A_969 : vector<16xf32>
      %add3A_971 = arith.constant 400 : i32
      %add3A_972 = arith.addi %mul3A_847, %add3A_971 : i32
      %get3A_973 = arith.index_cast %add3A_972 : i32 to index
      %get3A_974 = tpu.vector_load %arg4[%get3A_973] {strides = array<i32>} : memref<32768xf32, #tpu.memory_space<vmem>>, vector<16xf32>,
      %max3A_975 = arith.maximumf %max3A_970, %get3A_974 : vector<16xf32>
      %add3A_976 = arith.constant 416 : i32
      %add3A_977 = arith.addi %mul3A_847, %add3A_976 : i32
      %get3A_978 = arith.index_cast %add3A_977 : i32 to index
      %get3A_979 = tpu.vector_load %arg4[%get3A_978] {strides = array<i32>} : memref<32768xf32, #tpu.memory_space<vmem>>, vector<16xf32>,
      %max3A_980 = arith.maximumf %max3A_975, %get3A_979 : vector<16xf32>
      %add3A_981 = arith.constant 432 : i32
      %add3A_982 = arith.addi %mul3A_847, %add3A_981 : i32
      %get3A_983 = arith.index_cast %add3A_982 : i32 to index
      %get3A_984 = tpu.vector_load %arg4[%get3A_983] {strides = array<i32>} : memref<32768xf32, #tpu.memory_space<vmem>>, vector<16xf32>,
      %max3A_985 = arith.maximumf %max3A_980, %get3A_984 : vector<16xf32>
      %add3A_986 = arith.constant 448 : i32
      %add3A_987 = arith.addi %mul3A_847, %add3A_986 : i32
      %get3A_988 = arith.index_cast %add3A_987 : i32 to index
      %get3A_989 = tpu.vector_load %arg4[%get3A_988] {strides = array<i32>} : memref<32768xf32, #tpu.memory_space<vmem>>, vector<16xf32>,
      %max3A_990 = arith.maximumf %max3A_985, %get3A_989 : vector<16xf32>
      %add3A_991 = arith.constant 464 : i32
      %add3A_992 = arith.addi %mul3A_847, %add3A_991 : i32
      %get3A_993 = arith.index_cast %add3A_992 : i32 to index
      %get3A_994 = tpu.vector_load %arg4[%get3A_993] {strides = array<i32>} : memref<32768xf32, #tpu.memory_space<vmem>>, vector<16xf32>,
      %max3A_995 = arith.maximumf %max3A_990, %get3A_994 : vector<16xf32>
      %add3A_996 = arith.constant 480 : i32
      %add3A_997 = arith.addi %mul3A_847, %add3A_996 : i32
      %get3A_998 = arith.index_cast %add3A_997 : i32 to index
      %get3A_999 = tpu.vector_load %arg4[%get3A_998] {strides = array<i32>} : memref<32768xf32, #tpu.memory_space<vmem>>, vector<16xf32>,
      %max3A_1000 = arith.maximumf %max3A_995, %get3A_999 : vector<16xf32>
      %add3A_1001 = arith.constant 496 : i32
      %add3A_1002 = arith.addi %mul3A_847, %add3A_1001 : i32
      %get3A_1003 = arith.index_cast %add3A_1002 : i32 to index
      %get3A_1004 = tpu.vector_load %arg4[%get3A_1003] {strides = array<i32>} : memref<32768xf32, #tpu.memory_space<vmem>>, vector<16xf32>,
      %max3A_1005 = arith.maximumf %max3A_1000, %get3A_1004 : vector<16xf32>
      %bitcast_convert_type3A_1006 = tpu.bitcast %max3A_1005 : vector<16xf32> -> vector<16xi32>
      %broadcast_in_dim3A_1007 = arith.constant 31 : i32
      %broadcast_in_dim3A_1008 = vector.broadcast %broadcast_in_dim3A_1007 : i32 to vector<16xi32>
      %shift_right_arithmetic3A_1009 = arith.shrsi %bitcast_convert_type3A_1006, %broadcast_in_dim3A_1008 : vector<16xi32>
      %broadcast_in_dim3A_1010 = arith.constant -2147483648 : i32
      %broadcast_in_dim3A_1011 = vector.broadcast %broadcast_in_dim3A_1010 : i32 to vector<16xi32>
      %or3A_1012 = arith.ori %shift_right_arithmetic3A_1009, %broadcast_in_dim3A_1011 : vector<16xi32>
      %xor3A_1013 = arith.xori %bitcast_convert_type3A_1006, %or3A_1012 : vector<16xi32>
      %bitcast_convert_type3A_1014 = tpu.bitcast %xor3A_1013 : vector<16xi32> -> vector<16xi32>
      %mul3A_1015 = arith.constant 16 : i32
      %mul3A_1016 = arith.muli %scan3A_844, %mul3A_1015 : i32
      %swap3A_1017 = arith.index_cast %mul3A_1016 : i32 to index
      %swap3A_1018 = tpu.vector_load %arg5[%swap3A_1017] {strides = array<i32>} : memref<1024xi32, #tpu.memory_space<vmem>>, vector<16xi32>,
      tpu.vector_store %arg5[%swap3A_1017], %bitcast_convert_type3A_1014 {strides = array<i32>} : memref<1024xi32, #tpu.memory_space<vmem>>, vector<16xi32>,
      %scan3A_1019 = arith.constant 0 : i32
      scf.yield %scan3A_1019 : i32
    }
    %scan3A_639 = arith.constant 64 : i32
    %broadcast_in_dim3A_640 = arith.constant 1 : i32
    %broadcast_in_dim3A_641 = vector.broadcast %broadcast_in_dim3A_640 : i32 to vector<16xi32>
    %broadcast_in_dim3A_642 = arith.constant 0 : i32
    %broadcast_in_dim3A_643 = vector.broadcast %broadcast_in_dim3A_642 : i32 to vector<16xi32>
    %scan3A_644 = arith.constant 0 : i32
    %scan3A_645 = arith.constant 32 : i32
    %scan3A_646 = arith.addi %scan3A_644, %scan3A_645 : i32
    %scan3A_647 = arith.constant 1 : i32
    %scan3A_648 = scf.for %scan3A_844 = %scan3A_644 to %scan3A_646 step %scan3A_647 iter_args(%scan3A_845 = %broadcast_in_dim3A_643) -> (vector<16xi32>)  : i32 {
      %sub3A_846 = arith.constant 31 : i32
      %sub3A_847 = arith.subi %sub3A_846, %scan3A_844 : i32
      %broadcast_in_dim3A_848 = vector.broadcast %sub3A_847 : i32 to vector<16xi32>
      %shift_left3A = arith.shli %broadcast_in_dim3A_641, %broadcast_in_dim3A_848 : vector<16xi32>
      %or3A_849 = arith.ori %scan3A_845, %shift_left3A : vector<16xi32>
      %broadcast_in_dim3A_850 = arith.constant 0 : i32
      %broadcast_in_dim3A_851 = vector.broadcast %broadcast_in_dim3A_850 : i32 to vector<16xi32>
      %scan3A_852 = arith.constant 0 : i32
      %scan3A_853 = arith.constant 16 : i32
      %scan3A_854 = arith.addi %scan3A_852, %scan3A_853 : i32
      %scan3A_855 = arith.constant 1 : i32
      %scan3A_856 = scf.for %scan3A_865 = %scan3A_852 to %scan3A_854 step %scan3A_855 iter_args(%scan3A_866 = %broadcast_in_dim3A_851) -> (vector<16xi32>)  : i32 {
        %mul3A_867 = arith.constant 4 : i32
        %mul3A_868 = arith.muli %scan3A_865, %mul3A_867 : i32
        %add3A_869 = arith.constant 0 : i32
        %add3A_870 = arith.addi %mul3A_868, %add3A_869 : i32
        %mul3A_871 = arith.constant 16 : i32
        %mul3A_872 = arith.muli %add3A_870, %mul3A_871 : i32
        %get3A = arith.index_cast %mul3A_872 : i32 to index
        %get3A_873 = tpu.vector_load %arg5[%get3A] {strides = array<i32>} : memref<1024xi32, #tpu.memory_space<vmem>>, vector<16xi32>,
        %ge3A_874 = arith.cmpi uge, %get3A_873, %or3A_849 : vector<16xi32>
        %jit3A_875 = arith.constant 1 : i32
        %jit3A_876 = arith.constant 0 : i32
        %broadcast_in_dim3A_877 = vector.broadcast %jit3A_875 : i32 to vector<16xi32>
        %broadcast_in_dim3A_878 = vector.broadcast %jit3A_876 : i32 to vector<16xi32>
        %select_n3A_879 = arith.select %ge3A_874, %broadcast_in_dim3A_877, %broadcast_in_dim3A_878 : vector<16xi1>, vector<16xi32>
        %add3A_880 = arith.addi %scan3A_866, %select_n3A_879 : vector<16xi32>
        %mul3A_881 = arith.constant 4 : i32
        %mul3A_882 = arith.muli %scan3A_865, %mul3A_881 : i32
        %add3A_883 = arith.constant 1 : i32
        %add3A_884 = arith.addi %mul3A_882, %add3A_883 : i32
        %mul3A_885 = arith.constant 16 : i32
        %mul3A_886 = arith.muli %add3A_884, %mul3A_885 : i32
        %get3A_887 = arith.index_cast %mul3A_886 : i32 to index
        %get3A_888 = tpu.vector_load %arg5[%get3A_887] {strides = array<i32>} : memref<1024xi32, #tpu.memory_space<vmem>>, vector<16xi32>,
        %ge3A_889 = arith.cmpi uge, %get3A_888, %or3A_849 : vector<16xi32>
        %jit3A_890 = arith.constant 1 : i32
        %jit3A_891 = arith.constant 0 : i32
        %broadcast_in_dim3A_892 = vector.broadcast %jit3A_890 : i32 to vector<16xi32>
        %broadcast_in_dim3A_893 = vector.broadcast %jit3A_891 : i32 to vector<16xi32>
        %select_n3A_894 = arith.select %ge3A_889, %broadcast_in_dim3A_892, %broadcast_in_dim3A_893 : vector<16xi1>, vector<16xi32>
        %add3A_895 = arith.addi %add3A_880, %select_n3A_894 : vector<16xi32>
        %mul3A_896 = arith.constant 4 : i32
        %mul3A_897 = arith.muli %scan3A_865, %mul3A_896 : i32
        %add3A_898 = arith.constant 2 : i32
        %add3A_899 = arith.addi %mul3A_897, %add3A_898 : i32
        %mul3A_900 = arith.constant 16 : i32
        %mul3A_901 = arith.muli %add3A_899, %mul3A_900 : i32
        %get3A_902 = arith.index_cast %mul3A_901 : i32 to index
        %get3A_903 = tpu.vector_load %arg5[%get3A_902] {strides = array<i32>} : memref<1024xi32, #tpu.memory_space<vmem>>, vector<16xi32>,
        %ge3A_904 = arith.cmpi uge, %get3A_903, %or3A_849 : vector<16xi32>
        %jit3A_905 = arith.constant 1 : i32
        %jit3A_906 = arith.constant 0 : i32
        %broadcast_in_dim3A_907 = vector.broadcast %jit3A_905 : i32 to vector<16xi32>
        %broadcast_in_dim3A_908 = vector.broadcast %jit3A_906 : i32 to vector<16xi32>
        %select_n3A_909 = arith.select %ge3A_904, %broadcast_in_dim3A_907, %broadcast_in_dim3A_908 : vector<16xi1>, vector<16xi32>
        %add3A_910 = arith.addi %add3A_895, %select_n3A_909 : vector<16xi32>
        %mul3A_911 = arith.constant 4 : i32
        %mul3A_912 = arith.muli %scan3A_865, %mul3A_911 : i32
        %add3A_913 = arith.constant 3 : i32
        %add3A_914 = arith.addi %mul3A_912, %add3A_913 : i32
        %mul3A_915 = arith.constant 16 : i32
        %mul3A_916 = arith.muli %add3A_914, %mul3A_915 : i32
        %get3A_917 = arith.index_cast %mul3A_916 : i32 to index
        %get3A_918 = tpu.vector_load %arg5[%get3A_917] {strides = array<i32>} : memref<1024xi32, #tpu.memory_space<vmem>>, vector<16xi32>,
        %ge3A_919 = arith.cmpi uge, %get3A_918, %or3A_849 : vector<16xi32>
        %jit3A_920 = arith.constant 1 : i32
        %jit3A_921 = arith.constant 0 : i32
        %broadcast_in_dim3A_922 = vector.broadcast %jit3A_920 : i32 to vector<16xi32>
        %broadcast_in_dim3A_923 = vector.broadcast %jit3A_921 : i32 to vector<16xi32>
        %select_n3A_924 = arith.select %ge3A_919, %broadcast_in_dim3A_922, %broadcast_in_dim3A_923 : vector<16xi1>, vector<16xi32>
        %add3A_925 = arith.addi %add3A_910, %select_n3A_924 : vector<16xi32>
        scf.yield %add3A_925 : vector<16xi32>
      }
      %scan3A_857 = arith.constant 16 : i32
      %reduce_sum3A_858 = arith.constant true
      %reduce_sum3A_859 = vector.broadcast %reduce_sum3A_858 : i1 to vector<16xi1>
      %reduce_sum3A_860 = tpu.scan <sum>, %scan3A_856 masked %reduce_sum3A_859 : vector<16xi32>, vector<16xi1> -> vector<16xi32>
      %reduce_sum3A_861 = vector.extract %reduce_sum3A_860[15] : i32 from vector<16xi32>
      %ge3A = arith.constant 64 : i32
      %ge3A_862 = arith.cmpi sge, %reduce_sum3A_861, %ge3A : i32
      %broadcast_in_dim3A_863 = vector.broadcast %ge3A_862 : i1 to vector<16xi1>
      %select_n3A_864 = arith.select %broadcast_in_dim3A_863, %or3A_849, %scan3A_845 : vector<16xi1>, vector<16xi32>
      scf.yield %select_n3A_864 : vector<16xi32>
    }
    %scan3A_649 = arith.constant 32 : i32
    %bitcast_convert_type3A_650 = tpu.bitcast %scan3A_648 : vector<16xi32> -> vector<16xi32>
    %broadcast_in_dim3A_651 = arith.constant 31 : i32
    %broadcast_in_dim3A_652 = vector.broadcast %broadcast_in_dim3A_651 : i32 to vector<16xi32>
    %shift_right_arithmetic3A_653 = arith.shrsi %bitcast_convert_type3A_650, %broadcast_in_dim3A_652 : vector<16xi32>
    %not3A_654 = arith.constant dense<-1> : vector<16xi32>
    %not3A_655 = arith.xori %shift_right_arithmetic3A_653, %not3A_654 : vector<16xi32>
    %broadcast_in_dim3A_656 = arith.constant -2147483648 : i32
    %broadcast_in_dim3A_657 = vector.broadcast %broadcast_in_dim3A_656 : i32 to vector<16xi32>
    %or3A_658 = arith.ori %not3A_655, %broadcast_in_dim3A_657 : vector<16xi32>
    %xor3A_659 = arith.xori %bitcast_convert_type3A_650, %or3A_658 : vector<16xi32>
    %bitcast_convert_type3A_660 = tpu.bitcast %xor3A_659 : vector<16xi32> -> vector<16xf32>
    %scan3A_661 = arith.constant 0 : i32
    %scan3A_662 = arith.constant 0 : i32
    %scan3A_663 = arith.constant 2048 : i32
    %scan3A_664 = arith.addi %scan3A_662, %scan3A_663 : i32
    %scan3A_665 = arith.constant 1 : i32
    %scan3A_666 = scf.for %scan3A_844 = %scan3A_662 to %scan3A_664 step %scan3A_665 iter_args(%scan3A_845 = %scan3A_661) -> (i32)  : i32 {
      %mul3A_846 = arith.constant 16 : i32
      %mul3A_847 = arith.muli %scan3A_844, %mul3A_846 : i32
      %get3A = arith.index_cast %mul3A_847 : i32 to index
      %get3A_848 = tpu.vector_load %arg4[%get3A] {strides = array<i32>} : memref<32768xf32, #tpu.memory_space<vmem>>, vector<16xf32>,
      %ge3A = arith.cmpf oge, %get3A_848, %bitcast_convert_type3A_660 : vector<16xf32>
      %reduce_or3A = arith.constant 1.000000e+00 : f32
      %reduce_or3A_849 = arith.constant 0.000000e+00 : f32
      %reduce_or3A_850 = vector.broadcast %reduce_or3A : f32 to vector<16xf32>
      %reduce_or3A_851 = vector.broadcast %reduce_or3A_849 : f32 to vector<16xf32>
      %reduce_or3A_852 = arith.select %ge3A, %reduce_or3A_850, %reduce_or3A_851 : vector<16xi1>, vector<16xf32>
      %reduce_or3A_853 = arith.constant true
      %reduce_or3A_854 = vector.broadcast %reduce_or3A_853 : i1 to vector<16xi1>
      %reduce_or3A_855 = tpu.scan <max>, %reduce_or3A_852 masked %reduce_or3A_854 : vector<16xf32>, vector<16xi1> -> vector<16xf32>
      %reduce_or3A_856 = vector.extract %reduce_or3A_855[15] : f32 from vector<16xf32>
      %reduce_or3A_857 = arith.constant 0.000000e+00 : f32
      %reduce_or3A_858 = arith.cmpf ogt, %reduce_or3A_856, %reduce_or3A_857 : f32
      %convert_element_type3A_859 = arith.extui %reduce_or3A_858 : i1 to i32
      %cond3A = arith.constant 0 : i32
      %cond3A_860 = arith.cmpi ne, %convert_element_type3A_859, %cond3A : i32
      scf.if %cond3A_860 {
        %bitcast_convert_type3A_864 = tpu.bitcast %get3A_848 : vector<16xf32> -> vector<16xi32>
        %broadcast_in_dim3A_865 = arith.constant 31 : i32
        %broadcast_in_dim3A_866 = vector.broadcast %broadcast_in_dim3A_865 : i32 to vector<16xi32>
        %shift_right_arithmetic3A_867 = arith.shrsi %bitcast_convert_type3A_864, %broadcast_in_dim3A_866 : vector<16xi32>
        %broadcast_in_dim3A_868 = arith.constant -2147483648 : i32
        %broadcast_in_dim3A_869 = vector.broadcast %broadcast_in_dim3A_868 : i32 to vector<16xi32>
        %or3A_870 = arith.ori %shift_right_arithmetic3A_867, %broadcast_in_dim3A_869 : vector<16xi32>
        %xor3A_871 = arith.xori %bitcast_convert_type3A_864, %or3A_870 : vector<16xi32>
        %bitcast_convert_type3A_872 = tpu.bitcast %xor3A_871 : vector<16xi32> -> vector<16xi32>
        %broadcast_in_dim3A_873 = arith.constant 0 : i32
        %broadcast_in_dim3A_874 = vector.broadcast %broadcast_in_dim3A_873 : i32 to vector<16xi32>
        %select_n3A_875 = arith.select %ge3A, %bitcast_convert_type3A_872, %broadcast_in_dim3A_874 : vector<16xi1>, vector<16xi32>
        %swap3A_876 = arith.index_cast %scan3A_845 : i32 to index
        %swap3A_877 = tpu.vector_load %arg6[%swap3A_876] {strides = array<i32>} : memref<32816xi32, #tpu.memory_space<vmem>>, vector<16xi32>,
        tpu.vector_store %arg6[%swap3A_876], %select_n3A_875 {strides = array<i32>} : memref<32816xi32, #tpu.memory_space<vmem>>, vector<16xi32>,
      } else {
      }
      %add3A_861 = arith.constant 16 : i32
      %add3A_862 = arith.addi %scan3A_845, %add3A_861 : i32
      %select_n3A_863 = arith.select %reduce_or3A_858, %add3A_862, %scan3A_845 : i32
      scf.yield %select_n3A_863 : i32
    }
    %scan3A_667 = arith.constant 2048 : i32
    %broadcast_in_dim3A_668 = arith.constant 0 : i32
    %broadcast_in_dim3A_669 = vector.broadcast %broadcast_in_dim3A_668 : i32 to vector<16xi32>
    %add3A_670 = arith.constant 0 : i32
    %add3A_671 = arith.addi %scan3A_666, %add3A_670 : i32
    %swap3A_672 = arith.index_cast %add3A_671 : i32 to index
    %swap3A_673 = tpu.vector_load %arg6[%swap3A_672] {strides = array<i32>} : memref<32816xi32, #tpu.memory_space<vmem>>, vector<16xi32>,
    tpu.vector_store %arg6[%swap3A_672], %broadcast_in_dim3A_669 {strides = array<i32>} : memref<32816xi32, #tpu.memory_space<vmem>>, vector<16xi32>,
    %add3A_674 = arith.constant 16 : i32
    %add3A_675 = arith.addi %scan3A_666, %add3A_674 : i32
    %swap3A_676 = arith.index_cast %add3A_675 : i32 to index
    %swap3A_677 = tpu.vector_load %arg6[%swap3A_676] {strides = array<i32>} : memref<32816xi32, #tpu.memory_space<vmem>>, vector<16xi32>,
    tpu.vector_store %arg6[%swap3A_676], %broadcast_in_dim3A_669 {strides = array<i32>} : memref<32816xi32, #tpu.memory_space<vmem>>, vector<16xi32>,
    %add3A_678 = arith.constant 32 : i32
    %add3A_679 = arith.addi %scan3A_666, %add3A_678 : i32
    %swap3A_680 = arith.index_cast %add3A_679 : i32 to index
    %swap3A_681 = tpu.vector_load %arg6[%swap3A_680] {strides = array<i32>} : memref<32816xi32, #tpu.memory_space<vmem>>, vector<16xi32>,
    tpu.vector_store %arg6[%swap3A_680], %broadcast_in_dim3A_669 {strides = array<i32>} : memref<32816xi32, #tpu.memory_space<vmem>>, vector<16xi32>,
    %jit3A_682 = arith.constant 16 : i32
    %div3A_683 = arith.divsi %scan3A_666, %jit3A_682 : i32
    %sign3A_684 = arith.constant 0 : i32
    %sign3A_685 = arith.cmpi sgt, %scan3A_666, %sign3A_684 : i32
    %sign3A_686 = arith.extui %sign3A_685 : i1 to i32
    %sign3A_687 = arith.constant 0 : i32
    %sign3A_688 = arith.cmpi slt, %scan3A_666, %sign3A_687 : i32
    %sign3A_689 = arith.extui %sign3A_688 : i1 to i32
    %sign3A_690 = arith.subi %sign3A_686, %sign3A_689 : i32
    %sign3A_691 = arith.constant 0 : i32
    %sign3A_692 = arith.cmpi sgt, %jit3A_682, %sign3A_691 : i32
    %sign3A_693 = arith.extui %sign3A_692 : i1 to i32
    %sign3A_694 = arith.constant 0 : i32
    %sign3A_695 = arith.cmpi slt, %jit3A_682, %sign3A_694 : i32
    %sign3A_696 = arith.extui %sign3A_695 : i1 to i32
    %sign3A_697 = arith.subi %sign3A_693, %sign3A_696 : i32
    %ne3A_698 = arith.cmpi ne, %sign3A_690, %sign3A_697 : i32
    %rem3A_699 = arith.remsi %scan3A_666, %jit3A_682 : i32
    %ne3A_700 = arith.constant 0 : i32
    %ne3A_701 = arith.cmpi ne, %rem3A_699, %ne3A_700 : i32
    %and3A_702 = arith.andi %ne3A_698, %ne3A_701 : i1
    %sub3A_703 = arith.constant 1 : i32
    %sub3A_704 = arith.subi %div3A_683, %sub3A_703 : i32
    %select_n3A_705 = arith.select %and3A_702, %sub3A_704, %div3A_683 : i32
    %add3A_706 = arith.constant 3 : i32
    %add3A_707 = arith.addi %select_n3A_705, %add3A_706 : i32
    %jit3A_708 = arith.constant 4 : i32
    %div3A_709 = arith.divsi %add3A_707, %jit3A_708 : i32
    %sign3A_710 = arith.constant 0 : i32
    %sign3A_711 = arith.cmpi sgt, %add3A_707, %sign3A_710 : i32
    %sign3A_712 = arith.extui %sign3A_711 : i1 to i32
    %sign3A_713 = arith.constant 0 : i32
    %sign3A_714 = arith.cmpi slt, %add3A_707, %sign3A_713 : i32
    %sign3A_715 = arith.extui %sign3A_714 : i1 to i32
    %sign3A_716 = arith.subi %sign3A_712, %sign3A_715 : i32
    %sign3A_717 = arith.constant 0 : i32
    %sign3A_718 = arith.cmpi sgt, %jit3A_708, %sign3A_717 : i32
    %sign3A_719 = arith.extui %sign3A_718 : i1 to i32
    %sign3A_720 = arith.constant 0 : i32
    %sign3A_721 = arith.cmpi slt, %jit3A_708, %sign3A_720 : i32
    %sign3A_722 = arith.extui %sign3A_721 : i1 to i32
    %sign3A_723 = arith.subi %sign3A_719, %sign3A_722 : i32
    %ne3A_724 = arith.cmpi ne, %sign3A_716, %sign3A_723 : i32
    %rem3A_725 = arith.remsi %add3A_707, %jit3A_708 : i32
    %ne3A_726 = arith.constant 0 : i32
    %ne3A_727 = arith.cmpi ne, %rem3A_725, %ne3A_726 : i32
    %and3A_728 = arith.andi %ne3A_724, %ne3A_727 : i1
    %sub3A_729 = arith.constant 1 : i32
    %sub3A_730 = arith.subi %div3A_709, %sub3A_729 : i32
    %select_n3A_731 = arith.select %and3A_728, %sub3A_730, %div3A_709 : i32
    %mul3A_732 = arith.constant 4 : i32
    %mul3A_733 = arith.muli %select_n3A_731, %mul3A_732 : i32
    %jit3A_734 = arith.constant 4 : i32
    %div3A_735 = arith.divsi %mul3A_733, %jit3A_734 : i32
    %sign3A_736 = arith.constant 0 : i32
    %sign3A_737 = arith.cmpi sgt, %mul3A_733, %sign3A_736 : i32
    %sign3A_738 = arith.extui %sign3A_737 : i1 to i32
    %sign3A_739 = arith.constant 0 : i32
    %sign3A_740 = arith.cmpi slt, %mul3A_733, %sign3A_739 : i32
    %sign3A_741 = arith.extui %sign3A_740 : i1 to i32
    %sign3A_742 = arith.subi %sign3A_738, %sign3A_741 : i32
    %sign3A_743 = arith.constant 0 : i32
    %sign3A_744 = arith.cmpi sgt, %jit3A_734, %sign3A_743 : i32
    %sign3A_745 = arith.extui %sign3A_744 : i1 to i32
    %sign3A_746 = arith.constant 0 : i32
    %sign3A_747 = arith.cmpi slt, %jit3A_734, %sign3A_746 : i32
    %sign3A_748 = arith.extui %sign3A_747 : i1 to i32
    %sign3A_749 = arith.subi %sign3A_745, %sign3A_748 : i32
    %ne3A_750 = arith.cmpi ne, %sign3A_742, %sign3A_749 : i32
    %rem3A_751 = arith.remsi %mul3A_733, %jit3A_734 : i32
    %ne3A_752 = arith.constant 0 : i32
    %ne3A_753 = arith.cmpi ne, %rem3A_751, %ne3A_752 : i32
    %and3A_754 = arith.andi %ne3A_750, %ne3A_753 : i1
    %sub3A_755 = arith.constant 1 : i32
    %sub3A_756 = arith.subi %div3A_735, %sub3A_755 : i32
    %select_n3A_757 = arith.select %and3A_754, %sub3A_756, %div3A_735 : i32
    %broadcast_in_dim3A_758 = arith.constant 1 : i32
    %broadcast_in_dim3A_759 = vector.broadcast %broadcast_in_dim3A_758 : i32 to vector<16xi32>
    %broadcast_in_dim3A_760 = arith.constant 0 : i32
    %broadcast_in_dim3A_761 = vector.broadcast %broadcast_in_dim3A_760 : i32 to vector<16xi32>
    %scan3A_762 = arith.constant 0 : i32
    %scan3A_763 = arith.constant 32 : i32
    %scan3A_764 = arith.addi %scan3A_762, %scan3A_763 : i32
    %scan3A_765 = arith.constant 1 : i32
    %scan3A_766 = scf.for %scan3A_844 = %scan3A_762 to %scan3A_764 step %scan3A_765 iter_args(%scan3A_845 = %broadcast_in_dim3A_761) -> (vector<16xi32>)  : i32 {
      %sub3A_846 = arith.constant 31 : i32
      %sub3A_847 = arith.subi %sub3A_846, %scan3A_844 : i32
      %broadcast_in_dim3A_848 = vector.broadcast %sub3A_847 : i32 to vector<16xi32>
      %shift_left3A = arith.shli %broadcast_in_dim3A_759, %broadcast_in_dim3A_848 : vector<16xi32>
      %or3A_849 = arith.ori %scan3A_845, %shift_left3A : vector<16xi32>
      %broadcast_in_dim3A_850 = arith.constant 0 : i32
      %broadcast_in_dim3A_851 = vector.broadcast %broadcast_in_dim3A_850 : i32 to vector<16xi32>
      %while3A_852 = arith.constant 0 : i32
      %while3A_853 = arith.subi %select_n3A_757, %while3A_852 : i32
      %while3A_854 = arith.addi %while3A_852, %while3A_853 : i32
      %while3A_855 = arith.constant 1 : i32
      %while3A_856 = arith.divsi %while3A_853, %while3A_855 : i32
      %while3A_857 = arith.muli %while3A_856, %while3A_855 : i32
      %while3A_858 = arith.addi %while3A_852, %while3A_857 : i32
      %while3A_859 = arith.constant 1 : i32
      %while3A_860 = scf.for %while3A_870 = %while3A_852 to %while3A_858 step %while3A_859 iter_args(%while3A_871 = %broadcast_in_dim3A_851) -> (vector<16xi32>)  : i32 {
        %mul3A_872 = arith.constant 4 : i32
        %mul3A_873 = arith.muli %while3A_870, %mul3A_872 : i32
        %add3A_874 = arith.constant 0 : i32
        %add3A_875 = arith.addi %mul3A_873, %add3A_874 : i32
        %mul3A_876 = arith.constant 16 : i32
        %mul3A_877 = arith.muli %add3A_875, %mul3A_876 : i32
        %get3A = arith.index_cast %mul3A_877 : i32 to index
        %get3A_878 = tpu.vector_load %arg6[%get3A] {strides = array<i32>} : memref<32816xi32, #tpu.memory_space<vmem>>, vector<16xi32>,
        %ge3A_879 = arith.cmpi uge, %get3A_878, %or3A_849 : vector<16xi32>
        %jit3A_880 = arith.constant 1 : i32
        %jit3A_881 = arith.constant 0 : i32
        %broadcast_in_dim3A_882 = vector.broadcast %jit3A_880 : i32 to vector<16xi32>
        %broadcast_in_dim3A_883 = vector.broadcast %jit3A_881 : i32 to vector<16xi32>
        %select_n3A_884 = arith.select %ge3A_879, %broadcast_in_dim3A_882, %broadcast_in_dim3A_883 : vector<16xi1>, vector<16xi32>
        %add3A_885 = arith.addi %while3A_871, %select_n3A_884 : vector<16xi32>
        %mul3A_886 = arith.constant 4 : i32
        %mul3A_887 = arith.muli %while3A_870, %mul3A_886 : i32
        %add3A_888 = arith.constant 1 : i32
        %add3A_889 = arith.addi %mul3A_887, %add3A_888 : i32
        %mul3A_890 = arith.constant 16 : i32
        %mul3A_891 = arith.muli %add3A_889, %mul3A_890 : i32
        %get3A_892 = arith.index_cast %mul3A_891 : i32 to index
        %get3A_893 = tpu.vector_load %arg6[%get3A_892] {strides = array<i32>} : memref<32816xi32, #tpu.memory_space<vmem>>, vector<16xi32>,
        %ge3A_894 = arith.cmpi uge, %get3A_893, %or3A_849 : vector<16xi32>
        %jit3A_895 = arith.constant 1 : i32
        %jit3A_896 = arith.constant 0 : i32
        %broadcast_in_dim3A_897 = vector.broadcast %jit3A_895 : i32 to vector<16xi32>
        %broadcast_in_dim3A_898 = vector.broadcast %jit3A_896 : i32 to vector<16xi32>
        %select_n3A_899 = arith.select %ge3A_894, %broadcast_in_dim3A_897, %broadcast_in_dim3A_898 : vector<16xi1>, vector<16xi32>
        %add3A_900 = arith.addi %add3A_885, %select_n3A_899 : vector<16xi32>
        %mul3A_901 = arith.constant 4 : i32
        %mul3A_902 = arith.muli %while3A_870, %mul3A_901 : i32
        %add3A_903 = arith.constant 2 : i32
        %add3A_904 = arith.addi %mul3A_902, %add3A_903 : i32
        %mul3A_905 = arith.constant 16 : i32
        %mul3A_906 = arith.muli %add3A_904, %mul3A_905 : i32
        %get3A_907 = arith.index_cast %mul3A_906 : i32 to index
        %get3A_908 = tpu.vector_load %arg6[%get3A_907] {strides = array<i32>} : memref<32816xi32, #tpu.memory_space<vmem>>, vector<16xi32>,
        %ge3A_909 = arith.cmpi uge, %get3A_908, %or3A_849 : vector<16xi32>
        %jit3A_910 = arith.constant 1 : i32
        %jit3A_911 = arith.constant 0 : i32
        %broadcast_in_dim3A_912 = vector.broadcast %jit3A_910 : i32 to vector<16xi32>
        %broadcast_in_dim3A_913 = vector.broadcast %jit3A_911 : i32 to vector<16xi32>
        %select_n3A_914 = arith.select %ge3A_909, %broadcast_in_dim3A_912, %broadcast_in_dim3A_913 : vector<16xi1>, vector<16xi32>
        %add3A_915 = arith.addi %add3A_900, %select_n3A_914 : vector<16xi32>
        %mul3A_916 = arith.constant 4 : i32
        %mul3A_917 = arith.muli %while3A_870, %mul3A_916 : i32
        %add3A_918 = arith.constant 3 : i32
        %add3A_919 = arith.addi %mul3A_917, %add3A_918 : i32
        %mul3A_920 = arith.constant 16 : i32
        %mul3A_921 = arith.muli %add3A_919, %mul3A_920 : i32
        %get3A_922 = arith.index_cast %mul3A_921 : i32 to index
        %get3A_923 = tpu.vector_load %arg6[%get3A_922] {strides = array<i32>} : memref<32816xi32, #tpu.memory_space<vmem>>, vector<16xi32>,
        %ge3A_924 = arith.cmpi uge, %get3A_923, %or3A_849 : vector<16xi32>
        %jit3A_925 = arith.constant 1 : i32
        %jit3A_926 = arith.constant 0 : i32
        %broadcast_in_dim3A_927 = vector.broadcast %jit3A_925 : i32 to vector<16xi32>
        %broadcast_in_dim3A_928 = vector.broadcast %jit3A_926 : i32 to vector<16xi32>
        %select_n3A_929 = arith.select %ge3A_924, %broadcast_in_dim3A_927, %broadcast_in_dim3A_928 : vector<16xi1>, vector<16xi32>
        %add3A_930 = arith.addi %add3A_915, %select_n3A_929 : vector<16xi32>
        scf.yield %add3A_930 : vector<16xi32>
      }
      %while3A_861 = arith.constant 1 : i32
      %while3A_862 = scf.for %while3A_870 = %while3A_858 to %while3A_854 step %while3A_861 iter_args(%while3A_871 = %while3A_860) -> (vector<16xi32>)  : i32 {
        %mul3A_872 = arith.constant 4 : i32
        %mul3A_873 = arith.muli %while3A_870, %mul3A_872 : i32
        %add3A_874 = arith.constant 0 : i32
        %add3A_875 = arith.addi %mul3A_873, %add3A_874 : i32
        %mul3A_876 = arith.constant 16 : i32
        %mul3A_877 = arith.muli %add3A_875, %mul3A_876 : i32
        %get3A = arith.index_cast %mul3A_877 : i32 to index
        %get3A_878 = tpu.vector_load %arg6[%get3A] {strides = array<i32>} : memref<32816xi32, #tpu.memory_space<vmem>>, vector<16xi32>,
        %ge3A_879 = arith.cmpi uge, %get3A_878, %or3A_849 : vector<16xi32>
        %jit3A_880 = arith.constant 1 : i32
        %jit3A_881 = arith.constant 0 : i32
        %broadcast_in_dim3A_882 = vector.broadcast %jit3A_880 : i32 to vector<16xi32>
        %broadcast_in_dim3A_883 = vector.broadcast %jit3A_881 : i32 to vector<16xi32>
        %select_n3A_884 = arith.select %ge3A_879, %broadcast_in_dim3A_882, %broadcast_in_dim3A_883 : vector<16xi1>, vector<16xi32>
        %add3A_885 = arith.addi %while3A_871, %select_n3A_884 : vector<16xi32>
        %mul3A_886 = arith.constant 4 : i32
        %mul3A_887 = arith.muli %while3A_870, %mul3A_886 : i32
        %add3A_888 = arith.constant 1 : i32
        %add3A_889 = arith.addi %mul3A_887, %add3A_888 : i32
        %mul3A_890 = arith.constant 16 : i32
        %mul3A_891 = arith.muli %add3A_889, %mul3A_890 : i32
        %get3A_892 = arith.index_cast %mul3A_891 : i32 to index
        %get3A_893 = tpu.vector_load %arg6[%get3A_892] {strides = array<i32>} : memref<32816xi32, #tpu.memory_space<vmem>>, vector<16xi32>,
        %ge3A_894 = arith.cmpi uge, %get3A_893, %or3A_849 : vector<16xi32>
        %jit3A_895 = arith.constant 1 : i32
        %jit3A_896 = arith.constant 0 : i32
        %broadcast_in_dim3A_897 = vector.broadcast %jit3A_895 : i32 to vector<16xi32>
        %broadcast_in_dim3A_898 = vector.broadcast %jit3A_896 : i32 to vector<16xi32>
        %select_n3A_899 = arith.select %ge3A_894, %broadcast_in_dim3A_897, %broadcast_in_dim3A_898 : vector<16xi1>, vector<16xi32>
        %add3A_900 = arith.addi %add3A_885, %select_n3A_899 : vector<16xi32>
        %mul3A_901 = arith.constant 4 : i32
        %mul3A_902 = arith.muli %while3A_870, %mul3A_901 : i32
        %add3A_903 = arith.constant 2 : i32
        %add3A_904 = arith.addi %mul3A_902, %add3A_903 : i32
        %mul3A_905 = arith.constant 16 : i32
        %mul3A_906 = arith.muli %add3A_904, %mul3A_905 : i32
        %get3A_907 = arith.index_cast %mul3A_906 : i32 to index
        %get3A_908 = tpu.vector_load %arg6[%get3A_907] {strides = array<i32>} : memref<32816xi32, #tpu.memory_space<vmem>>, vector<16xi32>,
        %ge3A_909 = arith.cmpi uge, %get3A_908, %or3A_849 : vector<16xi32>
        %jit3A_910 = arith.constant 1 : i32
        %jit3A_911 = arith.constant 0 : i32
        %broadcast_in_dim3A_912 = vector.broadcast %jit3A_910 : i32 to vector<16xi32>
        %broadcast_in_dim3A_913 = vector.broadcast %jit3A_911 : i32 to vector<16xi32>
        %select_n3A_914 = arith.select %ge3A_909, %broadcast_in_dim3A_912, %broadcast_in_dim3A_913 : vector<16xi1>, vector<16xi32>
        %add3A_915 = arith.addi %add3A_900, %select_n3A_914 : vector<16xi32>
        %mul3A_916 = arith.constant 4 : i32
        %mul3A_917 = arith.muli %while3A_870, %mul3A_916 : i32
        %add3A_918 = arith.constant 3 : i32
        %add3A_919 = arith.addi %mul3A_917, %add3A_918 : i32
        %mul3A_920 = arith.constant 16 : i32
        %mul3A_921 = arith.muli %add3A_919, %mul3A_920 : i32
        %get3A_922 = arith.index_cast %mul3A_921 : i32 to index
        %get3A_923 = tpu.vector_load %arg6[%get3A_922] {strides = array<i32>} : memref<32816xi32, #tpu.memory_space<vmem>>, vector<16xi32>,
        %ge3A_924 = arith.cmpi uge, %get3A_923, %or3A_849 : vector<16xi32>
        %jit3A_925 = arith.constant 1 : i32
        %jit3A_926 = arith.constant 0 : i32
        %broadcast_in_dim3A_927 = vector.broadcast %jit3A_925 : i32 to vector<16xi32>
        %broadcast_in_dim3A_928 = vector.broadcast %jit3A_926 : i32 to vector<16xi32>
        %select_n3A_929 = arith.select %ge3A_924, %broadcast_in_dim3A_927, %broadcast_in_dim3A_928 : vector<16xi1>, vector<16xi32>
        %add3A_930 = arith.addi %add3A_915, %select_n3A_929 : vector<16xi32>
        scf.yield %add3A_930 : vector<16xi32>
      }
      %reduce_sum3A_863 = arith.constant true
      %reduce_sum3A_864 = vector.broadcast %reduce_sum3A_863 : i1 to vector<16xi1>
      %reduce_sum3A_865 = tpu.scan <sum>, %while3A_862 masked %reduce_sum3A_864 : vector<16xi32>, vector<16xi1> -> vector<16xi32>
      %reduce_sum3A_866 = vector.extract %reduce_sum3A_865[15] : i32 from vector<16xi32>
      %ge3A = arith.constant 64 : i32
      %ge3A_867 = arith.cmpi sge, %reduce_sum3A_866, %ge3A : i32
      %broadcast_in_dim3A_868 = vector.broadcast %ge3A_867 : i1 to vector<16xi1>
      %select_n3A_869 = arith.select %broadcast_in_dim3A_868, %or3A_849, %scan3A_845 : vector<16xi1>, vector<16xi32>
      scf.yield %select_n3A_869 : vector<16xi32>
    }
    %scan3A_767 = arith.constant 32 : i32
    %jit3A_768 = arith.constant 4 : i32
    %div3A_769 = arith.divsi %mul3A_733, %jit3A_768 : i32
    %sign3A_770 = arith.constant 0 : i32
    %sign3A_771 = arith.cmpi sgt, %mul3A_733, %sign3A_770 : i32
    %sign3A_772 = arith.extui %sign3A_771 : i1 to i32
    %sign3A_773 = arith.constant 0 : i32
    %sign3A_774 = arith.cmpi slt, %mul3A_733, %sign3A_773 : i32
    %sign3A_775 = arith.extui %sign3A_774 : i1 to i32
    %sign3A_776 = arith.subi %sign3A_772, %sign3A_775 : i32
    %sign3A_777 = arith.constant 0 : i32
    %sign3A_778 = arith.cmpi sgt, %jit3A_768, %sign3A_777 : i32
    %sign3A_779 = arith.extui %sign3A_778 : i1 to i32
    %sign3A_780 = arith.constant 0 : i32
    %sign3A_781 = arith.cmpi slt, %jit3A_768, %sign3A_780 : i32
    %sign3A_782 = arith.extui %sign3A_781 : i1 to i32
    %sign3A_783 = arith.subi %sign3A_779, %sign3A_782 : i32
    %ne3A_784 = arith.cmpi ne, %sign3A_776, %sign3A_783 : i32
    %rem3A_785 = arith.remsi %mul3A_733, %jit3A_768 : i32
    %ne3A_786 = arith.constant 0 : i32
    %ne3A_787 = arith.cmpi ne, %rem3A_785, %ne3A_786 : i32
    %and3A_788 = arith.andi %ne3A_784, %ne3A_787 : i1
    %sub3A_789 = arith.constant 1 : i32
    %sub3A_790 = arith.subi %div3A_769, %sub3A_789 : i32
    %select_n3A_791 = arith.select %and3A_788, %sub3A_790, %div3A_769 : i32
    %broadcast_in_dim3A_792 = arith.constant 0.000000e+00 : f32
    %broadcast_in_dim3A_793 = vector.broadcast %broadcast_in_dim3A_792 : f32 to vector<16xf32>
    %broadcast_in_dim3A_794 = arith.constant 0 : i32
    %broadcast_in_dim3A_795 = vector.broadcast %broadcast_in_dim3A_794 : i32 to vector<16xi32>
    %while3A_796 = arith.constant 0 : i32
    %while3A_797 = arith.subi %select_n3A_791, %while3A_796 : i32
    %while3A_798 = arith.addi %while3A_796, %while3A_797 : i32
    %while3A_799 = arith.constant 1 : i32
    %while3A_800 = arith.divsi %while3A_797, %while3A_799 : i32
    %while3A_801 = arith.muli %while3A_800, %while3A_799 : i32
    %while3A_802 = arith.addi %while3A_796, %while3A_801 : i32
    %while3A_803 = arith.constant 1 : i32
    %while3A_804:2 = scf.for %while3A_844 = %while3A_796 to %while3A_802 step %while3A_803 iter_args(%while3A_845 = %broadcast_in_dim3A_793, %while3A_846 = %broadcast_in_dim3A_795) -> (vector<16xf32>, vector<16xi32>)  : i32 {
      %mul3A_847 = arith.constant 4 : i32
      %mul3A_848 = arith.muli %while3A_844, %mul3A_847 : i32
      %add3A_849 = arith.constant 0 : i32
      %add3A_850 = arith.addi %mul3A_848, %add3A_849 : i32
      %mul3A_851 = arith.constant 16 : i32
      %mul3A_852 = arith.muli %add3A_850, %mul3A_851 : i32
      %get3A = arith.index_cast %mul3A_852 : i32 to index
      %get3A_853 = tpu.vector_load %arg6[%get3A] {strides = array<i32>} : memref<32816xi32, #tpu.memory_space<vmem>>, vector<16xi32>,
      %gt3A = arith.cmpi ugt, %get3A_853, %scan3A_766 : vector<16xi32>
      %bitcast_convert_type3A_854 = tpu.bitcast %get3A_853 : vector<16xi32> -> vector<16xi32>
      %broadcast_in_dim3A_855 = arith.constant 31 : i32
      %broadcast_in_dim3A_856 = vector.broadcast %broadcast_in_dim3A_855 : i32 to vector<16xi32>
      %shift_right_arithmetic3A_857 = arith.shrsi %bitcast_convert_type3A_854, %broadcast_in_dim3A_856 : vector<16xi32>
      %not3A_858 = arith.constant dense<-1> : vector<16xi32>
      %not3A_859 = arith.xori %shift_right_arithmetic3A_857, %not3A_858 : vector<16xi32>
      %broadcast_in_dim3A_860 = arith.constant -2147483648 : i32
      %broadcast_in_dim3A_861 = vector.broadcast %broadcast_in_dim3A_860 : i32 to vector<16xi32>
      %or3A_862 = arith.ori %not3A_859, %broadcast_in_dim3A_861 : vector<16xi32>
      %xor3A_863 = arith.xori %bitcast_convert_type3A_854, %or3A_862 : vector<16xi32>
      %bitcast_convert_type3A_864 = tpu.bitcast %xor3A_863 : vector<16xi32> -> vector<16xf32>
      %broadcast_in_dim3A_865 = arith.constant 0.000000e+00 : f32
      %broadcast_in_dim3A_866 = vector.broadcast %broadcast_in_dim3A_865 : f32 to vector<16xf32>
      %select_n3A_867 = arith.select %gt3A, %bitcast_convert_type3A_864, %broadcast_in_dim3A_866 : vector<16xi1>, vector<16xf32>
      %add3A_868 = arith.addf %while3A_845, %select_n3A_867 : vector<16xf32>
      %jit3A_869 = arith.constant 1 : i32
      %jit3A_870 = arith.constant 0 : i32
      %broadcast_in_dim3A_871 = vector.broadcast %jit3A_869 : i32 to vector<16xi32>
      %broadcast_in_dim3A_872 = vector.broadcast %jit3A_870 : i32 to vector<16xi32>
      %select_n3A_873 = arith.select %gt3A, %broadcast_in_dim3A_871, %broadcast_in_dim3A_872 : vector<16xi1>, vector<16xi32>
      %add3A_874 = arith.addi %while3A_846, %select_n3A_873 : vector<16xi32>
      %mul3A_875 = arith.constant 4 : i32
      %mul3A_876 = arith.muli %while3A_844, %mul3A_875 : i32
      %add3A_877 = arith.constant 1 : i32
      %add3A_878 = arith.addi %mul3A_876, %add3A_877 : i32
      %mul3A_879 = arith.constant 16 : i32
      %mul3A_880 = arith.muli %add3A_878, %mul3A_879 : i32
      %get3A_881 = arith.index_cast %mul3A_880 : i32 to index
      %get3A_882 = tpu.vector_load %arg6[%get3A_881] {strides = array<i32>} : memref<32816xi32, #tpu.memory_space<vmem>>, vector<16xi32>,
      %gt3A_883 = arith.cmpi ugt, %get3A_882, %scan3A_766 : vector<16xi32>
      %bitcast_convert_type3A_884 = tpu.bitcast %get3A_882 : vector<16xi32> -> vector<16xi32>
      %broadcast_in_dim3A_885 = arith.constant 31 : i32
      %broadcast_in_dim3A_886 = vector.broadcast %broadcast_in_dim3A_885 : i32 to vector<16xi32>
      %shift_right_arithmetic3A_887 = arith.shrsi %bitcast_convert_type3A_884, %broadcast_in_dim3A_886 : vector<16xi32>
      %not3A_888 = arith.constant dense<-1> : vector<16xi32>
      %not3A_889 = arith.xori %shift_right_arithmetic3A_887, %not3A_888 : vector<16xi32>
      %broadcast_in_dim3A_890 = arith.constant -2147483648 : i32
      %broadcast_in_dim3A_891 = vector.broadcast %broadcast_in_dim3A_890 : i32 to vector<16xi32>
      %or3A_892 = arith.ori %not3A_889, %broadcast_in_dim3A_891 : vector<16xi32>
      %xor3A_893 = arith.xori %bitcast_convert_type3A_884, %or3A_892 : vector<16xi32>
      %bitcast_convert_type3A_894 = tpu.bitcast %xor3A_893 : vector<16xi32> -> vector<16xf32>
      %broadcast_in_dim3A_895 = arith.constant 0.000000e+00 : f32
      %broadcast_in_dim3A_896 = vector.broadcast %broadcast_in_dim3A_895 : f32 to vector<16xf32>
      %select_n3A_897 = arith.select %gt3A_883, %bitcast_convert_type3A_894, %broadcast_in_dim3A_896 : vector<16xi1>, vector<16xf32>
      %add3A_898 = arith.addf %add3A_868, %select_n3A_897 : vector<16xf32>
      %jit3A_899 = arith.constant 1 : i32
      %jit3A_900 = arith.constant 0 : i32
      %broadcast_in_dim3A_901 = vector.broadcast %jit3A_899 : i32 to vector<16xi32>
      %broadcast_in_dim3A_902 = vector.broadcast %jit3A_900 : i32 to vector<16xi32>
      %select_n3A_903 = arith.select %gt3A_883, %broadcast_in_dim3A_901, %broadcast_in_dim3A_902 : vector<16xi1>, vector<16xi32>
      %add3A_904 = arith.addi %add3A_874, %select_n3A_903 : vector<16xi32>
      %mul3A_905 = arith.constant 4 : i32
      %mul3A_906 = arith.muli %while3A_844, %mul3A_905 : i32
      %add3A_907 = arith.constant 2 : i32
      %add3A_908 = arith.addi %mul3A_906, %add3A_907 : i32
      %mul3A_909 = arith.constant 16 : i32
      %mul3A_910 = arith.muli %add3A_908, %mul3A_909 : i32
      %get3A_911 = arith.index_cast %mul3A_910 : i32 to index
      %get3A_912 = tpu.vector_load %arg6[%get3A_911] {strides = array<i32>} : memref<32816xi32, #tpu.memory_space<vmem>>, vector<16xi32>,
      %gt3A_913 = arith.cmpi ugt, %get3A_912, %scan3A_766 : vector<16xi32>
      %bitcast_convert_type3A_914 = tpu.bitcast %get3A_912 : vector<16xi32> -> vector<16xi32>
      %broadcast_in_dim3A_915 = arith.constant 31 : i32
      %broadcast_in_dim3A_916 = vector.broadcast %broadcast_in_dim3A_915 : i32 to vector<16xi32>
      %shift_right_arithmetic3A_917 = arith.shrsi %bitcast_convert_type3A_914, %broadcast_in_dim3A_916 : vector<16xi32>
      %not3A_918 = arith.constant dense<-1> : vector<16xi32>
      %not3A_919 = arith.xori %shift_right_arithmetic3A_917, %not3A_918 : vector<16xi32>
      %broadcast_in_dim3A_920 = arith.constant -2147483648 : i32
      %broadcast_in_dim3A_921 = vector.broadcast %broadcast_in_dim3A_920 : i32 to vector<16xi32>
      %or3A_922 = arith.ori %not3A_919, %broadcast_in_dim3A_921 : vector<16xi32>
      %xor3A_923 = arith.xori %bitcast_convert_type3A_914, %or3A_922 : vector<16xi32>
      %bitcast_convert_type3A_924 = tpu.bitcast %xor3A_923 : vector<16xi32> -> vector<16xf32>
      %broadcast_in_dim3A_925 = arith.constant 0.000000e+00 : f32
      %broadcast_in_dim3A_926 = vector.broadcast %broadcast_in_dim3A_925 : f32 to vector<16xf32>
      %select_n3A_927 = arith.select %gt3A_913, %bitcast_convert_type3A_924, %broadcast_in_dim3A_926 : vector<16xi1>, vector<16xf32>
      %add3A_928 = arith.addf %add3A_898, %select_n3A_927 : vector<16xf32>
      %jit3A_929 = arith.constant 1 : i32
      %jit3A_930 = arith.constant 0 : i32
      %broadcast_in_dim3A_931 = vector.broadcast %jit3A_929 : i32 to vector<16xi32>
      %broadcast_in_dim3A_932 = vector.broadcast %jit3A_930 : i32 to vector<16xi32>
      %select_n3A_933 = arith.select %gt3A_913, %broadcast_in_dim3A_931, %broadcast_in_dim3A_932 : vector<16xi1>, vector<16xi32>
      %add3A_934 = arith.addi %add3A_904, %select_n3A_933 : vector<16xi32>
      %mul3A_935 = arith.constant 4 : i32
      %mul3A_936 = arith.muli %while3A_844, %mul3A_935 : i32
      %add3A_937 = arith.constant 3 : i32
      %add3A_938 = arith.addi %mul3A_936, %add3A_937 : i32
      %mul3A_939 = arith.constant 16 : i32
      %mul3A_940 = arith.muli %add3A_938, %mul3A_939 : i32
      %get3A_941 = arith.index_cast %mul3A_940 : i32 to index
      %get3A_942 = tpu.vector_load %arg6[%get3A_941] {strides = array<i32>} : memref<32816xi32, #tpu.memory_space<vmem>>, vector<16xi32>,
      %gt3A_943 = arith.cmpi ugt, %get3A_942, %scan3A_766 : vector<16xi32>
      %bitcast_convert_type3A_944 = tpu.bitcast %get3A_942 : vector<16xi32> -> vector<16xi32>
      %broadcast_in_dim3A_945 = arith.constant 31 : i32
      %broadcast_in_dim3A_946 = vector.broadcast %broadcast_in_dim3A_945 : i32 to vector<16xi32>
      %shift_right_arithmetic3A_947 = arith.shrsi %bitcast_convert_type3A_944, %broadcast_in_dim3A_946 : vector<16xi32>
      %not3A_948 = arith.constant dense<-1> : vector<16xi32>
      %not3A_949 = arith.xori %shift_right_arithmetic3A_947, %not3A_948 : vector<16xi32>
      %broadcast_in_dim3A_950 = arith.constant -2147483648 : i32
      %broadcast_in_dim3A_951 = vector.broadcast %broadcast_in_dim3A_950 : i32 to vector<16xi32>
      %or3A_952 = arith.ori %not3A_949, %broadcast_in_dim3A_951 : vector<16xi32>
      %xor3A_953 = arith.xori %bitcast_convert_type3A_944, %or3A_952 : vector<16xi32>
      %bitcast_convert_type3A_954 = tpu.bitcast %xor3A_953 : vector<16xi32> -> vector<16xf32>
      %broadcast_in_dim3A_955 = arith.constant 0.000000e+00 : f32
      %broadcast_in_dim3A_956 = vector.broadcast %broadcast_in_dim3A_955 : f32 to vector<16xf32>
      %select_n3A_957 = arith.select %gt3A_943, %bitcast_convert_type3A_954, %broadcast_in_dim3A_956 : vector<16xi1>, vector<16xf32>
      %add3A_958 = arith.addf %add3A_928, %select_n3A_957 : vector<16xf32>
      %jit3A_959 = arith.constant 1 : i32
      %jit3A_960 = arith.constant 0 : i32
      %broadcast_in_dim3A_961 = vector.broadcast %jit3A_959 : i32 to vector<16xi32>
      %broadcast_in_dim3A_962 = vector.broadcast %jit3A_960 : i32 to vector<16xi32>
      %select_n3A_963 = arith.select %gt3A_943, %broadcast_in_dim3A_961, %broadcast_in_dim3A_962 : vector<16xi1>, vector<16xi32>
      %add3A_964 = arith.addi %add3A_934, %select_n3A_963 : vector<16xi32>
      scf.yield %add3A_958, %add3A_964 : vector<16xf32>, vector<16xi32>
    }
    %while3A_805 = arith.constant 1 : i32
    %while3A_806:2 = scf.for %while3A_844 = %while3A_802 to %while3A_798 step %while3A_805 iter_args(%while3A_845 = %while3A_804#0, %while3A_846 = %while3A_804#1) -> (vector<16xf32>, vector<16xi32>)  : i32 {
      %mul3A_847 = arith.constant 4 : i32
      %mul3A_848 = arith.muli %while3A_844, %mul3A_847 : i32
      %add3A_849 = arith.constant 0 : i32
      %add3A_850 = arith.addi %mul3A_848, %add3A_849 : i32
      %mul3A_851 = arith.constant 16 : i32
      %mul3A_852 = arith.muli %add3A_850, %mul3A_851 : i32
      %get3A = arith.index_cast %mul3A_852 : i32 to index
      %get3A_853 = tpu.vector_load %arg6[%get3A] {strides = array<i32>} : memref<32816xi32, #tpu.memory_space<vmem>>, vector<16xi32>,
      %gt3A = arith.cmpi ugt, %get3A_853, %scan3A_766 : vector<16xi32>
      %bitcast_convert_type3A_854 = tpu.bitcast %get3A_853 : vector<16xi32> -> vector<16xi32>
      %broadcast_in_dim3A_855 = arith.constant 31 : i32
      %broadcast_in_dim3A_856 = vector.broadcast %broadcast_in_dim3A_855 : i32 to vector<16xi32>
      %shift_right_arithmetic3A_857 = arith.shrsi %bitcast_convert_type3A_854, %broadcast_in_dim3A_856 : vector<16xi32>
      %not3A_858 = arith.constant dense<-1> : vector<16xi32>
      %not3A_859 = arith.xori %shift_right_arithmetic3A_857, %not3A_858 : vector<16xi32>
      %broadcast_in_dim3A_860 = arith.constant -2147483648 : i32
      %broadcast_in_dim3A_861 = vector.broadcast %broadcast_in_dim3A_860 : i32 to vector<16xi32>
      %or3A_862 = arith.ori %not3A_859, %broadcast_in_dim3A_861 : vector<16xi32>
      %xor3A_863 = arith.xori %bitcast_convert_type3A_854, %or3A_862 : vector<16xi32>
      %bitcast_convert_type3A_864 = tpu.bitcast %xor3A_863 : vector<16xi32> -> vector<16xf32>
      %broadcast_in_dim3A_865 = arith.constant 0.000000e+00 : f32
      %broadcast_in_dim3A_866 = vector.broadcast %broadcast_in_dim3A_865 : f32 to vector<16xf32>
      %select_n3A_867 = arith.select %gt3A, %bitcast_convert_type3A_864, %broadcast_in_dim3A_866 : vector<16xi1>, vector<16xf32>
      %add3A_868 = arith.addf %while3A_845, %select_n3A_867 : vector<16xf32>
      %jit3A_869 = arith.constant 1 : i32
      %jit3A_870 = arith.constant 0 : i32
      %broadcast_in_dim3A_871 = vector.broadcast %jit3A_869 : i32 to vector<16xi32>
      %broadcast_in_dim3A_872 = vector.broadcast %jit3A_870 : i32 to vector<16xi32>
      %select_n3A_873 = arith.select %gt3A, %broadcast_in_dim3A_871, %broadcast_in_dim3A_872 : vector<16xi1>, vector<16xi32>
      %add3A_874 = arith.addi %while3A_846, %select_n3A_873 : vector<16xi32>
      %mul3A_875 = arith.constant 4 : i32
      %mul3A_876 = arith.muli %while3A_844, %mul3A_875 : i32
      %add3A_877 = arith.constant 1 : i32
      %add3A_878 = arith.addi %mul3A_876, %add3A_877 : i32
      %mul3A_879 = arith.constant 16 : i32
      %mul3A_880 = arith.muli %add3A_878, %mul3A_879 : i32
      %get3A_881 = arith.index_cast %mul3A_880 : i32 to index
      %get3A_882 = tpu.vector_load %arg6[%get3A_881] {strides = array<i32>} : memref<32816xi32, #tpu.memory_space<vmem>>, vector<16xi32>,
      %gt3A_883 = arith.cmpi ugt, %get3A_882, %scan3A_766 : vector<16xi32>
      %bitcast_convert_type3A_884 = tpu.bitcast %get3A_882 : vector<16xi32> -> vector<16xi32>
      %broadcast_in_dim3A_885 = arith.constant 31 : i32
      %broadcast_in_dim3A_886 = vector.broadcast %broadcast_in_dim3A_885 : i32 to vector<16xi32>
      %shift_right_arithmetic3A_887 = arith.shrsi %bitcast_convert_type3A_884, %broadcast_in_dim3A_886 : vector<16xi32>
      %not3A_888 = arith.constant dense<-1> : vector<16xi32>
      %not3A_889 = arith.xori %shift_right_arithmetic3A_887, %not3A_888 : vector<16xi32>
      %broadcast_in_dim3A_890 = arith.constant -2147483648 : i32
      %broadcast_in_dim3A_891 = vector.broadcast %broadcast_in_dim3A_890 : i32 to vector<16xi32>
      %or3A_892 = arith.ori %not3A_889, %broadcast_in_dim3A_891 : vector<16xi32>
      %xor3A_893 = arith.xori %bitcast_convert_type3A_884, %or3A_892 : vector<16xi32>
      %bitcast_convert_type3A_894 = tpu.bitcast %xor3A_893 : vector<16xi32> -> vector<16xf32>
      %broadcast_in_dim3A_895 = arith.constant 0.000000e+00 : f32
      %broadcast_in_dim3A_896 = vector.broadcast %broadcast_in_dim3A_895 : f32 to vector<16xf32>
      %select_n3A_897 = arith.select %gt3A_883, %bitcast_convert_type3A_894, %broadcast_in_dim3A_896 : vector<16xi1>, vector<16xf32>
      %add3A_898 = arith.addf %add3A_868, %select_n3A_897 : vector<16xf32>
      %jit3A_899 = arith.constant 1 : i32
      %jit3A_900 = arith.constant 0 : i32
      %broadcast_in_dim3A_901 = vector.broadcast %jit3A_899 : i32 to vector<16xi32>
      %broadcast_in_dim3A_902 = vector.broadcast %jit3A_900 : i32 to vector<16xi32>
      %select_n3A_903 = arith.select %gt3A_883, %broadcast_in_dim3A_901, %broadcast_in_dim3A_902 : vector<16xi1>, vector<16xi32>
      %add3A_904 = arith.addi %add3A_874, %select_n3A_903 : vector<16xi32>
      %mul3A_905 = arith.constant 4 : i32
      %mul3A_906 = arith.muli %while3A_844, %mul3A_905 : i32
      %add3A_907 = arith.constant 2 : i32
      %add3A_908 = arith.addi %mul3A_906, %add3A_907 : i32
      %mul3A_909 = arith.constant 16 : i32
      %mul3A_910 = arith.muli %add3A_908, %mul3A_909 : i32
      %get3A_911 = arith.index_cast %mul3A_910 : i32 to index
      %get3A_912 = tpu.vector_load %arg6[%get3A_911] {strides = array<i32>} : memref<32816xi32, #tpu.memory_space<vmem>>, vector<16xi32>,
      %gt3A_913 = arith.cmpi ugt, %get3A_912, %scan3A_766 : vector<16xi32>
      %bitcast_convert_type3A_914 = tpu.bitcast %get3A_912 : vector<16xi32> -> vector<16xi32>
      %broadcast_in_dim3A_915 = arith.constant 31 : i32
      %broadcast_in_dim3A_916 = vector.broadcast %broadcast_in_dim3A_915 : i32 to vector<16xi32>
      %shift_right_arithmetic3A_917 = arith.shrsi %bitcast_convert_type3A_914, %broadcast_in_dim3A_916 : vector<16xi32>
      %not3A_918 = arith.constant dense<-1> : vector<16xi32>
      %not3A_919 = arith.xori %shift_right_arithmetic3A_917, %not3A_918 : vector<16xi32>
      %broadcast_in_dim3A_920 = arith.constant -2147483648 : i32
      %broadcast_in_dim3A_921 = vector.broadcast %broadcast_in_dim3A_920 : i32 to vector<16xi32>
      %or3A_922 = arith.ori %not3A_919, %broadcast_in_dim3A_921 : vector<16xi32>
      %xor3A_923 = arith.xori %bitcast_convert_type3A_914, %or3A_922 : vector<16xi32>
      %bitcast_convert_type3A_924 = tpu.bitcast %xor3A_923 : vector<16xi32> -> vector<16xf32>
      %broadcast_in_dim3A_925 = arith.constant 0.000000e+00 : f32
      %broadcast_in_dim3A_926 = vector.broadcast %broadcast_in_dim3A_925 : f32 to vector<16xf32>
      %select_n3A_927 = arith.select %gt3A_913, %bitcast_convert_type3A_924, %broadcast_in_dim3A_926 : vector<16xi1>, vector<16xf32>
      %add3A_928 = arith.addf %add3A_898, %select_n3A_927 : vector<16xf32>
      %jit3A_929 = arith.constant 1 : i32
      %jit3A_930 = arith.constant 0 : i32
      %broadcast_in_dim3A_931 = vector.broadcast %jit3A_929 : i32 to vector<16xi32>
      %broadcast_in_dim3A_932 = vector.broadcast %jit3A_930 : i32 to vector<16xi32>
      %select_n3A_933 = arith.select %gt3A_913, %broadcast_in_dim3A_931, %broadcast_in_dim3A_932 : vector<16xi1>, vector<16xi32>
      %add3A_934 = arith.addi %add3A_904, %select_n3A_933 : vector<16xi32>
      %mul3A_935 = arith.constant 4 : i32
      %mul3A_936 = arith.muli %while3A_844, %mul3A_935 : i32
      %add3A_937 = arith.constant 3 : i32
      %add3A_938 = arith.addi %mul3A_936, %add3A_937 : i32
      %mul3A_939 = arith.constant 16 : i32
      %mul3A_940 = arith.muli %add3A_938, %mul3A_939 : i32
      %get3A_941 = arith.index_cast %mul3A_940 : i32 to index
      %get3A_942 = tpu.vector_load %arg6[%get3A_941] {strides = array<i32>} : memref<32816xi32, #tpu.memory_space<vmem>>, vector<16xi32>,
      %gt3A_943 = arith.cmpi ugt, %get3A_942, %scan3A_766 : vector<16xi32>
      %bitcast_convert_type3A_944 = tpu.bitcast %get3A_942 : vector<16xi32> -> vector<16xi32>
      %broadcast_in_dim3A_945 = arith.constant 31 : i32
      %broadcast_in_dim3A_946 = vector.broadcast %broadcast_in_dim3A_945 : i32 to vector<16xi32>
      %shift_right_arithmetic3A_947 = arith.shrsi %bitcast_convert_type3A_944, %broadcast_in_dim3A_946 : vector<16xi32>
      %not3A_948 = arith.constant dense<-1> : vector<16xi32>
      %not3A_949 = arith.xori %shift_right_arithmetic3A_947, %not3A_948 : vector<16xi32>
      %broadcast_in_dim3A_950 = arith.constant -2147483648 : i32
      %broadcast_in_dim3A_951 = vector.broadcast %broadcast_in_dim3A_950 : i32 to vector<16xi32>
      %or3A_952 = arith.ori %not3A_949, %broadcast_in_dim3A_951 : vector<16xi32>
      %xor3A_953 = arith.xori %bitcast_convert_type3A_944, %or3A_952 : vector<16xi32>
      %bitcast_convert_type3A_954 = tpu.bitcast %xor3A_953 : vector<16xi32> -> vector<16xf32>
      %broadcast_in_dim3A_955 = arith.constant 0.000000e+00 : f32
      %broadcast_in_dim3A_956 = vector.broadcast %broadcast_in_dim3A_955 : f32 to vector<16xf32>
      %select_n3A_957 = arith.select %gt3A_943, %bitcast_convert_type3A_954, %broadcast_in_dim3A_956 : vector<16xi1>, vector<16xf32>
      %add3A_958 = arith.addf %add3A_928, %select_n3A_957 : vector<16xf32>
      %jit3A_959 = arith.constant 1 : i32
      %jit3A_960 = arith.constant 0 : i32
      %broadcast_in_dim3A_961 = vector.broadcast %jit3A_959 : i32 to vector<16xi32>
      %broadcast_in_dim3A_962 = vector.broadcast %jit3A_960 : i32 to vector<16xi32>
      %select_n3A_963 = arith.select %gt3A_943, %broadcast_in_dim3A_961, %broadcast_in_dim3A_962 : vector<16xi1>, vector<16xi32>
      %add3A_964 = arith.addi %add3A_934, %select_n3A_963 : vector<16xi32>
      scf.yield %add3A_958, %add3A_964 : vector<16xf32>, vector<16xi32>
    }
    %reduce_sum3A_807 = arith.constant true
    %reduce_sum3A_808 = vector.broadcast %reduce_sum3A_807 : i1 to vector<16xi1>
    %reduce_sum3A_809 = tpu.scan <sum>, %while3A_806#0 masked %reduce_sum3A_808 : vector<16xf32>, vector<16xi1> -> vector<16xf32>
    %reduce_sum3A_810 = vector.extract %reduce_sum3A_809[15] : f32 from vector<16xf32>
    %reduce_sum3A_811 = arith.constant true
    %reduce_sum3A_812 = vector.broadcast %reduce_sum3A_811 : i1 to vector<16xi1>
    %reduce_sum3A_813 = tpu.scan <sum>, %while3A_806#1 masked %reduce_sum3A_812 : vector<16xi32>, vector<16xi1> -> vector<16xi32>
    %reduce_sum3A_814 = vector.extract %reduce_sum3A_813[15] : i32 from vector<16xi32>
    %bitcast_convert_type3A_815 = tpu.bitcast %scan3A_766 : vector<16xi32> -> vector<16xi32>
    %broadcast_in_dim3A_816 = arith.constant 31 : i32
    %broadcast_in_dim3A_817 = vector.broadcast %broadcast_in_dim3A_816 : i32 to vector<16xi32>
    %shift_right_arithmetic3A_818 = arith.shrsi %bitcast_convert_type3A_815, %broadcast_in_dim3A_817 : vector<16xi32>
    %not3A_819 = arith.constant dense<-1> : vector<16xi32>
    %not3A_820 = arith.xori %shift_right_arithmetic3A_818, %not3A_819 : vector<16xi32>
    %broadcast_in_dim3A_821 = arith.constant -2147483648 : i32
    %broadcast_in_dim3A_822 = vector.broadcast %broadcast_in_dim3A_821 : i32 to vector<16xi32>
    %or3A_823 = arith.ori %not3A_820, %broadcast_in_dim3A_822 : vector<16xi32>
    %xor3A_824 = arith.xori %bitcast_convert_type3A_815, %or3A_823 : vector<16xi32>
    %bitcast_convert_type3A_825 = tpu.bitcast %xor3A_824 : vector<16xi32> -> vector<16xf32>
    %reduce_max3A_826 = arith.constant true
    %reduce_max3A_827 = vector.broadcast %reduce_max3A_826 : i1 to vector<16xi1>
    %reduce_max3A_828 = tpu.scan <max>, %bitcast_convert_type3A_825 masked %reduce_max3A_827 : vector<16xf32>, vector<16xi1> -> vector<16xf32>
    %reduce_max3A_829 = vector.extract %reduce_max3A_828[15] : f32 from vector<16xf32>
    %convert_element_type3A_830 = arith.sitofp %reduce_sum3A_814 : i32 to f32
    %sub3A_831 = arith.constant 6.400000e+01 : f32
    %sub3A_832 = arith.subf %sub3A_831, %convert_element_type3A_830 : f32
    %mul3A_833 = arith.mulf %sub3A_832, %reduce_max3A_829 : f32
    %add3A_834 = arith.addf %reduce_sum3A_810, %mul3A_833 : f32
    %mul3A_835 = arith.constant 1.562500e-02 : f32
    %mul3A_836 = arith.mulf %add3A_834, %mul3A_835 : f32
    %eq3A_837 = arith.constant 3 : i32
    %eq3A_838 = vector.broadcast %eq3A_837 : i32 to vector<16xi32>
    %eq3A_839 = arith.cmpi eq, %iota3A, %eq3A_838 : vector<16xi32>
    %broadcast_in_dim3A_840 = vector.broadcast %mul3A_836 : f32 to vector<16xf32>
    %select_n3A_841 = arith.select %eq3A_839, %broadcast_in_dim3A_840, %select_n3A_626 : vector<16xi1>, vector<16xf32>
    %swap3A_842 = arith.constant 0 : index
    %swap3A_843 = tpu.vector_load %arg7[%swap3A_842] {strides = array<i32>} : memref<16xf32, #tpu.memory_space<vmem>>, vector<16xf32>,
    tpu.vector_store %arg7[%swap3A_842], %select_n3A_841 {strides = array<i32>} : memref<16xf32, #tpu.memory_space<vmem>>, vector<16xf32>,
    "tpu.region"() ({
      %run_scoped3A = tpu.sem_alloc : memref<!tpu.dma_semaphore, #tpu.memory_space<semaphore_mem>>
      %dma_start3A = arith.constant 0 : i32
      %dma_start3A_844 = tpu.memref_slice %arg3[%add3A, %dma_start3A] : memref<32x16xf32, #tpu.memory_space<hbm>> -> memref<1x16xf32, #tpu.memory_space<hbm>>
      %dma_start3A_845 = tpu.memref_squeeze %dma_start3A_844 : memref<1x16xf32, #tpu.memory_space<hbm>> -> memref<16xf32, #tpu.memory_space<hbm>>
      %dma_start3A_846 = arith.constant 0 : i32
      %dma_start3A_847 = tpu.memref_slice %arg3[%add3A, %dma_start3A_846] : memref<32x16xf32, #tpu.memory_space<hbm>> -> memref<1x16xf32, #tpu.memory_space<hbm>>
      %dma_start3A_848 = tpu.memref_squeeze %dma_start3A_847 : memref<1x16xf32, #tpu.memory_space<hbm>> -> memref<16xf32, #tpu.memory_space<hbm>>
      tpu.enqueue_dma source(%arg7 : memref<16xf32, #tpu.memory_space<vmem>>) target(%dma_start3A_848 : memref<16xf32, #tpu.memory_space<hbm>>) target_semaphore(%run_scoped3A : memref<!tpu.dma_semaphore, #tpu.memory_space<semaphore_mem>>)
      %dma_wait3A = arith.constant 0 : i32
      %dma_wait3A_849 = tpu.memref_slice %arg3[%add3A, %dma_wait3A] : memref<32x16xf32, #tpu.memory_space<hbm>> -> memref<1x16xf32, #tpu.memory_space<hbm>>
      %dma_wait3A_850 = tpu.memref_squeeze %dma_wait3A_849 : memref<1x16xf32, #tpu.memory_space<hbm>> -> memref<16xf32, #tpu.memory_space<hbm>>
      %dma_wait3A_851 = arith.constant 0 : i32
      %dma_wait3A_852 = tpu.memref_slice %arg3[%add3A, %dma_wait3A_851] : memref<32x16xf32, #tpu.memory_space<hbm>> -> memref<1x16xf32, #tpu.memory_space<hbm>>
      %dma_wait3A_853 = tpu.memref_squeeze %dma_wait3A_852 : memref<1x16xf32, #tpu.memory_space<hbm>> -> memref<16xf32, #tpu.memory_space<hbm>>
      tpu.wait_dma2 semaphore(%run_scoped3A : memref<!tpu.dma_semaphore, #tpu.memory_space<semaphore_mem>>) src(%arg7 : memref<16xf32, #tpu.memory_space<vmem>>) dst(%dma_wait3A_853 : memref<16xf32, #tpu.memory_space<hbm>>)
      tpu.yield
    }) : () -> ()
    return
  }
}

</mosaic_0001>

<sc_bundles>
// kernel: kernel.3.cloned.1.call-start
scs
__scs_entry_jumppad:
0x0: {  	(pc) =	sbr.rel $0x88, $3  }
0x1: {  	(tag) =	ssettag $0x0;
	lr =	simm.s32 $0x1  }
0x2: {  	[smem:$0x3FA0] =	sst lr;
	_ =	strace $0xD0000000  }
0x3: {  	_ = 	snop  }
0x4: {  	_ = 	snop  }
0x5: {  	_ = 	snop  }
0x6: {  	_ = 	snop  }
0x7: {  	_ = 	snop  }
__scs_overlays_trampoline_lowered:
0x8: {  	[smem:$0x3FAF] =	sst s0  }
0x9: {  	[smem:$0x3FB0] =	sst s1  }
0xa: {  	[smem:$0x3FB1] =	sst s2  }
0xb: {  	[smem:$0x3FB2] =	sst s3  }
0xc: {  	[smem:$0x3FB3] =	sst s4  }
0xd: {  	[smem:$0x3FB4] =	sst s5  }
0xe: {  	[smem:$0x3FB5] =	sst s6  }
0xf: {  	[smem:$0x3FB6] =	sst s7  }
0x10: {  	[smem:$0x3FB7] =	sst s8  }
0x11: {  	[smem:$0x3FB8] =	sst s9;
	s0 =	simm.s32 @!p0 $0x0  }
0x12: {  	s1 =	sld [smem:$0x3F9E];
	s0 =	simm.s32 @p0 $0x1  }
0x13: {  	[smem:$0x3FB9] =	sst s0;
	s0 =	simm.s32 @!p1 $0x0  }
0x14: {  	s2 =	sld [smem:$0x3F9D];
	s0 =	simm.s32 @p1 $0x1  }
0x15: {  	[smem:$0x3FBA] =	sst s0;
	s0 =	simm.s32 @!p2 $0x0  }
0x16: {  	s3 =	sld [smem:$0x3FDB];
	s0 =	simm.s32 @p2 $0x1  }
0x17: {  	s4 =	simm.s32 $0x1BF5;
	[smem:$0x3FBC] =	sst s0  }
0x18: {  	s0 =	sld [smem:$0x3F9F];
	_ =	swait.ge [sflag:s4], $0x0  }
0x19: {  	s7 =	sld [smem:$0x3FA0]  }
0x1a: {  	s8 =	sadd.s32 $0xFFFFE003, lr  }
0x1b: {  	s9 =	sadd.s32 $0xFFFFFEF7, lr;
	s5 =	simm.s32 $0xFFFFFFFF;
	p2 =	slt.u32 s8, $0xFFFFF086  }
0x1c: {  	p1 =	slt.u32 s9, $0xF7A;
	s5 =	simm.s32 @!p2 $0x0  }
0x1d: {  	s5 =	simm.s32 @p1 $0x1;
	p0 =	seq.s32 s7, s2  }
0x1e: {  	s7 =	smul.u32 @!p0 $0xF7A, s2;
	p2 =	seq.s32 @!p0 s5, $0x0  }
0x1f: {  	s9 =	smul.u32 $0xF7A, s1;
	s8 =	simm.s32 @!p0 $0x1BF5;
	p2 =	por !p2, p0  }
0x20: {  	[sflag:s8] =	ssyncset.s32 @!p0 $0xFFFFF086;
	s6 =	sadd.s32 @!p0 s3, s7;
	s7 =	simm.s32 @!p0 $0x108  }
0x21: {  	s3 =	sadd.s32 s3, s9;
	s6 =	sadd.s32 @!p0 $0x88, s6;
	s7 =	simm.s32 @p2 $0x1082  }
0x22: {  	[simem:s7], [sflag:s8] =	dma.local @!p0 [hbm:s6], $0xF7A  }
0x23: {  	s9 =	sor.u32 $0xD0000000, s2;
	s6 =	simm.s32 $0x108;
	_ =	swait.ge @!p0 [sflag:s8], $0x0  }
0x24: {  	s3 =	sadd.s32 $0x88, s3;
	s6 =	simm.s32 @!p1 $0x1082;
	[sflag:s4] =	ssyncset.s32 $0xFFFFF086  }
0x25: {  	[simem:s6], [sflag:s4] =	dma.local [hbm:s3], $0xF7A  }
0x26: {  	[smem:$0x3FA0] =	sst s1;
	(tag) =	ssettag s2;
	_ =	strace s9  }
0x27: {  	s1 =	sld [smem:$0x3FB0]  }
0x28: {  	s2 =	sld [smem:$0x3FB1]  }
0x29: {  	s4 =	sld [smem:$0x3FB3]  }
0x2a: {  	p0 =	seq.s32 s5, $0x0;
	s5 =	sld [smem:$0x3FB4]  }
0x2b: {  	s6 =	sld [smem:$0x3FB5]  }
0x2c: {  	s7 =	sld [smem:$0x3FB6]  }
0x2d: {  	s3 =	simm.s32 $0x108;
	s8 =	sld [smem:$0x3FB7]  }
0x2e: {  	s3 =	simm.s32 @!p0 $0x1082;
	s9 =	sld [smem:$0x3FB8]  }
0x2f: {  	lr =	sadd.s32 s0, s3;
	s0 =	sld [smem:$0x3FAF]  }
0x30: {  	s3 =	sld [smem:$0x3FB2]  }
0x31: {  	[smem:$0x3FBB] =	sst s10  }
0x32: {  	s10 =	sld [smem:$0x3FB9];
	_ =	sdelay $0x3  }
0x33: {  	p0 =	seq.s32 s10, $0x1;
	s10 =	sld [smem:$0x3FBB];
	_ =	sdelay $0x3  }
0x34: {  	[smem:$0x3FBB] =	sst s10  }
0x35: {  	s10 =	sld [smem:$0x3FBA];
	_ =	sdelay $0x3  }
0x36: {  	p1 =	seq.s32 s10, $0x1;
	s10 =	sld [smem:$0x3FBB];
	_ =	sdelay $0x3  }
0x37: {  	[smem:$0x3FBB] =	sst s10  }
0x38: {  	s10 =	sld [smem:$0x3FBC]  }
0x39: {  	_ = 	snop;
	(pc) =	sbr.ind lr, $3  }
0x3a: {  	_ = 	snop  }
0x3b: {  	_ = 	snop  }
0x3c: {  	p2 =	seq.s32 s10, $0x1;
	s10 =	sld [smem:$0x3FBB]  }
0x3d: {  	_ =	shalt  }
0x3e: {  	_ =	shalt  }
0x3f: {  	_ =	shalt  }
0x40: {  	_ =	shalt  }
0x41: {  	_ =	shalt  }
0x42: {  	_ =	shalt  }
0x43: {  	_ =	shalt  }
0x44: {  	_ =	shalt  }
0x45: {  	_ =	shalt  }
0x46: {  	_ =	shalt  }
0x47: {  	_ =	shalt  }
0x48: {  	_ =	shalt  }
0x49: {  	_ =	shalt  }
0x4a: {  	_ =	shalt  }
0x4b: {  	_ =	shalt  }
0x4c: {  	_ =	shalt  }
0x4d: {  	_ =	shalt  }
0x4e: {  	_ =	shalt  }
0x4f: {  	_ =	shalt  }
0x50: {  	_ =	shalt  }
0x51: {  	_ =	shalt  }
0x52: {  	_ =	shalt  }
0x53: {  	_ =	shalt  }
0x54: {  	_ =	shalt  }
0x55: {  	_ =	shalt  }
0x56: {  	_ =	shalt  }
0x57: {  	_ =	shalt  }
0x58: {  	_ =	shalt  }
0x59: {  	_ =	shalt  }
0x5a: {  	_ =	shalt  }
0x5b: {  	_ =	shalt  }
0x5c: {  	_ =	shalt  }
0x5d: {  	_ =	shalt  }
0x5e: {  	_ =	shalt  }
0x5f: {  	_ =	shalt  }
0x60: {  	_ =	shalt  }
0x61: {  	_ =	shalt  }
0x62: {  	_ =	shalt  }
0x63: {  	_ =	shalt  }
0x64: {  	_ =	shalt  }
0x65: {  	_ =	shalt  }
0x66: {  	_ =	shalt  }
0x67: {  	_ =	shalt  }
0x68: {  	_ =	shalt  }
0x69: {  	_ =	shalt  }
0x6a: {  	_ =	shalt  }
0x6b: {  	_ =	shalt  }
0x6c: {  	_ =	shalt  }
0x6d: {  	_ =	shalt  }
0x6e: {  	_ =	shalt  }
0x6f: {  	_ =	shalt  }
0x70: {  	_ =	shalt  }
0x71: {  	_ =	shalt  }
0x72: {  	_ =	shalt  }
0x73: {  	_ =	shalt  }
0x74: {  	_ =	shalt  }
0x75: {  	_ =	shalt  }
0x76: {  	_ =	shalt  }
0x77: {  	_ =	shalt  }
0x78: {  	_ =	shalt  }
0x79: {  	_ =	shalt  }
0x7a: {  	_ =	shalt  }
0x7b: {  	_ =	shalt  }
0x7c: {  	_ =	shalt  }
0x7d: {  	_ =	shalt  }
0x7e: {  	_ =	shalt  }
0x7f: {  	_ =	shalt  }
0x80: {  	_ =	shalt  }
0x81: {  	_ =	shalt  }
0x82: {  	_ =	shalt  }
0x83: {  	_ =	shalt  }
0x84: {  	_ =	shalt  }
0x85: {  	_ =	shalt  }
0x86: {  	_ =	shalt  }
0x87: {  	_ =	shalt  }
.Lfunc_end0:
.L_simem_size_0:
called_computation_lowered:
.L_overlay_start_0:
0x88: {  	s2 =	sld [smem:$0x3FD9]  }
0x89: {  	s3 =	sld [smem:$0x3FFE];
	_ =	sdelay $0x1  }
0x8a: {  	s1 =	srdreg.scid  }
0x8b: {  	s0 =	sand.u32 $0x1, s1  }
0x8c: {  	s17 =	sshll.u32 s0, $0xA;
	s2 =	sadd.s32 s3, s2  }
0x8d: {  	s2 =	sadd.s32 s2, s17  }
0x8e: {  	[smem:$0x3FC7] =	sst s2  }
0x8f: {  	_ = 	snop  }
0x90: {  	s2 =	sld [smem:$0x3FC9];
	(tm) =	ssettm $0x1  }
0x91: {  	s18 =	sld [smem:$0x3FFB];
	_ =	sdelay $0x3  }
0x92: {  	_ =	strace s18  }
0x93: {  	s3 =	sld [smem:$0x3FFC];
	_ =	sdelay $0x3  }
0x94: {  	_ =	strace s3  }
0x95: {  	s3 =	sld [smem:$0x3FFD];
	_ =	sdelay $0x3  }
0x96: {  	_ =	strace s3  }
0x97: {  	_ =	strace $0x8FFFFFFF  }
0x98: {  	s19 =	sld [smem:$0x3FDB];
	_ =	sdelay $0x1  }
0x99: {  	s4 =	simm.s32 $_scs_section_size  }
0x9a: {  	s5 =	simm.s32 $_size__tile_overlayer_lowered;
	s6 =	simm.s32 $_tile_overlayer_lowered  }
0x9b: {  	s22 =	simm.s32 $0x1BFF;
	s21 =	sshll.u32 s6, $0x1;
	s3 =	sadd.s32 s4, s19  }
0x9c: {  	s7 =	simm.s32 $0x0;
	s20 =	sshll.u32 s5, $0x1;
	s5 =	sadd.s32 s21, s3  }
0x9d: {  	[timem:s7], [sflag:s22] =	dma.local [hbm:s5], s20  }
0x9e: {  	_ =	swait.ge [sflag:s22], s20  }
0x9f: {  	s4 =	ssub.s32 $0x0, s20;
	[sflag:s22] =	ssyncset.done $0x0  }
0xa0: {  	[sflag:s22] =	ssyncadd.s32 s4;
	_ =	sdelay $0x1  }
0xa1: {  	s23 =	simm.s32 $0x1B8B  }
0xa2: {  	_ =	swait.ge [sflag:s23], $0x1  }
0xa3: {  	[sflag:s23] =	ssyncset.done $0x0  }
0xa4: {  	s25 =	simm.s32 $0x1B8E;
	s24 =	sld [smem:$0x3FFE];
	[sflag:s23] =	ssyncadd.s32 $0xFFFFFFFF  }
0xa5: {  	s26 =	simm.s32 $execute0_lowered;
	[smem:$0x3FD2] =	sst s25  }
0xa6: {  	s5 =	sshll.u32 s26, $0x1;
	_ =	strace $0x80000046;
	[dreg:$0x1] =	wrdreg $0xFFFFFFFF  }
0xa7: {  	s28 =	simm.s32 $_size_execute0_lowered;
	s3 =	sadd.s32 s3, s5;
	[dreg:$0x0] =	wrdreg $0x0  }
0xa8: {  	s5 =	sshll.u32 s28, $0x1;
	[dreg:$0x2] =	wrdreg s3  }
0xa9: {  	[dreg:$0x3] =	wrdreg s5  }
0xaa: {  	[dreg:$0x4] =	wrdreg $0xC0  }
0xab: {  	_ =	task [dreg:s7], $0x5FFFF  }
0xac: {  	[dreg:$0x1] =	wrdreg $0xFFFFFFFF  }
0xad: {  	[dreg:$0x0] =	wrdreg $0x60  }
0xae: {  	[dreg:$0x2] =	wrdreg s2  }
0xaf: {  	[dreg:$0x3] =	wrdreg s24  }
0xb0: {  	[dreg:$0x4] =	wrdreg $0x9  }
0xb1: {  	_ =	task.clear_ibuf [dreg:s7], $0x5FFFF;
	_ =	strace $0x90000046  }
0xb2: {  	s29 =	simm.s32 $0x9;
	_ =	strace $0x80000048  }
0xb3: {  	_ =	swait.ge [sflag:s29], $0x1  }
0xb4: {  	[sflag:s29] =	ssyncadd.s32 $0xFFFFFFFF  }
0xb5: {  	_ =	strace $0x90000048  }
0xb6: {  	_ =	sfence  }
0xb7: {  	s30 =	sld [smem:$0x0];
	_ =	sdelay $0x2  }
0xb8: {  	s31 =	sshll.u32 s1, $0xD;
	s1 =	sshrl.u32 s1, $0x2  }
0xb9: {  	s3 =	sand.u32 $0x4000, s31;
	s1 =	sadd.s32 s1, s30  }
0xba: {  	s0 =	sor.u32 s3, s0;
	s1 =	sshll.u32 s1, $0x11  }
0xbb: {  	s0 =	sor.u32 s1, s0  }
0xbc: {  	s0 =	sadd.s32 $0x8F2B, s0  }
0xbd: {  	[sflag:s0] =	ssyncadd.remote.s32 $0x1  }
0xbe: {  	_ =	sfence.sel $0xFFFF  }
0xbf: {  	[dreg:$0x0] =	wrdreg $0xFFFFFFFF;
	(pc) =	sbr.abs _section_cstart, $3  }
0xc0: {  	[dreg:$0x1] =	wrdreg $0xFFFFFFFF  }
0xc1: {  	_ =	task.clear_ibuf [dreg:s7], $0x2FFFF;
	_ =	strace $0x9FFFFFFF  }
0xc2: {  	(tm) =	ssettm $0x7FFFFFFF  }
0xc3: {  	_ =	shalt  }
tec
execute0_lowered:
.L_overlay_start_1:
0x0: {  	(tag) =	ssettag $0x1  }
0x1: {  	s3 =	rddreg [dreg:$0x0]  }
0x2: {  	s4 =	rddreg [dreg:$0x1]  }
0x3: {  	s0 =	rddreg [dreg:$0x2];
	s1 =	simm.s32 $0x0  }
0x4: {  	s2 =	srdreg.scid;
	s9 =	simm.s32 $0x80;
	s10 =	simm.s32 $0x400  }
0x5: {  	s11 =	simm.s32 $0x1;
	s12 =	simm.s32 $0x10480;
	s13 =	simm.s32 $0x0  }
0x6: {  	[smem:$0x7FF] =	sst s1;
	s5 =	sand.u32 $0x1, s2;
	s2 =	stileid.u32  }
0x7: {  	_ =	strace $0x80000047;
	s6 =	sshll.u32 s5, $0x4;
	s7 =	sshll.u32 s5, $0x6  }
.Ltmp0:
0x8: {  	s8 =	sshll.u32 s2, $0xF;
	s25 =	ssub.s32 $0x2, s5;
	(pc) =	sbr.rel .LBB2_1-.Ltmp0, $4  }
0x9: {  	s29 =	sshll.u32 s2, $0x5;
	s26 =	sor.u32 s7, s8;
	s28 =	sshrl.u32 s25, $0x1  }
0xa: {  	s6 =	sadd.s32 s6, s4;
	s3 =	sadd.s32 s3, s26;
	s30 =	ssub.s32 s25, s28  }
0xb: {  	v0 =	vimm.s32 $0x1;
	v1 =	vimm.s32 $0x0;
	v2 =	vimm.s32 $0x80000000;
	s31 =	sadd.s32 s29, s6;
	s4 =	sadd.s32 $0x10, s3;
	s5 =	sadd.s32 $0x20, s3  }
0xc: {  	v3 =	vimm.f32 $0.0e+00;
	vm0 =	vcmask $0x300;
	v4 =	vlaneseq.u32;
	s6 =	sadd.s32 $0x30, s3;
	s7 =	sadd.s32 $0x400, s31;
	s8 =	smax.u32 s30, $0x1  }
.LBB2_83:
0xd: {  	v12 =	vimm.s32 $0x0  }
.LBB2_88:
0xe: {  	v16 =	vnsel @p0 vm2, $0x0, v19  }
0xf: {  	v19 =	vsel @p0 vm3, $0xFFFFFFFF, v2;
	v12 =	vadd.s32 @p0 v17, v12;
	vm2 =	vgt.u32 v11, v7  }
0x10: {  	v14 =	vld [tilespmem:s17+$0xFFFFFFF0];
	vm3 =	vgt.u32 v9, v7;
	vm6 =	vgt.s32 v9, $0xFFFFFFFF;
	vm15 =	vgt.s32 v11, $0xFFFFFFFF  }
0x11: {  	v16 =	vadd.f32 @p0 v16, v18;
	v17 =	vxor.u32 @p0 v20, v19;
	v12 =	vadd.s32 @p0 v15, v12  }
0x12: {  	v61 =	vsel vm15, $0xFFFFFFFF, v2;
	v63 =	vsel vm6, $0xFFFFFFFF, v2;
	v15 =	vnsel @p0 vm1, $0x0, v17  }
0x13: {  	v12 =	vadd.s32 @p0 v13, v12;
	v13 =	vsel @p0 vm1, $0x1, v1;
	vm1 =	vgt.s32 v10, $0xFFFFFFFF  }
0x14: {  	v15 =	vadd.f32 @p0 v15, v16;
	v12 =	vadd.s32 @p0 v13, v12;
	v58 =	vsel vm1, $0xFFFFFFFF, v2  }
0x15: {  	vm4 =	vgt.u32 v10, v7;
	v10 =	vxor.u32 v10, v58;
	vm5 =	vgt.s32 v14, $0xFFFFFFFF  }
0x16: {  	v8 =	vpsel p0, v15, v8;
	v10 =	vnsel vm4, $0x0, v10;
	v59 =	vsel vm5, $0xFFFFFFFF, v2  }
0x17: {  	vm1 =	vgt.u32 v14, v7;
	v13 =	vxor.u32 v14, v59;
	v8 =	vadd.f32 v10, v8  }
0x18: {  	v11 =	vxor.u32 v11, v61;
	v9 =	vxor.u32 v9, v63;
	v13 =	vnsel vm1, $0x0, v13  }
0x19: {  	v62 =	vsel vm4, $0x1, v1;
	v6 =	vpsel p0, v12, v6;
	v8 =	vadd.f32 v13, v8  }
0x1a: {  	v11 =	vnsel vm2, $0x0, v11;
	v6 =	vadd.s32 v62, v6;
	v60 =	vsel vm1, $0x1, v1  }
0x1b: {  	v10 =	vsel vm2, $0x1, v1;
	v6 =	vadd.s32 v60, v6;
	v8 =	vadd.f32 v11, v8  }
0x1c: {  	v9 =	vnsel vm3, $0x0, v9;
	v6 =	vadd.s32 v10, v6;
	v10 =	vsel vm3, $0x1, v1  }
0x1d: {  	v6 =	vadd.s32 v10, v6;
	v8 =	vadd.f32 v9, v8  }
.LBB2_89:
0x1e: {  	_ = 	snop  }
0x1f: {  	(xrf2) =	vadd.scan.msk.f32 $0xffff, v8;
	_ =	sdelay $0x4  }
0x20: {  	(xrf0) =	vadd.scan.msk.s32 $0xffff, v6;
	vm1 =	vgt.s32 v7, $0xFFFFFFFF  }
0x21: {  	v6 =	vsel vm1, $0xFFFFFFFF, v2  }
0x22: {  	v6 =	vxor.u32 v7, v6;
	_ =	sdelay $0x1  }
0x23: {  	(xrf0) =	vmax.scan.msk.f32 $0xffff, v6  }
0x24: {  	v6, _, _ =	vpop (xrf2)  }
0x25: {  	v7, _, _ =	vpop (xrf0);
	(v2sf) =	vpush v6, $0xF  }
0x26: {  	(v2sf) =	vpush v7, $0xF;
	_ =	sdelay $0x2  }
0x27: {  	v6, _, _ =	vpop (xrf0)  }
0x28: {  	(v2sf) =	vpush v6, $0xF;
	_ =	sdelay $0x9  }
0x29: {  	s17 =	spop (v2sf)  }
0x2a: {  	s16 =	scvt.s32.f32 s16;
	s18 =	spop (v2sf)  }
0x2b: {  	s18 =	scvt.s32.f32 s18  }
0x2c: {  	s16 =	ssub.f32 $6.400000000e+01, s16  }
0x2d: {  	s18 =	ssub.f32 $6.400000000e+01, s18  }
0x2e: {  	s15 =	smul.f32 s16, s15;
	s30 =	spop (v2sf)  }
0x2f: {  	s16 =	smul.f32 s18, s30  }
0x30: {  	s14 =	sadd.f32 s15, s14  }
0x31: {  	s31 =	sadd.f32 s16, s17  }
0x32: {  	s14 =	smul.f32 $1.562500000e-02, s14  }
0x33: {  	vm1 =	veq.s32 v4, $0x2;
	s15 =	smul.f32 $1.562500000e-02, s31  }
0x34: {  	s13 =	sadd.s32 $0x1, s13;
	v5 =	vsel vm1, s14, v5;
	vm1 =	veq.s32 v4, $0x3  }
0x35: {  	p0 =	sne.s32 s13, s8;
	v5 =	vsel vm1, s15, v5  }
.Ltmp1:
0x36: {  	[tilespmem:$0x10480] =	vst v5;
	(pc) =	sbr.rel @!p0 .LBB2_90-.Ltmp1, $4  }
0x37: {  	[hbm4b:s7+s1] =	stream.linear.scatter [tilespmem:s12], [sflag:$0x1], $0x80, $0x38;
	[tilespmem:$0x10500] =	vst v63  }
0x38: {  	_ =	swait.ge [sflag:s11], $0x80  }
0x39: {  	[sflag:s11] =	ssyncset.done $0x0  }
0x3a: {  	[sflag:s11] =	ssyncadd.s32 $0xFFFFFF80  }
.LBB2_1:
0x3b: {  	[tilespmem:s1], [sflag:$0x1] =	stream.strided.gather [hbm4b:s3+s9], $0x8000, s10, s9, $0x38;
	[tilespmem:$0x10500] =	vst v63  }
0x3c: {  	_ =	swait.ge [sflag:s11], $0x8000  }
0x3d: {  	[sflag:s11] =	ssyncset.done $0x0  }
0x3e: {  	s15 =	simm.s32 $0x100;
	[sflag:s11] =	ssyncadd.s32 $0xFFFF8000  }
0x3f: {  	v5 =	vld [tilespmem:s15+$0xFFFFFF10]  }
0x40: {  	s16 =	simm.s32 $0x40;
	s14 =	simm.s32 $0x0;
	v6 =	vld [tilespmem:s15+$0xFFFFFF00]  }
.LBB2_2:
0x41: {  	p0 =	sne.s32 s16, $0xFC0;
	v7 =	vld [tilespmem:s15+$0xFFFFFF20]  }
0x42: {  	v8 =	vld [tilespmem:s15+$0xFFFFFF30]  }
0x43: {  	v9 =	vld [tilespmem:s15+$0xFFFFFF40]  }
0x44: {  	v10 =	vld [tilespmem:s15+$0xFFFFFF50]  }
0x45: {  	v5 =	vmax.f32 v6, v5;
	v6 =	vld [tilespmem:s15+$0xFFFFFF60]  }
0x46: {  	v5 =	vmax.f32 v5, v7;
	v7 =	vld [tilespmem:s15+$0xFFFFFF70]  }
0x47: {  	v5 =	vmax.f32 v5, v8;
	v8 =	vld [tilespmem:s15+$0xFFFFFF80]  }
0x48: {  	v5 =	vmax.f32 v5, v9;
	v9 =	vld [tilespmem:s15+$0xFFFFFF90]  }
0x49: {  	v5 =	vmax.f32 v5, v10;
	v10 =	vld [tilespmem:s15+$0xFFFFFFA0]  }
0x4a: {  	v5 =	vmax.f32 v5, v6;
	v6 =	vld [tilespmem:s15+$0xFFFFFFB0]  }
0x4b: {  	v5 =	vmax.f32 v5, v7;
	v7 =	vld [tilespmem:s15+$0xFFFFFFC0]  }
0x4c: {  	v5 =	vmax.f32 v5, v8;
	v8 =	vld [tilespmem:s15+$0xFFFFFFD0]  }
0x4d: {  	v5 =	vmax.f32 v5, v9;
	v9 =	vld [tilespmem:s15+$0xFFFFFFE0]  }
0x4e: {  	v5 =	vmax.f32 v5, v10;
	v10 =	vld [tilespmem:s15+$0xFFFFFFF0]  }
0x4f: {  	v5 =	vmax.f32 v5, v6;
	v6 =	vld [tilespmem:s15+$0x0]  }
0x50: {  	v5 =	vmax.f32 v5, v7;
	v7 =	vld [tilespmem:s15+$0x10]  }
0x51: {  	v5 =	vmax.f32 v5, v8;
	v8 =	vld [tilespmem:s15+$0x20]  }
0x52: {  	v5 =	vmax.f32 v5, v9;
	v9 =	vld [tilespmem:s15+$0x30]  }
0x53: {  	v5 =	vmax.f32 v5, v10;
	v10 =	vld [tilespmem:s15+$0x40]  }
0x54: {  	v5 =	vmax.f32 v5, v6;
	v6 =	vld [tilespmem:s15+$0x50]  }
0x55: {  	v5 =	vmax.f32 v5, v7;
	v7 =	vld [tilespmem:s15+$0x60]  }
0x56: {  	v5 =	vmax.f32 v5, v8;
	v8 =	vld [tilespmem:s15+$0x70]  }
0x57: {  	v5 =	vmax.f32 v5, v9;
	v9 =	vld [tilespmem:s15+$0x80]  }
0x58: {  	v5 =	vmax.f32 v5, v10;
	v10 =	vld [tilespmem:s15+$0x90]  }
0x59: {  	v5 =	vmax.f32 v5, v6;
	v6 =	vld [tilespmem:s15+$0xA0]  }
0x5a: {  	v5 =	vmax.f32 v5, v7;
	v7 =	vld [tilespmem:s15+$0xB0]  }
0x5b: {  	v5 =	vmax.f32 v5, v8;
	v8 =	vld [tilespmem:s15+$0xC0]  }
0x5c: {  	v5 =	vmax.f32 v5, v9;
	v9 =	vld [tilespmem:s15+$0xD0]  }
0x5d: {  	v5 =	vmax.f32 v5, v10;
	v10 =	vld [tilespmem:s15+$0xE0]  }
0x5e: {  	v5 =	vmax.f32 v5, v6;
	v6 =	vld [tilespmem:s15+$0xF0]  }
0x5f: {  	v5 =	vmax.f32 v5, v7  }
0x60: {  	v5 =	vmax.f32 v5, v8  }
0x61: {  	v5 =	vmax.f32 v5, v9  }
0x62: {  	v5 =	vmax.f32 v5, v10  }
0x63: {  	v5 =	vmax.f32 v5, v6  }
0x64: {  	v6 =	vshra.s32 v5, $0x1F  }
.Ltmp2:
0x65: {  	v6 =	vor.u32 $0x80000000, v6;
	(pc) =	sbr.rel @p0 .LBB2_2-.Ltmp2, $4  }
0x66: {  	s17 =	sshra.s32 s14, $0x2;
	s14 =	smov.u32 s16;
	v5 =	vxor.u32 v5, v6  }
0x67: {  	s15 =	sadd.s32 $0x200, s15;
	[tilespmem:s17+$0x8000] =	vst v5  }
0x68: {  	v5 =	vld [tilespmem:s15+$0xFFFFFF10]  }
0x69: {  	s16 =	sadd.s32 $0x40, s16;
	v6 =	vld [tilespmem:s15+$0xFFFFFF00]  }
0x6a: {  	v7 =	vld [tilespmem:s15+$0xFFFFFF20]  }
0x6b: {  	v8 =	vld [tilespmem:s15+$0xFFFFFF30]  }
0x6c: {  	v9 =	vld [tilespmem:s15+$0xFFFFFF40]  }
0x6d: {  	v10 =	vld [tilespmem:s15+$0xFFFFFF50]  }
0x6e: {  	v5 =	vmax.f32 v6, v5;
	v6 =	vld [tilespmem:s15+$0xFFFFFF60]  }
0x6f: {  	v5 =	vmax.f32 v5, v7;
	v7 =	vld [tilespmem:s15+$0xFFFFFF70]  }
0x70: {  	v49 =	vld [tilespmem:s15+$0xFFFFFF80];
	v5 =	vmax.f32 v5, v8  }
0x71: {  	v50 =	vld [tilespmem:s15+$0xFFFFFF90];
	v5 =	vmax.f32 v5, v9  }
0x72: {  	v51 =	vld [tilespmem:s15+$0xFFFFFFA0];
	v5 =	vmax.f32 v5, v10  }
0x73: {  	v5 =	vmax.f32 v5, v6;
	v6 =	vld [tilespmem:s15+$0xFFFFFFB0]  }
0x74: {  	v5 =	vmax.f32 v5, v7;
	v7 =	vld [tilespmem:s15+$0xFFFFFFC0]  }
0x75: {  	v52 =	vld [tilespmem:s15+$0xFFFFFFD0];
	v5 =	vmax.f32 v5, v49  }
0x76: {  	v53 =	vld [tilespmem:s15+$0xFFFFFFE0];
	v5 =	vmax.f32 v5, v50  }
0x77: {  	v54 =	vld [tilespmem:s15+$0xFFFFFFF0];
	v5 =	vmax.f32 v5, v51  }
0x78: {  	v5 =	vmax.f32 v5, v6;
	v6 =	vld [tilespmem:s15+$0x0]  }
0x79: {  	v5 =	vmax.f32 v5, v7;
	v7 =	vld [tilespmem:s15+$0x10]  }
0x7a: {  	v55 =	vld [tilespmem:s15+$0x20];
	v5 =	vmax.f32 v5, v52  }
0x7b: {  	v56 =	vld [tilespmem:s15+$0x30];
	v5 =	vmax.f32 v5, v53  }
0x7c: {  	v57 =	vld [tilespmem:s15+$0x40];
	v5 =	vmax.f32 v5, v54  }
0x7d: {  	v5 =	vmax.f32 v5, v6;
	v6 =	vld [tilespmem:s15+$0x50]  }
0x7e: {  	v5 =	vmax.f32 v5, v7;
	v7 =	vld [tilespmem:s15+$0x60]  }
0x7f: {  	v58 =	vld [tilespmem:s15+$0x70];
	v5 =	vmax.f32 v5, v55  }
0x80: {  	v59 =	vld [tilespmem:s15+$0x80];
	v5 =	vmax.f32 v5, v56  }
0x81: {  	v60 =	vld [tilespmem:s15+$0x90];
	v5 =	vmax.f32 v5, v57  }
0x82: {  	v5 =	vmax.f32 v5, v6;
	v6 =	vld [tilespmem:s15+$0xA0]  }
0x83: {  	v5 =	vmax.f32 v5, v7;
	v7 =	vld [tilespmem:s15+$0xB0]  }
0x84: {  	v61 =	vld [tilespmem:s15+$0xC0];
	v5 =	vmax.f32 v5, v58  }
0x85: {  	v62 =	vld [tilespmem:s15+$0xD0];
	v5 =	vmax.f32 v5, v59  }
0x86: {  	v63 =	vld [tilespmem:s15+$0xE0];
	v5 =	vmax.f32 v5, v60  }
0x87: {  	v5 =	vmax.f32 v5, v6;
	v6 =	vld [tilespmem:s15+$0xF0]  }
0x88: {  	v5 =	vmax.f32 v5, v7  }
0x89: {  	v5 =	vmax.f32 v5, v61  }
0x8a: {  	v5 =	vmax.f32 v5, v62  }
0x8b: {  	v5 =	vmax.f32 v5, v63  }
0x8c: {  	v5 =	vmax.f32 v5, v6  }
0x8d: {  	v6 =	vshra.s32 v5, $0x1F  }
0x8e: {  	v6 =	vor.u32 $0x80000000, v6  }
0x8f: {  	s14 =	sshra.s32 s14, $0x2;
	v5 =	vxor.u32 v5, v6  }
0x90: {  	[tilespmem:s14+$0x8000] =	vst v5;
	s14 =	simm.s32 $0x0;
	v5 =	vimm.s32 $0x0  }
.LBB2_4:
0x91: {  	s16 =	simm.s32 $0x0  }
0x92: {  	s15 =	sxor.u32 $0x1F, s14;
	v9 =	vld [tilespmem:s16+$0x8000]  }
0x93: {  	v6 =	vshll.u32 v0, s15;
	v10 =	vld [tilespmem:s16+$0x8010]  }
0x94: {  	v7 =	vld [tilespmem:s16+$0x8020];
	v6 =	vbroadcast v6, $0x0  }
0x95: {  	v8 =	vld [tilespmem:s16+$0x8030]  }
0x96: {  	v11 =	vimm.s32 $0x0;
	s15 =	simm.s32 $0x100;
	v6 =	vor.u32 v5, v6  }
.LBB2_5:
0x97: {  	s16 =	sshra.s32 s15, $0x2;
	p0 =	sne.s32 s15, $0xF00;
	s15 =	sadd.s32 $0x100, s15;
	vm1 =	vge.u32 v9, v6  }
.Ltmp3:
0x98: {  	v9 =	vld [tilespmem:s16+$0x8000];
	v12 =	vsel vm1, $0x1, v1;
	vm1 =	vge.u32 v10, v6;
	(pc) =	sbr.rel @p0 .LBB2_5-.Ltmp3, $4  }
0x99: {  	v10 =	vld [tilespmem:s16+$0x8010];
	v11 =	vadd.s32 v12, v11;
	v12 =	vsel vm1, $0x1, v1;
	vm1 =	vge.u32 v7, v6  }
0x9a: {  	v7 =	vld [tilespmem:s16+$0x8020];
	v11 =	vadd.s32 v12, v11;
	v12 =	vsel vm1, $0x1, v1;
	vm1 =	vge.u32 v8, v6  }
0x9b: {  	v8 =	vld [tilespmem:s16+$0x8030];
	v11 =	vadd.s32 v12, v11;
	v12 =	vsel vm1, $0x1, v1  }
0x9c: {  	v11 =	vadd.s32 v12, v11  }
0x9d: {  	vm1 =	vge.u32 v9, v6  }
0x9e: {  	v9 =	vsel vm1, $0x1, v1;
	vm1 =	vge.u32 v10, v6  }
0x9f: {  	v9 =	vadd.s32 v9, v11;
	v10 =	vsel vm1, $0x1, v1;
	vm1 =	vge.u32 v7, v6  }
0xa0: {  	v7 =	vadd.s32 v10, v9;
	v63 =	vsel vm1, $0x1, v1;
	vm1 =	vge.u32 v8, v6  }
0xa1: {  	v7 =	vadd.s32 v63, v7;
	v8 =	vsel vm1, $0x1, v1  }
0xa2: {  	v7 =	vadd.s32 v8, v7  }
0xa3: {  	(xrf0) =	vadd.scan.msk.s32 $0xffff, v7;
	_ =	sdelay $0x5  }
0xa4: {  	v7, _, _ =	vpop (xrf0)  }
0xa5: {  	(v2sf) =	vpush v7, $0xF;
	_ =	sdelay $0xa  }
0xa6: {  	s14 =	sadd.s32 $0x1, s14  }
0xa7: {  	p1 =	sne.s32 s14, $0x20  }
.Ltmp4:
0xa8: {  	_ = 	snop;
	(pc) =	sbr.rel @p1 .LBB2_4-.Ltmp4, $4  }
0xa9: {  	_ = 	snop  }
0xaa: {  	s15 =	spop (v2sf)  }
0xab: {  	p0 =	sgt.s32 s15, $0x3F  }
0xac: {  	v5 =	vpsel p0, v6, v5  }
0xad: {  	s14 =	simm.s32 $0x0  }
0xae: {  	v6 =	vld [tilespmem:s14+$0x0];
	_ =	sdelay $0x1  }
0xaf: {  	vm1 =	vgt.s32 v5, $0xFFFFFFFF  }
0xb0: {  	v7 =	vsel vm1, $0xFFFFFFFF, v2  }
0xb1: {  	v5 =	vxor.u32 v5, v7  }
0xb2: {  	vm1 =	vge.f32 v6, v5  }
0xb3: {  	v7 =	vsel vm1, $0x3F800000, v3  }
0xb4: {  	(xrf0) =	vmax.scan.msk.f32 $0xffff, v7;
	_ =	sdelay $0x5  }
0xb5: {  	v7, _, _ =	vpop (xrf0)  }
0xb6: {  	(v2sf) =	vpush v7, $0xF;
	_ =	sdelay $0xe  }
0xb7: {  	s31 =	spop (v2sf)  }
0xb8: {  	p1 =	sgt.f32 s31, $0.0e+00;
	_ =	sdelay $0x1  }
0xb9: {  	v7 =	vshra.s32 @p1 v6, $0x1F  }
0xba: {  	v7 =	vor.u32 @p1 $0x80000000, v7  }
0xbb: {  	s17 =	simm.s32 $0x10;
	s14 =	simm.s32 $0x0;
	vm1 =	vge.f32 @p1 v6, v5;
	v6 =	vxor.u32 @p1 v6, v7  }
0xbc: {  	s15 =	simm.s32 $0x0;
	s16 =	simm.s32 $0x40;
	s14 =	smov.u32 @p1 s17;
	v6 =	vnsel @p1 vm1, $0x0, v6  }
.LBB2_8:
0xbd: {  	s17 =	sshra.s32 s16, $0x2;
	s16 =	sadd.s32 $0x40, s16;
	[tilespmem:s15+$0x8400] =	vst @p1 v6;
	s15 =	smov.u32 s14  }
0xbe: {  	v6 =	vld [tilespmem:s17+$0x0];
	p0 =	sne.s32 s16, $0x20000;
	_ =	sdelay $0x4  }
0xbf: {  	vm1 =	vge.f32 v6, v5  }
0xc0: {  	v7 =	vsel vm1, $0x3F800000, v3  }
0xc1: {  	(xrf0) =	vmax.scan.msk.f32 $0xffff, v7;
	_ =	sdelay $0x5  }
0xc2: {  	v7, _, _ =	vpop (xrf0)  }
0xc3: {  	(v2sf) =	vpush v7, $0xF;
	_ =	sdelay $0xe  }
0xc4: {  	s17 =	spop (v2sf)  }
0xc5: {  	p1 =	sgt.f32 s17, $0.0e+00  }
.Ltmp5:
0xc6: {  	s17 =	sadd.s32 $0x10, s14;
	(pc) =	sbr.rel @p0 .LBB2_8-.Ltmp5, $4  }
0xc7: {  	v7 =	vshra.s32 @p1 v6, $0x1F;
	s14 =	smov.u32 @p1 s17  }
0xc8: {  	v7 =	vor.u32 @p1 $0x80000000, v7  }
0xc9: {  	vm1 =	vge.f32 @p1 v6, v5;
	v6 =	vxor.u32 @p1 v6, v7  }
0xca: {  	v6 =	vnsel @p1 vm1, $0x0, v6  }
0xcb: {  	s16 =	sand.u32 $0xF, s14  }
0xcc: {  	s17 =	sshra.s32 s14, $0x1F;
	p0 =	slt.s32 s14, $0x1;
	p2 =	sne.s32 s16, $0x0  }
0xcd: {  	s29 =	sshrl.u32 s17, $0x1C;
	p0 =	por !p0, !p2  }
0xce: {  	s17 =	simm.s32 $0x1;
	s16 =	sadd.s32 s29, s14;
	p0 =	por !p0, !p0  }
0xcf: {  	s16 =	sshra.s32 s16, $0x4;
	s17 =	simm.s32 @!p0 $0x0  }
0xd0: {  	s16 =	ssub.s32 s16, s17  }
0xd1: {  	s17 =	sadd.s32 $0x3, s16  }
0xd2: {  	s18 =	sand.u32 $0x3, s17  }
0xd3: {  	p5 =	slt.s32 s16, $0xFFFFFFFE;
	p6 =	sne.s32 s18, $0x0  }
.Ltmp6:
0xd4: {  	s30 =	sshrl.u32 s17, $0x1E;
	p0 =	por !p5, !p6;
	(pc) =	sbr.rel .LBB2_10-.Ltmp6, $4  }
0xd5: {  	[tilespmem:s15+$0x8400] =	vst @p1 v6;
	v6 =	vimm.s32 $0x0;
	s16 =	simm.s32 $0x1;
	s31 =	sadd.s32 s30, s17;
	p0 =	por !p0, !p0  }
0xd6: {  	[tilespmem:s14+$0x8400] =	vst v6;
	s15 =	sshra.s32 s31, $0x2;
	s16 =	simm.s32 @!p0 $0x0  }
0xd7: {  	[tilespmem:s14+$0x8410] =	vst v6;
	s15 =	ssub.s32 s15, s16  }
0xd8: {  	[tilespmem:s14+$0x8420] =	vst v6;
	s14 =	simm.s32 $0x0;
	p0 =	slt.s32 s15, $0x1  }
.LBB2_13:
0xd9: {  	v11 =	vsel vm1, $0x1, v1;
	vm1 =	vge.u32 v9, v5  }
0xda: {  	v61 =	vadd.s32 v11, v10;
	v62 =	vsel vm1, $0x1, v1;
	vm1 =	vge.u32 v8, v5  }
0xdb: {  	v8 =	vadd.s32 v62, v61;
	v63 =	vsel vm1, $0x1, v1;
	vm1 =	vge.u32 v7, v5  }
0xdc: {  	v7 =	vadd.s32 v63, v8;
	v8 =	vsel vm1, $0x1, v1  }
0xdd: {  	v7 =	vadd.s32 v8, v7  }
.LBB2_14:
0xde: {  	(xrf0) =	vadd.scan.msk.s32 $0xffff, v7;
	_ =	sdelay $0x5  }
0xdf: {  	v7, _, _ =	vpop (xrf0)  }
0xe0: {  	(v2sf) =	vpush v7, $0xF;
	_ =	sdelay $0xa  }
0xe1: {  	s14 =	sadd.s32 $0x1, s14  }
0xe2: {  	p2 =	seq.s32 s14, $0x20  }
.Ltmp7:
0xe3: {  	_ = 	snop;
	(pc) =	sbr.rel @p2 .LBB2_15-.Ltmp7, $4  }
0xe4: {  	_ = 	snop  }
0xe5: {  	s16 =	spop (v2sf)  }
0xe6: {  	p1 =	sgt.s32 s16, $0x3F  }
0xe7: {  	v6 =	vpsel p1, v5, v6  }
.LBB2_10:
.Ltmp8:
0xe8: {  	s16 =	sxor.u32 $0x1F, s14;
	(pc) =	sbr.rel @p0 .LBB2_14-.Ltmp8, $3  }
0xe9: {  	v5 =	vshll.u32 v0, s16  }
0xea: {  	v5 =	vbroadcast v5, $0x0;
	_ =	sdelay $0x1  }
0xeb: {  	s17 =	simm.s32 $0x8420;
	v7 =	vimm.s32 $0x0;
	v5 =	vor.u32 v6, v5  }
0xec: {  	v10 =	vld [tilespmem:s17+$0xFFFFFFE0];
	p1 =	sne.s32 s15, $0x1  }
.Ltmp9:
0xed: {  	v9 =	vld [tilespmem:s17+$0xFFFFFFF0];
	(pc) =	sbr.rel @!p1 .LBB2_13-.Ltmp9, $3  }
0xee: {  	v8 =	vld [tilespmem:s17+$0x0]  }
0xef: {  	v7 =	vld [tilespmem:s17+$0x10];
	_ =	sdelay $0x1  }
0xf0: {  	s16 =	sadd.s32 $0xFFFFFFFF, s15;
	s17 =	sadd.s32 $0x40, s17;
	vm1 =	vge.u32 v10, v5;
	v10 =	vimm.s32 $0x0  }
.LBB2_12:
0xf1: {  	v11 =	vld [tilespmem:s17+$0xFFFFFFE0];
	p1 =	sne.s32 s16, $0x1;
	s16 =	sadd.s32 $0xFFFFFFFF, s16;
	v12 =	vsel vm1, $0x1, v1;
	vm1 =	vge.u32 v9, v5  }
.Ltmp10:
0xf2: {  	v9 =	vld [tilespmem:s17+$0xFFFFFFF0];
	v10 =	vadd.s32 v12, v10;
	v12 =	vsel vm1, $0x1, v1;
	vm1 =	vge.u32 v8, v5;
	(pc) =	sbr.rel @p1 .LBB2_12-.Ltmp10, $4  }
0xf3: {  	v8 =	vld [tilespmem:s17+$0x0];
	v10 =	vadd.s32 v12, v10;
	v12 =	vsel vm1, $0x1, v1;
	vm1 =	vge.u32 v7, v5  }
0xf4: {  	v7 =	vld [tilespmem:s17+$0x10];
	v10 =	vadd.s32 v12, v10;
	v12 =	vsel vm1, $0x1, v1  }
0xf5: {  	v10 =	vadd.s32 v12, v10  }
0xf6: {  	s17 =	sadd.s32 $0x40, s17;
	vm1 =	vge.u32 v11, v5  }
.Ltmp11:
0xf7: {  	_ = 	snop;
	(pc) =	sbr.rel .LBB2_13-.Ltmp11, $1  }
0xf8: {  	_ =	sdelay $0x3  }
.LBB2_15:
0xf9: {  	p0 =	sgt.s32 s15, $0x0  }
.Ltmp12:
0xfa: {  	_ = 	snop;
	(pc) =	sbr.rel @!p0 .LBB2_23-.Ltmp12, $2  }
0xfb: {  	_ =	sdelay $0x2  }
0xfc: {  	v8 =	vimm.f32 $0.0e+00;
	v7 =	vimm.s32 $0x0;
	s14 =	simm.s32 $0x8420  }
0xfd: {  	p1 =	sne.s32 s15, $0x1  }
.Ltmp13:
0xfe: {  	_ = 	snop;
	(pc) =	sbr.rel @!p1 .LBB2_17-.Ltmp13, $3  }
0xff: {  	v5 =	vld [tilespmem:s14+$0x10];
	_ =	sdelay $0x1  }
0x100: {  	v10 =	vld [tilespmem:s14+$0x0]  }
0x101: {  	v9 =	vld [tilespmem:s14+$0xFFFFFFE0];
	s15 =	sadd.s32 $0xFFFFFFFF, s15;
	p0 =	por $0x0, $0x0  }
0x102: {  	v11 =	vld [tilespmem:s14+$0xFFFFFFF0];
	_ =	sdelay $0x2  }
0x103: {  	vm1 =	vgt.u32 v5, v6  }
0x104: {  	vm2 =	vgt.u32 v10, v6;
	vm3 =	vgt.s32 v9, $0xFFFFFFFF;
	vm6 =	vgt.u32 v9, v6  }
0x105: {  	p1 =	sne.s32 s15, $0x1;
	v12 =	vsel vm3, $0xFFFFFFFF, v2;
	vm4 =	vgt.u32 v11, v6;
	vm3 =	vgt.s32 v5, $0xFFFFFFFF  }
.Ltmp14:
0x106: {  	vm5 =	vgt.s32 v11, $0xFFFFFFFF;
	v16 =	vsel vm6, $0x1, v1;
	v9 =	vxor.u32 v9, v12;
	(pc) =	sbr.rel @!p1 .LBB2_19-.Ltmp14, $4  }
0x107: {  	s14 =	simm.s32 $0x8460;
	v12 =	vsel vm5, $0xFFFFFFFF, v2;
	vm5 =	vgt.s32 v10, $0xFFFFFFFF;
	v9 =	vnsel vm6, $0x0, v9  }
0x108: {  	v13 =	vld [tilespmem:s14+$0x10];
	v14 =	vsel vm4, $0x1, v1;
	v11 =	vxor.u32 v11, v12;
	v17 =	vadd.f32 v9, v8  }
0x109: {  	v15 =	vld [tilespmem:s14+$0x0];
	v12 =	vsel vm2, $0x1, v1;
	v18 =	vsel vm5, $0xFFFFFFFF, v2;
	v11 =	vnsel vm4, $0x0, v11  }
0x10a: {  	s15 =	sadd.s32 $0xFFFFFFFF, s15;
	p0 =	por $0x1, $0x1;
	v9 =	vld [tilespmem:s14+$0xFFFFFFE0];
	v18 =	vxor.u32 v10, v18;
	v17 =	vadd.f32 v11, v17;
	v11 =	vimm.s32 $0x0  }
.LBB2_20:
0x10b: {  	p1 =	sne.s32 s15, $0x1;
	v10 =	vld [tilespmem:s14+$0xFFFFFFF0];
	v11 =	vadd.s32 v16, v11;
	v16 =	vnsel vm2, $0x0, v18;
	v18 =	vsel vm3, $0xFFFFFFFF, v2  }
0x10c: {  	v11 =	vadd.s32 v14, v11;
	v14 =	vadd.f32 v16, v17;
	v17 =	vxor.u32 v5, v18  }
0x10d: {  	v16 =	vsel vm1, $0x1, v1;
	v11 =	vadd.s32 v12, v11;
	v12 =	vnsel vm1, $0x0, v17;
	v5 =	vmovc v13  }
0x10e: {  	v12 =	vadd.f32 v12, v14;
	v11 =	vadd.s32 v16, v11;
	v18 =	vmov v15  }
0x10f: {  	vm1 =	vgt.u32 v5, v6;
	vm3 =	vgt.s32 v9, $0xFFFFFFFF;
	vm2 =	vgt.u32 v18, v6  }
0x110: {  	v13 =	vsel vm3, $0xFFFFFFFF, v2;
	vm4 =	vgt.u32 v10, v6;
	vm3 =	vgt.s32 v5, $0xFFFFFFFF  }
.Ltmp15:
0x111: {  	vm5 =	vgt.u32 v9, v6;
	vm6 =	vgt.s32 v10, $0xFFFFFFFF;
	v9 =	vxor.u32 v9, v13;
	(pc) =	sbr.rel @p1 .LBB2_20-.Ltmp15, $4  }
0x112: {  	s14 =	sadd.s32 $0x40, s14;
	v14 =	vsel vm6, $0xFFFFFFFF, v2;
	vm6 =	vgt.s32 v18, $0xFFFFFFFF;
	v9 =	vnsel vm5, $0x0, v9  }
0x113: {  	v13 =	vld [tilespmem:s14+$0x10];
	v17 =	vadd.f32 v9, v12;
	v9 =	vxor.u32 v10, v14;
	v12 =	vsel vm2, $0x1, v1  }
0x114: {  	v19 =	vsel vm6, $0xFFFFFFFF, v2;
	v14 =	vsel vm4, $0x1, v1;
	v15 =	vld [tilespmem:s14+$0x0];
	v10 =	vnsel vm4, $0x0, v9  }
0x115: {  	s15 =	sadd.s32 $0xFFFFFFFF, s15;
	v16 =	vsel vm5, $0x1, v1;
	v18 =	vxor.u32 v18, v19;
	v9 =	vld [tilespmem:s14+$0xFFFFFFE0];
	v17 =	vadd.f32 v10, v17  }
0x116: {  	_ =	sdelay $0x2  }
0x117: {  	v19 =	vmov v5;
	v5 =	vmov v13;
	v10 =	vmov v15  }
.LBB2_22:
0x118: {  	v15 =	vnsel @p0 vm2, $0x0, v18  }
0x119: {  	v18 =	vsel @p0 vm3, $0xFFFFFFFF, v2;
	v11 =	vadd.s32 @p0 v16, v11;
	vm2 =	vgt.u32 v10, v6  }
0x11a: {  	v13 =	vld [tilespmem:s14+$0xFFFFFFF0];
	vm3 =	vgt.u32 v5, v6;
	vm4 =	vgt.u32 v9, v6;
	vm6 =	vgt.s32 v5, $0xFFFFFFFF  }
0x11b: {  	vm15 =	vgt.s32 v10, $0xFFFFFFFF;
	v15 =	vadd.f32 @p0 v15, v17;
	v16 =	vxor.u32 @p0 v19, v18  }
0x11c: {  	v11 =	vadd.s32 @p0 v14, v11;
	v62 =	vsel vm15, $0xFFFFFFFF, v2;
	v14 =	vnsel @p0 vm1, $0x0, v16  }
0x11d: {  	v11 =	vadd.s32 @p0 v12, v11;
	v12 =	vsel @p0 vm1, $0x1, v1;
	vm1 =	vgt.s32 v9, $0xFFFFFFFF  }
0x11e: {  	v10 =	vxor.u32 v10, v62;
	v14 =	vadd.f32 @p0 v14, v15;
	v59 =	vsel vm1, $0xFFFFFFFF, v2  }
0x11f: {  	v11 =	vadd.s32 @p0 v12, v11;
	v9 =	vxor.u32 v9, v59;
	vm5 =	vgt.s32 v13, $0xFFFFFFFF  }
0x120: {  	v9 =	vnsel vm4, $0x0, v9;
	v8 =	vpsel p0, v14, v8;
	v60 =	vsel vm5, $0xFFFFFFFF, v2  }
0x121: {  	vm1 =	vgt.u32 v13, v6;
	v8 =	vadd.f32 v9, v8;
	v12 =	vxor.u32 v13, v60  }
0x122: {  	v63 =	vsel vm4, $0x1, v1;
	v10 =	vnsel vm2, $0x0, v10;
	v12 =	vnsel vm1, $0x0, v12  }
0x123: {  	v7 =	vpsel p0, v11, v7;
	v11 =	vsel vm6, $0xFFFFFFFF, v2;
	v8 =	vadd.f32 v12, v8  }
0x124: {  	v7 =	vadd.s32 v63, v7;
	v5 =	vxor.u32 v5, v11;
	v61 =	vsel vm1, $0x1, v1  }
0x125: {  	v9 =	vsel vm2, $0x1, v1;
	v7 =	vadd.s32 v61, v7;
	v8 =	vadd.f32 v10, v8  }
0x126: {  	v5 =	vnsel vm3, $0x0, v5;
	v7 =	vadd.s32 v9, v7;
	v9 =	vsel vm3, $0x1, v1  }
0x127: {  	v7 =	vadd.s32 v9, v7;
	v8 =	vadd.f32 v5, v8  }
.LBB2_23:
0x128: {  	s14 =	simm.s32 $0x0  }
0x129: {  	[tilespmem:s14], [sflag:$0x1] =	stream.strided.gather [hbm4b:s4+s9], $0x8000, s10, s9, $0x38;
	[tilespmem:$0x10500] =	vst v63  }
0x12a: {  	_ =	swait.ge [sflag:s11], $0x8000  }
0x12b: {  	[sflag:s11] =	ssyncset.done $0x0  }
0x12c: {  	s16 =	simm.s32 $0x100;
	[sflag:s11] =	ssyncadd.s32 $0xFFFF8000  }
0x12d: {  	v5 =	vld [tilespmem:s16+$0xFFFFFF10]  }
0x12e: {  	s17 =	simm.s32 $0x40;
	s15 =	simm.s32 $0x0;
	v9 =	vld [tilespmem:s16+$0xFFFFFF00]  }
.LBB2_24:
0x12f: {  	p0 =	sne.s32 s17, $0xFC0;
	v10 =	vld [tilespmem:s16+$0xFFFFFF20]  }
0x130: {  	v11 =	vld [tilespmem:s16+$0xFFFFFF30]  }
0x131: {  	v12 =	vld [tilespmem:s16+$0xFFFFFF40]  }
0x132: {  	v13 =	vld [tilespmem:s16+$0xFFFFFF50]  }
0x133: {  	v5 =	vmax.f32 v9, v5;
	v9 =	vld [tilespmem:s16+$0xFFFFFF60]  }
0x134: {  	v5 =	vmax.f32 v5, v10;
	v10 =	vld [tilespmem:s16+$0xFFFFFF70]  }
0x135: {  	v5 =	vmax.f32 v5, v11;
	v11 =	vld [tilespmem:s16+$0xFFFFFF80]  }
0x136: {  	v5 =	vmax.f32 v5, v12;
	v12 =	vld [tilespmem:s16+$0xFFFFFF90]  }
0x137: {  	v5 =	vmax.f32 v5, v13;
	v13 =	vld [tilespmem:s16+$0xFFFFFFA0]  }
0x138: {  	v5 =	vmax.f32 v5, v9;
	v9 =	vld [tilespmem:s16+$0xFFFFFFB0]  }
0x139: {  	v5 =	vmax.f32 v5, v10;
	v10 =	vld [tilespmem:s16+$0xFFFFFFC0]  }
0x13a: {  	v5 =	vmax.f32 v5, v11;
	v11 =	vld [tilespmem:s16+$0xFFFFFFD0]  }
0x13b: {  	v5 =	vmax.f32 v5, v12;
	v12 =	vld [tilespmem:s16+$0xFFFFFFE0]  }
0x13c: {  	v5 =	vmax.f32 v5, v13;
	v13 =	vld [tilespmem:s16+$0xFFFFFFF0]  }
0x13d: {  	v5 =	vmax.f32 v5, v9;
	v9 =	vld [tilespmem:s16+$0x0]  }
0x13e: {  	v5 =	vmax.f32 v5, v10;
	v10 =	vld [tilespmem:s16+$0x10]  }
0x13f: {  	v5 =	vmax.f32 v5, v11;
	v11 =	vld [tilespmem:s16+$0x20]  }
0x140: {  	v5 =	vmax.f32 v5, v12;
	v12 =	vld [tilespmem:s16+$0x30]  }
0x141: {  	v5 =	vmax.f32 v5, v13;
	v13 =	vld [tilespmem:s16+$0x40]  }
0x142: {  	v5 =	vmax.f32 v5, v9;
	v9 =	vld [tilespmem:s16+$0x50]  }
0x143: {  	v5 =	vmax.f32 v5, v10;
	v10 =	vld [tilespmem:s16+$0x60]  }
0x144: {  	v5 =	vmax.f32 v5, v11;
	v11 =	vld [tilespmem:s16+$0x70]  }
0x145: {  	v5 =	vmax.f32 v5, v12;
	v12 =	vld [tilespmem:s16+$0x80]  }
0x146: {  	v5 =	vmax.f32 v5, v13;
	v13 =	vld [tilespmem:s16+$0x90]  }
0x147: {  	v5 =	vmax.f32 v5, v9;
	v9 =	vld [tilespmem:s16+$0xA0]  }
0x148: {  	v5 =	vmax.f32 v5, v10;
	v10 =	vld [tilespmem:s16+$0xB0]  }
0x149: {  	v5 =	vmax.f32 v5, v11;
	v11 =	vld [tilespmem:s16+$0xC0]  }
0x14a: {  	v5 =	vmax.f32 v5, v12;
	v12 =	vld [tilespmem:s16+$0xD0]  }
0x14b: {  	v5 =	vmax.f32 v5, v13;
	v13 =	vld [tilespmem:s16+$0xE0]  }
0x14c: {  	v5 =	vmax.f32 v5, v9;
	v9 =	vld [tilespmem:s16+$0xF0]  }
0x14d: {  	v5 =	vmax.f32 v5, v10  }
0x14e: {  	v5 =	vmax.f32 v5, v11  }
0x14f: {  	v5 =	vmax.f32 v5, v12  }
0x150: {  	v5 =	vmax.f32 v5, v13  }
0x151: {  	v5 =	vmax.f32 v5, v9  }
0x152: {  	v9 =	vshra.s32 v5, $0x1F  }
.Ltmp16:
0x153: {  	v9 =	vor.u32 $0x80000000, v9;
	(pc) =	sbr.rel @p0 .LBB2_24-.Ltmp16, $4  }
0x154: {  	s18 =	sshra.s32 s15, $0x2;
	s15 =	smov.u32 s17;
	v5 =	vxor.u32 v5, v9  }
0x155: {  	s16 =	sadd.s32 $0x200, s16;
	[tilespmem:s18+$0x8000] =	vst v5  }
0x156: {  	v5 =	vld [tilespmem:s16+$0xFFFFFF10]  }
0x157: {  	s17 =	sadd.s32 $0x40, s17;
	v9 =	vld [tilespmem:s16+$0xFFFFFF00]  }
0x158: {  	v10 =	vld [tilespmem:s16+$0xFFFFFF20]  }
0x159: {  	v11 =	vld [tilespmem:s16+$0xFFFFFF30]  }
0x15a: {  	v12 =	vld [tilespmem:s16+$0xFFFFFF40]  }
0x15b: {  	v13 =	vld [tilespmem:s16+$0xFFFFFF50]  }
0x15c: {  	v5 =	vmax.f32 v9, v5;
	v9 =	vld [tilespmem:s16+$0xFFFFFF60]  }
0x15d: {  	v5 =	vmax.f32 v5, v10;
	v10 =	vld [tilespmem:s16+$0xFFFFFF70]  }
0x15e: {  	v5 =	vmax.f32 v5, v11;
	v11 =	vld [tilespmem:s16+$0xFFFFFF80]  }
0x15f: {  	v54 =	vld [tilespmem:s16+$0xFFFFFF90];
	v5 =	vmax.f32 v5, v12  }
0x160: {  	v55 =	vld [tilespmem:s16+$0xFFFFFFA0];
	v5 =	vmax.f32 v5, v13  }
0x161: {  	v5 =	vmax.f32 v5, v9;
	v9 =	vld [tilespmem:s16+$0xFFFFFFB0]  }
0x162: {  	v5 =	vmax.f32 v5, v10;
	v10 =	vld [tilespmem:s16+$0xFFFFFFC0]  }
0x163: {  	v5 =	vmax.f32 v5, v11;
	v11 =	vld [tilespmem:s16+$0xFFFFFFD0]  }
0x164: {  	v56 =	vld [tilespmem:s16+$0xFFFFFFE0];
	v5 =	vmax.f32 v5, v54  }
0x165: {  	v57 =	vld [tilespmem:s16+$0xFFFFFFF0];
	v5 =	vmax.f32 v5, v55  }
0x166: {  	v5 =	vmax.f32 v5, v9;
	v9 =	vld [tilespmem:s16+$0x0]  }
0x167: {  	v5 =	vmax.f32 v5, v10;
	v10 =	vld [tilespmem:s16+$0x10]  }
0x168: {  	v5 =	vmax.f32 v5, v11;
	v11 =	vld [tilespmem:s16+$0x20]  }
0x169: {  	v58 =	vld [tilespmem:s16+$0x30];
	v5 =	vmax.f32 v5, v56  }
0x16a: {  	v59 =	vld [tilespmem:s16+$0x40];
	v5 =	vmax.f32 v5, v57  }
0x16b: {  	v5 =	vmax.f32 v5, v9;
	v9 =	vld [tilespmem:s16+$0x50]  }
0x16c: {  	v5 =	vmax.f32 v5, v10;
	v10 =	vld [tilespmem:s16+$0x60]  }
0x16d: {  	v5 =	vmax.f32 v5, v11;
	v11 =	vld [tilespmem:s16+$0x70]  }
0x16e: {  	v60 =	vld [tilespmem:s16+$0x80];
	v5 =	vmax.f32 v5, v58  }
0x16f: {  	v61 =	vld [tilespmem:s16+$0x90];
	v5 =	vmax.f32 v5, v59  }
0x170: {  	v5 =	vmax.f32 v5, v9;
	v9 =	vld [tilespmem:s16+$0xA0]  }
0x171: {  	v5 =	vmax.f32 v5, v10;
	v10 =	vld [tilespmem:s16+$0xB0]  }
0x172: {  	v5 =	vmax.f32 v5, v11;
	v11 =	vld [tilespmem:s16+$0xC0]  }
0x173: {  	v62 =	vld [tilespmem:s16+$0xD0];
	v5 =	vmax.f32 v5, v60  }
0x174: {  	v63 =	vld [tilespmem:s16+$0xE0];
	v5 =	vmax.f32 v5, v61  }
0x175: {  	v5 =	vmax.f32 v5, v9;
	v9 =	vld [tilespmem:s16+$0xF0]  }
0x176: {  	v5 =	vmax.f32 v5, v10  }
0x177: {  	v5 =	vmax.f32 v5, v11  }
0x178: {  	v5 =	vmax.f32 v5, v62  }
0x179: {  	v5 =	vmax.f32 v5, v63  }
0x17a: {  	v5 =	vmax.f32 v5, v9  }
0x17b: {  	v9 =	vshra.s32 v5, $0x1F  }
0x17c: {  	v9 =	vor.u32 $0x80000000, v9  }
0x17d: {  	s15 =	sshra.s32 s15, $0x2;
	v5 =	vxor.u32 v5, v9  }
0x17e: {  	[tilespmem:s15+$0x8000] =	vst v5;
	v5 =	vimm.s32 $0x0  }
.LBB2_26:
0x17f: {  	s16 =	simm.s32 $0x0  }
0x180: {  	s15 =	sxor.u32 $0x1F, s14;
	v12 =	vld [tilespmem:s16+$0x8000]  }
0x181: {  	v9 =	vshll.u32 v0, s15;
	v13 =	vld [tilespmem:s16+$0x8010]  }
0x182: {  	v10 =	vld [tilespmem:s16+$0x8020];
	v9 =	vbroadcast v9, $0x0  }
0x183: {  	v11 =	vld [tilespmem:s16+$0x8030]  }
0x184: {  	v14 =	vimm.s32 $0x0;
	s15 =	simm.s32 $0x100;
	v9 =	vor.u32 v5, v9  }
.LBB2_27:
0x185: {  	s16 =	sshra.s32 s15, $0x2;
	p0 =	sne.s32 s15, $0xF00;
	s15 =	sadd.s32 $0x100, s15;
	vm1 =	vge.u32 v12, v9  }
.Ltmp17:
0x186: {  	v12 =	vld [tilespmem:s16+$0x8000];
	v15 =	vsel vm1, $0x1, v1;
	vm1 =	vge.u32 v13, v9;
	(pc) =	sbr.rel @p0 .LBB2_27-.Ltmp17, $4  }
0x187: {  	v13 =	vld [tilespmem:s16+$0x8010];
	v14 =	vadd.s32 v15, v14;
	v15 =	vsel vm1, $0x1, v1;
	vm1 =	vge.u32 v10, v9  }
0x188: {  	v10 =	vld [tilespmem:s16+$0x8020];
	v14 =	vadd.s32 v15, v14;
	v15 =	vsel vm1, $0x1, v1;
	vm1 =	vge.u32 v11, v9  }
0x189: {  	v11 =	vld [tilespmem:s16+$0x8030];
	v14 =	vadd.s32 v15, v14;
	v15 =	vsel vm1, $0x1, v1  }
0x18a: {  	v14 =	vadd.s32 v15, v14  }
0x18b: {  	vm1 =	vge.u32 v12, v9  }
0x18c: {  	v12 =	vsel vm1, $0x1, v1;
	vm1 =	vge.u32 v13, v9  }
0x18d: {  	v12 =	vadd.s32 v12, v14;
	v13 =	vsel vm1, $0x1, v1;
	vm1 =	vge.u32 v10, v9  }
0x18e: {  	v10 =	vadd.s32 v13, v12;
	v63 =	vsel vm1, $0x1, v1;
	vm1 =	vge.u32 v11, v9  }
0x18f: {  	v10 =	vadd.s32 v63, v10;
	v11 =	vsel vm1, $0x1, v1  }
0x190: {  	v10 =	vadd.s32 v11, v10  }
0x191: {  	(xrf0) =	vadd.scan.msk.s32 $0xffff, v10;
	_ =	sdelay $0x5  }
0x192: {  	v10, _, _ =	vpop (xrf0)  }
0x193: {  	(v2sf) =	vpush v10, $0xF;
	_ =	sdelay $0xa  }
0x194: {  	s14 =	sadd.s32 $0x1, s14  }
0x195: {  	p1 =	sne.s32 s14, $0x20  }
.Ltmp18:
0x196: {  	_ = 	snop;
	(pc) =	sbr.rel @p1 .LBB2_26-.Ltmp18, $4  }
0x197: {  	_ = 	snop  }
0x198: {  	s15 =	spop (v2sf)  }
0x199: {  	p0 =	sgt.s32 s15, $0x3F  }
0x19a: {  	v5 =	vpsel p0, v9, v5  }
0x19b: {  	s14 =	simm.s32 $0x0  }
0x19c: {  	v9 =	vld [tilespmem:s14+$0x0];
	_ =	sdelay $0x1  }
0x19d: {  	vm1 =	vgt.s32 v5, $0xFFFFFFFF  }
0x19e: {  	v10 =	vsel vm1, $0xFFFFFFFF, v2  }
0x19f: {  	v5 =	vxor.u32 v5, v10  }
0x1a0: {  	vm1 =	vge.f32 v9, v5  }
0x1a1: {  	v10 =	vsel vm1, $0x3F800000, v3  }
0x1a2: {  	(xrf0) =	vmax.scan.msk.f32 $0xffff, v10;
	_ =	sdelay $0x5  }
0x1a3: {  	v10, _, _ =	vpop (xrf0)  }
0x1a4: {  	(v2sf) =	vpush v10, $0xF;
	_ =	sdelay $0xe  }
0x1a5: {  	s31 =	spop (v2sf)  }
0x1a6: {  	p1 =	sgt.f32 s31, $0.0e+00;
	_ =	sdelay $0x1  }
0x1a7: {  	v10 =	vshra.s32 @p1 v9, $0x1F  }
0x1a8: {  	v10 =	vor.u32 @p1 $0x80000000, v10  }
0x1a9: {  	s17 =	simm.s32 $0x10;
	s14 =	simm.s32 $0x0;
	vm1 =	vge.f32 @p1 v9, v5;
	v9 =	vxor.u32 @p1 v9, v10  }
0x1aa: {  	s15 =	simm.s32 $0x0;
	s16 =	simm.s32 $0x40;
	s14 =	smov.u32 @p1 s17;
	v9 =	vnsel @p1 vm1, $0x0, v9  }
.LBB2_30:
0x1ab: {  	s17 =	sshra.s32 s16, $0x2;
	s16 =	sadd.s32 $0x40, s16;
	[tilespmem:s15+$0x8400] =	vst @p1 v9;
	s15 =	smov.u32 s14  }
0x1ac: {  	v9 =	vld [tilespmem:s17+$0x0];
	p0 =	sne.s32 s16, $0x20000;
	_ =	sdelay $0x4  }
0x1ad: {  	vm1 =	vge.f32 v9, v5  }
0x1ae: {  	v10 =	vsel vm1, $0x3F800000, v3  }
0x1af: {  	(xrf0) =	vmax.scan.msk.f32 $0xffff, v10;
	_ =	sdelay $0x5  }
0x1b0: {  	v10, _, _ =	vpop (xrf0)  }
0x1b1: {  	(v2sf) =	vpush v10, $0xF;
	_ =	sdelay $0xe  }
0x1b2: {  	s17 =	spop (v2sf)  }
0x1b3: {  	p1 =	sgt.f32 s17, $0.0e+00  }
.Ltmp19:
0x1b4: {  	s17 =	sadd.s32 $0x10, s14;
	(pc) =	sbr.rel @p0 .LBB2_30-.Ltmp19, $4  }
0x1b5: {  	v10 =	vshra.s32 @p1 v9, $0x1F;
	s14 =	smov.u32 @p1 s17  }
0x1b6: {  	v10 =	vor.u32 @p1 $0x80000000, v10  }
0x1b7: {  	vm1 =	vge.f32 @p1 v9, v5;
	v9 =	vxor.u32 @p1 v9, v10  }
0x1b8: {  	v9 =	vnsel @p1 vm1, $0x0, v9  }
0x1b9: {  	s16 =	sand.u32 $0xF, s14  }
0x1ba: {  	s17 =	sshra.s32 s14, $0x1F;
	p0 =	slt.s32 s14, $0x1;
	p2 =	sne.s32 s16, $0x0  }
0x1bb: {  	s29 =	sshrl.u32 s17, $0x1C;
	p0 =	por !p0, !p2  }
0x1bc: {  	s17 =	simm.s32 $0x1;
	s16 =	sadd.s32 s29, s14;
	p0 =	por !p0, !p0  }
0x1bd: {  	s16 =	sshra.s32 s16, $0x4;
	s17 =	simm.s32 @!p0 $0x0  }
0x1be: {  	s16 =	ssub.s32 s16, s17  }
0x1bf: {  	s17 =	sadd.s32 $0x3, s16  }
0x1c0: {  	s18 =	sand.u32 $0x3, s17  }
0x1c1: {  	p5 =	slt.s32 s16, $0xFFFFFFFE;
	p6 =	sne.s32 s18, $0x0  }
.Ltmp20:
0x1c2: {  	s30 =	sshrl.u32 s17, $0x1E;
	p0 =	por !p5, !p6;
	(pc) =	sbr.rel .LBB2_32-.Ltmp20, $4  }
0x1c3: {  	[tilespmem:s15+$0x8400] =	vst @p1 v9;
	v5 =	vimm.s32 $0x0;
	s16 =	simm.s32 $0x1;
	s31 =	sadd.s32 s30, s17;
	p0 =	por !p0, !p0  }
0x1c4: {  	[tilespmem:s14+$0x8400] =	vst v5;
	s15 =	sshra.s32 s31, $0x2;
	s16 =	simm.s32 @!p0 $0x0  }
0x1c5: {  	[tilespmem:s14+$0x8410] =	vst v5;
	s18 =	ssub.s32 s15, s16  }
0x1c6: {  	[tilespmem:s14+$0x8420] =	vst v5;
	s14 =	simm.s32 $0x0;
	p0 =	slt.s32 s18, $0x1  }
.LBB2_35:
0x1c7: {  	v14 =	vsel vm1, $0x1, v1;
	vm1 =	vge.u32 v12, v9  }
0x1c8: {  	v61 =	vadd.s32 v14, v13;
	v62 =	vsel vm1, $0x1, v1;
	vm1 =	vge.u32 v11, v9  }
0x1c9: {  	v11 =	vadd.s32 v62, v61;
	v63 =	vsel vm1, $0x1, v1;
	vm1 =	vge.u32 v10, v9  }
0x1ca: {  	v10 =	vadd.s32 v63, v11;
	v11 =	vsel vm1, $0x1, v1  }
0x1cb: {  	v10 =	vadd.s32 v11, v10  }
.LBB2_36:
0x1cc: {  	(xrf0) =	vadd.scan.msk.s32 $0xffff, v10;
	_ =	sdelay $0x5  }
0x1cd: {  	v10, _, _ =	vpop (xrf0)  }
0x1ce: {  	(v2sf) =	vpush v10, $0xF;
	_ =	sdelay $0xa  }
0x1cf: {  	s14 =	sadd.s32 $0x1, s14  }
0x1d0: {  	p2 =	seq.s32 s14, $0x20  }
.Ltmp21:
0x1d1: {  	_ = 	snop;
	(pc) =	sbr.rel @p2 .LBB2_37-.Ltmp21, $4  }
0x1d2: {  	_ = 	snop  }
0x1d3: {  	s15 =	spop (v2sf)  }
0x1d4: {  	p1 =	sgt.s32 s15, $0x3F  }
0x1d5: {  	v5 =	vpsel p1, v9, v5  }
.LBB2_32:
.Ltmp22:
0x1d6: {  	s15 =	sxor.u32 $0x1F, s14;
	(pc) =	sbr.rel @p0 .LBB2_36-.Ltmp22, $3  }
0x1d7: {  	v9 =	vshll.u32 v0, s15  }
0x1d8: {  	v9 =	vbroadcast v9, $0x0;
	_ =	sdelay $0x1  }
0x1d9: {  	s16 =	simm.s32 $0x8420;
	v10 =	vimm.s32 $0x0;
	v9 =	vor.u32 v5, v9  }
0x1da: {  	v13 =	vld [tilespmem:s16+$0xFFFFFFE0];
	p1 =	sne.s32 s18, $0x1  }
.Ltmp23:
0x1db: {  	v12 =	vld [tilespmem:s16+$0xFFFFFFF0];
	(pc) =	sbr.rel @!p1 .LBB2_35-.Ltmp23, $3  }
0x1dc: {  	v11 =	vld [tilespmem:s16+$0x0]  }
0x1dd: {  	v10 =	vld [tilespmem:s16+$0x10];
	_ =	sdelay $0x1  }
0x1de: {  	s15 =	sadd.s32 $0xFFFFFFFF, s18;
	s16 =	sadd.s32 $0x40, s16;
	vm1 =	vge.u32 v13, v9;
	v13 =	vimm.s32 $0x0  }
.LBB2_34:
0x1df: {  	v14 =	vld [tilespmem:s16+$0xFFFFFFE0];
	p1 =	sne.s32 s15, $0x1;
	s15 =	sadd.s32 $0xFFFFFFFF, s15;
	v15 =	vsel vm1, $0x1, v1;
	vm1 =	vge.u32 v12, v9  }
.Ltmp24:
0x1e0: {  	v12 =	vld [tilespmem:s16+$0xFFFFFFF0];
	v13 =	vadd.s32 v15, v13;
	v15 =	vsel vm1, $0x1, v1;
	vm1 =	vge.u32 v11, v9;
	(pc) =	sbr.rel @p1 .LBB2_34-.Ltmp24, $4  }
0x1e1: {  	v11 =	vld [tilespmem:s16+$0x0];
	v13 =	vadd.s32 v15, v13;
	v15 =	vsel vm1, $0x1, v1;
	vm1 =	vge.u32 v10, v9  }
0x1e2: {  	v10 =	vld [tilespmem:s16+$0x10];
	v13 =	vadd.s32 v15, v13;
	v15 =	vsel vm1, $0x1, v1  }
0x1e3: {  	v13 =	vadd.s32 v15, v13  }
0x1e4: {  	s16 =	sadd.s32 $0x40, s16;
	vm1 =	vge.u32 v14, v9  }
.Ltmp25:
0x1e5: {  	_ = 	snop;
	(pc) =	sbr.rel .LBB2_35-.Ltmp25, $1  }
0x1e6: {  	_ =	sdelay $0x3  }
.LBB2_37:
0x1e7: {  	(xrf2) =	vadd.scan.msk.f32 $0xffff, v8;
	_ =	sdelay $0x2  }
0x1e8: {  	vm1 =	vgt.s32 v6, $0xFFFFFFFF  }
0x1e9: {  	v8 =	vsel vm1, $0xFFFFFFFF, v2  }
0x1ea: {  	(xrf0) =	vadd.scan.msk.s32 $0xffff, v7;
	v6 =	vxor.u32 v6, v8  }
0x1eb: {  	(xrf0) =	vmax.scan.msk.f32 $0xffff, v6;
	_ =	sdelay $0x3  }
0x1ec: {  	v6, _, _ =	vpop (xrf2)  }
0x1ed: {  	v7, _, _ =	vpop (xrf0);
	(v2sf) =	vpush v6, $0xF  }
0x1ee: {  	v6, _, _ =	vpop (xrf0);
	(v2sf) =	vpush v7, $0xF  }
0x1ef: {  	(v2sf) =	vpush v6, $0xF;
	_ =	sdelay $0x9  }
0x1f0: {  	p0 =	sgt.s32 s18, $0x0  }
.Ltmp26:
0x1f1: {  	_ = 	snop;
	(pc) =	sbr.rel @!p0 .LBB2_45-.Ltmp26, $4  }
0x1f2: {  	_ = 	snop  }
0x1f3: {  	s14 =	spop (v2sf)  }
0x1f4: {  	s15 =	spop (v2sf)  }
0x1f5: {  	v9 =	vimm.f32 $0.0e+00;
	s17 =	simm.s32 $0x8420;
	v8 =	vimm.s32 $0x0;
	s16 =	spop (v2sf)  }
0x1f6: {  	p1 =	sne.s32 s18, $0x1  }
.Ltmp27:
0x1f7: {  	_ = 	snop;
	(pc) =	sbr.rel @!p1 .LBB2_39-.Ltmp27, $3  }
0x1f8: {  	v6 =	vld [tilespmem:s17+$0x10];
	_ =	sdelay $0x1  }
0x1f9: {  	v10 =	vld [tilespmem:s17+$0x0]  }
0x1fa: {  	v7 =	vld [tilespmem:s17+$0xFFFFFFE0];
	s18 =	sadd.s32 $0xFFFFFFFF, s18;
	p0 =	por $0x0, $0x0  }
0x1fb: {  	v11 =	vld [tilespmem:s17+$0xFFFFFFF0];
	_ =	sdelay $0x2  }
0x1fc: {  	vm1 =	vgt.u32 v6, v5  }
0x1fd: {  	vm2 =	vgt.u32 v10, v5;
	vm3 =	vgt.s32 v7, $0xFFFFFFFF;
	vm6 =	vgt.u32 v7, v5  }
0x1fe: {  	p1 =	sne.s32 s18, $0x1;
	v12 =	vsel vm3, $0xFFFFFFFF, v2;
	vm4 =	vgt.u32 v11, v5;
	vm3 =	vgt.s32 v6, $0xFFFFFFFF  }
.Ltmp28:
0x1ff: {  	vm5 =	vgt.s32 v11, $0xFFFFFFFF;
	v16 =	vsel vm6, $0x1, v1;
	v7 =	vxor.u32 v7, v12;
	(pc) =	sbr.rel @!p1 .LBB2_41-.Ltmp28, $4  }
0x200: {  	s17 =	simm.s32 $0x8460;
	v12 =	vsel vm5, $0xFFFFFFFF, v2;
	vm5 =	vgt.s32 v10, $0xFFFFFFFF;
	v7 =	vnsel vm6, $0x0, v7  }
0x201: {  	v13 =	vld [tilespmem:s17+$0x10];
	v14 =	vsel vm4, $0x1, v1;
	v11 =	vxor.u32 v11, v12;
	v17 =	vadd.f32 v7, v9  }
0x202: {  	v15 =	vld [tilespmem:s17+$0x0];
	v12 =	vsel vm2, $0x1, v1;
	v18 =	vsel vm5, $0xFFFFFFFF, v2;
	v11 =	vnsel vm4, $0x0, v11  }
0x203: {  	s18 =	sadd.s32 $0xFFFFFFFF, s18;
	p0 =	por $0x1, $0x1;
	v7 =	vld [tilespmem:s17+$0xFFFFFFE0];
	v18 =	vxor.u32 v10, v18;
	v17 =	vadd.f32 v11, v17;
	v11 =	vimm.s32 $0x0  }
.LBB2_42:
0x204: {  	p1 =	sne.s32 s18, $0x1;
	v10 =	vld [tilespmem:s17+$0xFFFFFFF0];
	v11 =	vadd.s32 v16, v11;
	v16 =	vnsel vm2, $0x0, v18;
	v18 =	vsel vm3, $0xFFFFFFFF, v2  }
0x205: {  	v11 =	vadd.s32 v14, v11;
	v14 =	vadd.f32 v16, v17;
	v17 =	vxor.u32 v6, v18  }
0x206: {  	v16 =	vsel vm1, $0x1, v1;
	v11 =	vadd.s32 v12, v11;
	v12 =	vnsel vm1, $0x0, v17;
	v6 =	vmovc v13  }
0x207: {  	v12 =	vadd.f32 v12, v14;
	v11 =	vadd.s32 v16, v11;
	v18 =	vmov v15  }
0x208: {  	vm1 =	vgt.u32 v6, v5;
	vm3 =	vgt.s32 v7, $0xFFFFFFFF;
	vm2 =	vgt.u32 v18, v5  }
0x209: {  	v13 =	vsel vm3, $0xFFFFFFFF, v2;
	vm4 =	vgt.u32 v10, v5;
	vm3 =	vgt.s32 v6, $0xFFFFFFFF  }
.Ltmp29:
0x20a: {  	vm5 =	vgt.u32 v7, v5;
	vm6 =	vgt.s32 v10, $0xFFFFFFFF;
	v7 =	vxor.u32 v7, v13;
	(pc) =	sbr.rel @p1 .LBB2_42-.Ltmp29, $4  }
0x20b: {  	s17 =	sadd.s32 $0x40, s17;
	v14 =	vsel vm6, $0xFFFFFFFF, v2;
	vm6 =	vgt.s32 v18, $0xFFFFFFFF;
	v7 =	vnsel vm5, $0x0, v7  }
0x20c: {  	v13 =	vld [tilespmem:s17+$0x10];
	v17 =	vadd.f32 v7, v12;
	v7 =	vxor.u32 v10, v14;
	v12 =	vsel vm2, $0x1, v1  }
0x20d: {  	v19 =	vsel vm6, $0xFFFFFFFF, v2;
	v14 =	vsel vm4, $0x1, v1;
	v15 =	vld [tilespmem:s17+$0x0];
	v10 =	vnsel vm4, $0x0, v7  }
0x20e: {  	s18 =	sadd.s32 $0xFFFFFFFF, s18;
	v16 =	vsel vm5, $0x1, v1;
	v18 =	vxor.u32 v18, v19;
	v7 =	vld [tilespmem:s17+$0xFFFFFFE0];
	v17 =	vadd.f32 v10, v17  }
0x20f: {  	_ =	sdelay $0x2  }
0x210: {  	v19 =	vmov v6;
	v6 =	vmov v13;
	v10 =	vmov v15  }
.LBB2_44:
0x211: {  	v15 =	vnsel @p0 vm2, $0x0, v18  }
0x212: {  	v18 =	vsel @p0 vm3, $0xFFFFFFFF, v2;
	v11 =	vadd.s32 @p0 v16, v11;
	vm2 =	vgt.u32 v10, v5  }
0x213: {  	v13 =	vld [tilespmem:s17+$0xFFFFFFF0];
	vm3 =	vgt.u32 v6, v5;
	vm4 =	vgt.u32 v7, v5;
	vm6 =	vgt.s32 v6, $0xFFFFFFFF  }
0x214: {  	vm15 =	vgt.s32 v10, $0xFFFFFFFF;
	v15 =	vadd.f32 @p0 v15, v17;
	v16 =	vxor.u32 @p0 v19, v18  }
0x215: {  	v11 =	vadd.s32 @p0 v14, v11;
	v62 =	vsel vm15, $0xFFFFFFFF, v2;
	v14 =	vnsel @p0 vm1, $0x0, v16  }
0x216: {  	v11 =	vadd.s32 @p0 v12, v11;
	v12 =	vsel @p0 vm1, $0x1, v1;
	vm1 =	vgt.s32 v7, $0xFFFFFFFF  }
0x217: {  	v10 =	vxor.u32 v10, v62;
	v14 =	vadd.f32 @p0 v14, v15;
	v59 =	vsel vm1, $0xFFFFFFFF, v2  }
0x218: {  	v11 =	vadd.s32 @p0 v12, v11;
	v7 =	vxor.u32 v7, v59;
	vm5 =	vgt.s32 v13, $0xFFFFFFFF  }
0x219: {  	v7 =	vnsel vm4, $0x0, v7;
	v9 =	vpsel p0, v14, v9;
	v60 =	vsel vm5, $0xFFFFFFFF, v2  }
0x21a: {  	vm1 =	vgt.u32 v13, v5;
	v7 =	vadd.f32 v7, v9;
	v12 =	vxor.u32 v13, v60  }
0x21b: {  	v63 =	vsel vm4, $0x1, v1;
	v10 =	vnsel vm2, $0x0, v10;
	v12 =	vnsel vm1, $0x0, v12  }
0x21c: {  	v8 =	vpsel p0, v11, v8;
	v11 =	vsel vm6, $0xFFFFFFFF, v2;
	v7 =	vadd.f32 v12, v7  }
0x21d: {  	v8 =	vadd.s32 v63, v8;
	v6 =	vxor.u32 v6, v11;
	v61 =	vsel vm1, $0x1, v1  }
0x21e: {  	v9 =	vsel vm2, $0x1, v1;
	v8 =	vadd.s32 v61, v8;
	v7 =	vadd.f32 v10, v7  }
0x21f: {  	v6 =	vnsel vm3, $0x0, v6;
	v8 =	vadd.s32 v9, v8;
	v10 =	vsel vm3, $0x1, v1  }
0x220: {  	v8 =	vadd.s32 v10, v8;
	v9 =	vadd.f32 v6, v7  }
.LBB2_45:
0x221: {  	s15 =	scvt.s32.f32 s15;
	_ =	sdelay $0x1  }
0x222: {  	s15 =	ssub.f32 $6.400000000e+01, s15;
	_ =	sdelay $0x1  }
0x223: {  	s15 =	smul.f32 s15, s16;
	_ =	sdelay $0x1  }
0x224: {  	s15 =	sadd.f32 s15, s14;
	s14 =	simm.s32 $0x0  }
0x225: {  	[tilespmem:s14], [sflag:$0x1] =	stream.strided.gather [hbm4b:s5+s9], $0x8000, s10, s9, $0x38;
	[tilespmem:$0x10500] =	vst v63  }
0x226: {  	_ =	swait.ge [sflag:s11], $0x8000  }
0x227: {  	s15 =	smul.f32 $1.562500000e-02, s15;
	[sflag:s11] =	ssyncset.done $0x0  }
0x228: {  	s16 =	simm.s32 $0x100;
	[sflag:s11] =	ssyncadd.s32 $0xFFFF8000  }
0x229: {  	v7 =	vmov s15;
	v6 =	vld [tilespmem:s16+$0xFFFFFF10]  }
0x22a: {  	s17 =	simm.s32 $0x40;
	s15 =	simm.s32 $0x0;
	v7 =	vnsel vm0, $0x0, v7;
	v10 =	vld [tilespmem:s16+$0xFFFFFF00]  }
.LBB2_46:
0x22b: {  	p0 =	sne.s32 s17, $0xFC0;
	v11 =	vld [tilespmem:s16+$0xFFFFFF20]  }
0x22c: {  	v12 =	vld [tilespmem:s16+$0xFFFFFF30]  }
0x22d: {  	v13 =	vld [tilespmem:s16+$0xFFFFFF40]  }
0x22e: {  	v14 =	vld [tilespmem:s16+$0xFFFFFF50]  }
0x22f: {  	v6 =	vmax.f32 v10, v6;
	v10 =	vld [tilespmem:s16+$0xFFFFFF60]  }
0x230: {  	v6 =	vmax.f32 v6, v11;
	v11 =	vld [tilespmem:s16+$0xFFFFFF70]  }
0x231: {  	v6 =	vmax.f32 v6, v12;
	v12 =	vld [tilespmem:s16+$0xFFFFFF80]  }
0x232: {  	v6 =	vmax.f32 v6, v13;
	v13 =	vld [tilespmem:s16+$0xFFFFFF90]  }
0x233: {  	v6 =	vmax.f32 v6, v14;
	v14 =	vld [tilespmem:s16+$0xFFFFFFA0]  }
0x234: {  	v6 =	vmax.f32 v6, v10;
	v10 =	vld [tilespmem:s16+$0xFFFFFFB0]  }
0x235: {  	v6 =	vmax.f32 v6, v11;
	v11 =	vld [tilespmem:s16+$0xFFFFFFC0]  }
0x236: {  	v6 =	vmax.f32 v6, v12;
	v12 =	vld [tilespmem:s16+$0xFFFFFFD0]  }
0x237: {  	v6 =	vmax.f32 v6, v13;
	v13 =	vld [tilespmem:s16+$0xFFFFFFE0]  }
0x238: {  	v6 =	vmax.f32 v6, v14;
	v14 =	vld [tilespmem:s16+$0xFFFFFFF0]  }
0x239: {  	v6 =	vmax.f32 v6, v10;
	v10 =	vld [tilespmem:s16+$0x0]  }
0x23a: {  	v6 =	vmax.f32 v6, v11;
	v11 =	vld [tilespmem:s16+$0x10]  }
0x23b: {  	v6 =	vmax.f32 v6, v12;
	v12 =	vld [tilespmem:s16+$0x20]  }
0x23c: {  	v6 =	vmax.f32 v6, v13;
	v13 =	vld [tilespmem:s16+$0x30]  }
0x23d: {  	v6 =	vmax.f32 v6, v14;
	v14 =	vld [tilespmem:s16+$0x40]  }
0x23e: {  	v6 =	vmax.f32 v6, v10;
	v10 =	vld [tilespmem:s16+$0x50]  }
0x23f: {  	v6 =	vmax.f32 v6, v11;
	v11 =	vld [tilespmem:s16+$0x60]  }
0x240: {  	v6 =	vmax.f32 v6, v12;
	v12 =	vld [tilespmem:s16+$0x70]  }
0x241: {  	v6 =	vmax.f32 v6, v13;
	v13 =	vld [tilespmem:s16+$0x80]  }
0x242: {  	v6 =	vmax.f32 v6, v14;
	v14 =	vld [tilespmem:s16+$0x90]  }
0x243: {  	v6 =	vmax.f32 v6, v10;
	v10 =	vld [tilespmem:s16+$0xA0]  }
0x244: {  	v6 =	vmax.f32 v6, v11;
	v11 =	vld [tilespmem:s16+$0xB0]  }
0x245: {  	v6 =	vmax.f32 v6, v12;
	v12 =	vld [tilespmem:s16+$0xC0]  }
0x246: {  	v6 =	vmax.f32 v6, v13;
	v13 =	vld [tilespmem:s16+$0xD0]  }
0x247: {  	v6 =	vmax.f32 v6, v14;
	v14 =	vld [tilespmem:s16+$0xE0]  }
0x248: {  	v6 =	vmax.f32 v6, v10;
	v10 =	vld [tilespmem:s16+$0xF0]  }
0x249: {  	v6 =	vmax.f32 v6, v11  }
0x24a: {  	v6 =	vmax.f32 v6, v12  }
0x24b: {  	v6 =	vmax.f32 v6, v13  }
0x24c: {  	v6 =	vmax.f32 v6, v14  }
0x24d: {  	v6 =	vmax.f32 v6, v10  }
0x24e: {  	v10 =	vshra.s32 v6, $0x1F  }
.Ltmp30:
0x24f: {  	v10 =	vor.u32 $0x80000000, v10;
	(pc) =	sbr.rel @p0 .LBB2_46-.Ltmp30, $4  }
0x250: {  	s18 =	sshra.s32 s15, $0x2;
	s15 =	smov.u32 s17;
	v6 =	vxor.u32 v6, v10  }
0x251: {  	s16 =	sadd.s32 $0x200, s16;
	[tilespmem:s18+$0x8000] =	vst v6  }
0x252: {  	v6 =	vld [tilespmem:s16+$0xFFFFFF10]  }
0x253: {  	s17 =	sadd.s32 $0x40, s17;
	v10 =	vld [tilespmem:s16+$0xFFFFFF00]  }
0x254: {  	v11 =	vld [tilespmem:s16+$0xFFFFFF20]  }
0x255: {  	v12 =	vld [tilespmem:s16+$0xFFFFFF30]  }
0x256: {  	v13 =	vld [tilespmem:s16+$0xFFFFFF40]  }
0x257: {  	v14 =	vld [tilespmem:s16+$0xFFFFFF50]  }
0x258: {  	v6 =	vmax.f32 v10, v6;
	v10 =	vld [tilespmem:s16+$0xFFFFFF60]  }
0x259: {  	v6 =	vmax.f32 v6, v11;
	v11 =	vld [tilespmem:s16+$0xFFFFFF70]  }
0x25a: {  	v49 =	vld [tilespmem:s16+$0xFFFFFF80];
	v6 =	vmax.f32 v6, v12  }
0x25b: {  	v50 =	vld [tilespmem:s16+$0xFFFFFF90];
	v6 =	vmax.f32 v6, v13  }
0x25c: {  	v51 =	vld [tilespmem:s16+$0xFFFFFFA0];
	v6 =	vmax.f32 v6, v14  }
0x25d: {  	v6 =	vmax.f32 v6, v10;
	v10 =	vld [tilespmem:s16+$0xFFFFFFB0]  }
0x25e: {  	v6 =	vmax.f32 v6, v11;
	v11 =	vld [tilespmem:s16+$0xFFFFFFC0]  }
0x25f: {  	v52 =	vld [tilespmem:s16+$0xFFFFFFD0];
	v6 =	vmax.f32 v6, v49  }
0x260: {  	v53 =	vld [tilespmem:s16+$0xFFFFFFE0];
	v6 =	vmax.f32 v6, v50  }
0x261: {  	v54 =	vld [tilespmem:s16+$0xFFFFFFF0];
	v6 =	vmax.f32 v6, v51  }
0x262: {  	v6 =	vmax.f32 v6, v10;
	v10 =	vld [tilespmem:s16+$0x0]  }
0x263: {  	v6 =	vmax.f32 v6, v11;
	v11 =	vld [tilespmem:s16+$0x10]  }
0x264: {  	v55 =	vld [tilespmem:s16+$0x20];
	v6 =	vmax.f32 v6, v52  }
0x265: {  	v56 =	vld [tilespmem:s16+$0x30];
	v6 =	vmax.f32 v6, v53  }
0x266: {  	v57 =	vld [tilespmem:s16+$0x40];
	v6 =	vmax.f32 v6, v54  }
0x267: {  	v6 =	vmax.f32 v6, v10;
	v10 =	vld [tilespmem:s16+$0x50]  }
0x268: {  	v6 =	vmax.f32 v6, v11;
	v11 =	vld [tilespmem:s16+$0x60]  }
0x269: {  	v58 =	vld [tilespmem:s16+$0x70];
	v6 =	vmax.f32 v6, v55  }
0x26a: {  	v59 =	vld [tilespmem:s16+$0x80];
	v6 =	vmax.f32 v6, v56  }
0x26b: {  	v60 =	vld [tilespmem:s16+$0x90];
	v6 =	vmax.f32 v6, v57  }
0x26c: {  	v6 =	vmax.f32 v6, v10;
	v10 =	vld [tilespmem:s16+$0xA0]  }
0x26d: {  	v6 =	vmax.f32 v6, v11;
	v11 =	vld [tilespmem:s16+$0xB0]  }
0x26e: {  	v61 =	vld [tilespmem:s16+$0xC0];
	v6 =	vmax.f32 v6, v58  }
0x26f: {  	v62 =	vld [tilespmem:s16+$0xD0];
	v6 =	vmax.f32 v6, v59  }
0x270: {  	v63 =	vld [tilespmem:s16+$0xE0];
	v6 =	vmax.f32 v6, v60  }
0x271: {  	v6 =	vmax.f32 v6, v10;
	v10 =	vld [tilespmem:s16+$0xF0]  }
0x272: {  	v6 =	vmax.f32 v6, v11  }
0x273: {  	v6 =	vmax.f32 v6, v61  }
0x274: {  	v6 =	vmax.f32 v6, v62  }
0x275: {  	v6 =	vmax.f32 v6, v63  }
0x276: {  	v6 =	vmax.f32 v6, v10  }
0x277: {  	v10 =	vshra.s32 v6, $0x1F  }
0x278: {  	v10 =	vor.u32 $0x80000000, v10  }
0x279: {  	s15 =	sshra.s32 s15, $0x2;
	v6 =	vxor.u32 v6, v10  }
0x27a: {  	[tilespmem:s15+$0x8000] =	vst v6;
	v6 =	vimm.s32 $0x0  }
.LBB2_48:
0x27b: {  	s16 =	simm.s32 $0x0  }
0x27c: {  	s15 =	sxor.u32 $0x1F, s14;
	v13 =	vld [tilespmem:s16+$0x8000]  }
0x27d: {  	v10 =	vshll.u32 v0, s15;
	v14 =	vld [tilespmem:s16+$0x8010]  }
0x27e: {  	v11 =	vld [tilespmem:s16+$0x8020];
	v10 =	vbroadcast v10, $0x0  }
0x27f: {  	v12 =	vld [tilespmem:s16+$0x8030]  }
0x280: {  	v15 =	vimm.s32 $0x0;
	s15 =	simm.s32 $0x100;
	v10 =	vor.u32 v6, v10  }
.LBB2_49:
0x281: {  	s16 =	sshra.s32 s15, $0x2;
	p0 =	sne.s32 s15, $0xF00;
	s15 =	sadd.s32 $0x100, s15;
	vm1 =	vge.u32 v13, v10  }
.Ltmp31:
0x282: {  	v13 =	vld [tilespmem:s16+$0x8000];
	v16 =	vsel vm1, $0x1, v1;
	vm1 =	vge.u32 v14, v10;
	(pc) =	sbr.rel @p0 .LBB2_49-.Ltmp31, $4  }
0x283: {  	v14 =	vld [tilespmem:s16+$0x8010];
	v15 =	vadd.s32 v16, v15;
	v16 =	vsel vm1, $0x1, v1;
	vm1 =	vge.u32 v11, v10  }
0x284: {  	v11 =	vld [tilespmem:s16+$0x8020];
	v15 =	vadd.s32 v16, v15;
	v16 =	vsel vm1, $0x1, v1;
	vm1 =	vge.u32 v12, v10  }
0x285: {  	v12 =	vld [tilespmem:s16+$0x8030];
	v15 =	vadd.s32 v16, v15;
	v16 =	vsel vm1, $0x1, v1  }
0x286: {  	v15 =	vadd.s32 v16, v15  }
0x287: {  	vm1 =	vge.u32 v13, v10  }
0x288: {  	v13 =	vsel vm1, $0x1, v1;
	vm1 =	vge.u32 v14, v10  }
0x289: {  	v13 =	vadd.s32 v13, v15;
	v14 =	vsel vm1, $0x1, v1;
	vm1 =	vge.u32 v11, v10  }
0x28a: {  	v11 =	vadd.s32 v14, v13;
	v63 =	vsel vm1, $0x1, v1;
	vm1 =	vge.u32 v12, v10  }
0x28b: {  	v11 =	vadd.s32 v63, v11;
	v12 =	vsel vm1, $0x1, v1  }
0x28c: {  	v11 =	vadd.s32 v12, v11  }
0x28d: {  	(xrf0) =	vadd.scan.msk.s32 $0xffff, v11;
	_ =	sdelay $0x5  }
0x28e: {  	v11, _, _ =	vpop (xrf0)  }
0x28f: {  	(v2sf) =	vpush v11, $0xF;
	_ =	sdelay $0xa  }
0x290: {  	s14 =	sadd.s32 $0x1, s14  }
0x291: {  	p1 =	sne.s32 s14, $0x20  }
.Ltmp32:
0x292: {  	_ = 	snop;
	(pc) =	sbr.rel @p1 .LBB2_48-.Ltmp32, $4  }
0x293: {  	_ = 	snop  }
0x294: {  	s15 =	spop (v2sf)  }
0x295: {  	p0 =	sgt.s32 s15, $0x3F  }
0x296: {  	v6 =	vpsel p0, v10, v6  }
0x297: {  	s14 =	simm.s32 $0x0  }
0x298: {  	v10 =	vld [tilespmem:s14+$0x0];
	_ =	sdelay $0x1  }
0x299: {  	vm1 =	vgt.s32 v6, $0xFFFFFFFF  }
0x29a: {  	v11 =	vsel vm1, $0xFFFFFFFF, v2  }
0x29b: {  	v6 =	vxor.u32 v6, v11  }
0x29c: {  	vm1 =	vge.f32 v10, v6  }
0x29d: {  	v11 =	vsel vm1, $0x3F800000, v3  }
0x29e: {  	(xrf0) =	vmax.scan.msk.f32 $0xffff, v11;
	_ =	sdelay $0x5  }
0x29f: {  	v11, _, _ =	vpop (xrf0)  }
0x2a0: {  	(v2sf) =	vpush v11, $0xF;
	_ =	sdelay $0xe  }
0x2a1: {  	s31 =	spop (v2sf)  }
0x2a2: {  	p1 =	sgt.f32 s31, $0.0e+00;
	_ =	sdelay $0x1  }
0x2a3: {  	v11 =	vshra.s32 @p1 v10, $0x1F  }
0x2a4: {  	v11 =	vor.u32 @p1 $0x80000000, v11  }
0x2a5: {  	s17 =	simm.s32 $0x10;
	s14 =	simm.s32 $0x0;
	vm1 =	vge.f32 @p1 v10, v6;
	v10 =	vxor.u32 @p1 v10, v11  }
0x2a6: {  	s15 =	simm.s32 $0x0;
	s16 =	simm.s32 $0x40;
	s14 =	smov.u32 @p1 s17;
	v10 =	vnsel @p1 vm1, $0x0, v10  }
.LBB2_52:
0x2a7: {  	s17 =	sshra.s32 s16, $0x2;
	s16 =	sadd.s32 $0x40, s16;
	[tilespmem:s15+$0x8400] =	vst @p1 v10;
	s15 =	smov.u32 s14  }
0x2a8: {  	v10 =	vld [tilespmem:s17+$0x0];
	p0 =	sne.s32 s16, $0x20000;
	_ =	sdelay $0x4  }
0x2a9: {  	vm1 =	vge.f32 v10, v6  }
0x2aa: {  	v11 =	vsel vm1, $0x3F800000, v3  }
0x2ab: {  	(xrf0) =	vmax.scan.msk.f32 $0xffff, v11;
	_ =	sdelay $0x5  }
0x2ac: {  	v11, _, _ =	vpop (xrf0)  }
0x2ad: {  	(v2sf) =	vpush v11, $0xF;
	_ =	sdelay $0xe  }
0x2ae: {  	s17 =	spop (v2sf)  }
0x2af: {  	p1 =	sgt.f32 s17, $0.0e+00  }
.Ltmp33:
0x2b0: {  	s17 =	sadd.s32 $0x10, s14;
	(pc) =	sbr.rel @p0 .LBB2_52-.Ltmp33, $4  }
0x2b1: {  	v11 =	vshra.s32 @p1 v10, $0x1F;
	s14 =	smov.u32 @p1 s17  }
0x2b2: {  	v11 =	vor.u32 @p1 $0x80000000, v11  }
0x2b3: {  	vm1 =	vge.f32 @p1 v10, v6;
	v10 =	vxor.u32 @p1 v10, v11  }
0x2b4: {  	v10 =	vnsel @p1 vm1, $0x0, v10  }
0x2b5: {  	s16 =	sand.u32 $0xF, s14  }
0x2b6: {  	s17 =	sshra.s32 s14, $0x1F;
	p0 =	slt.s32 s14, $0x1;
	p2 =	sne.s32 s16, $0x0  }
0x2b7: {  	s29 =	sshrl.u32 s17, $0x1C;
	p0 =	por !p0, !p2  }
0x2b8: {  	s17 =	simm.s32 $0x1;
	s16 =	sadd.s32 s29, s14;
	p0 =	por !p0, !p0  }
0x2b9: {  	s16 =	sshra.s32 s16, $0x4;
	s17 =	simm.s32 @!p0 $0x0  }
0x2ba: {  	s16 =	ssub.s32 s16, s17  }
0x2bb: {  	s17 =	sadd.s32 $0x3, s16  }
0x2bc: {  	s18 =	sand.u32 $0x3, s17  }
0x2bd: {  	p5 =	slt.s32 s16, $0xFFFFFFFE;
	p6 =	sne.s32 s18, $0x0  }
.Ltmp34:
0x2be: {  	s30 =	sshrl.u32 s17, $0x1E;
	p0 =	por !p5, !p6;
	(pc) =	sbr.rel .LBB2_54-.Ltmp34, $4  }
0x2bf: {  	[tilespmem:s15+$0x8400] =	vst @p1 v10;
	v6 =	vimm.s32 $0x0;
	s16 =	simm.s32 $0x1;
	s31 =	sadd.s32 s30, s17;
	p0 =	por !p0, !p0  }
0x2c0: {  	[tilespmem:s14+$0x8400] =	vst v6;
	s15 =	sshra.s32 s31, $0x2;
	s16 =	simm.s32 @!p0 $0x0  }
0x2c1: {  	[tilespmem:s14+$0x8410] =	vst v6;
	s18 =	ssub.s32 s15, s16  }
0x2c2: {  	[tilespmem:s14+$0x8420] =	vst v6;
	s14 =	simm.s32 $0x0;
	p0 =	slt.s32 s18, $0x1  }
.LBB2_57:
0x2c3: {  	v15 =	vsel vm1, $0x1, v1;
	vm1 =	vge.u32 v13, v10  }
0x2c4: {  	v59 =	vadd.s32 v15, v14;
	v60 =	vsel vm1, $0x1, v1;
	vm1 =	vge.u32 v12, v10  }
0x2c5: {  	v61 =	vadd.s32 v60, v59;
	v62 =	vsel vm1, $0x1, v1;
	vm1 =	vge.u32 v11, v10  }
0x2c6: {  	v11 =	vadd.s32 v62, v61;
	v63 =	vsel vm1, $0x1, v1  }
0x2c7: {  	v11 =	vadd.s32 v63, v11  }
.LBB2_58:
0x2c8: {  	(xrf0) =	vadd.scan.msk.s32 $0xffff, v11;
	_ =	sdelay $0x5  }
0x2c9: {  	v11, _, _ =	vpop (xrf0)  }
0x2ca: {  	(v2sf) =	vpush v11, $0xF;
	_ =	sdelay $0xa  }
0x2cb: {  	s14 =	sadd.s32 $0x1, s14  }
0x2cc: {  	p2 =	seq.s32 s14, $0x20  }
.Ltmp35:
0x2cd: {  	_ = 	snop;
	(pc) =	sbr.rel @p2 .LBB2_59-.Ltmp35, $4  }
0x2ce: {  	_ = 	snop  }
0x2cf: {  	s15 =	spop (v2sf)  }
0x2d0: {  	p1 =	sgt.s32 s15, $0x3F  }
0x2d1: {  	v6 =	vpsel p1, v10, v6  }
.LBB2_54:
.Ltmp36:
0x2d2: {  	s15 =	sxor.u32 $0x1F, s14;
	(pc) =	sbr.rel @p0 .LBB2_58-.Ltmp36, $3  }
0x2d3: {  	v10 =	vshll.u32 v0, s15  }
0x2d4: {  	v10 =	vbroadcast v10, $0x0;
	_ =	sdelay $0x1  }
0x2d5: {  	s16 =	simm.s32 $0x8420;
	v11 =	vimm.s32 $0x0;
	v10 =	vor.u32 v6, v10  }
0x2d6: {  	v14 =	vld [tilespmem:s16+$0xFFFFFFE0];
	p1 =	sne.s32 s18, $0x1  }
.Ltmp37:
0x2d7: {  	v13 =	vld [tilespmem:s16+$0xFFFFFFF0];
	(pc) =	sbr.rel @!p1 .LBB2_57-.Ltmp37, $3  }
0x2d8: {  	v12 =	vld [tilespmem:s16+$0x0]  }
0x2d9: {  	v11 =	vld [tilespmem:s16+$0x10];
	_ =	sdelay $0x1  }
0x2da: {  	s15 =	sadd.s32 $0xFFFFFFFF, s18;
	s16 =	sadd.s32 $0x40, s16;
	vm1 =	vge.u32 v14, v10;
	v14 =	vimm.s32 $0x0  }
.LBB2_56:
0x2db: {  	v15 =	vld [tilespmem:s16+$0xFFFFFFE0];
	p1 =	sne.s32 s15, $0x1;
	s15 =	sadd.s32 $0xFFFFFFFF, s15;
	v16 =	vsel vm1, $0x1, v1;
	vm1 =	vge.u32 v13, v10  }
.Ltmp38:
0x2dc: {  	v13 =	vld [tilespmem:s16+$0xFFFFFFF0];
	v14 =	vadd.s32 v16, v14;
	v16 =	vsel vm1, $0x1, v1;
	vm1 =	vge.u32 v12, v10;
	(pc) =	sbr.rel @p1 .LBB2_56-.Ltmp38, $4  }
0x2dd: {  	v12 =	vld [tilespmem:s16+$0x0];
	v14 =	vadd.s32 v16, v14;
	v16 =	vsel vm1, $0x1, v1;
	vm1 =	vge.u32 v11, v10  }
0x2de: {  	v11 =	vld [tilespmem:s16+$0x10];
	v14 =	vadd.s32 v16, v14;
	v16 =	vsel vm1, $0x1, v1  }
0x2df: {  	v14 =	vadd.s32 v16, v14  }
0x2e0: {  	s16 =	sadd.s32 $0x40, s16;
	vm1 =	vge.u32 v15, v10  }
.Ltmp39:
0x2e1: {  	_ = 	snop;
	(pc) =	sbr.rel .LBB2_57-.Ltmp39, $1  }
0x2e2: {  	_ =	sdelay $0x3  }
.LBB2_59:
0x2e3: {  	(xrf2) =	vadd.scan.msk.f32 $0xffff, v9;
	_ =	sdelay $0x2  }
0x2e4: {  	vm1 =	vgt.s32 v5, $0xFFFFFFFF  }
0x2e5: {  	v9 =	vsel vm1, $0xFFFFFFFF, v2  }
0x2e6: {  	(xrf0) =	vadd.scan.msk.s32 $0xffff, v8;
	v5 =	vxor.u32 v5, v9  }
0x2e7: {  	(xrf0) =	vmax.scan.msk.f32 $0xffff, v5;
	_ =	sdelay $0x3  }
0x2e8: {  	v5, _, _ =	vpop (xrf2)  }
0x2e9: {  	v8, _, _ =	vpop (xrf0);
	(v2sf) =	vpush v5, $0xF  }
0x2ea: {  	v5, _, _ =	vpop (xrf0);
	(v2sf) =	vpush v8, $0xF  }
0x2eb: {  	(v2sf) =	vpush v5, $0xF;
	_ =	sdelay $0x9  }
0x2ec: {  	p0 =	sgt.s32 s18, $0x0  }
.Ltmp40:
0x2ed: {  	_ = 	snop;
	(pc) =	sbr.rel @!p0 .LBB2_67-.Ltmp40, $4  }
0x2ee: {  	_ = 	snop  }
0x2ef: {  	s15 =	spop (v2sf)  }
0x2f0: {  	s14 =	spop (v2sf)  }
0x2f1: {  	s17 =	simm.s32 $0x8420;
	v9 =	vimm.f32 $0.0e+00;
	v8 =	vimm.s32 $0x0;
	s16 =	spop (v2sf)  }
0x2f2: {  	p1 =	sne.s32 s18, $0x1  }
.Ltmp41:
0x2f3: {  	_ = 	snop;
	(pc) =	sbr.rel @!p1 .LBB2_61-.Ltmp41, $3  }
0x2f4: {  	v5 =	vld [tilespmem:s17+$0x10];
	_ =	sdelay $0x1  }
0x2f5: {  	v11 =	vld [tilespmem:s17+$0x0]  }
0x2f6: {  	v10 =	vld [tilespmem:s17+$0xFFFFFFE0];
	s18 =	sadd.s32 $0xFFFFFFFF, s18;
	p0 =	por $0x0, $0x0  }
0x2f7: {  	v12 =	vld [tilespmem:s17+$0xFFFFFFF0];
	_ =	sdelay $0x2  }
0x2f8: {  	vm1 =	vgt.u32 v5, v6  }
0x2f9: {  	vm2 =	vgt.u32 v11, v6;
	vm3 =	vgt.s32 v10, $0xFFFFFFFF;
	vm6 =	vgt.u32 v10, v6  }
0x2fa: {  	p1 =	sne.s32 s18, $0x1;
	v13 =	vsel vm3, $0xFFFFFFFF, v2;
	vm4 =	vgt.u32 v12, v6;
	vm3 =	vgt.s32 v5, $0xFFFFFFFF  }
.Ltmp42:
0x2fb: {  	vm5 =	vgt.s32 v12, $0xFFFFFFFF;
	v17 =	vsel vm6, $0x1, v1;
	v10 =	vxor.u32 v10, v13;
	(pc) =	sbr.rel @!p1 .LBB2_63-.Ltmp42, $4  }
0x2fc: {  	s17 =	simm.s32 $0x8460;
	v13 =	vsel vm5, $0xFFFFFFFF, v2;
	vm5 =	vgt.s32 v11, $0xFFFFFFFF;
	v10 =	vnsel vm6, $0x0, v10  }
0x2fd: {  	v14 =	vld [tilespmem:s17+$0x10];
	v15 =	vsel vm4, $0x1, v1;
	v12 =	vxor.u32 v12, v13;
	v18 =	vadd.f32 v10, v9  }
0x2fe: {  	v16 =	vld [tilespmem:s17+$0x0];
	v13 =	vsel vm2, $0x1, v1;
	v19 =	vsel vm5, $0xFFFFFFFF, v2;
	v12 =	vnsel vm4, $0x0, v12  }
0x2ff: {  	s18 =	sadd.s32 $0xFFFFFFFF, s18;
	p0 =	por $0x1, $0x1;
	v10 =	vld [tilespmem:s17+$0xFFFFFFE0];
	v19 =	vxor.u32 v11, v19;
	v18 =	vadd.f32 v12, v18;
	v12 =	vimm.s32 $0x0  }
.LBB2_64:
0x300: {  	p1 =	sne.s32 s18, $0x1;
	v11 =	vld [tilespmem:s17+$0xFFFFFFF0];
	v12 =	vadd.s32 v17, v12;
	v17 =	vnsel vm2, $0x0, v19;
	v19 =	vsel vm3, $0xFFFFFFFF, v2  }
0x301: {  	v12 =	vadd.s32 v15, v12;
	v15 =	vadd.f32 v17, v18;
	v18 =	vxor.u32 v5, v19  }
0x302: {  	v17 =	vsel vm1, $0x1, v1;
	v12 =	vadd.s32 v13, v12;
	v13 =	vnsel vm1, $0x0, v18;
	v5 =	vmovc v14  }
0x303: {  	v13 =	vadd.f32 v13, v15;
	v12 =	vadd.s32 v17, v12;
	v19 =	vmov v16  }
0x304: {  	vm1 =	vgt.u32 v5, v6;
	vm3 =	vgt.s32 v10, $0xFFFFFFFF;
	vm2 =	vgt.u32 v19, v6  }
0x305: {  	v14 =	vsel vm3, $0xFFFFFFFF, v2;
	vm4 =	vgt.u32 v11, v6;
	vm3 =	vgt.s32 v5, $0xFFFFFFFF  }
.Ltmp43:
0x306: {  	vm5 =	vgt.u32 v10, v6;
	vm6 =	vgt.s32 v11, $0xFFFFFFFF;
	v10 =	vxor.u32 v10, v14;
	(pc) =	sbr.rel @p1 .LBB2_64-.Ltmp43, $4  }
0x307: {  	s17 =	sadd.s32 $0x40, s17;
	v15 =	vsel vm6, $0xFFFFFFFF, v2;
	vm6 =	vgt.s32 v19, $0xFFFFFFFF;
	v10 =	vnsel vm5, $0x0, v10  }
0x308: {  	v14 =	vld [tilespmem:s17+$0x10];
	v18 =	vadd.f32 v10, v13;
	v10 =	vxor.u32 v11, v15;
	v13 =	vsel vm2, $0x1, v1  }
0x309: {  	v20 =	vsel vm6, $0xFFFFFFFF, v2;
	v15 =	vsel vm4, $0x1, v1;
	v16 =	vld [tilespmem:s17+$0x0];
	v11 =	vnsel vm4, $0x0, v10  }
0x30a: {  	s18 =	sadd.s32 $0xFFFFFFFF, s18;
	v17 =	vsel vm5, $0x1, v1;
	v19 =	vxor.u32 v19, v20;
	v10 =	vld [tilespmem:s17+$0xFFFFFFE0];
	v18 =	vadd.f32 v11, v18  }
0x30b: {  	_ =	sdelay $0x2  }
0x30c: {  	v20 =	vmov v5;
	v5 =	vmov v14;
	v11 =	vmov v16  }
.LBB2_66:
0x30d: {  	v16 =	vnsel @p0 vm2, $0x0, v19  }
0x30e: {  	v19 =	vsel @p0 vm3, $0xFFFFFFFF, v2;
	v12 =	vadd.s32 @p0 v17, v12;
	vm2 =	vgt.u32 v11, v6  }
0x30f: {  	v14 =	vld [tilespmem:s17+$0xFFFFFFF0];
	vm3 =	vgt.u32 v5, v6;
	vm4 =	vgt.u32 v10, v6;
	vm6 =	vgt.s32 v5, $0xFFFFFFFF  }
0x310: {  	vm15 =	vgt.s32 v11, $0xFFFFFFFF;
	v16 =	vadd.f32 @p0 v16, v18;
	v17 =	vxor.u32 @p0 v20, v19  }
0x311: {  	v12 =	vadd.s32 @p0 v15, v12;
	v61 =	vsel vm15, $0xFFFFFFFF, v2;
	v15 =	vnsel @p0 vm1, $0x0, v17  }
0x312: {  	v12 =	vadd.s32 @p0 v13, v12;
	v13 =	vsel @p0 vm1, $0x1, v1;
	vm1 =	vgt.s32 v10, $0xFFFFFFFF  }
0x313: {  	v62 =	vsel vm4, $0x1, v1;
	v15 =	vadd.f32 @p0 v15, v16;
	v58 =	vsel vm1, $0xFFFFFFFF, v2  }
0x314: {  	v12 =	vadd.s32 @p0 v13, v12;
	v10 =	vxor.u32 v10, v58;
	vm5 =	vgt.s32 v14, $0xFFFFFFFF  }
0x315: {  	v10 =	vnsel vm4, $0x0, v10;
	v9 =	vpsel p0, v15, v9;
	v59 =	vsel vm5, $0xFFFFFFFF, v2  }
0x316: {  	vm1 =	vgt.u32 v14, v6;
	v9 =	vadd.f32 v10, v9;
	v13 =	vxor.u32 v14, v59  }
0x317: {  	v63 =	vsel vm6, $0xFFFFFFFF, v2;
	v11 =	vxor.u32 v11, v61;
	v13 =	vnsel vm1, $0x0, v13  }
0x318: {  	v5 =	vxor.u32 v5, v63;
	v8 =	vpsel p0, v12, v8;
	v9 =	vadd.f32 v13, v9  }
0x319: {  	v11 =	vnsel vm2, $0x0, v11;
	v8 =	vadd.s32 v62, v8;
	v60 =	vsel vm1, $0x1, v1  }
0x31a: {  	v10 =	vsel vm2, $0x1, v1;
	v8 =	vadd.s32 v60, v8;
	v9 =	vadd.f32 v11, v9  }
0x31b: {  	v5 =	vnsel vm3, $0x0, v5;
	v8 =	vadd.s32 v10, v8;
	v10 =	vsel vm3, $0x1, v1  }
0x31c: {  	v8 =	vadd.s32 v10, v8;
	v9 =	vadd.f32 v5, v9  }
.LBB2_67:
0x31d: {  	s14 =	scvt.s32.f32 s14;
	_ =	sdelay $0x1  }
0x31e: {  	s14 =	ssub.f32 $6.400000000e+01, s14;
	_ =	sdelay $0x1  }
0x31f: {  	s16 =	smul.f32 s14, s16;
	s14 =	simm.s32 $0x0  }
0x320: {  	[tilespmem:s14], [sflag:$0x1] =	stream.strided.gather [hbm4b:s6+s9], $0x8000, s10, s9, $0x38;
	[tilespmem:$0x10500] =	vst v63  }
0x321: {  	s15 =	sadd.f32 s16, s15;
	_ =	swait.ge [sflag:s11], $0x8000  }
0x322: {  	[sflag:s11] =	ssyncset.done $0x0  }
0x323: {  	s16 =	simm.s32 $0x100;
	s15 =	smul.f32 $1.562500000e-02, s15;
	[sflag:s11] =	ssyncadd.s32 $0xFFFF8000  }
0x324: {  	vm1 =	veq.s32 v4, $0x1;
	v10 =	vld [tilespmem:s16+$0xFFFFFF10]  }
0x325: {  	s17 =	simm.s32 $0x40;
	v5 =	vsel vm1, s15, v7;
	v7 =	vld [tilespmem:s16+$0xFFFFFF00];
	s15 =	simm.s32 $0x0  }
.LBB2_68:
0x326: {  	p0 =	sne.s32 s17, $0xFC0;
	v11 =	vld [tilespmem:s16+$0xFFFFFF20]  }
0x327: {  	v12 =	vld [tilespmem:s16+$0xFFFFFF30]  }
0x328: {  	v13 =	vld [tilespmem:s16+$0xFFFFFF40]  }
0x329: {  	v14 =	vld [tilespmem:s16+$0xFFFFFF50]  }
0x32a: {  	v7 =	vmax.f32 v7, v10;
	v10 =	vld [tilespmem:s16+$0xFFFFFF60]  }
0x32b: {  	v7 =	vmax.f32 v7, v11;
	v11 =	vld [tilespmem:s16+$0xFFFFFF70]  }
0x32c: {  	v7 =	vmax.f32 v7, v12;
	v12 =	vld [tilespmem:s16+$0xFFFFFF80]  }
0x32d: {  	v7 =	vmax.f32 v7, v13;
	v13 =	vld [tilespmem:s16+$0xFFFFFF90]  }
0x32e: {  	v7 =	vmax.f32 v7, v14;
	v14 =	vld [tilespmem:s16+$0xFFFFFFA0]  }
0x32f: {  	v7 =	vmax.f32 v7, v10;
	v10 =	vld [tilespmem:s16+$0xFFFFFFB0]  }
0x330: {  	v7 =	vmax.f32 v7, v11;
	v11 =	vld [tilespmem:s16+$0xFFFFFFC0]  }
0x331: {  	v7 =	vmax.f32 v7, v12;
	v12 =	vld [tilespmem:s16+$0xFFFFFFD0]  }
0x332: {  	v7 =	vmax.f32 v7, v13;
	v13 =	vld [tilespmem:s16+$0xFFFFFFE0]  }
0x333: {  	v7 =	vmax.f32 v7, v14;
	v14 =	vld [tilespmem:s16+$0xFFFFFFF0]  }
0x334: {  	v7 =	vmax.f32 v7, v10;
	v10 =	vld [tilespmem:s16+$0x0]  }
0x335: {  	v7 =	vmax.f32 v7, v11;
	v11 =	vld [tilespmem:s16+$0x10]  }
0x336: {  	v7 =	vmax.f32 v7, v12;
	v12 =	vld [tilespmem:s16+$0x20]  }
0x337: {  	v7 =	vmax.f32 v7, v13;
	v13 =	vld [tilespmem:s16+$0x30]  }
0x338: {  	v7 =	vmax.f32 v7, v14;
	v14 =	vld [tilespmem:s16+$0x40]  }
0x339: {  	v7 =	vmax.f32 v7, v10;
	v10 =	vld [tilespmem:s16+$0x50]  }
0x33a: {  	v7 =	vmax.f32 v7, v11;
	v11 =	vld [tilespmem:s16+$0x60]  }
0x33b: {  	v7 =	vmax.f32 v7, v12;
	v12 =	vld [tilespmem:s16+$0x70]  }
0x33c: {  	v7 =	vmax.f32 v7, v13;
	v13 =	vld [tilespmem:s16+$0x80]  }
0x33d: {  	v7 =	vmax.f32 v7, v14;
	v14 =	vld [tilespmem:s16+$0x90]  }
0x33e: {  	v7 =	vmax.f32 v7, v10;
	v10 =	vld [tilespmem:s16+$0xA0]  }
0x33f: {  	v7 =	vmax.f32 v7, v11;
	v11 =	vld [tilespmem:s16+$0xB0]  }
0x340: {  	v7 =	vmax.f32 v7, v12;
	v12 =	vld [tilespmem:s16+$0xC0]  }
0x341: {  	v7 =	vmax.f32 v7, v13;
	v13 =	vld [tilespmem:s16+$0xD0]  }
0x342: {  	v7 =	vmax.f32 v7, v14;
	v14 =	vld [tilespmem:s16+$0xE0]  }
0x343: {  	v7 =	vmax.f32 v7, v10;
	v10 =	vld [tilespmem:s16+$0xF0]  }
0x344: {  	v7 =	vmax.f32 v7, v11  }
0x345: {  	v7 =	vmax.f32 v7, v12  }
0x346: {  	v7 =	vmax.f32 v7, v13  }
0x347: {  	v7 =	vmax.f32 v7, v14  }
0x348: {  	v7 =	vmax.f32 v7, v10  }
0x349: {  	v10 =	vshra.s32 v7, $0x1F  }
.Ltmp44:
0x34a: {  	v10 =	vor.u32 $0x80000000, v10;
	(pc) =	sbr.rel @p0 .LBB2_68-.Ltmp44, $4  }
0x34b: {  	s18 =	sshra.s32 s15, $0x2;
	s15 =	smov.u32 s17;
	v7 =	vxor.u32 v7, v10  }
0x34c: {  	s16 =	sadd.s32 $0x200, s16;
	[tilespmem:s18+$0x8000] =	vst v7  }
0x34d: {  	v10 =	vld [tilespmem:s16+$0xFFFFFF10]  }
0x34e: {  	s17 =	sadd.s32 $0x40, s17;
	v7 =	vld [tilespmem:s16+$0xFFFFFF00]  }
0x34f: {  	v11 =	vld [tilespmem:s16+$0xFFFFFF20]  }
0x350: {  	v12 =	vld [tilespmem:s16+$0xFFFFFF30]  }
0x351: {  	v13 =	vld [tilespmem:s16+$0xFFFFFF40]  }
0x352: {  	v14 =	vld [tilespmem:s16+$0xFFFFFF50]  }
0x353: {  	v7 =	vmax.f32 v7, v10;
	v10 =	vld [tilespmem:s16+$0xFFFFFF60]  }
0x354: {  	v7 =	vmax.f32 v7, v11;
	v11 =	vld [tilespmem:s16+$0xFFFFFF70]  }
0x355: {  	v49 =	vld [tilespmem:s16+$0xFFFFFF80];
	v7 =	vmax.f32 v7, v12  }
0x356: {  	v50 =	vld [tilespmem:s16+$0xFFFFFF90];
	v7 =	vmax.f32 v7, v13  }
0x357: {  	v51 =	vld [tilespmem:s16+$0xFFFFFFA0];
	v7 =	vmax.f32 v7, v14  }
0x358: {  	v7 =	vmax.f32 v7, v10;
	v10 =	vld [tilespmem:s16+$0xFFFFFFB0]  }
0x359: {  	v7 =	vmax.f32 v7, v11;
	v11 =	vld [tilespmem:s16+$0xFFFFFFC0]  }
0x35a: {  	v52 =	vld [tilespmem:s16+$0xFFFFFFD0];
	v7 =	vmax.f32 v7, v49  }
0x35b: {  	v53 =	vld [tilespmem:s16+$0xFFFFFFE0];
	v7 =	vmax.f32 v7, v50  }
0x35c: {  	v54 =	vld [tilespmem:s16+$0xFFFFFFF0];
	v7 =	vmax.f32 v7, v51  }
0x35d: {  	v7 =	vmax.f32 v7, v10;
	v10 =	vld [tilespmem:s16+$0x0]  }
0x35e: {  	v7 =	vmax.f32 v7, v11;
	v11 =	vld [tilespmem:s16+$0x10]  }
0x35f: {  	v55 =	vld [tilespmem:s16+$0x20];
	v7 =	vmax.f32 v7, v52  }
0x360: {  	v56 =	vld [tilespmem:s16+$0x30];
	v7 =	vmax.f32 v7, v53  }
0x361: {  	v57 =	vld [tilespmem:s16+$0x40];
	v7 =	vmax.f32 v7, v54  }
0x362: {  	v7 =	vmax.f32 v7, v10;
	v10 =	vld [tilespmem:s16+$0x50]  }
0x363: {  	v7 =	vmax.f32 v7, v11;
	v11 =	vld [tilespmem:s16+$0x60]  }
0x364: {  	v58 =	vld [tilespmem:s16+$0x70];
	v7 =	vmax.f32 v7, v55  }
0x365: {  	v59 =	vld [tilespmem:s16+$0x80];
	v7 =	vmax.f32 v7, v56  }
0x366: {  	v60 =	vld [tilespmem:s16+$0x90];
	v7 =	vmax.f32 v7, v57  }
0x367: {  	v7 =	vmax.f32 v7, v10;
	v10 =	vld [tilespmem:s16+$0xA0]  }
0x368: {  	v7 =	vmax.f32 v7, v11;
	v11 =	vld [tilespmem:s16+$0xB0]  }
0x369: {  	v61 =	vld [tilespmem:s16+$0xC0];
	v7 =	vmax.f32 v7, v58  }
0x36a: {  	v62 =	vld [tilespmem:s16+$0xD0];
	v7 =	vmax.f32 v7, v59  }
0x36b: {  	v63 =	vld [tilespmem:s16+$0xE0];
	v7 =	vmax.f32 v7, v60  }
0x36c: {  	v7 =	vmax.f32 v7, v10;
	v10 =	vld [tilespmem:s16+$0xF0]  }
0x36d: {  	v7 =	vmax.f32 v7, v11  }
0x36e: {  	v7 =	vmax.f32 v7, v61  }
0x36f: {  	v7 =	vmax.f32 v7, v62  }
0x370: {  	v7 =	vmax.f32 v7, v63  }
0x371: {  	v7 =	vmax.f32 v7, v10  }
0x372: {  	v10 =	vshra.s32 v7, $0x1F  }
0x373: {  	v10 =	vor.u32 $0x80000000, v10  }
0x374: {  	s15 =	sshra.s32 s15, $0x2;
	v7 =	vxor.u32 v7, v10  }
0x375: {  	[tilespmem:s15+$0x8000] =	vst v7;
	v7 =	vimm.s32 $0x0  }
.LBB2_70:
0x376: {  	s16 =	simm.s32 $0x0  }
0x377: {  	s15 =	sxor.u32 $0x1F, s14;
	v13 =	vld [tilespmem:s16+$0x8000]  }
0x378: {  	v10 =	vshll.u32 v0, s15;
	v14 =	vld [tilespmem:s16+$0x8010]  }
0x379: {  	v11 =	vld [tilespmem:s16+$0x8020];
	v10 =	vbroadcast v10, $0x0  }
0x37a: {  	v12 =	vld [tilespmem:s16+$0x8030]  }
0x37b: {  	v15 =	vimm.s32 $0x0;
	s15 =	simm.s32 $0x100;
	v10 =	vor.u32 v7, v10  }
.LBB2_71:
0x37c: {  	s16 =	sshra.s32 s15, $0x2;
	p0 =	sne.s32 s15, $0xF00;
	s15 =	sadd.s32 $0x100, s15;
	vm1 =	vge.u32 v13, v10  }
.Ltmp45:
0x37d: {  	v13 =	vld [tilespmem:s16+$0x8000];
	v16 =	vsel vm1, $0x1, v1;
	vm1 =	vge.u32 v14, v10;
	(pc) =	sbr.rel @p0 .LBB2_71-.Ltmp45, $4  }
0x37e: {  	v14 =	vld [tilespmem:s16+$0x8010];
	v15 =	vadd.s32 v16, v15;
	v16 =	vsel vm1, $0x1, v1;
	vm1 =	vge.u32 v11, v10  }
0x37f: {  	v11 =	vld [tilespmem:s16+$0x8020];
	v15 =	vadd.s32 v16, v15;
	v16 =	vsel vm1, $0x1, v1;
	vm1 =	vge.u32 v12, v10  }
0x380: {  	v12 =	vld [tilespmem:s16+$0x8030];
	v15 =	vadd.s32 v16, v15;
	v16 =	vsel vm1, $0x1, v1  }
0x381: {  	v15 =	vadd.s32 v16, v15  }
0x382: {  	vm1 =	vge.u32 v13, v10  }
0x383: {  	v13 =	vsel vm1, $0x1, v1;
	vm1 =	vge.u32 v14, v10  }
0x384: {  	v13 =	vadd.s32 v13, v15;
	v14 =	vsel vm1, $0x1, v1;
	vm1 =	vge.u32 v11, v10  }
0x385: {  	v11 =	vadd.s32 v14, v13;
	v63 =	vsel vm1, $0x1, v1;
	vm1 =	vge.u32 v12, v10  }
0x386: {  	v11 =	vadd.s32 v63, v11;
	v12 =	vsel vm1, $0x1, v1  }
0x387: {  	v11 =	vadd.s32 v12, v11  }
0x388: {  	(xrf0) =	vadd.scan.msk.s32 $0xffff, v11;
	_ =	sdelay $0x5  }
0x389: {  	v11, _, _ =	vpop (xrf0)  }
0x38a: {  	(v2sf) =	vpush v11, $0xF;
	_ =	sdelay $0xa  }
0x38b: {  	s14 =	sadd.s32 $0x1, s14  }
0x38c: {  	p1 =	sne.s32 s14, $0x20  }
.Ltmp46:
0x38d: {  	_ = 	snop;
	(pc) =	sbr.rel @p1 .LBB2_70-.Ltmp46, $4  }
0x38e: {  	_ = 	snop  }
0x38f: {  	s15 =	spop (v2sf)  }
0x390: {  	p0 =	sgt.s32 s15, $0x3F  }
0x391: {  	v7 =	vpsel p0, v10, v7  }
0x392: {  	s14 =	simm.s32 $0x0  }
0x393: {  	v10 =	vld [tilespmem:s14+$0x0];
	_ =	sdelay $0x1  }
0x394: {  	vm1 =	vgt.s32 v7, $0xFFFFFFFF  }
0x395: {  	v11 =	vsel vm1, $0xFFFFFFFF, v2  }
0x396: {  	v7 =	vxor.u32 v7, v11  }
0x397: {  	vm1 =	vge.f32 v10, v7  }
0x398: {  	v11 =	vsel vm1, $0x3F800000, v3  }
0x399: {  	(xrf0) =	vmax.scan.msk.f32 $0xffff, v11;
	_ =	sdelay $0x5  }
0x39a: {  	v11, _, _ =	vpop (xrf0)  }
0x39b: {  	(v2sf) =	vpush v11, $0xF;
	_ =	sdelay $0xe  }
0x39c: {  	s31 =	spop (v2sf)  }
0x39d: {  	p1 =	sgt.f32 s31, $0.0e+00;
	_ =	sdelay $0x1  }
0x39e: {  	v11 =	vshra.s32 @p1 v10, $0x1F  }
0x39f: {  	v11 =	vor.u32 @p1 $0x80000000, v11  }
0x3a0: {  	s17 =	simm.s32 $0x10;
	s14 =	simm.s32 $0x0;
	vm1 =	vge.f32 @p1 v10, v7;
	v10 =	vxor.u32 @p1 v10, v11  }
0x3a1: {  	s15 =	simm.s32 $0x0;
	s16 =	simm.s32 $0x40;
	s14 =	smov.u32 @p1 s17;
	v10 =	vnsel @p1 vm1, $0x0, v10  }
.LBB2_74:
0x3a2: {  	s17 =	sshra.s32 s16, $0x2;
	s16 =	sadd.s32 $0x40, s16;
	[tilespmem:s15+$0x8400] =	vst @p1 v10;
	s15 =	smov.u32 s14  }
0x3a3: {  	v10 =	vld [tilespmem:s17+$0x0];
	p0 =	sne.s32 s16, $0x20000;
	_ =	sdelay $0x4  }
0x3a4: {  	vm1 =	vge.f32 v10, v7  }
0x3a5: {  	v11 =	vsel vm1, $0x3F800000, v3  }
0x3a6: {  	(xrf0) =	vmax.scan.msk.f32 $0xffff, v11;
	_ =	sdelay $0x5  }
0x3a7: {  	v11, _, _ =	vpop (xrf0)  }
0x3a8: {  	(v2sf) =	vpush v11, $0xF;
	_ =	sdelay $0xe  }
0x3a9: {  	s17 =	spop (v2sf)  }
0x3aa: {  	p1 =	sgt.f32 s17, $0.0e+00  }
.Ltmp47:
0x3ab: {  	s17 =	sadd.s32 $0x10, s14;
	(pc) =	sbr.rel @p0 .LBB2_74-.Ltmp47, $4  }
0x3ac: {  	v11 =	vshra.s32 @p1 v10, $0x1F;
	s14 =	smov.u32 @p1 s17  }
0x3ad: {  	v11 =	vor.u32 @p1 $0x80000000, v11  }
0x3ae: {  	vm1 =	vge.f32 @p1 v10, v7;
	v10 =	vxor.u32 @p1 v10, v11  }
0x3af: {  	v10 =	vnsel @p1 vm1, $0x0, v10  }
0x3b0: {  	s16 =	sand.u32 $0xF, s14  }
0x3b1: {  	s17 =	sshra.s32 s14, $0x1F;
	p0 =	slt.s32 s14, $0x1;
	p2 =	sne.s32 s16, $0x0  }
0x3b2: {  	s29 =	sshrl.u32 s17, $0x1C;
	p0 =	por !p0, !p2  }
0x3b3: {  	s17 =	simm.s32 $0x1;
	s16 =	sadd.s32 s29, s14;
	p0 =	por !p0, !p0  }
0x3b4: {  	s16 =	sshra.s32 s16, $0x4;
	s17 =	simm.s32 @!p0 $0x0  }
0x3b5: {  	s16 =	ssub.s32 s16, s17  }
0x3b6: {  	s17 =	sadd.s32 $0x3, s16  }
0x3b7: {  	s18 =	sand.u32 $0x3, s17  }
0x3b8: {  	p5 =	slt.s32 s16, $0xFFFFFFFE;
	p6 =	sne.s32 s18, $0x0  }
.Ltmp48:
0x3b9: {  	s30 =	sshrl.u32 s17, $0x1E;
	p0 =	por !p5, !p6;
	(pc) =	sbr.rel .LBB2_76-.Ltmp48, $4  }
0x3ba: {  	[tilespmem:s15+$0x8400] =	vst @p1 v10;
	v7 =	vimm.s32 $0x0;
	s16 =	simm.s32 $0x1;
	s31 =	sadd.s32 s30, s17;
	p0 =	por !p0, !p0  }
0x3bb: {  	[tilespmem:s14+$0x8400] =	vst v7;
	s15 =	sshra.s32 s31, $0x2;
	s16 =	simm.s32 @!p0 $0x0  }
0x3bc: {  	[tilespmem:s14+$0x8410] =	vst v7;
	s18 =	ssub.s32 s15, s16  }
0x3bd: {  	[tilespmem:s14+$0x8420] =	vst v7;
	s14 =	simm.s32 $0x0;
	p0 =	slt.s32 s18, $0x1  }
.LBB2_79:
0x3be: {  	v15 =	vsel vm1, $0x1, v1;
	vm1 =	vge.u32 v13, v10  }
0x3bf: {  	v59 =	vadd.s32 v15, v14;
	v60 =	vsel vm1, $0x1, v1;
	vm1 =	vge.u32 v12, v10  }
0x3c0: {  	v61 =	vadd.s32 v60, v59;
	v62 =	vsel vm1, $0x1, v1;
	vm1 =	vge.u32 v11, v10  }
0x3c1: {  	v11 =	vadd.s32 v62, v61;
	v63 =	vsel vm1, $0x1, v1  }
0x3c2: {  	v11 =	vadd.s32 v63, v11  }
.LBB2_80:
0x3c3: {  	(xrf0) =	vadd.scan.msk.s32 $0xffff, v11;
	_ =	sdelay $0x5  }
0x3c4: {  	v11, _, _ =	vpop (xrf0)  }
0x3c5: {  	(v2sf) =	vpush v11, $0xF;
	_ =	sdelay $0xa  }
0x3c6: {  	s14 =	sadd.s32 $0x1, s14  }
0x3c7: {  	p2 =	seq.s32 s14, $0x20  }
.Ltmp49:
0x3c8: {  	_ = 	snop;
	(pc) =	sbr.rel @p2 .LBB2_81-.Ltmp49, $4  }
0x3c9: {  	_ = 	snop  }
0x3ca: {  	s15 =	spop (v2sf)  }
0x3cb: {  	p1 =	sgt.s32 s15, $0x3F  }
0x3cc: {  	v7 =	vpsel p1, v10, v7  }
.LBB2_76:
.Ltmp50:
0x3cd: {  	s15 =	sxor.u32 $0x1F, s14;
	(pc) =	sbr.rel @p0 .LBB2_80-.Ltmp50, $3  }
0x3ce: {  	v10 =	vshll.u32 v0, s15  }
0x3cf: {  	v10 =	vbroadcast v10, $0x0;
	_ =	sdelay $0x1  }
0x3d0: {  	s16 =	simm.s32 $0x8420;
	v11 =	vimm.s32 $0x0;
	v10 =	vor.u32 v7, v10  }
0x3d1: {  	v14 =	vld [tilespmem:s16+$0xFFFFFFE0];
	p1 =	sne.s32 s18, $0x1  }
.Ltmp51:
0x3d2: {  	v13 =	vld [tilespmem:s16+$0xFFFFFFF0];
	(pc) =	sbr.rel @!p1 .LBB2_79-.Ltmp51, $3  }
0x3d3: {  	v12 =	vld [tilespmem:s16+$0x0]  }
0x3d4: {  	v11 =	vld [tilespmem:s16+$0x10];
	_ =	sdelay $0x1  }
0x3d5: {  	s15 =	sadd.s32 $0xFFFFFFFF, s18;
	s16 =	sadd.s32 $0x40, s16;
	vm1 =	vge.u32 v14, v10;
	v14 =	vimm.s32 $0x0  }
.LBB2_78:
0x3d6: {  	v15 =	vld [tilespmem:s16+$0xFFFFFFE0];
	p1 =	sne.s32 s15, $0x1;
	s15 =	sadd.s32 $0xFFFFFFFF, s15;
	v16 =	vsel vm1, $0x1, v1;
	vm1 =	vge.u32 v13, v10  }
.Ltmp52:
0x3d7: {  	v13 =	vld [tilespmem:s16+$0xFFFFFFF0];
	v14 =	vadd.s32 v16, v14;
	v16 =	vsel vm1, $0x1, v1;
	vm1 =	vge.u32 v12, v10;
	(pc) =	sbr.rel @p1 .LBB2_78-.Ltmp52, $4  }
0x3d8: {  	v12 =	vld [tilespmem:s16+$0x0];
	v14 =	vadd.s32 v16, v14;
	v16 =	vsel vm1, $0x1, v1;
	vm1 =	vge.u32 v11, v10  }
0x3d9: {  	v11 =	vld [tilespmem:s16+$0x10];
	v14 =	vadd.s32 v16, v14;
	v16 =	vsel vm1, $0x1, v1  }
0x3da: {  	v14 =	vadd.s32 v16, v14  }
0x3db: {  	s16 =	sadd.s32 $0x40, s16;
	vm1 =	vge.u32 v15, v10  }
.Ltmp53:
0x3dc: {  	_ = 	snop;
	(pc) =	sbr.rel .LBB2_79-.Ltmp53, $1  }
0x3dd: {  	_ =	sdelay $0x3  }
.LBB2_81:
0x3de: {  	(xrf2) =	vadd.scan.msk.f32 $0xffff, v9;
	_ =	sdelay $0x2  }
0x3df: {  	vm1 =	vgt.s32 v6, $0xFFFFFFFF  }
0x3e0: {  	v9 =	vsel vm1, $0xFFFFFFFF, v2  }
0x3e1: {  	(xrf0) =	vadd.scan.msk.s32 $0xffff, v8;
	v6 =	vxor.u32 v6, v9  }
0x3e2: {  	(xrf0) =	vmax.scan.msk.f32 $0xffff, v6;
	_ =	sdelay $0x3  }
0x3e3: {  	v6, _, _ =	vpop (xrf2)  }
0x3e4: {  	v8, _, _ =	vpop (xrf0);
	(v2sf) =	vpush v6, $0xF  }
0x3e5: {  	v6, _, _ =	vpop (xrf0);
	(v2sf) =	vpush v8, $0xF  }
0x3e6: {  	(v2sf) =	vpush v6, $0xF;
	_ =	sdelay $0x9  }
0x3e7: {  	p0 =	sgt.s32 s18, $0x0  }
.Ltmp54:
0x3e8: {  	_ = 	snop;
	(pc) =	sbr.rel @!p0 .LBB2_89-.Ltmp54, $4  }
0x3e9: {  	_ = 	snop  }
0x3ea: {  	s14 =	spop (v2sf)  }
0x3eb: {  	s16 =	spop (v2sf)  }
0x3ec: {  	s17 =	simm.s32 $0x8420;
	v8 =	vimm.f32 $0.0e+00;
	v6 =	vimm.s32 $0x0;
	s15 =	spop (v2sf)  }
0x3ed: {  	p1 =	sne.s32 s18, $0x1  }
.Ltmp55:
0x3ee: {  	v9 =	vld [tilespmem:s17+$0x10];
	(pc) =	sbr.rel @!p1 .LBB2_83-.Ltmp55, $2  }
0x3ef: {  	v11 =	vld [tilespmem:s17+$0x0];
	_ =	sdelay $0x2  }
0x3f0: {  	v10 =	vld [tilespmem:s17+$0xFFFFFFE0];
	s18 =	sadd.s32 $0xFFFFFFFF, s18;
	p0 =	por $0x0, $0x0  }
0x3f1: {  	v12 =	vld [tilespmem:s17+$0xFFFFFFF0];
	_ =	sdelay $0x2  }
0x3f2: {  	vm1 =	vgt.u32 v9, v7  }
0x3f3: {  	vm2 =	vgt.u32 v11, v7;
	vm3 =	vgt.s32 v10, $0xFFFFFFFF;
	vm6 =	vgt.u32 v10, v7  }
0x3f4: {  	p1 =	sne.s32 s18, $0x1;
	v13 =	vsel vm3, $0xFFFFFFFF, v2;
	vm4 =	vgt.u32 v12, v7;
	vm3 =	vgt.s32 v9, $0xFFFFFFFF  }
.Ltmp56:
0x3f5: {  	vm5 =	vgt.s32 v12, $0xFFFFFFFF;
	v17 =	vsel vm6, $0x1, v1;
	v10 =	vxor.u32 v10, v13;
	(pc) =	sbr.rel @!p1 .LBB2_85-.Ltmp56, $4  }
0x3f6: {  	s17 =	simm.s32 $0x8460;
	v13 =	vsel vm5, $0xFFFFFFFF, v2;
	vm5 =	vgt.s32 v11, $0xFFFFFFFF;
	v10 =	vnsel vm6, $0x0, v10  }
0x3f7: {  	v14 =	vld [tilespmem:s17+$0x10];
	v15 =	vsel vm4, $0x1, v1;
	v12 =	vxor.u32 v12, v13;
	v18 =	vadd.f32 v10, v8  }
0x3f8: {  	v16 =	vld [tilespmem:s17+$0x0];
	v13 =	vsel vm2, $0x1, v1;
	v19 =	vsel vm5, $0xFFFFFFFF, v2;
	v12 =	vnsel vm4, $0x0, v12  }
0x3f9: {  	s18 =	sadd.s32 $0xFFFFFFFF, s18;
	p0 =	por $0x1, $0x1;
	v10 =	vld [tilespmem:s17+$0xFFFFFFE0];
	v19 =	vxor.u32 v11, v19;
	v18 =	vadd.f32 v12, v18;
	v12 =	vimm.s32 $0x0  }
.LBB2_86:
0x3fa: {  	p1 =	sne.s32 s18, $0x1;
	v11 =	vld [tilespmem:s17+$0xFFFFFFF0];
	v12 =	vadd.s32 v17, v12;
	v17 =	vnsel vm2, $0x0, v19;
	v19 =	vsel vm3, $0xFFFFFFFF, v2  }
0x3fb: {  	v12 =	vadd.s32 v15, v12;
	v15 =	vadd.f32 v17, v18;
	v18 =	vxor.u32 v9, v19  }
0x3fc: {  	v17 =	vsel vm1, $0x1, v1;
	v12 =	vadd.s32 v13, v12;
	v13 =	vnsel vm1, $0x0, v18;
	v9 =	vmovc v14  }
0x3fd: {  	v13 =	vadd.f32 v13, v15;
	v12 =	vadd.s32 v17, v12;
	v19 =	vmov v16  }
0x3fe: {  	vm1 =	vgt.u32 v9, v7;
	vm3 =	vgt.s32 v10, $0xFFFFFFFF;
	vm2 =	vgt.u32 v19, v7  }
0x3ff: {  	v14 =	vsel vm3, $0xFFFFFFFF, v2;
	vm4 =	vgt.u32 v11, v7;
	vm3 =	vgt.s32 v9, $0xFFFFFFFF  }
.Ltmp57:
0x400: {  	vm5 =	vgt.u32 v10, v7;
	vm6 =	vgt.s32 v11, $0xFFFFFFFF;
	v10 =	vxor.u32 v10, v14;
	(pc) =	sbr.rel @p1 .LBB2_86-.Ltmp57, $4  }
0x401: {  	s17 =	sadd.s32 $0x40, s17;
	v15 =	vsel vm6, $0xFFFFFFFF, v2;
	vm6 =	vgt.s32 v19, $0xFFFFFFFF;
	v10 =	vnsel vm5, $0x0, v10  }
0x402: {  	v14 =	vld [tilespmem:s17+$0x10];
	v18 =	vadd.f32 v10, v13;
	v10 =	vxor.u32 v11, v15;
	v13 =	vsel vm2, $0x1, v1  }
0x403: {  	v20 =	vsel vm6, $0xFFFFFFFF, v2;
	v15 =	vsel vm4, $0x1, v1;
	v16 =	vld [tilespmem:s17+$0x0];
	v11 =	vnsel vm4, $0x0, v10  }
0x404: {  	s18 =	sadd.s32 $0xFFFFFFFF, s18;
	v17 =	vsel vm5, $0x1, v1;
	v19 =	vxor.u32 v19, v20;
	v10 =	vld [tilespmem:s17+$0xFFFFFFE0];
	v18 =	vadd.f32 v11, v18  }
.Ltmp58:
0x405: {  	(pc) =	sbr.rel .LBB2_88-.Ltmp58, $2  }
0x406: {  	_ =	sdelay $0x2  }
0x407: {  	v20 =	vmov v9;
	v9 =	vmov v14;
	v11 =	vmov v16  }
.LBB2_17:
.Ltmp59:
0x408: {  	(pc) =	sbr.rel .LBB2_22-.Ltmp59, $2  }
0x409: {  	_ =	sdelay $0x2  }
0x40a: {  	v11 =	vimm.s32 $0x0  }
.LBB2_39:
.Ltmp60:
0x40b: {  	(pc) =	sbr.rel .LBB2_44-.Ltmp60, $2  }
0x40c: {  	_ =	sdelay $0x2  }
0x40d: {  	v11 =	vimm.s32 $0x0  }
.LBB2_61:
.Ltmp61:
0x40e: {  	(pc) =	sbr.rel .LBB2_66-.Ltmp61, $2  }
0x40f: {  	_ =	sdelay $0x2  }
0x410: {  	v12 =	vimm.s32 $0x0  }
.LBB2_19:
.Ltmp62:
0x411: {  	(pc) =	sbr.rel .LBB2_22-.Ltmp62, $2  }
0x412: {  	_ =	sdelay $0x2  }
0x413: {  	v19 =	vmovc v5;
	v11 =	vimm.s32 $0x0;
	v5 =	vmov v13;
	v10 =	vmov v15  }
.LBB2_41:
.Ltmp63:
0x414: {  	(pc) =	sbr.rel .LBB2_44-.Ltmp63, $2  }
0x415: {  	_ =	sdelay $0x2  }
0x416: {  	v19 =	vmovc v6;
	v11 =	vimm.s32 $0x0;
	v6 =	vmov v13;
	v10 =	vmov v15  }
.LBB2_63:
.Ltmp64:
0x417: {  	(pc) =	sbr.rel .LBB2_66-.Ltmp64, $2  }
0x418: {  	_ =	sdelay $0x2  }
0x419: {  	v20 =	vmovc v5;
	v12 =	vimm.s32 $0x0;
	v5 =	vmov v14;
	v11 =	vmov v16  }
.LBB2_85:
.Ltmp65:
0x41a: {  	(pc) =	sbr.rel .LBB2_88-.Ltmp65, $2  }
0x41b: {  	_ =	sdelay $0x2  }
0x41c: {  	v20 =	vmovc v9;
	v12 =	vimm.s32 $0x0;
	v9 =	vmov v14;
	v11 =	vmov v16  }
.LBB2_90:
0x41d: {  	_ =	sfence.sel $0x180000  }
0x41e: {  	[bflag:$0x0] =	sbarrier.arrive $0xFFFF  }
0x41f: {  	p0 =	sne.s32 s2, $0x0;
	_ =	strace $0x90000047  }
0x420: {  	s0 =	sadd.s32 @!p0 $0x100000, s0;
	[bflag:$0x2] =	sbarrier.arrive $0xFFFF  }
0x421: {  	[sflag:s0] =	ssyncadd.tile.s32 @!p0 $0x1;
	_ =	shalt  }
.Lfunc_end2:
_tile_overlayer_lowered:
.L_overlay_start_2:
0x422: {  	(tag) =	ssettag $0x2  }
0x423: {  	s0 =	rddreg [dreg:$0x0];
	s2 =	stileid.u32  }
0x424: {  	s1 =	rddreg [dreg:$0x1];
	p0 =	sne.s32 s2, $0x0  }
0x425: {  	s3 =	rddreg [dreg:$0x2];
	[bflag:$0x3] =	sbarrier.arrive $0xFFFF;
	s2 =	simm.s32 @!p0 $0x1C01  }
0x426: {  	[timem:s3], [sflag:s2] =	dma.local @!p0 [hbm:s0], s1  }
0x427: {  	s0 =	simm.s32 @!p0 $0x1  }
0x428: {  	_ =	swait.ge @!p0 [sflag:s0], s1  }
0x429: {  	s1 =	ssub.s32 @!p0 $0x0, s1;
	[sflag:s0] =	ssyncset.done @!p0 $0x0  }
0x42a: {  	[sflag:s0] =	ssyncadd.s32 @!p0 s1  }
0x42b: {  	[bflag:$0x3] =	sbarrier.arrive $0xFFFF  }
0x42c: {  	_ =	shalt  }

</sc_bundles>
